<compile_context>
chip_gen: v7x
topology: tpu7x:2x2x1
jax: 0.10.2.dev20260603
libtpu: 0.0.44.dev20260713+nightly
codegen_flags: <defaults>
</compile_context>

<pallas_src>
import functools

import jax
import jax.numpy as jnp
from jax import lax
from jax.experimental import pallas as pl
from jax.experimental.pallas import tpu as pltpu
from jax.experimental.pallas import tpu_sc as plsc

N = 10000
E = 320000
D = 128
H = 256
G = 64

NUM_TILES = 16
C = 125
NCHUNK = E // C
GB = 8
NPAD = 10240
RPT = NPAD // NUM_TILES
W = 128

_mesh = plsc.VectorSubcoreMesh(core_axis_name="c", subcore_axis_name="s")


def _acc_out(shape=(NPAD, W), dtype=jnp.float32):
    return [jax.ShapeDtypeStruct(shape, dtype),
            jax.ShapeDtypeStruct(shape, dtype)]


HR = NPAD // W

@functools.partial(
    pl.kernel,
    mesh=_mesh,
    out_type=_acc_out(shape=(HR, W)),
    compiler_params=pltpu.CompilerParams(needs_layout_passes=False),
    scratch_types=[
        pltpu.VMEM((HR, W), jnp.int32),
        pltpu.VMEM((HR, W), jnp.float32),
        pltpu.VMEM((1, HR), jnp.int32),
        pltpu.VMEM_SHARED((HR, W), jnp.float32),
        pltpu.SemaphoreType.DMA,
    ],
)
def _sc_count(dstp_hbm, iota_hbm, zeros_hbm, out0_hbm, out1_hbm,
              dst_v, hist_v, iota_v, acc_sh, sem):
    cid = lax.axis_index("c")
    sid = lax.axis_index("s")
    base = (cid * NUM_TILES + sid) * HR

    pltpu.sync_copy(dstp_hbm.at[pl.ds(base, HR)], dst_v)
    pltpu.sync_copy(zeros_hbm.at[pl.ds(0, HR)], hist_v)
    pltpu.sync_copy(iota_hbm, iota_v)

    @pl.when(sid == 0)
    def _():
        pltpu.sync_copy(zeros_hbm.at[pl.ds(0, HR)], acc_sh)

    plsc.subcore_barrier()

    ones16 = jnp.ones((16,), jnp.float32)

    def row(r, carry):
        for j in range(W // 16):
            d = dst_v[r, pl.ds(16 * j, 16)]
            plsc.addupdate_scatter(
                hist_v,
                [lax.shift_right_logical(d, 7), lax.bitwise_and(d, 127)],
                ones16)
        return carry

    lax.fori_loop(0, HR, row, 0)
    pltpu.async_copy(hist_v, acc_sh.at[iota_v.at[0]], sem, add=True)
    pltpu.make_async_copy(hist_v, acc_sh.at[iota_v.at[0]], sem).wait()
    plsc.subcore_barrier()

    @pl.when(jnp.logical_and(sid == 0, cid == 0))
    def _():
        pltpu.sync_copy(acc_sh, out0_hbm)

    @pl.when(jnp.logical_and(sid == 0, cid == 1))
    def _():
        pltpu.sync_copy(acc_sh, out1_hbm)


def _make_sc_agg(batches, base_fn, dtype=jnp.float32):
    @functools.partial(
        pl.kernel,
        mesh=_mesh,
        out_type=_acc_out(dtype=dtype),
        scratch_types=[
            pltpu.VMEM((2, GB, C), jnp.int32),
            pltpu.VMEM((2, GB, C), jnp.int32),
            pltpu.VMEM((C, W), dtype),
            pltpu.VMEM((C, W), dtype),
            pltpu.VMEM_SHARED((NPAD, W), dtype),
            pltpu.SemaphoreType.DMA,
            pltpu.SemaphoreType.DMA,
            pltpu.SemaphoreType.DMA,
            pltpu.SemaphoreType.DMA,
            pltpu.SemaphoreType.DMA,
            pltpu.SemaphoreType.DMA,
        ],
    )
    def sc_agg(h_hbm, comb_hbm, zeros_hbm, out0_hbm, out1_hbm,
               ib0, ib1, rows0_v, rows1_v, acc_sh,
               semi0, semi1, semg0, semg1, sems0, sems1):
        cid = lax.axis_index("c")
        sid = lax.axis_index("s")
        bbase = base_fn(cid, sid)
        rows = (rows0_v, rows1_v)
        semg = (semg0, semg1)
        sems = (sems0, sems1)

        pltpu.sync_copy(zeros_hbm.at[pl.ds(sid * RPT, RPT)],
                        acc_sh.at[pl.ds(sid * RPT, RPT)])
        plsc.subcore_barrier()

        pltpu.async_copy(comb_hbm.at[bbase], ib0, semi0)
        pltpu.async_copy(comb_hbm.at[bbase + 1], ib1, semi1)
        pltpu.make_async_copy(comb_hbm.at[bbase], ib0, semi0).wait()
        pltpu.async_copy(h_hbm.at[ib0.at[0, 0]], rows0_v, semg0)

        def batch_body(m, ib, ib_next, semi_self, semi_next):
            s_prev = None
            for k in range(GB):
                p = k % 2
                if k == 0:
                    pltpu.make_async_copy(h_hbm.at[ib.at[0, 0]], rows0_v,
                                          semg0).wait()
                else:
                    g_cur.wait()
                if s_prev is not None:
                    s_prev.wait()
                if k + 1 < GB:
                    g_cur = pltpu.async_copy(h_hbm.at[ib.at[0, k + 1]],
                                             rows[(k + 1) % 2],
                                             semg[(k + 1) % 2])
                else:
                    @pl.when(m + 1 < batches)
                    def _():
                        pltpu.make_async_copy(comb_hbm.at[bbase + m + 1],
                                              ib_next, semi_next).wait()
                        pltpu.async_copy(h_hbm.at[ib_next.at[0, 0]],
                                         rows0_v, semg0)
                s_prev = pltpu.async_copy(rows[p], acc_sh.at[ib.at[1, k]],
                                          sems[p], add=True)
            s_prev.wait()

            @pl.when(m + 2 < batches)
            def _():
                pltpu.async_copy(comb_hbm.at[bbase + m + 2], ib, semi_self)

        def outer(t, carry):
            batch_body(2 * t, ib0, ib1, semi0, semi1)
            batch_body(2 * t + 1, ib1, ib0, semi1, semi0)
            return carry

        lax.fori_loop(0, batches // 2, outer, 0)
        plsc.subcore_barrier()

        @pl.when(cid == 0)
        def _():
            pltpu.sync_copy(acc_sh.at[pl.ds(sid * RPT, RPT)],
                            out0_hbm.at[pl.ds(sid * RPT, RPT)])

        @pl.when(cid == 1)
        def _():
            pltpu.sync_copy(acc_sh.at[pl.ds(sid * RPT, RPT)],
                            out1_hbm.at[pl.ds(sid * RPT, RPT)])

    return sc_agg


assert GB % 2 == 0

_NB0 = NCHUNK // 32 // GB
_NB12 = NCHUNK // 16 // GB

_sc_agg_l0 = _make_sc_agg(
    _NB0, lambda cid, sid: cid * (16 * _NB0) + sid * _NB0)
_sc_agg_12 = _make_sc_agg(
    _NB12, lambda cid, sid: cid * (16 * _NB12) + sid * _NB12)


_B = 1000
_NB = N // _B


def _row_spec(w):
    return pl.BlockSpec((_B, w), lambda i: (i, 0))


def _full_spec(r, c):
    return pl.BlockSpec((r, c), lambda i: (0, 0))


_cnt_spec = pl.BlockSpec((_B, 1), lambda i: (i, 0))
_h3d_spec = pl.BlockSpec((2, _B, H // 2), lambda i: (0, i, 0))


def _tc_layer0_body(a0, a1, cnt, x, wlT, wrT, b, g, be, out):
    rw = (jnp.dot(x[...], wrT[...], preferred_element_type=jnp.float32)
          + b[...])
    y = _tc_layer_tail(a0[...] + a1[...], cnt, rw, wlT, g, be)
    out[0] = y[:, : H // 2]
    out[1] = y[:, H // 2:]


def _tc_layer12_body(a0, a1, cnt, h3d, wlT, wrT, b, g, be, out):
    h = jnp.concatenate([h3d[0], h3d[1]], axis=-1)
    rw = (jnp.dot(h, wrT[...], preferred_element_type=jnp.float32)
          + b[...])
    y = _tc_layer_tail(jnp.concatenate([a0[...], a1[...]], axis=-1),
                       cnt, rw, wlT, g, be)
    out[0] = y[:, : H // 2]
    out[1] = y[:, H // 2:]


def _tc_layer_tail(agg, cnt, rw, wlT, g, be):
    inv = 1.0 / jnp.maximum(cnt[...], 1.0)
    m = (jnp.dot(agg * inv, wlT[...], preferred_element_type=jnp.float32)
         + rw)
    mu = jnp.mean(m, axis=-1, keepdims=True)
    xc = m - mu
    var = jnp.mean(xc * xc, axis=-1, keepdims=True)
    y = xc * lax.rsqrt(var + 1e-5) * g[...] + be[...]
    return jnp.maximum(y, 0.0)


def _tc_layer2_pool_body(a0, a1, cnt, h3d, wlT, wrT, b, g, be,
                         batch, fcWT, fcb, out, accs, accc):
    i = pl.program_id(0)

    @pl.when(i == 0)
    def _():
        accs[...] = jnp.zeros_like(accs)
        accc[...] = jnp.zeros_like(accc)

    h = jnp.concatenate([h3d[0], h3d[1]], axis=-1)
    rw = (jnp.dot(h, wrT[...], preferred_element_type=jnp.float32)
          + b[...])
    y = _tc_layer_tail(jnp.concatenate([a0[...], a1[...]], axis=-1),
                       cnt, rw, wlT, g, be)
    gids = lax.broadcasted_iota(jnp.int32, (1, G), 1)
    onehotT = (batch[...] == gids).astype(jnp.float32)
    accs[...] += lax.dot_general(onehotT, y, (((0,), (0,)), ((), ())),
                                 preferred_element_type=jnp.float32)
    ones = jnp.ones((_B, 128), jnp.float32)
    accc[...] += lax.dot_general(onehotT, ones, (((0,), (0,)), ((), ())),
                                 preferred_element_type=jnp.float32)

    @pl.when(i == _NB - 1)
    def _():
        pooled = accs[...] / jnp.maximum(accc[:, :1], 1.0)
        z = jnp.dot(pooled, fcWT[...], preferred_element_type=jnp.float32)
        out[...] = jnp.tanh(z + fcb[...])


def _tc_layer0(a0, a1, cnt, x, wlT, wrT, b, g, be):
    return pl.pallas_call(
        _tc_layer0_body,
        grid=(_NB,),
        in_specs=[
            _row_spec(D), _row_spec(D), _cnt_spec, _row_spec(D),
            _full_spec(D, H), _full_spec(D, H),
            _full_spec(1, H), _full_spec(1, H), _full_spec(1, H),
        ],
        out_specs=_h3d_spec,
        out_shape=jax.ShapeDtypeStruct((2, N, H // 2), jnp.float32),
    )(a0, a1, cnt, x, wlT, wrT, b, g, be)


def _tc_layer12(a0, a1, cnt, h3d, wlT, wrT, b, g, be):
    return pl.pallas_call(
        _tc_layer12_body,
        grid=(_NB,),
        in_specs=[
            _row_spec(H // 2), _row_spec(H // 2), _cnt_spec, _h3d_spec,
            _full_spec(H, H), _full_spec(H, H),
            _full_spec(1, H), _full_spec(1, H), _full_spec(1, H),
        ],
        out_specs=_h3d_spec,
        out_shape=jax.ShapeDtypeStruct((2, N, H // 2), jnp.float32),
    )(a0, a1, cnt, h3d, wlT, wrT, b, g, be)


def _tc_layer2_pool(a0, a1, cnt, h3d, wlT, wrT, b, g, be,
                    batch2d, fcWT, fcb):
    return pl.pallas_call(
        _tc_layer2_pool_body,
        grid=(_NB,),
        in_specs=[
            _row_spec(H // 2), _row_spec(H // 2), _cnt_spec, _h3d_spec,
            _full_spec(H, H), _full_spec(H, H),
            _full_spec(1, H), _full_spec(1, H), _full_spec(1, H),
            _cnt_spec, _full_spec(H, H), _full_spec(1, H),
        ],
        out_specs=pl.BlockSpec((G, H), lambda i: (0, 0)),
        out_shape=jax.ShapeDtypeStruct((G, H), jnp.float32),
        scratch_shapes=[
            pltpu.VMEM((G, H), jnp.float32),
            pltpu.VMEM((G, 128), jnp.float32),
        ],
    )(a0, a1, cnt, h3d, wlT, wrT, b, g, be, batch2d, fcWT, fcb)


def kernel(x, edge_index, batch, Wl0, Wr0, b0, Wl1, Wr1, b1,
           Wl2, Wr2, b2, gamma, beta, fcW, fcb):
    src, dst = edge_index[0], edge_index[1]
    srcA = src.reshape(NCHUNK // GB, GB, C)
    dstA = dst.reshape(NCHUNK // GB, GB, C)
    comb0 = jnp.stack([srcA, dstA], axis=1)
    comb12 = jnp.concatenate(
        [comb0, jnp.stack([srcA + N, dstA], axis=1)], axis=0)
    zeros_pad = jnp.zeros((NPAD, W), jnp.float32)
    batch2d = batch.reshape(N, 1)

    dstp = jnp.concatenate(
        [dst, jnp.full((2 * NUM_TILES * HR * W - E,), NPAD - 1, jnp.int32)]
    ).reshape(2 * NUM_TILES * HR, W)
    iota80 = jnp.arange(HR, dtype=jnp.int32).reshape(1, HR)

    cnt0, cnt1 = _sc_count(dstp, iota80, zeros_pad)
    cnt = (cnt0 + cnt1).reshape(NPAD, 1)

    b0r = b0.reshape(1, H)
    b1r = b1.reshape(1, H)
    b2r = b2.reshape(1, H)
    gr = gamma.reshape(1, H)
    ber = beta.reshape(1, H)
    fcbr = fcb.reshape(1, H)

    a00, a01 = _sc_agg_l0(x, comb0, zeros_pad)
    h1f = _tc_layer0(a00, a01, cnt, x, Wl0.T, Wr0.T, b0r, gr, ber)

    a10, a11 = _sc_agg_12(h1f.reshape(2 * N, H // 2), comb12, zeros_pad)
    h2f = _tc_layer12(a10, a11, cnt, h1f, Wl1.T, Wr1.T, b1r, gr, ber)

    a20, a21 = _sc_agg_12(h2f.reshape(2 * N, H // 2), comb12, zeros_pad)
    return _tc_layer2_pool(a20, a21, cnt, h2f, Wl2.T, Wr2.T, b2r, gr, ber,
                           batch2d, fcW.T, fcbr)

# --- scband reference (transcript-rebuilt; emitter-appended) ---
"""Pipeline reference for scband-graph-embedding-24739011625353 (READ-ONLY COPY).

The authoritative reference and input builder live on the scoring server;
editing this copy changes nothing except your own understanding.
"""

import jax, jax.numpy as jnp
import numpy as np

N = 10000      # nodes
E = 320000     # edges
D = 128        # n_node_features
H = 256        # hidden_dim
G = 64         # number of graphs in batch
L = 3          # conv layers


def setup_inputs(seed: int = 0) -> dict:
    key = jax.random.key(seed)
    ks = jax.random.split(key, 20)
    inp = {}
    inp["x"] = jax.random.normal(ks[0], (N, D), dtype=jnp.float32)
    inp["edge_index"] = jax.random.randint(ks[1], (2, E), 0, N, dtype=jnp.int32)
    inp["batch"] = jnp.sort(jax.random.randint(ks[2], (N,), 0, G, dtype=jnp.int32))
    # SAGEConv layer 0: D -> H ; layers 1,2: H -> H
    s0 = 1.0 / np.sqrt(D)
    sh = 1.0 / np.sqrt(H)
    inp["Wl0"] = jax.random.uniform(ks[3], (H, D), jnp.float32, -s0, s0)
    inp["Wr0"] = jax.random.uniform(ks[4], (H, D), jnp.float32, -s0, s0)
    inp["b0"] = jnp.zeros((H,), jnp.float32)
    inp["Wl1"] = jax.random.uniform(ks[5], (H, H), jnp.float32, -sh, sh)
    inp["Wr1"] = jax.random.uniform(ks[6], (H, H), jnp.float32, -sh, sh)
    inp["b1"] = jnp.zeros((H,), jnp.float32)
    inp["Wl2"] = jax.random.uniform(ks[7], (H, H), jnp.float32, -sh, sh)
    inp["Wr2"] = jax.random.uniform(ks[8], (H, H), jnp.float32, -sh, sh)
    inp["b2"] = jnp.zeros((H,), jnp.float32)
    # shared LayerNorm (single self.norm reused after every conv)
    inp["gamma"] = jnp.ones((H,), jnp.float32)
    inp["beta"] = jnp.zeros((H,), jnp.float32)
    # readout fc
    inp["fcW"] = jax.random.uniform(ks[9], (H, H), jnp.float32, -sh, sh)
    inp["fcb"] = jnp.zeros((H,), jnp.float32)
    return inp


def _sage(x, src, dst, Wl, Wr, b):
    # PyG SAGEConv with mean aggregation: lin_l(mean_j x_j) + lin_r(x_i)
    msg = x[src]
    agg = jax.ops.segment_sum(msg, dst, num_segments=N)
    cnt = jax.ops.segment_sum(jnp.ones((dst.shape[0], 1), x.dtype), dst, num_segments=N)
    agg = agg / jnp.maximum(cnt, 1.0)
    return agg @ Wl.T + b + x @ Wr.T


def _ln(x, g, b):
    m = jnp.mean(x, axis=-1, keepdims=True)
    v = jnp.var(x, axis=-1, keepdims=True)
    return (x - m) / jnp.sqrt(v + 1e-5) * g + b


def reference(x, edge_index, batch, Wl0, Wr0, b0, Wl1, Wr1, b1, Wl2, Wr2, b2, gamma, beta, fcW, fcb):
    src, dst = edge_index[0], edge_index[1]
    h = x
    for (Wl, Wr, b) in ((Wl0, Wr0, b0), (Wl1, Wr1, b1), (Wl2, Wr2, b2)):
        h = _sage(h, src, dst, Wl, Wr, b)
        h = _ln(h, gamma, beta)
        h = jax.nn.relu(h)
    # global mean pool over graph ids
    pooled = jax.ops.segment_sum(h, batch, num_segments=G)
    gcnt = jax.ops.segment_sum(jnp.ones((N, 1), h.dtype), batch, num_segments=G)
    pooled = pooled / jnp.maximum(gcnt, 1.0)
    out = jnp.tanh(pooled @ fcW.T + fcb)
    return out

if __name__ == "__main__":
    import jax
    _d = setup_inputs()
    print(jax.jit(kernel)(*tuple(_d.values())))

</pallas_src>

<mosaic_0001>
#map = affine_map<(d0, d1) -> (0, 0)>
module attributes {stable_mosaic.version = 14 : i64} {
  func.func @_sc_count(%arg0: i32, %arg1: i32, %arg2: memref<2560x128xi32, #tpu.memory_space<hbm>>, %arg3: memref<1x80xi32, #tpu.memory_space<hbm>>, %arg4: memref<10240x128xf32, #tpu.memory_space<hbm>>, %arg5: memref<80x128xf32, #tpu.memory_space<hbm>>, %arg6: memref<80x128xf32, #tpu.memory_space<hbm>>, %arg7: memref<80x128xi32, #tpu.memory_space<vmem>>, %arg8: memref<80x128xf32, #tpu.memory_space<vmem>>, %arg9: memref<1x80xi32, #tpu.memory_space<vmem>>, %arg10: memref<80x128xf32, #tpu.memory_space<vmem_shared>>, %arg11: memref<!tpu.dma_semaphore, #tpu.memory_space<semaphore_mem>>) attributes {dimension_semantics = [#tpu.dimension_semantics<core_parallel>, #tpu.dimension_semantics<subcore_parallel>], iteration_bounds = array<i64: 2, 16>, scalar_prefetch = 0 : i64, scratch_operands = 5 : i64, tpu.core_type = #tpu.core_type<sc_vector_subcore>, window_params = [{transform_indices = #map}, {transform_indices = #map}, {transform_indices = #map}, {transform_indices = #map}, {transform_indices = #map}]} {
    %mul3A = arith.constant 16 : i32
    %mul3A_0 = arith.muli %arg0, %mul3A : i32
    %add3A = arith.addi %mul3A_0, %arg1 : i32
    %mul3A_1 = arith.constant 80 : i32
    %mul3A_2 = arith.muli %add3A, %mul3A_1 : i32
    "tpu.region"() ({
      %run_scoped3A = tpu.sem_alloc : memref<!tpu.dma_semaphore, #tpu.memory_space<semaphore_mem>>
      %dma_start3A_39 = arith.constant 0 : i32
      %dma_start3A_40 = tpu.memref_slice %arg2[%mul3A_2, %dma_start3A_39] : memref<2560x128xi32, #tpu.memory_space<hbm>> -> memref<80x128xi32, #tpu.memory_space<hbm>>
      %dma_start3A_41 = arith.constant 0 : i32
      %dma_start3A_42 = tpu.memref_slice %arg2[%mul3A_2, %dma_start3A_41] : memref<2560x128xi32, #tpu.memory_space<hbm>> -> memref<80x128xi32, #tpu.memory_space<hbm>>
      tpu.enqueue_dma source(%dma_start3A_42 : memref<80x128xi32, #tpu.memory_space<hbm>>) target(%arg7 : memref<80x128xi32, #tpu.memory_space<vmem>>) target_semaphore(%run_scoped3A : memref<!tpu.dma_semaphore, #tpu.memory_space<semaphore_mem>>)
      %dma_wait3A_43 = arith.constant 0 : i32
      %dma_wait3A_44 = tpu.memref_slice %arg2[%mul3A_2, %dma_wait3A_43] : memref<2560x128xi32, #tpu.memory_space<hbm>> -> memref<80x128xi32, #tpu.memory_space<hbm>>
      %dma_wait3A_45 = arith.constant 0 : i32
      %dma_wait3A_46 = tpu.memref_slice %arg2[%mul3A_2, %dma_wait3A_45] : memref<2560x128xi32, #tpu.memory_space<hbm>> -> memref<80x128xi32, #tpu.memory_space<hbm>>
      tpu.wait_dma2 semaphore(%run_scoped3A : memref<!tpu.dma_semaphore, #tpu.memory_space<semaphore_mem>>) src(%dma_wait3A_46 : memref<80x128xi32, #tpu.memory_space<hbm>>) dst(%arg7 : memref<80x128xi32, #tpu.memory_space<vmem>>)
      tpu.yield
    }) : () -> ()
    "tpu.region"() ({
      %run_scoped3A = tpu.sem_alloc : memref<!tpu.dma_semaphore, #tpu.memory_space<semaphore_mem>>
      %dma_start3A_39 = arith.constant 0 : i32
      %dma_start3A_40 = arith.constant 0 : i32
      %dma_start3A_41 = tpu.memref_slice %arg4[%dma_start3A_39, %dma_start3A_40] : memref<10240x128xf32, #tpu.memory_space<hbm>> -> memref<80x128xf32, #tpu.memory_space<hbm>>
      %dma_start3A_42 = arith.constant 0 : i32
      %dma_start3A_43 = arith.constant 0 : i32
      %dma_start3A_44 = tpu.memref_slice %arg4[%dma_start3A_42, %dma_start3A_43] : memref<10240x128xf32, #tpu.memory_space<hbm>> -> memref<80x128xf32, #tpu.memory_space<hbm>>
      tpu.enqueue_dma source(%dma_start3A_44 : memref<80x128xf32, #tpu.memory_space<hbm>>) target(%arg8 : memref<80x128xf32, #tpu.memory_space<vmem>>) target_semaphore(%run_scoped3A : memref<!tpu.dma_semaphore, #tpu.memory_space<semaphore_mem>>)
      %dma_wait3A_45 = arith.constant 0 : i32
      %dma_wait3A_46 = arith.constant 0 : i32
      %dma_wait3A_47 = tpu.memref_slice %arg4[%dma_wait3A_45, %dma_wait3A_46] : memref<10240x128xf32, #tpu.memory_space<hbm>> -> memref<80x128xf32, #tpu.memory_space<hbm>>
      %dma_wait3A_48 = arith.constant 0 : i32
      %dma_wait3A_49 = arith.constant 0 : i32
      %dma_wait3A_50 = tpu.memref_slice %arg4[%dma_wait3A_48, %dma_wait3A_49] : memref<10240x128xf32, #tpu.memory_space<hbm>> -> memref<80x128xf32, #tpu.memory_space<hbm>>
      tpu.wait_dma2 semaphore(%run_scoped3A : memref<!tpu.dma_semaphore, #tpu.memory_space<semaphore_mem>>) src(%dma_wait3A_50 : memref<80x128xf32, #tpu.memory_space<hbm>>) dst(%arg8 : memref<80x128xf32, #tpu.memory_space<vmem>>)
      tpu.yield
    }) : () -> ()
    "tpu.region"() ({
      %run_scoped3A = tpu.sem_alloc : memref<!tpu.dma_semaphore, #tpu.memory_space<semaphore_mem>>
      tpu.enqueue_dma source(%arg3 : memref<1x80xi32, #tpu.memory_space<hbm>>) target(%arg9 : memref<1x80xi32, #tpu.memory_space<vmem>>) target_semaphore(%run_scoped3A : memref<!tpu.dma_semaphore, #tpu.memory_space<semaphore_mem>>)
      tpu.wait_dma2 semaphore(%run_scoped3A : memref<!tpu.dma_semaphore, #tpu.memory_space<semaphore_mem>>) src(%arg3 : memref<1x80xi32, #tpu.memory_space<hbm>>) dst(%arg9 : memref<1x80xi32, #tpu.memory_space<vmem>>)
      tpu.yield
    }) : () -> ()
    %eq3A = arith.constant 0 : i32
    %eq3A_3 = arith.cmpi eq, %arg1, %eq3A : i32
    %convert_element_type3A = arith.extui %eq3A_3 : i1 to i32
    %cond3A = arith.constant 0 : i32
    %cond3A_4 = arith.cmpi ne, %convert_element_type3A, %cond3A : i32
    scf.if %cond3A_4 {
      "tpu.region"() ({
        %run_scoped3A = tpu.sem_alloc : memref<!tpu.dma_semaphore, #tpu.memory_space<semaphore_mem>>
        %dma_start3A_39 = arith.constant 0 : i32
        %dma_start3A_40 = arith.constant 0 : i32
        %dma_start3A_41 = tpu.memref_slice %arg4[%dma_start3A_39, %dma_start3A_40] : memref<10240x128xf32, #tpu.memory_space<hbm>> -> memref<80x128xf32, #tpu.memory_space<hbm>>
        tpu.enqueue_dma source(%dma_start3A_41 : memref<80x128xf32, #tpu.memory_space<hbm>>) target(%arg10 : memref<80x128xf32, #tpu.memory_space<vmem_shared>>) target_semaphore(%run_scoped3A : memref<!tpu.dma_semaphore, #tpu.memory_space<semaphore_mem>>)
        %dma_wait3A_42 = arith.constant 0 : i32
        %dma_wait3A_43 = arith.constant 0 : i32
        %dma_wait3A_44 = tpu.memref_slice %arg4[%dma_wait3A_42, %dma_wait3A_43] : memref<10240x128xf32, #tpu.memory_space<hbm>> -> memref<80x128xf32, #tpu.memory_space<hbm>>
        tpu.wait_dma2 semaphore(%run_scoped3A : memref<!tpu.dma_semaphore, #tpu.memory_space<semaphore_mem>>) src(%dma_wait3A_44 : memref<80x128xf32, #tpu.memory_space<hbm>>) dst(%arg10 : memref<80x128xf32, #tpu.memory_space<vmem_shared>>)
        tpu.yield
      }) : () -> ()
    } else {
    }
    %barrier3A = arith.constant 0 : index
    tpu.barrier barrier_id(%barrier3A)
    %broadcast_in_dim3A = arith.constant 1.000000e+00 : f32
    %broadcast_in_dim3A_5 = vector.broadcast %broadcast_in_dim3A : f32 to vector<16xf32>
    %scan3A = arith.constant 0 : i32
    %scan3A_6 = arith.constant 0 : i32
    %scan3A_7 = arith.constant 80 : i32
    %scan3A_8 = arith.addi %scan3A_6, %scan3A_7 : i32
    %scan3A_9 = arith.constant 1 : i32
    scf.for %scan3A_39 = %scan3A_6 to %scan3A_8 step %scan3A_9  : i32 {
      %get3A = arith.index_cast %scan3A_39 : i32 to index
      %get3A_40 = arith.constant 0 : index
      %get3A_41 = tpu.vector_load %arg7[%get3A, %get3A_40] {strides = array<i32>} : memref<80x128xi32, #tpu.memory_space<vmem>>, vector<16xi32>,
      %shift_right_logical3A = arith.constant 7 : i32
      %shift_right_logical3A_42 = vector.broadcast %shift_right_logical3A : i32 to vector<16xi32>
      %shift_right_logical3A_43 = arith.shrui %get3A_41, %shift_right_logical3A_42 : vector<16xi32>
      %and3A_44 = arith.constant 127 : i32
      %and3A_45 = vector.broadcast %and3A_44 : i32 to vector<16xi32>
      %and3A_46 = arith.andi %get3A_41, %and3A_45 : vector<16xi32>
      tpu.vector_store_idx %arg8[%shift_right_logical3A_43, %and3A_46], %broadcast_in_dim3A_5 {add = true} : memref<80x128xf32, #tpu.memory_space<vmem>>[vector<16xi32>, vector<16xi32>], vector<16xf32>,
      %get3A_47 = arith.index_cast %scan3A_39 : i32 to index
      %get3A_48 = arith.constant 16 : index
      %get3A_49 = tpu.vector_load %arg7[%get3A_47, %get3A_48] {strides = array<i32>} : memref<80x128xi32, #tpu.memory_space<vmem>>, vector<16xi32>,
      %shift_right_logical3A_50 = arith.constant 7 : i32
      %shift_right_logical3A_51 = vector.broadcast %shift_right_logical3A_50 : i32 to vector<16xi32>
      %shift_right_logical3A_52 = arith.shrui %get3A_49, %shift_right_logical3A_51 : vector<16xi32>
      %and3A_53 = arith.constant 127 : i32
      %and3A_54 = vector.broadcast %and3A_53 : i32 to vector<16xi32>
      %and3A_55 = arith.andi %get3A_49, %and3A_54 : vector<16xi32>
      tpu.vector_store_idx %arg8[%shift_right_logical3A_52, %and3A_55], %broadcast_in_dim3A_5 {add = true} : memref<80x128xf32, #tpu.memory_space<vmem>>[vector<16xi32>, vector<16xi32>], vector<16xf32>,
      %get3A_56 = arith.index_cast %scan3A_39 : i32 to index
      %get3A_57 = arith.constant 32 : index
      %get3A_58 = tpu.vector_load %arg7[%get3A_56, %get3A_57] {strides = array<i32>} : memref<80x128xi32, #tpu.memory_space<vmem>>, vector<16xi32>,
      %shift_right_logical3A_59 = arith.constant 7 : i32
      %shift_right_logical3A_60 = vector.broadcast %shift_right_logical3A_59 : i32 to vector<16xi32>
      %shift_right_logical3A_61 = arith.shrui %get3A_58, %shift_right_logical3A_60 : vector<16xi32>
      %and3A_62 = arith.constant 127 : i32
      %and3A_63 = vector.broadcast %and3A_62 : i32 to vector<16xi32>
      %and3A_64 = arith.andi %get3A_58, %and3A_63 : vector<16xi32>
      tpu.vector_store_idx %arg8[%shift_right_logical3A_61, %and3A_64], %broadcast_in_dim3A_5 {add = true} : memref<80x128xf32, #tpu.memory_space<vmem>>[vector<16xi32>, vector<16xi32>], vector<16xf32>,
      %get3A_65 = arith.index_cast %scan3A_39 : i32 to index
      %get3A_66 = arith.constant 48 : index
      %get3A_67 = tpu.vector_load %arg7[%get3A_65, %get3A_66] {strides = array<i32>} : memref<80x128xi32, #tpu.memory_space<vmem>>, vector<16xi32>,
      %shift_right_logical3A_68 = arith.constant 7 : i32
      %shift_right_logical3A_69 = vector.broadcast %shift_right_logical3A_68 : i32 to vector<16xi32>
      %shift_right_logical3A_70 = arith.shrui %get3A_67, %shift_right_logical3A_69 : vector<16xi32>
      %and3A_71 = arith.constant 127 : i32
      %and3A_72 = vector.broadcast %and3A_71 : i32 to vector<16xi32>
      %and3A_73 = arith.andi %get3A_67, %and3A_72 : vector<16xi32>
      tpu.vector_store_idx %arg8[%shift_right_logical3A_70, %and3A_73], %broadcast_in_dim3A_5 {add = true} : memref<80x128xf32, #tpu.memory_space<vmem>>[vector<16xi32>, vector<16xi32>], vector<16xf32>,
      %get3A_74 = arith.index_cast %scan3A_39 : i32 to index
      %get3A_75 = arith.constant 64 : index
      %get3A_76 = tpu.vector_load %arg7[%get3A_74, %get3A_75] {strides = array<i32>} : memref<80x128xi32, #tpu.memory_space<vmem>>, vector<16xi32>,
      %shift_right_logical3A_77 = arith.constant 7 : i32
      %shift_right_logical3A_78 = vector.broadcast %shift_right_logical3A_77 : i32 to vector<16xi32>
      %shift_right_logical3A_79 = arith.shrui %get3A_76, %shift_right_logical3A_78 : vector<16xi32>
      %and3A_80 = arith.constant 127 : i32
      %and3A_81 = vector.broadcast %and3A_80 : i32 to vector<16xi32>
      %and3A_82 = arith.andi %get3A_76, %and3A_81 : vector<16xi32>
      tpu.vector_store_idx %arg8[%shift_right_logical3A_79, %and3A_82], %broadcast_in_dim3A_5 {add = true} : memref<80x128xf32, #tpu.memory_space<vmem>>[vector<16xi32>, vector<16xi32>], vector<16xf32>,
      %get3A_83 = arith.index_cast %scan3A_39 : i32 to index
      %get3A_84 = arith.constant 80 : index
      %get3A_85 = tpu.vector_load %arg7[%get3A_83, %get3A_84] {strides = array<i32>} : memref<80x128xi32, #tpu.memory_space<vmem>>, vector<16xi32>,
      %shift_right_logical3A_86 = arith.constant 7 : i32
      %shift_right_logical3A_87 = vector.broadcast %shift_right_logical3A_86 : i32 to vector<16xi32>
      %shift_right_logical3A_88 = arith.shrui %get3A_85, %shift_right_logical3A_87 : vector<16xi32>
      %and3A_89 = arith.constant 127 : i32
      %and3A_90 = vector.broadcast %and3A_89 : i32 to vector<16xi32>
      %and3A_91 = arith.andi %get3A_85, %and3A_90 : vector<16xi32>
      tpu.vector_store_idx %arg8[%shift_right_logical3A_88, %and3A_91], %broadcast_in_dim3A_5 {add = true} : memref<80x128xf32, #tpu.memory_space<vmem>>[vector<16xi32>, vector<16xi32>], vector<16xf32>,
      %get3A_92 = arith.index_cast %scan3A_39 : i32 to index
      %get3A_93 = arith.constant 96 : index
      %get3A_94 = tpu.vector_load %arg7[%get3A_92, %get3A_93] {strides = array<i32>} : memref<80x128xi32, #tpu.memory_space<vmem>>, vector<16xi32>,
      %shift_right_logical3A_95 = arith.constant 7 : i32
      %shift_right_logical3A_96 = vector.broadcast %shift_right_logical3A_95 : i32 to vector<16xi32>
      %shift_right_logical3A_97 = arith.shrui %get3A_94, %shift_right_logical3A_96 : vector<16xi32>
      %and3A_98 = arith.constant 127 : i32
      %and3A_99 = vector.broadcast %and3A_98 : i32 to vector<16xi32>
      %and3A_100 = arith.andi %get3A_94, %and3A_99 : vector<16xi32>
      tpu.vector_store_idx %arg8[%shift_right_logical3A_97, %and3A_100], %broadcast_in_dim3A_5 {add = true} : memref<80x128xf32, #tpu.memory_space<vmem>>[vector<16xi32>, vector<16xi32>], vector<16xf32>,
      %get3A_101 = arith.index_cast %scan3A_39 : i32 to index
      %get3A_102 = arith.constant 112 : index
      %get3A_103 = tpu.vector_load %arg7[%get3A_101, %get3A_102] {strides = array<i32>} : memref<80x128xi32, #tpu.memory_space<vmem>>, vector<16xi32>,
      %shift_right_logical3A_104 = arith.constant 7 : i32
      %shift_right_logical3A_105 = vector.broadcast %shift_right_logical3A_104 : i32 to vector<16xi32>
      %shift_right_logical3A_106 = arith.shrui %get3A_103, %shift_right_logical3A_105 : vector<16xi32>
      %and3A_107 = arith.constant 127 : i32
      %and3A_108 = vector.broadcast %and3A_107 : i32 to vector<16xi32>
      %and3A_109 = arith.andi %get3A_103, %and3A_108 : vector<16xi32>
      tpu.vector_store_idx %arg8[%shift_right_logical3A_106, %and3A_109], %broadcast_in_dim3A_5 {add = true} : memref<80x128xf32, #tpu.memory_space<vmem>>[vector<16xi32>, vector<16xi32>], vector<16xf32>,
    }
    %scan3A_10 = arith.constant 80 : i32
    %dma_start3A = arith.constant 0 : i32
    %dma_start3A_11 = arith.constant 0 : i32
    %dma_start3A_12 = tpu.memref_slice %arg9[%dma_start3A, %dma_start3A_11] : memref<1x80xi32, #tpu.memory_space<vmem>> -> memref<1x80xi32, #tpu.memory_space<vmem>>
    %dma_start3A_13 = tpu.memref_squeeze %dma_start3A_12 : memref<1x80xi32, #tpu.memory_space<vmem>> -> memref<80xi32, #tpu.memory_space<vmem>>
    %dma_start3A_14 = arith.constant 0 : i32
    %dma_start3A_15 = arith.constant 0 : i32
    %dma_start3A_16 = tpu.memref_slice %arg10[%dma_start3A_14, %dma_start3A_15] : memref<80x128xf32, #tpu.memory_space<vmem_shared>> -> memref<80x128xf32, #tpu.memory_space<vmem_shared>>
    tpu.enqueue_indirect_dma source(%arg8 : memref<80x128xf32, #tpu.memory_space<vmem>>) target(%dma_start3A_16 : memref<80x128xf32, #tpu.memory_space<vmem_shared>>) offsets(%dma_start3A_13 : memref<80xi32, #tpu.memory_space<vmem>>) semaphore(%arg11 : memref<!tpu.dma_semaphore, #tpu.memory_space<semaphore_mem>>) {add = true}
    %dma_wait3A = arith.constant 0 : i32
    %dma_wait3A_17 = arith.constant 0 : i32
    %dma_wait3A_18 = tpu.memref_slice %arg9[%dma_wait3A, %dma_wait3A_17] : memref<1x80xi32, #tpu.memory_space<vmem>> -> memref<1x80xi32, #tpu.memory_space<vmem>>
    %dma_wait3A_19 = tpu.memref_squeeze %dma_wait3A_18 : memref<1x80xi32, #tpu.memory_space<vmem>> -> memref<80xi32, #tpu.memory_space<vmem>>
    %dma_wait3A_20 = arith.constant 0 : i32
    %dma_wait3A_21 = arith.constant 0 : i32
    %dma_wait3A_22 = tpu.memref_slice %arg10[%dma_wait3A_20, %dma_wait3A_21] : memref<80x128xf32, #tpu.memory_space<vmem_shared>> -> memref<80x128xf32, #tpu.memory_space<vmem_shared>>
    tpu.wait_indirect_dma semaphore(%arg11 : memref<!tpu.dma_semaphore, #tpu.memory_space<semaphore_mem>>) src(%arg8 : memref<80x128xf32, #tpu.memory_space<vmem>>) dst(%dma_wait3A_22 : memref<80x128xf32, #tpu.memory_space<vmem_shared>>)
    %barrier3A_23 = arith.constant 0 : index
    tpu.barrier barrier_id(%barrier3A_23)
    %eq3A_24 = arith.constant 0 : i32
    %eq3A_25 = arith.cmpi eq, %arg1, %eq3A_24 : i32
    %eq3A_26 = arith.constant 0 : i32
    %eq3A_27 = arith.cmpi eq, %arg0, %eq3A_26 : i32
    %and3A = arith.andi %eq3A_25, %eq3A_27 : i1
    %convert_element_type3A_28 = arith.extui %and3A : i1 to i32
    %cond3A_29 = arith.constant 0 : i32
    %cond3A_30 = arith.cmpi ne, %convert_element_type3A_28, %cond3A_29 : i32
    scf.if %cond3A_30 {
      "tpu.region"() ({
        %run_scoped3A = tpu.sem_alloc : memref<!tpu.dma_semaphore, #tpu.memory_space<semaphore_mem>>
        tpu.enqueue_dma source(%arg10 : memref<80x128xf32, #tpu.memory_space<vmem_shared>>) target(%arg5 : memref<80x128xf32, #tpu.memory_space<hbm>>) target_semaphore(%run_scoped3A : memref<!tpu.dma_semaphore, #tpu.memory_space<semaphore_mem>>)
        tpu.wait_dma2 semaphore(%run_scoped3A : memref<!tpu.dma_semaphore, #tpu.memory_space<semaphore_mem>>) src(%arg10 : memref<80x128xf32, #tpu.memory_space<vmem_shared>>) dst(%arg5 : memref<80x128xf32, #tpu.memory_space<hbm>>)
        tpu.yield
      }) : () -> ()
    } else {
    }
    %eq3A_31 = arith.constant 0 : i32
    %eq3A_32 = arith.cmpi eq, %arg1, %eq3A_31 : i32
    %eq3A_33 = arith.constant 1 : i32
    %eq3A_34 = arith.cmpi eq, %arg0, %eq3A_33 : i32
    %and3A_35 = arith.andi %eq3A_32, %eq3A_34 : i1
    %convert_element_type3A_36 = arith.extui %and3A_35 : i1 to i32
    %cond3A_37 = arith.constant 0 : i32
    %cond3A_38 = arith.cmpi ne, %convert_element_type3A_36, %cond3A_37 : i32
    scf.if %cond3A_38 {
      "tpu.region"() ({
        %run_scoped3A = tpu.sem_alloc : memref<!tpu.dma_semaphore, #tpu.memory_space<semaphore_mem>>
        tpu.enqueue_dma source(%arg10 : memref<80x128xf32, #tpu.memory_space<vmem_shared>>) target(%arg6 : memref<80x128xf32, #tpu.memory_space<hbm>>) target_semaphore(%run_scoped3A : memref<!tpu.dma_semaphore, #tpu.memory_space<semaphore_mem>>)
        tpu.wait_dma2 semaphore(%run_scoped3A : memref<!tpu.dma_semaphore, #tpu.memory_space<semaphore_mem>>) src(%arg10 : memref<80x128xf32, #tpu.memory_space<vmem_shared>>) dst(%arg6 : memref<80x128xf32, #tpu.memory_space<hbm>>)
        tpu.yield
      }) : () -> ()
    } else {
    }
    return
  }
}

#map = affine_map<(d0, d1) -> (0, 0)>
#map1 = affine_map<(d0, d1) -> (0, 0, 0, 0)>
module attributes {stable_mosaic.version = 14 : i64} {
  func.func @sc_agg(%arg0: i32, %arg1: i32, %arg2: memref<20000x128xf32, #tpu.memory_space<hbm>>, %arg3: memref<640x2x8x125xi32, #tpu.memory_space<hbm>>, %arg4: memref<10240x128xf32, #tpu.memory_space<hbm>>, %arg5: memref<10240x128xf32, #tpu.memory_space<hbm>>, %arg6: memref<10240x128xf32, #tpu.memory_space<hbm>>, %arg7: memref<2x8x125xi32, #tpu.memory_space<vmem>>, %arg8: memref<2x8x125xi32, #tpu.memory_space<vmem>>, %arg9: memref<125x128xf32, #tpu.memory_space<vmem>>, %arg10: memref<125x128xf32, #tpu.memory_space<vmem>>, %arg11: memref<10240x128xf32, #tpu.memory_space<vmem_shared>>, %arg12: memref<!tpu.dma_semaphore, #tpu.memory_space<semaphore_mem>>, %arg13: memref<!tpu.dma_semaphore, #tpu.memory_space<semaphore_mem>>, %arg14: memref<!tpu.dma_semaphore, #tpu.memory_space<semaphore_mem>>, %arg15: memref<!tpu.dma_semaphore, #tpu.memory_space<semaphore_mem>>, %arg16: memref<!tpu.dma_semaphore, #tpu.memory_space<semaphore_mem>>, %arg17: memref<!tpu.dma_semaphore, #tpu.memory_space<semaphore_mem>>) attributes {dimension_semantics = [#tpu.dimension_semantics<core_parallel>, #tpu.dimension_semantics<subcore_parallel>], iteration_bounds = array<i64: 2, 16>, scalar_prefetch = 0 : i64, scratch_operands = 11 : i64, tpu.core_type = #tpu.core_type<sc_vector_subcore>, window_params = [{transform_indices = #map}, {transform_indices = #map1}, {transform_indices = #map}, {transform_indices = #map}, {transform_indices = #map}]} {
    %mul3A = arith.constant 320 : i32
    %mul3A_0 = arith.muli %arg0, %mul3A : i32
    %mul3A_1 = arith.constant 20 : i32
    %mul3A_2 = arith.muli %arg1, %mul3A_1 : i32
    %add3A = arith.addi %mul3A_0, %mul3A_2 : i32
    %mul3A_3 = arith.constant 640 : i32
    %mul3A_4 = arith.muli %arg1, %mul3A_3 : i32
    %mul3A_5 = arith.constant 640 : i32
    %mul3A_6 = arith.muli %arg1, %mul3A_5 : i32
    "tpu.region"() ({
      %run_scoped3A = tpu.sem_alloc : memref<!tpu.dma_semaphore, #tpu.memory_space<semaphore_mem>>
      %dma_start3A_58 = arith.constant 0 : i32
      %dma_start3A_59 = tpu.memref_slice %arg11[%mul3A_6, %dma_start3A_58] : memref<10240x128xf32, #tpu.memory_space<vmem_shared>> -> memref<640x128xf32, #tpu.memory_space<vmem_shared>>
      %dma_start3A_60 = arith.constant 0 : i32
      %dma_start3A_61 = tpu.memref_slice %arg4[%mul3A_4, %dma_start3A_60] : memref<10240x128xf32, #tpu.memory_space<hbm>> -> memref<640x128xf32, #tpu.memory_space<hbm>>
      tpu.enqueue_dma source(%dma_start3A_61 : memref<640x128xf32, #tpu.memory_space<hbm>>) target(%dma_start3A_59 : memref<640x128xf32, #tpu.memory_space<vmem_shared>>) target_semaphore(%run_scoped3A : memref<!tpu.dma_semaphore, #tpu.memory_space<semaphore_mem>>)
      %dma_wait3A_62 = arith.constant 0 : i32
      %dma_wait3A_63 = tpu.memref_slice %arg11[%mul3A_6, %dma_wait3A_62] : memref<10240x128xf32, #tpu.memory_space<vmem_shared>> -> memref<640x128xf32, #tpu.memory_space<vmem_shared>>
      %dma_wait3A_64 = arith.constant 0 : i32
      %dma_wait3A_65 = tpu.memref_slice %arg4[%mul3A_4, %dma_wait3A_64] : memref<10240x128xf32, #tpu.memory_space<hbm>> -> memref<640x128xf32, #tpu.memory_space<hbm>>
      tpu.wait_dma2 semaphore(%run_scoped3A : memref<!tpu.dma_semaphore, #tpu.memory_space<semaphore_mem>>) src(%dma_wait3A_65 : memref<640x128xf32, #tpu.memory_space<hbm>>) dst(%dma_wait3A_63 : memref<640x128xf32, #tpu.memory_space<vmem_shared>>)
      tpu.yield
    }) : () -> ()
    %barrier3A = arith.constant 0 : index
    tpu.barrier barrier_id(%barrier3A)
    %dma_start3A = arith.constant 0 : i32
    %dma_start3A_7 = arith.constant 0 : i32
    %dma_start3A_8 = arith.constant 0 : i32
    %dma_start3A_9 = tpu.memref_slice %arg3[%add3A, %dma_start3A, %dma_start3A_7, %dma_start3A_8] : memref<640x2x8x125xi32, #tpu.memory_space<hbm>> -> memref<1x2x8x125xi32, #tpu.memory_space<hbm>>
    %dma_start3A_10 = tpu.memref_squeeze %dma_start3A_9 : memref<1x2x8x125xi32, #tpu.memory_space<hbm>> -> memref<2x8x125xi32, #tpu.memory_space<hbm>>
    %dma_start3A_11 = arith.constant 0 : i32
    %dma_start3A_12 = arith.constant 0 : i32
    %dma_start3A_13 = arith.constant 0 : i32
    %dma_start3A_14 = tpu.memref_slice %arg3[%add3A, %dma_start3A_11, %dma_start3A_12, %dma_start3A_13] : memref<640x2x8x125xi32, #tpu.memory_space<hbm>> -> memref<1x2x8x125xi32, #tpu.memory_space<hbm>>
    %dma_start3A_15 = tpu.memref_squeeze %dma_start3A_14 : memref<1x2x8x125xi32, #tpu.memory_space<hbm>> -> memref<2x8x125xi32, #tpu.memory_space<hbm>>
    tpu.enqueue_dma source(%dma_start3A_15 : memref<2x8x125xi32, #tpu.memory_space<hbm>>) target(%arg7 : memref<2x8x125xi32, #tpu.memory_space<vmem>>) target_semaphore(%arg12 : memref<!tpu.dma_semaphore, #tpu.memory_space<semaphore_mem>>)
    %add3A_16 = arith.constant 1 : i32
    %add3A_17 = arith.addi %add3A, %add3A_16 : i32
    %dma_start3A_18 = arith.constant 0 : i32
    %dma_start3A_19 = arith.constant 0 : i32
    %dma_start3A_20 = arith.constant 0 : i32
    %dma_start3A_21 = tpu.memref_slice %arg3[%add3A_17, %dma_start3A_18, %dma_start3A_19, %dma_start3A_20] : memref<640x2x8x125xi32, #tpu.memory_space<hbm>> -> memref<1x2x8x125xi32, #tpu.memory_space<hbm>>
    %dma_start3A_22 = tpu.memref_squeeze %dma_start3A_21 : memref<1x2x8x125xi32, #tpu.memory_space<hbm>> -> memref<2x8x125xi32, #tpu.memory_space<hbm>>
    %dma_start3A_23 = arith.constant 0 : i32
    %dma_start3A_24 = arith.constant 0 : i32
    %dma_start3A_25 = arith.constant 0 : i32
    %dma_start3A_26 = tpu.memref_slice %arg3[%add3A_17, %dma_start3A_23, %dma_start3A_24, %dma_start3A_25] : memref<640x2x8x125xi32, #tpu.memory_space<hbm>> -> memref<1x2x8x125xi32, #tpu.memory_space<hbm>>
    %dma_start3A_27 = tpu.memref_squeeze %dma_start3A_26 : memref<1x2x8x125xi32, #tpu.memory_space<hbm>> -> memref<2x8x125xi32, #tpu.memory_space<hbm>>
    tpu.enqueue_dma source(%dma_start3A_27 : memref<2x8x125xi32, #tpu.memory_space<hbm>>) target(%arg8 : memref<2x8x125xi32, #tpu.memory_space<vmem>>) target_semaphore(%arg13 : memref<!tpu.dma_semaphore, #tpu.memory_space<semaphore_mem>>)
    %dma_wait3A = arith.constant 0 : i32
    %dma_wait3A_28 = arith.constant 0 : i32
    %dma_wait3A_29 = arith.constant 0 : i32
    %dma_wait3A_30 = tpu.memref_slice %arg3[%add3A, %dma_wait3A, %dma_wait3A_28, %dma_wait3A_29] : memref<640x2x8x125xi32, #tpu.memory_space<hbm>> -> memref<1x2x8x125xi32, #tpu.memory_space<hbm>>
    %dma_wait3A_31 = tpu.memref_squeeze %dma_wait3A_30 : memref<1x2x8x125xi32, #tpu.memory_space<hbm>> -> memref<2x8x125xi32, #tpu.memory_space<hbm>>
    %dma_wait3A_32 = arith.constant 0 : i32
    %dma_wait3A_33 = arith.constant 0 : i32
    %dma_wait3A_34 = arith.constant 0 : i32
    %dma_wait3A_35 = tpu.memref_slice %arg3[%add3A, %dma_wait3A_32, %dma_wait3A_33, %dma_wait3A_34] : memref<640x2x8x125xi32, #tpu.memory_space<hbm>> -> memref<1x2x8x125xi32, #tpu.memory_space<hbm>>
    %dma_wait3A_36 = tpu.memref_squeeze %dma_wait3A_35 : memref<1x2x8x125xi32, #tpu.memory_space<hbm>> -> memref<2x8x125xi32, #tpu.memory_space<hbm>>
    tpu.wait_dma2 semaphore(%arg12 : memref<!tpu.dma_semaphore, #tpu.memory_space<semaphore_mem>>) src(%dma_wait3A_36 : memref<2x8x125xi32, #tpu.memory_space<hbm>>) dst(%arg7 : memref<2x8x125xi32, #tpu.memory_space<vmem>>)
    %dma_start3A_37 = arith.constant 0 : i32
    %dma_start3A_38 = arith.constant 0 : i32
    %dma_start3A_39 = arith.constant 0 : i32
    %dma_start3A_40 = tpu.memref_slice %arg7[%dma_start3A_37, %dma_start3A_38, %dma_start3A_39] : memref<2x8x125xi32, #tpu.memory_space<vmem>> -> memref<1x1x125xi32, #tpu.memory_space<vmem>>
    %dma_start3A_41 = tpu.memref_squeeze %dma_start3A_40 : memref<1x1x125xi32, #tpu.memory_space<vmem>> -> memref<125xi32, #tpu.memory_space<vmem>>
    %dma_start3A_42 = arith.constant 0 : i32
    %dma_start3A_43 = arith.constant 0 : i32
    %dma_start3A_44 = tpu.memref_slice %arg2[%dma_start3A_42, %dma_start3A_43] : memref<20000x128xf32, #tpu.memory_space<hbm>> -> memref<20000x128xf32, #tpu.memory_space<hbm>>
    tpu.enqueue_indirect_dma source(%dma_start3A_44 : memref<20000x128xf32, #tpu.memory_space<hbm>>) target(%arg9 : memref<125x128xf32, #tpu.memory_space<vmem>>) offsets(%dma_start3A_41 : memref<125xi32, #tpu.memory_space<vmem>>) semaphore(%arg14 : memref<!tpu.dma_semaphore, #tpu.memory_space<semaphore_mem>>)
    %scan3A = arith.constant 0 : i32
    %scan3A_45 = arith.constant 0 : i32
    %scan3A_46 = arith.constant 10 : i32
    %scan3A_47 = arith.addi %scan3A_45, %scan3A_46 : i32
    %scan3A_48 = arith.constant 1 : i32
    scf.for %scan3A_58 = %scan3A_45 to %scan3A_47 step %scan3A_48  : i32 {
      %mul3A_59 = arith.constant 2 : i32
      %mul3A_60 = arith.muli %mul3A_59, %scan3A_58 : i32
      %dma_wait3A_61 = arith.constant 0 : i32
      %dma_wait3A_62 = arith.constant 0 : i32
      %dma_wait3A_63 = arith.constant 0 : i32
      %dma_wait3A_64 = tpu.memref_slice %arg7[%dma_wait3A_61, %dma_wait3A_62, %dma_wait3A_63] : memref<2x8x125xi32, #tpu.memory_space<vmem>> -> memref<1x1x125xi32, #tpu.memory_space<vmem>>
      %dma_wait3A_65 = tpu.memref_squeeze %dma_wait3A_64 : memref<1x1x125xi32, #tpu.memory_space<vmem>> -> memref<125xi32, #tpu.memory_space<vmem>>
      %dma_wait3A_66 = arith.constant 0 : i32
      %dma_wait3A_67 = arith.constant 0 : i32
      %dma_wait3A_68 = tpu.memref_slice %arg2[%dma_wait3A_66, %dma_wait3A_67] : memref<20000x128xf32, #tpu.memory_space<hbm>> -> memref<20000x128xf32, #tpu.memory_space<hbm>>
      tpu.wait_indirect_dma semaphore(%arg14 : memref<!tpu.dma_semaphore, #tpu.memory_space<semaphore_mem>>) src(%dma_wait3A_68 : memref<20000x128xf32, #tpu.memory_space<hbm>>) dst(%arg9 : memref<125x128xf32, #tpu.memory_space<vmem>>)
      %dma_start3A_69 = arith.constant 0 : i32
      %dma_start3A_70 = arith.constant 1 : i32
      %dma_start3A_71 = arith.constant 0 : i32
      %dma_start3A_72 = tpu.memref_slice %arg7[%dma_start3A_69, %dma_start3A_70, %dma_start3A_71] : memref<2x8x125xi32, #tpu.memory_space<vmem>> -> memref<1x1x125xi32, #tpu.memory_space<vmem>>
      %dma_start3A_73 = tpu.memref_squeeze %dma_start3A_72 : memref<1x1x125xi32, #tpu.memory_space<vmem>> -> memref<125xi32, #tpu.memory_space<vmem>>
      %dma_start3A_74 = arith.constant 0 : i32
      %dma_start3A_75 = arith.constant 0 : i32
      %dma_start3A_76 = tpu.memref_slice %arg2[%dma_start3A_74, %dma_start3A_75] : memref<20000x128xf32, #tpu.memory_space<hbm>> -> memref<20000x128xf32, #tpu.memory_space<hbm>>
      tpu.enqueue_indirect_dma source(%dma_start3A_76 : memref<20000x128xf32, #tpu.memory_space<hbm>>) target(%arg10 : memref<125x128xf32, #tpu.memory_space<vmem>>) offsets(%dma_start3A_73 : memref<125xi32, #tpu.memory_space<vmem>>) semaphore(%arg15 : memref<!tpu.dma_semaphore, #tpu.memory_space<semaphore_mem>>)
      %dma_start3A_77 = arith.constant 1 : i32
      %dma_start3A_78 = arith.constant 0 : i32
      %dma_start3A_79 = arith.constant 0 : i32
      %dma_start3A_80 = tpu.memref_slice %arg7[%dma_start3A_77, %dma_start3A_78, %dma_start3A_79] : memref<2x8x125xi32, #tpu.memory_space<vmem>> -> memref<1x1x125xi32, #tpu.memory_space<vmem>>
      %dma_start3A_81 = tpu.memref_squeeze %dma_start3A_80 : memref<1x1x125xi32, #tpu.memory_space<vmem>> -> memref<125xi32, #tpu.memory_space<vmem>>
      %dma_start3A_82 = arith.constant 0 : i32
      %dma_start3A_83 = arith.constant 0 : i32
      %dma_start3A_84 = tpu.memref_slice %arg11[%dma_start3A_82, %dma_start3A_83] : memref<10240x128xf32, #tpu.memory_space<vmem_shared>> -> memref<10240x128xf32, #tpu.memory_space<vmem_shared>>
      tpu.enqueue_indirect_dma source(%arg9 : memref<125x128xf32, #tpu.memory_space<vmem>>) target(%dma_start3A_84 : memref<10240x128xf32, #tpu.memory_space<vmem_shared>>) offsets(%dma_start3A_81 : memref<125xi32, #tpu.memory_space<vmem>>) semaphore(%arg16 : memref<!tpu.dma_semaphore, #tpu.memory_space<semaphore_mem>>) {add = true}
      %dma_wait3A_85 = arith.constant 0 : i32
      %dma_wait3A_86 = arith.constant 1 : i32
      %dma_wait3A_87 = arith.constant 0 : i32
      %dma_wait3A_88 = tpu.memref_slice %arg7[%dma_wait3A_85, %dma_wait3A_86, %dma_wait3A_87] : memref<2x8x125xi32, #tpu.memory_space<vmem>> -> memref<1x1x125xi32, #tpu.memory_space<vmem>>
      %dma_wait3A_89 = tpu.memref_squeeze %dma_wait3A_88 : memref<1x1x125xi32, #tpu.memory_space<vmem>> -> memref<125xi32, #tpu.memory_space<vmem>>
      %dma_wait3A_90 = arith.constant 0 : i32
      %dma_wait3A_91 = arith.constant 0 : i32
      %dma_wait3A_92 = tpu.memref_slice %arg2[%dma_wait3A_90, %dma_wait3A_91] : memref<20000x128xf32, #tpu.memory_space<hbm>> -> memref<20000x128xf32, #tpu.memory_space<hbm>>
      tpu.wait_indirect_dma semaphore(%arg15 : memref<!tpu.dma_semaphore, #tpu.memory_space<semaphore_mem>>) src(%dma_wait3A_92 : memref<20000x128xf32, #tpu.memory_space<hbm>>) dst(%arg10 : memref<125x128xf32, #tpu.memory_space<vmem>>)
      %dma_wait3A_93 = arith.constant 1 : i32
      %dma_wait3A_94 = arith.constant 0 : i32
      %dma_wait3A_95 = arith.constant 0 : i32
      %dma_wait3A_96 = tpu.memref_slice %arg7[%dma_wait3A_93, %dma_wait3A_94, %dma_wait3A_95] : memref<2x8x125xi32, #tpu.memory_space<vmem>> -> memref<1x1x125xi32, #tpu.memory_space<vmem>>
      %dma_wait3A_97 = tpu.memref_squeeze %dma_wait3A_96 : memref<1x1x125xi32, #tpu.memory_space<vmem>> -> memref<125xi32, #tpu.memory_space<vmem>>
      %dma_wait3A_98 = arith.constant 0 : i32
      %dma_wait3A_99 = arith.constant 0 : i32
      %dma_wait3A_100 = tpu.memref_slice %arg11[%dma_wait3A_98, %dma_wait3A_99] : memref<10240x128xf32, #tpu.memory_space<vmem_shared>> -> memref<10240x128xf32, #tpu.memory_space<vmem_shared>>
      tpu.wait_indirect_dma semaphore(%arg16 : memref<!tpu.dma_semaphore, #tpu.memory_space<semaphore_mem>>) src(%arg9 : memref<125x128xf32, #tpu.memory_space<vmem>>) dst(%dma_wait3A_100 : memref<10240x128xf32, #tpu.memory_space<vmem_shared>>)
      %dma_start3A_101 = arith.constant 0 : i32
      %dma_start3A_102 = arith.constant 2 : i32
      %dma_start3A_103 = arith.constant 0 : i32
      %dma_start3A_104 = tpu.memref_slice %arg7[%dma_start3A_101, %dma_start3A_102, %dma_start3A_103] : memref<2x8x125xi32, #tpu.memory_space<vmem>> -> memref<1x1x125xi32, #tpu.memory_space<vmem>>
      %dma_start3A_105 = tpu.memref_squeeze %dma_start3A_104 : memref<1x1x125xi32, #tpu.memory_space<vmem>> -> memref<125xi32, #tpu.memory_space<vmem>>
      %dma_start3A_106 = arith.constant 0 : i32
      %dma_start3A_107 = arith.constant 0 : i32
      %dma_start3A_108 = tpu.memref_slice %arg2[%dma_start3A_106, %dma_start3A_107] : memref<20000x128xf32, #tpu.memory_space<hbm>> -> memref<20000x128xf32, #tpu.memory_space<hbm>>
      tpu.enqueue_indirect_dma source(%dma_start3A_108 : memref<20000x128xf32, #tpu.memory_space<hbm>>) target(%arg9 : memref<125x128xf32, #tpu.memory_space<vmem>>) offsets(%dma_start3A_105 : memref<125xi32, #tpu.memory_space<vmem>>) semaphore(%arg14 : memref<!tpu.dma_semaphore, #tpu.memory_space<semaphore_mem>>)
      %dma_start3A_109 = arith.constant 1 : i32
      %dma_start3A_110 = arith.constant 1 : i32
      %dma_start3A_111 = arith.constant 0 : i32
      %dma_start3A_112 = tpu.memref_slice %arg7[%dma_start3A_109, %dma_start3A_110, %dma_start3A_111] : memref<2x8x125xi32, #tpu.memory_space<vmem>> -> memref<1x1x125xi32, #tpu.memory_space<vmem>>
      %dma_start3A_113 = tpu.memref_squeeze %dma_start3A_112 : memref<1x1x125xi32, #tpu.memory_space<vmem>> -> memref<125xi32, #tpu.memory_space<vmem>>
      %dma_start3A_114 = arith.constant 0 : i32
      %dma_start3A_115 = arith.constant 0 : i32
      %dma_start3A_116 = tpu.memref_slice %arg11[%dma_start3A_114, %dma_start3A_115] : memref<10240x128xf32, #tpu.memory_space<vmem_shared>> -> memref<10240x128xf32, #tpu.memory_space<vmem_shared>>
      tpu.enqueue_indirect_dma source(%arg10 : memref<125x128xf32, #tpu.memory_space<vmem>>) target(%dma_start3A_116 : memref<10240x128xf32, #tpu.memory_space<vmem_shared>>) offsets(%dma_start3A_113 : memref<125xi32, #tpu.memory_space<vmem>>) semaphore(%arg17 : memref<!tpu.dma_semaphore, #tpu.memory_space<semaphore_mem>>) {add = true}
      %dma_wait3A_117 = arith.constant 0 : i32
      %dma_wait3A_118 = arith.constant 2 : i32
      %dma_wait3A_119 = arith.constant 0 : i32
      %dma_wait3A_120 = tpu.memref_slice %arg7[%dma_wait3A_117, %dma_wait3A_118, %dma_wait3A_119] : memref<2x8x125xi32, #tpu.memory_space<vmem>> -> memref<1x1x125xi32, #tpu.memory_space<vmem>>
      %dma_wait3A_121 = tpu.memref_squeeze %dma_wait3A_120 : memref<1x1x125xi32, #tpu.memory_space<vmem>> -> memref<125xi32, #tpu.memory_space<vmem>>
      %dma_wait3A_122 = arith.constant 0 : i32
      %dma_wait3A_123 = arith.constant 0 : i32
      %dma_wait3A_124 = tpu.memref_slice %arg2[%dma_wait3A_122, %dma_wait3A_123] : memref<20000x128xf32, #tpu.memory_space<hbm>> -> memref<20000x128xf32, #tpu.memory_space<hbm>>
      tpu.wait_indirect_dma semaphore(%arg14 : memref<!tpu.dma_semaphore, #tpu.memory_space<semaphore_mem>>) src(%dma_wait3A_124 : memref<20000x128xf32, #tpu.memory_space<hbm>>) dst(%arg9 : memref<125x128xf32, #tpu.memory_space<vmem>>)
      %dma_wait3A_125 = arith.constant 1 : i32
      %dma_wait3A_126 = arith.constant 1 : i32
      %dma_wait3A_127 = arith.constant 0 : i32
      %dma_wait3A_128 = tpu.memref_slice %arg7[%dma_wait3A_125, %dma_wait3A_126, %dma_wait3A_127] : memref<2x8x125xi32, #tpu.memory_space<vmem>> -> memref<1x1x125xi32, #tpu.memory_space<vmem>>
      %dma_wait3A_129 = tpu.memref_squeeze %dma_wait3A_128 : memref<1x1x125xi32, #tpu.memory_space<vmem>> -> memref<125xi32, #tpu.memory_space<vmem>>
      %dma_wait3A_130 = arith.constant 0 : i32
      %dma_wait3A_131 = arith.constant 0 : i32
      %dma_wait3A_132 = tpu.memref_slice %arg11[%dma_wait3A_130, %dma_wait3A_131] : memref<10240x128xf32, #tpu.memory_space<vmem_shared>> -> memref<10240x128xf32, #tpu.memory_space<vmem_shared>>
      tpu.wait_indirect_dma semaphore(%arg17 : memref<!tpu.dma_semaphore, #tpu.memory_space<semaphore_mem>>) src(%arg10 : memref<125x128xf32, #tpu.memory_space<vmem>>) dst(%dma_wait3A_132 : memref<10240x128xf32, #tpu.memory_space<vmem_shared>>)
      %dma_start3A_133 = arith.constant 0 : i32
      %dma_start3A_134 = arith.constant 3 : i32
      %dma_start3A_135 = arith.constant 0 : i32
      %dma_start3A_136 = tpu.memref_slice %arg7[%dma_start3A_133, %dma_start3A_134, %dma_start3A_135] : memref<2x8x125xi32, #tpu.memory_space<vmem>> -> memref<1x1x125xi32, #tpu.memory_space<vmem>>
      %dma_start3A_137 = tpu.memref_squeeze %dma_start3A_136 : memref<1x1x125xi32, #tpu.memory_space<vmem>> -> memref<125xi32, #tpu.memory_space<vmem>>
      %dma_start3A_138 = arith.constant 0 : i32
      %dma_start3A_139 = arith.constant 0 : i32
      %dma_start3A_140 = tpu.memref_slice %arg2[%dma_start3A_138, %dma_start3A_139] : memref<20000x128xf32, #tpu.memory_space<hbm>> -> memref<20000x128xf32, #tpu.memory_space<hbm>>
      tpu.enqueue_indirect_dma source(%dma_start3A_140 : memref<20000x128xf32, #tpu.memory_space<hbm>>) target(%arg10 : memref<125x128xf32, #tpu.memory_space<vmem>>) offsets(%dma_start3A_137 : memref<125xi32, #tpu.memory_space<vmem>>) semaphore(%arg15 : memref<!tpu.dma_semaphore, #tpu.memory_space<semaphore_mem>>)
      %dma_start3A_141 = arith.constant 1 : i32
      %dma_start3A_142 = arith.constant 2 : i32
      %dma_start3A_143 = arith.constant 0 : i32
      %dma_start3A_144 = tpu.memref_slice %arg7[%dma_start3A_141, %dma_start3A_142, %dma_start3A_143] : memref<2x8x125xi32, #tpu.memory_space<vmem>> -> memref<1x1x125xi32, #tpu.memory_space<vmem>>
      %dma_start3A_145 = tpu.memref_squeeze %dma_start3A_144 : memref<1x1x125xi32, #tpu.memory_space<vmem>> -> memref<125xi32, #tpu.memory_space<vmem>>
      %dma_start3A_146 = arith.constant 0 : i32
      %dma_start3A_147 = arith.constant 0 : i32
      %dma_start3A_148 = tpu.memref_slice %arg11[%dma_start3A_146, %dma_start3A_147] : memref<10240x128xf32, #tpu.memory_space<vmem_shared>> -> memref<10240x128xf32, #tpu.memory_space<vmem_shared>>
      tpu.enqueue_indirect_dma source(%arg9 : memref<125x128xf32, #tpu.memory_space<vmem>>) target(%dma_start3A_148 : memref<10240x128xf32, #tpu.memory_space<vmem_shared>>) offsets(%dma_start3A_145 : memref<125xi32, #tpu.memory_space<vmem>>) semaphore(%arg16 : memref<!tpu.dma_semaphore, #tpu.memory_space<semaphore_mem>>) {add = true}
      %dma_wait3A_149 = arith.constant 0 : i32
      %dma_wait3A_150 = arith.constant 3 : i32
      %dma_wait3A_151 = arith.constant 0 : i32
      %dma_wait3A_152 = tpu.memref_slice %arg7[%dma_wait3A_149, %dma_wait3A_150, %dma_wait3A_151] : memref<2x8x125xi32, #tpu.memory_space<vmem>> -> memref<1x1x125xi32, #tpu.memory_space<vmem>>
      %dma_wait3A_153 = tpu.memref_squeeze %dma_wait3A_152 : memref<1x1x125xi32, #tpu.memory_space<vmem>> -> memref<125xi32, #tpu.memory_space<vmem>>
      %dma_wait3A_154 = arith.constant 0 : i32
      %dma_wait3A_155 = arith.constant 0 : i32
      %dma_wait3A_156 = tpu.memref_slice %arg2[%dma_wait3A_154, %dma_wait3A_155] : memref<20000x128xf32, #tpu.memory_space<hbm>> -> memref<20000x128xf32, #tpu.memory_space<hbm>>
      tpu.wait_indirect_dma semaphore(%arg15 : memref<!tpu.dma_semaphore, #tpu.memory_space<semaphore_mem>>) src(%dma_wait3A_156 : memref<20000x128xf32, #tpu.memory_space<hbm>>) dst(%arg10 : memref<125x128xf32, #tpu.memory_space<vmem>>)
      %dma_wait3A_157 = arith.constant 1 : i32
      %dma_wait3A_158 = arith.constant 2 : i32
      %dma_wait3A_159 = arith.constant 0 : i32
      %dma_wait3A_160 = tpu.memref_slice %arg7[%dma_wait3A_157, %dma_wait3A_158, %dma_wait3A_159] : memref<2x8x125xi32, #tpu.memory_space<vmem>> -> memref<1x1x125xi32, #tpu.memory_space<vmem>>
      %dma_wait3A_161 = tpu.memref_squeeze %dma_wait3A_160 : memref<1x1x125xi32, #tpu.memory_space<vmem>> -> memref<125xi32, #tpu.memory_space<vmem>>
      %dma_wait3A_162 = arith.constant 0 : i32
      %dma_wait3A_163 = arith.constant 0 : i32
      %dma_wait3A_164 = tpu.memref_slice %arg11[%dma_wait3A_162, %dma_wait3A_163] : memref<10240x128xf32, #tpu.memory_space<vmem_shared>> -> memref<10240x128xf32, #tpu.memory_space<vmem_shared>>
      tpu.wait_indirect_dma semaphore(%arg16 : memref<!tpu.dma_semaphore, #tpu.memory_space<semaphore_mem>>) src(%arg9 : memref<125x128xf32, #tpu.memory_space<vmem>>) dst(%dma_wait3A_164 : memref<10240x128xf32, #tpu.memory_space<vmem_shared>>)
      %dma_start3A_165 = arith.constant 0 : i32
      %dma_start3A_166 = arith.constant 4 : i32
      %dma_start3A_167 = arith.constant 0 : i32
      %dma_start3A_168 = tpu.memref_slice %arg7[%dma_start3A_165, %dma_start3A_166, %dma_start3A_167] : memref<2x8x125xi32, #tpu.memory_space<vmem>> -> memref<1x1x125xi32, #tpu.memory_space<vmem>>
      %dma_start3A_169 = tpu.memref_squeeze %dma_start3A_168 : memref<1x1x125xi32, #tpu.memory_space<vmem>> -> memref<125xi32, #tpu.memory_space<vmem>>
      %dma_start3A_170 = arith.constant 0 : i32
      %dma_start3A_171 = arith.constant 0 : i32
      %dma_start3A_172 = tpu.memref_slice %arg2[%dma_start3A_170, %dma_start3A_171] : memref<20000x128xf32, #tpu.memory_space<hbm>> -> memref<20000x128xf32, #tpu.memory_space<hbm>>
      tpu.enqueue_indirect_dma source(%dma_start3A_172 : memref<20000x128xf32, #tpu.memory_space<hbm>>) target(%arg9 : memref<125x128xf32, #tpu.memory_space<vmem>>) offsets(%dma_start3A_169 : memref<125xi32, #tpu.memory_space<vmem>>) semaphore(%arg14 : memref<!tpu.dma_semaphore, #tpu.memory_space<semaphore_mem>>)
      %dma_start3A_173 = arith.constant 1 : i32
      %dma_start3A_174 = arith.constant 3 : i32
      %dma_start3A_175 = arith.constant 0 : i32
      %dma_start3A_176 = tpu.memref_slice %arg7[%dma_start3A_173, %dma_start3A_174, %dma_start3A_175] : memref<2x8x125xi32, #tpu.memory_space<vmem>> -> memref<1x1x125xi32, #tpu.memory_space<vmem>>
      %dma_start3A_177 = tpu.memref_squeeze %dma_start3A_176 : memref<1x1x125xi32, #tpu.memory_space<vmem>> -> memref<125xi32, #tpu.memory_space<vmem>>
      %dma_start3A_178 = arith.constant 0 : i32
      %dma_start3A_179 = arith.constant 0 : i32
      %dma_start3A_180 = tpu.memref_slice %arg11[%dma_start3A_178, %dma_start3A_179] : memref<10240x128xf32, #tpu.memory_space<vmem_shared>> -> memref<10240x128xf32, #tpu.memory_space<vmem_shared>>
      tpu.enqueue_indirect_dma source(%arg10 : memref<125x128xf32, #tpu.memory_space<vmem>>) target(%dma_start3A_180 : memref<10240x128xf32, #tpu.memory_space<vmem_shared>>) offsets(%dma_start3A_177 : memref<125xi32, #tpu.memory_space<vmem>>) semaphore(%arg17 : memref<!tpu.dma_semaphore, #tpu.memory_space<semaphore_mem>>) {add = true}
      %dma_wait3A_181 = arith.constant 0 : i32
      %dma_wait3A_182 = arith.constant 4 : i32
      %dma_wait3A_183 = arith.constant 0 : i32
      %dma_wait3A_184 = tpu.memref_slice %arg7[%dma_wait3A_181, %dma_wait3A_182, %dma_wait3A_183] : memref<2x8x125xi32, #tpu.memory_space<vmem>> -> memref<1x1x125xi32, #tpu.memory_space<vmem>>
      %dma_wait3A_185 = tpu.memref_squeeze %dma_wait3A_184 : memref<1x1x125xi32, #tpu.memory_space<vmem>> -> memref<125xi32, #tpu.memory_space<vmem>>
      %dma_wait3A_186 = arith.constant 0 : i32
      %dma_wait3A_187 = arith.constant 0 : i32
      %dma_wait3A_188 = tpu.memref_slice %arg2[%dma_wait3A_186, %dma_wait3A_187] : memref<20000x128xf32, #tpu.memory_space<hbm>> -> memref<20000x128xf32, #tpu.memory_space<hbm>>
      tpu.wait_indirect_dma semaphore(%arg14 : memref<!tpu.dma_semaphore, #tpu.memory_space<semaphore_mem>>) src(%dma_wait3A_188 : memref<20000x128xf32, #tpu.memory_space<hbm>>) dst(%arg9 : memref<125x128xf32, #tpu.memory_space<vmem>>)
      %dma_wait3A_189 = arith.constant 1 : i32
      %dma_wait3A_190 = arith.constant 3 : i32
      %dma_wait3A_191 = arith.constant 0 : i32
      %dma_wait3A_192 = tpu.memref_slice %arg7[%dma_wait3A_189, %dma_wait3A_190, %dma_wait3A_191] : memref<2x8x125xi32, #tpu.memory_space<vmem>> -> memref<1x1x125xi32, #tpu.memory_space<vmem>>
      %dma_wait3A_193 = tpu.memref_squeeze %dma_wait3A_192 : memref<1x1x125xi32, #tpu.memory_space<vmem>> -> memref<125xi32, #tpu.memory_space<vmem>>
      %dma_wait3A_194 = arith.constant 0 : i32
      %dma_wait3A_195 = arith.constant 0 : i32
      %dma_wait3A_196 = tpu.memref_slice %arg11[%dma_wait3A_194, %dma_wait3A_195] : memref<10240x128xf32, #tpu.memory_space<vmem_shared>> -> memref<10240x128xf32, #tpu.memory_space<vmem_shared>>
      tpu.wait_indirect_dma semaphore(%arg17 : memref<!tpu.dma_semaphore, #tpu.memory_space<semaphore_mem>>) src(%arg10 : memref<125x128xf32, #tpu.memory_space<vmem>>) dst(%dma_wait3A_196 : memref<10240x128xf32, #tpu.memory_space<vmem_shared>>)
      %dma_start3A_197 = arith.constant 0 : i32
      %dma_start3A_198 = arith.constant 5 : i32
      %dma_start3A_199 = arith.constant 0 : i32
      %dma_start3A_200 = tpu.memref_slice %arg7[%dma_start3A_197, %dma_start3A_198, %dma_start3A_199] : memref<2x8x125xi32, #tpu.memory_space<vmem>> -> memref<1x1x125xi32, #tpu.memory_space<vmem>>
      %dma_start3A_201 = tpu.memref_squeeze %dma_start3A_200 : memref<1x1x125xi32, #tpu.memory_space<vmem>> -> memref<125xi32, #tpu.memory_space<vmem>>
      %dma_start3A_202 = arith.constant 0 : i32
      %dma_start3A_203 = arith.constant 0 : i32
      %dma_start3A_204 = tpu.memref_slice %arg2[%dma_start3A_202, %dma_start3A_203] : memref<20000x128xf32, #tpu.memory_space<hbm>> -> memref<20000x128xf32, #tpu.memory_space<hbm>>
      tpu.enqueue_indirect_dma source(%dma_start3A_204 : memref<20000x128xf32, #tpu.memory_space<hbm>>) target(%arg10 : memref<125x128xf32, #tpu.memory_space<vmem>>) offsets(%dma_start3A_201 : memref<125xi32, #tpu.memory_space<vmem>>) semaphore(%arg15 : memref<!tpu.dma_semaphore, #tpu.memory_space<semaphore_mem>>)
      %dma_start3A_205 = arith.constant 1 : i32
      %dma_start3A_206 = arith.constant 4 : i32
      %dma_start3A_207 = arith.constant 0 : i32
      %dma_start3A_208 = tpu.memref_slice %arg7[%dma_start3A_205, %dma_start3A_206, %dma_start3A_207] : memref<2x8x125xi32, #tpu.memory_space<vmem>> -> memref<1x1x125xi32, #tpu.memory_space<vmem>>
      %dma_start3A_209 = tpu.memref_squeeze %dma_start3A_208 : memref<1x1x125xi32, #tpu.memory_space<vmem>> -> memref<125xi32, #tpu.memory_space<vmem>>
      %dma_start3A_210 = arith.constant 0 : i32
      %dma_start3A_211 = arith.constant 0 : i32
      %dma_start3A_212 = tpu.memref_slice %arg11[%dma_start3A_210, %dma_start3A_211] : memref<10240x128xf32, #tpu.memory_space<vmem_shared>> -> memref<10240x128xf32, #tpu.memory_space<vmem_shared>>
      tpu.enqueue_indirect_dma source(%arg9 : memref<125x128xf32, #tpu.memory_space<vmem>>) target(%dma_start3A_212 : memref<10240x128xf32, #tpu.memory_space<vmem_shared>>) offsets(%dma_start3A_209 : memref<125xi32, #tpu.memory_space<vmem>>) semaphore(%arg16 : memref<!tpu.dma_semaphore, #tpu.memory_space<semaphore_mem>>) {add = true}
      %dma_wait3A_213 = arith.constant 0 : i32
      %dma_wait3A_214 = arith.constant 5 : i32
      %dma_wait3A_215 = arith.constant 0 : i32
      %dma_wait3A_216 = tpu.memref_slice %arg7[%dma_wait3A_213, %dma_wait3A_214, %dma_wait3A_215] : memref<2x8x125xi32, #tpu.memory_space<vmem>> -> memref<1x1x125xi32, #tpu.memory_space<vmem>>
      %dma_wait3A_217 = tpu.memref_squeeze %dma_wait3A_216 : memref<1x1x125xi32, #tpu.memory_space<vmem>> -> memref<125xi32, #tpu.memory_space<vmem>>
      %dma_wait3A_218 = arith.constant 0 : i32
      %dma_wait3A_219 = arith.constant 0 : i32
      %dma_wait3A_220 = tpu.memref_slice %arg2[%dma_wait3A_218, %dma_wait3A_219] : memref<20000x128xf32, #tpu.memory_space<hbm>> -> memref<20000x128xf32, #tpu.memory_space<hbm>>
      tpu.wait_indirect_dma semaphore(%arg15 : memref<!tpu.dma_semaphore, #tpu.memory_space<semaphore_mem>>) src(%dma_wait3A_220 : memref<20000x128xf32, #tpu.memory_space<hbm>>) dst(%arg10 : memref<125x128xf32, #tpu.memory_space<vmem>>)
      %dma_wait3A_221 = arith.constant 1 : i32
      %dma_wait3A_222 = arith.constant 4 : i32
      %dma_wait3A_223 = arith.constant 0 : i32
      %dma_wait3A_224 = tpu.memref_slice %arg7[%dma_wait3A_221, %dma_wait3A_222, %dma_wait3A_223] : memref<2x8x125xi32, #tpu.memory_space<vmem>> -> memref<1x1x125xi32, #tpu.memory_space<vmem>>
      %dma_wait3A_225 = tpu.memref_squeeze %dma_wait3A_224 : memref<1x1x125xi32, #tpu.memory_space<vmem>> -> memref<125xi32, #tpu.memory_space<vmem>>
      %dma_wait3A_226 = arith.constant 0 : i32
      %dma_wait3A_227 = arith.constant 0 : i32
      %dma_wait3A_228 = tpu.memref_slice %arg11[%dma_wait3A_226, %dma_wait3A_227] : memref<10240x128xf32, #tpu.memory_space<vmem_shared>> -> memref<10240x128xf32, #tpu.memory_space<vmem_shared>>
      tpu.wait_indirect_dma semaphore(%arg16 : memref<!tpu.dma_semaphore, #tpu.memory_space<semaphore_mem>>) src(%arg9 : memref<125x128xf32, #tpu.memory_space<vmem>>) dst(%dma_wait3A_228 : memref<10240x128xf32, #tpu.memory_space<vmem_shared>>)
      %dma_start3A_229 = arith.constant 0 : i32
      %dma_start3A_230 = arith.constant 6 : i32
      %dma_start3A_231 = arith.constant 0 : i32
      %dma_start3A_232 = tpu.memref_slice %arg7[%dma_start3A_229, %dma_start3A_230, %dma_start3A_231] : memref<2x8x125xi32, #tpu.memory_space<vmem>> -> memref<1x1x125xi32, #tpu.memory_space<vmem>>
      %dma_start3A_233 = tpu.memref_squeeze %dma_start3A_232 : memref<1x1x125xi32, #tpu.memory_space<vmem>> -> memref<125xi32, #tpu.memory_space<vmem>>
      %dma_start3A_234 = arith.constant 0 : i32
      %dma_start3A_235 = arith.constant 0 : i32
      %dma_start3A_236 = tpu.memref_slice %arg2[%dma_start3A_234, %dma_start3A_235] : memref<20000x128xf32, #tpu.memory_space<hbm>> -> memref<20000x128xf32, #tpu.memory_space<hbm>>
      tpu.enqueue_indirect_dma source(%dma_start3A_236 : memref<20000x128xf32, #tpu.memory_space<hbm>>) target(%arg9 : memref<125x128xf32, #tpu.memory_space<vmem>>) offsets(%dma_start3A_233 : memref<125xi32, #tpu.memory_space<vmem>>) semaphore(%arg14 : memref<!tpu.dma_semaphore, #tpu.memory_space<semaphore_mem>>)
      %dma_start3A_237 = arith.constant 1 : i32
      %dma_start3A_238 = arith.constant 5 : i32
      %dma_start3A_239 = arith.constant 0 : i32
      %dma_start3A_240 = tpu.memref_slice %arg7[%dma_start3A_237, %dma_start3A_238, %dma_start3A_239] : memref<2x8x125xi32, #tpu.memory_space<vmem>> -> memref<1x1x125xi32, #tpu.memory_space<vmem>>
      %dma_start3A_241 = tpu.memref_squeeze %dma_start3A_240 : memref<1x1x125xi32, #tpu.memory_space<vmem>> -> memref<125xi32, #tpu.memory_space<vmem>>
      %dma_start3A_242 = arith.constant 0 : i32
      %dma_start3A_243 = arith.constant 0 : i32
      %dma_start3A_244 = tpu.memref_slice %arg11[%dma_start3A_242, %dma_start3A_243] : memref<10240x128xf32, #tpu.memory_space<vmem_shared>> -> memref<10240x128xf32, #tpu.memory_space<vmem_shared>>
      tpu.enqueue_indirect_dma source(%arg10 : memref<125x128xf32, #tpu.memory_space<vmem>>) target(%dma_start3A_244 : memref<10240x128xf32, #tpu.memory_space<vmem_shared>>) offsets(%dma_start3A_241 : memref<125xi32, #tpu.memory_space<vmem>>) semaphore(%arg17 : memref<!tpu.dma_semaphore, #tpu.memory_space<semaphore_mem>>) {add = true}
      %dma_wait3A_245 = arith.constant 0 : i32
      %dma_wait3A_246 = arith.constant 6 : i32
      %dma_wait3A_247 = arith.constant 0 : i32
      %dma_wait3A_248 = tpu.memref_slice %arg7[%dma_wait3A_245, %dma_wait3A_246, %dma_wait3A_247] : memref<2x8x125xi32, #tpu.memory_space<vmem>> -> memref<1x1x125xi32, #tpu.memory_space<vmem>>
      %dma_wait3A_249 = tpu.memref_squeeze %dma_wait3A_248 : memref<1x1x125xi32, #tpu.memory_space<vmem>> -> memref<125xi32, #tpu.memory_space<vmem>>
      %dma_wait3A_250 = arith.constant 0 : i32
      %dma_wait3A_251 = arith.constant 0 : i32
      %dma_wait3A_252 = tpu.memref_slice %arg2[%dma_wait3A_250, %dma_wait3A_251] : memref<20000x128xf32, #tpu.memory_space<hbm>> -> memref<20000x128xf32, #tpu.memory_space<hbm>>
      tpu.wait_indirect_dma semaphore(%arg14 : memref<!tpu.dma_semaphore, #tpu.memory_space<semaphore_mem>>) src(%dma_wait3A_252 : memref<20000x128xf32, #tpu.memory_space<hbm>>) dst(%arg9 : memref<125x128xf32, #tpu.memory_space<vmem>>)
      %dma_wait3A_253 = arith.constant 1 : i32
      %dma_wait3A_254 = arith.constant 5 : i32
      %dma_wait3A_255 = arith.constant 0 : i32
      %dma_wait3A_256 = tpu.memref_slice %arg7[%dma_wait3A_253, %dma_wait3A_254, %dma_wait3A_255] : memref<2x8x125xi32, #tpu.memory_space<vmem>> -> memref<1x1x125xi32, #tpu.memory_space<vmem>>
      %dma_wait3A_257 = tpu.memref_squeeze %dma_wait3A_256 : memref<1x1x125xi32, #tpu.memory_space<vmem>> -> memref<125xi32, #tpu.memory_space<vmem>>
      %dma_wait3A_258 = arith.constant 0 : i32
      %dma_wait3A_259 = arith.constant 0 : i32
      %dma_wait3A_260 = tpu.memref_slice %arg11[%dma_wait3A_258, %dma_wait3A_259] : memref<10240x128xf32, #tpu.memory_space<vmem_shared>> -> memref<10240x128xf32, #tpu.memory_space<vmem_shared>>
      tpu.wait_indirect_dma semaphore(%arg17 : memref<!tpu.dma_semaphore, #tpu.memory_space<semaphore_mem>>) src(%arg10 : memref<125x128xf32, #tpu.memory_space<vmem>>) dst(%dma_wait3A_260 : memref<10240x128xf32, #tpu.memory_space<vmem_shared>>)
      %dma_start3A_261 = arith.constant 0 : i32
      %dma_start3A_262 = arith.constant 7 : i32
      %dma_start3A_263 = arith.constant 0 : i32
      %dma_start3A_264 = tpu.memref_slice %arg7[%dma_start3A_261, %dma_start3A_262, %dma_start3A_263] : memref<2x8x125xi32, #tpu.memory_space<vmem>> -> memref<1x1x125xi32, #tpu.memory_space<vmem>>
      %dma_start3A_265 = tpu.memref_squeeze %dma_start3A_264 : memref<1x1x125xi32, #tpu.memory_space<vmem>> -> memref<125xi32, #tpu.memory_space<vmem>>
      %dma_start3A_266 = arith.constant 0 : i32
      %dma_start3A_267 = arith.constant 0 : i32
      %dma_start3A_268 = tpu.memref_slice %arg2[%dma_start3A_266, %dma_start3A_267] : memref<20000x128xf32, #tpu.memory_space<hbm>> -> memref<20000x128xf32, #tpu.memory_space<hbm>>
      tpu.enqueue_indirect_dma source(%dma_start3A_268 : memref<20000x128xf32, #tpu.memory_space<hbm>>) target(%arg10 : memref<125x128xf32, #tpu.memory_space<vmem>>) offsets(%dma_start3A_265 : memref<125xi32, #tpu.memory_space<vmem>>) semaphore(%arg15 : memref<!tpu.dma_semaphore, #tpu.memory_space<semaphore_mem>>)
      %dma_start3A_269 = arith.constant 1 : i32
      %dma_start3A_270 = arith.constant 6 : i32
      %dma_start3A_271 = arith.constant 0 : i32
      %dma_start3A_272 = tpu.memref_slice %arg7[%dma_start3A_269, %dma_start3A_270, %dma_start3A_271] : memref<2x8x125xi32, #tpu.memory_space<vmem>> -> memref<1x1x125xi32, #tpu.memory_space<vmem>>
      %dma_start3A_273 = tpu.memref_squeeze %dma_start3A_272 : memref<1x1x125xi32, #tpu.memory_space<vmem>> -> memref<125xi32, #tpu.memory_space<vmem>>
      %dma_start3A_274 = arith.constant 0 : i32
      %dma_start3A_275 = arith.constant 0 : i32
      %dma_start3A_276 = tpu.memref_slice %arg11[%dma_start3A_274, %dma_start3A_275] : memref<10240x128xf32, #tpu.memory_space<vmem_shared>> -> memref<10240x128xf32, #tpu.memory_space<vmem_shared>>
      tpu.enqueue_indirect_dma source(%arg9 : memref<125x128xf32, #tpu.memory_space<vmem>>) target(%dma_start3A_276 : memref<10240x128xf32, #tpu.memory_space<vmem_shared>>) offsets(%dma_start3A_273 : memref<125xi32, #tpu.memory_space<vmem>>) semaphore(%arg16 : memref<!tpu.dma_semaphore, #tpu.memory_space<semaphore_mem>>) {add = true}
      %dma_wait3A_277 = arith.constant 0 : i32
      %dma_wait3A_278 = arith.constant 7 : i32
      %dma_wait3A_279 = arith.constant 0 : i32
      %dma_wait3A_280 = tpu.memref_slice %arg7[%dma_wait3A_277, %dma_wait3A_278, %dma_wait3A_279] : memref<2x8x125xi32, #tpu.memory_space<vmem>> -> memref<1x1x125xi32, #tpu.memory_space<vmem>>
      %dma_wait3A_281 = tpu.memref_squeeze %dma_wait3A_280 : memref<1x1x125xi32, #tpu.memory_space<vmem>> -> memref<125xi32, #tpu.memory_space<vmem>>
      %dma_wait3A_282 = arith.constant 0 : i32
      %dma_wait3A_283 = arith.constant 0 : i32
      %dma_wait3A_284 = tpu.memref_slice %arg2[%dma_wait3A_282, %dma_wait3A_283] : memref<20000x128xf32, #tpu.memory_space<hbm>> -> memref<20000x128xf32, #tpu.memory_space<hbm>>
      tpu.wait_indirect_dma semaphore(%arg15 : memref<!tpu.dma_semaphore, #tpu.memory_space<semaphore_mem>>) src(%dma_wait3A_284 : memref<20000x128xf32, #tpu.memory_space<hbm>>) dst(%arg10 : memref<125x128xf32, #tpu.memory_space<vmem>>)
      %dma_wait3A_285 = arith.constant 1 : i32
      %dma_wait3A_286 = arith.constant 6 : i32
      %dma_wait3A_287 = arith.constant 0 : i32
      %dma_wait3A_288 = tpu.memref_slice %arg7[%dma_wait3A_285, %dma_wait3A_286, %dma_wait3A_287] : memref<2x8x125xi32, #tpu.memory_space<vmem>> -> memref<1x1x125xi32, #tpu.memory_space<vmem>>
      %dma_wait3A_289 = tpu.memref_squeeze %dma_wait3A_288 : memref<1x1x125xi32, #tpu.memory_space<vmem>> -> memref<125xi32, #tpu.memory_space<vmem>>
      %dma_wait3A_290 = arith.constant 0 : i32
      %dma_wait3A_291 = arith.constant 0 : i32
      %dma_wait3A_292 = tpu.memref_slice %arg11[%dma_wait3A_290, %dma_wait3A_291] : memref<10240x128xf32, #tpu.memory_space<vmem_shared>> -> memref<10240x128xf32, #tpu.memory_space<vmem_shared>>
      tpu.wait_indirect_dma semaphore(%arg16 : memref<!tpu.dma_semaphore, #tpu.memory_space<semaphore_mem>>) src(%arg9 : memref<125x128xf32, #tpu.memory_space<vmem>>) dst(%dma_wait3A_292 : memref<10240x128xf32, #tpu.memory_space<vmem_shared>>)
      %add3A_293 = arith.constant 1 : i32
      %add3A_294 = arith.addi %mul3A_60, %add3A_293 : i32
      %lt3A = arith.constant 20 : i32
      %lt3A_295 = arith.cmpi slt, %add3A_294, %lt3A : i32
      %convert_element_type3A_296 = arith.extui %lt3A_295 : i1 to i32
      %cond3A_297 = arith.constant 0 : i32
      %cond3A_298 = arith.cmpi ne, %convert_element_type3A_296, %cond3A_297 : i32
      scf.if %cond3A_298 {
        %add3A_588 = arith.addi %add3A, %mul3A_60 : i32
        %add3A_589 = arith.constant 1 : i32
        %add3A_590 = arith.addi %add3A_588, %add3A_589 : i32
        %dma_wait3A_591 = arith.constant 0 : i32
        %dma_wait3A_592 = arith.constant 0 : i32
        %dma_wait3A_593 = arith.constant 0 : i32
        %dma_wait3A_594 = tpu.memref_slice %arg3[%add3A_590, %dma_wait3A_591, %dma_wait3A_592, %dma_wait3A_593] : memref<640x2x8x125xi32, #tpu.memory_space<hbm>> -> memref<1x2x8x125xi32, #tpu.memory_space<hbm>>
        %dma_wait3A_595 = tpu.memref_squeeze %dma_wait3A_594 : memref<1x2x8x125xi32, #tpu.memory_space<hbm>> -> memref<2x8x125xi32, #tpu.memory_space<hbm>>
        %dma_wait3A_596 = arith.constant 0 : i32
        %dma_wait3A_597 = arith.constant 0 : i32
        %dma_wait3A_598 = arith.constant 0 : i32
        %dma_wait3A_599 = tpu.memref_slice %arg3[%add3A_590, %dma_wait3A_596, %dma_wait3A_597, %dma_wait3A_598] : memref<640x2x8x125xi32, #tpu.memory_space<hbm>> -> memref<1x2x8x125xi32, #tpu.memory_space<hbm>>
        %dma_wait3A_600 = tpu.memref_squeeze %dma_wait3A_599 : memref<1x2x8x125xi32, #tpu.memory_space<hbm>> -> memref<2x8x125xi32, #tpu.memory_space<hbm>>
        tpu.wait_dma2 semaphore(%arg13 : memref<!tpu.dma_semaphore, #tpu.memory_space<semaphore_mem>>) src(%dma_wait3A_600 : memref<2x8x125xi32, #tpu.memory_space<hbm>>) dst(%arg8 : memref<2x8x125xi32, #tpu.memory_space<vmem>>)
        %dma_start3A_601 = arith.constant 0 : i32
        %dma_start3A_602 = arith.constant 0 : i32
        %dma_start3A_603 = arith.constant 0 : i32
        %dma_start3A_604 = tpu.memref_slice %arg8[%dma_start3A_601, %dma_start3A_602, %dma_start3A_603] : memref<2x8x125xi32, #tpu.memory_space<vmem>> -> memref<1x1x125xi32, #tpu.memory_space<vmem>>
        %dma_start3A_605 = tpu.memref_squeeze %dma_start3A_604 : memref<1x1x125xi32, #tpu.memory_space<vmem>> -> memref<125xi32, #tpu.memory_space<vmem>>
        %dma_start3A_606 = arith.constant 0 : i32
        %dma_start3A_607 = arith.constant 0 : i32
        %dma_start3A_608 = tpu.memref_slice %arg2[%dma_start3A_606, %dma_start3A_607] : memref<20000x128xf32, #tpu.memory_space<hbm>> -> memref<20000x128xf32, #tpu.memory_space<hbm>>
        tpu.enqueue_indirect_dma source(%dma_start3A_608 : memref<20000x128xf32, #tpu.memory_space<hbm>>) target(%arg9 : memref<125x128xf32, #tpu.memory_space<vmem>>) offsets(%dma_start3A_605 : memref<125xi32, #tpu.memory_space<vmem>>) semaphore(%arg14 : memref<!tpu.dma_semaphore, #tpu.memory_space<semaphore_mem>>)
      } else {
      }
      %dma_start3A_299 = arith.constant 1 : i32
      %dma_start3A_300 = arith.constant 7 : i32
      %dma_start3A_301 = arith.constant 0 : i32
      %dma_start3A_302 = tpu.memref_slice %arg7[%dma_start3A_299, %dma_start3A_300, %dma_start3A_301] : memref<2x8x125xi32, #tpu.memory_space<vmem>> -> memref<1x1x125xi32, #tpu.memory_space<vmem>>
      %dma_start3A_303 = tpu.memref_squeeze %dma_start3A_302 : memref<1x1x125xi32, #tpu.memory_space<vmem>> -> memref<125xi32, #tpu.memory_space<vmem>>
      %dma_start3A_304 = arith.constant 0 : i32
      %dma_start3A_305 = arith.constant 0 : i32
      %dma_start3A_306 = tpu.memref_slice %arg11[%dma_start3A_304, %dma_start3A_305] : memref<10240x128xf32, #tpu.memory_space<vmem_shared>> -> memref<10240x128xf32, #tpu.memory_space<vmem_shared>>
      tpu.enqueue_indirect_dma source(%arg10 : memref<125x128xf32, #tpu.memory_space<vmem>>) target(%dma_start3A_306 : memref<10240x128xf32, #tpu.memory_space<vmem_shared>>) offsets(%dma_start3A_303 : memref<125xi32, #tpu.memory_space<vmem>>) semaphore(%arg17 : memref<!tpu.dma_semaphore, #tpu.memory_space<semaphore_mem>>) {add = true}
      %dma_wait3A_307 = arith.constant 1 : i32
      %dma_wait3A_308 = arith.constant 7 : i32
      %dma_wait3A_309 = arith.constant 0 : i32
      %dma_wait3A_310 = tpu.memref_slice %arg7[%dma_wait3A_307, %dma_wait3A_308, %dma_wait3A_309] : memref<2x8x125xi32, #tpu.memory_space<vmem>> -> memref<1x1x125xi32, #tpu.memory_space<vmem>>
      %dma_wait3A_311 = tpu.memref_squeeze %dma_wait3A_310 : memref<1x1x125xi32, #tpu.memory_space<vmem>> -> memref<125xi32, #tpu.memory_space<vmem>>
      %dma_wait3A_312 = arith.constant 0 : i32
      %dma_wait3A_313 = arith.constant 0 : i32
      %dma_wait3A_314 = tpu.memref_slice %arg11[%dma_wait3A_312, %dma_wait3A_313] : memref<10240x128xf32, #tpu.memory_space<vmem_shared>> -> memref<10240x128xf32, #tpu.memory_space<vmem_shared>>
      tpu.wait_indirect_dma semaphore(%arg17 : memref<!tpu.dma_semaphore, #tpu.memory_space<semaphore_mem>>) src(%arg10 : memref<125x128xf32, #tpu.memory_space<vmem>>) dst(%dma_wait3A_314 : memref<10240x128xf32, #tpu.memory_space<vmem_shared>>)
      %add3A_315 = arith.constant 2 : i32
      %add3A_316 = arith.addi %mul3A_60, %add3A_315 : i32
      %lt3A_317 = arith.constant 20 : i32
      %lt3A_318 = arith.cmpi slt, %add3A_316, %lt3A_317 : i32
      %convert_element_type3A_319 = arith.extui %lt3A_318 : i1 to i32
      %cond3A_320 = arith.constant 0 : i32
      %cond3A_321 = arith.cmpi ne, %convert_element_type3A_319, %cond3A_320 : i32
      scf.if %cond3A_321 {
        %add3A_588 = arith.addi %add3A, %mul3A_60 : i32
        %add3A_589 = arith.constant 2 : i32
        %add3A_590 = arith.addi %add3A_588, %add3A_589 : i32
        %dma_start3A_591 = arith.constant 0 : i32
        %dma_start3A_592 = arith.constant 0 : i32
        %dma_start3A_593 = arith.constant 0 : i32
        %dma_start3A_594 = tpu.memref_slice %arg3[%add3A_590, %dma_start3A_591, %dma_start3A_592, %dma_start3A_593] : memref<640x2x8x125xi32, #tpu.memory_space<hbm>> -> memref<1x2x8x125xi32, #tpu.memory_space<hbm>>
        %dma_start3A_595 = tpu.memref_squeeze %dma_start3A_594 : memref<1x2x8x125xi32, #tpu.memory_space<hbm>> -> memref<2x8x125xi32, #tpu.memory_space<hbm>>
        %dma_start3A_596 = arith.constant 0 : i32
        %dma_start3A_597 = arith.constant 0 : i32
        %dma_start3A_598 = arith.constant 0 : i32
        %dma_start3A_599 = tpu.memref_slice %arg3[%add3A_590, %dma_start3A_596, %dma_start3A_597, %dma_start3A_598] : memref<640x2x8x125xi32, #tpu.memory_space<hbm>> -> memref<1x2x8x125xi32, #tpu.memory_space<hbm>>
        %dma_start3A_600 = tpu.memref_squeeze %dma_start3A_599 : memref<1x2x8x125xi32, #tpu.memory_space<hbm>> -> memref<2x8x125xi32, #tpu.memory_space<hbm>>
        tpu.enqueue_dma source(%dma_start3A_600 : memref<2x8x125xi32, #tpu.memory_space<hbm>>) target(%arg7 : memref<2x8x125xi32, #tpu.memory_space<vmem>>) target_semaphore(%arg12 : memref<!tpu.dma_semaphore, #tpu.memory_space<semaphore_mem>>)
      } else {
      }
      %mul3A_322 = arith.constant 2 : i32
      %mul3A_323 = arith.muli %mul3A_322, %scan3A_58 : i32
      %add3A_324 = arith.constant 1 : i32
      %add3A_325 = arith.addi %mul3A_323, %add3A_324 : i32
      %dma_wait3A_326 = arith.constant 0 : i32
      %dma_wait3A_327 = arith.constant 0 : i32
      %dma_wait3A_328 = arith.constant 0 : i32
      %dma_wait3A_329 = tpu.memref_slice %arg8[%dma_wait3A_326, %dma_wait3A_327, %dma_wait3A_328] : memref<2x8x125xi32, #tpu.memory_space<vmem>> -> memref<1x1x125xi32, #tpu.memory_space<vmem>>
      %dma_wait3A_330 = tpu.memref_squeeze %dma_wait3A_329 : memref<1x1x125xi32, #tpu.memory_space<vmem>> -> memref<125xi32, #tpu.memory_space<vmem>>
      %dma_wait3A_331 = arith.constant 0 : i32
      %dma_wait3A_332 = arith.constant 0 : i32
      %dma_wait3A_333 = tpu.memref_slice %arg2[%dma_wait3A_331, %dma_wait3A_332] : memref<20000x128xf32, #tpu.memory_space<hbm>> -> memref<20000x128xf32, #tpu.memory_space<hbm>>
      tpu.wait_indirect_dma semaphore(%arg14 : memref<!tpu.dma_semaphore, #tpu.memory_space<semaphore_mem>>) src(%dma_wait3A_333 : memref<20000x128xf32, #tpu.memory_space<hbm>>) dst(%arg9 : memref<125x128xf32, #tpu.memory_space<vmem>>)
      %dma_start3A_334 = arith.constant 0 : i32
      %dma_start3A_335 = arith.constant 1 : i32
      %dma_start3A_336 = arith.constant 0 : i32
      %dma_start3A_337 = tpu.memref_slice %arg8[%dma_start3A_334, %dma_start3A_335, %dma_start3A_336] : memref<2x8x125xi32, #tpu.memory_space<vmem>> -> memref<1x1x125xi32, #tpu.memory_space<vmem>>
      %dma_start3A_338 = tpu.memref_squeeze %dma_start3A_337 : memref<1x1x125xi32, #tpu.memory_space<vmem>> -> memref<125xi32, #tpu.memory_space<vmem>>
      %dma_start3A_339 = arith.constant 0 : i32
      %dma_start3A_340 = arith.constant 0 : i32
      %dma_start3A_341 = tpu.memref_slice %arg2[%dma_start3A_339, %dma_start3A_340] : memref<20000x128xf32, #tpu.memory_space<hbm>> -> memref<20000x128xf32, #tpu.memory_space<hbm>>
      tpu.enqueue_indirect_dma source(%dma_start3A_341 : memref<20000x128xf32, #tpu.memory_space<hbm>>) target(%arg10 : memref<125x128xf32, #tpu.memory_space<vmem>>) offsets(%dma_start3A_338 : memref<125xi32, #tpu.memory_space<vmem>>) semaphore(%arg15 : memref<!tpu.dma_semaphore, #tpu.memory_space<semaphore_mem>>)
      %dma_start3A_342 = arith.constant 1 : i32
      %dma_start3A_343 = arith.constant 0 : i32
      %dma_start3A_344 = arith.constant 0 : i32
      %dma_start3A_345 = tpu.memref_slice %arg8[%dma_start3A_342, %dma_start3A_343, %dma_start3A_344] : memref<2x8x125xi32, #tpu.memory_space<vmem>> -> memref<1x1x125xi32, #tpu.memory_space<vmem>>
      %dma_start3A_346 = tpu.memref_squeeze %dma_start3A_345 : memref<1x1x125xi32, #tpu.memory_space<vmem>> -> memref<125xi32, #tpu.memory_space<vmem>>
      %dma_start3A_347 = arith.constant 0 : i32
      %dma_start3A_348 = arith.constant 0 : i32
      %dma_start3A_349 = tpu.memref_slice %arg11[%dma_start3A_347, %dma_start3A_348] : memref<10240x128xf32, #tpu.memory_space<vmem_shared>> -> memref<10240x128xf32, #tpu.memory_space<vmem_shared>>
      tpu.enqueue_indirect_dma source(%arg9 : memref<125x128xf32, #tpu.memory_space<vmem>>) target(%dma_start3A_349 : memref<10240x128xf32, #tpu.memory_space<vmem_shared>>) offsets(%dma_start3A_346 : memref<125xi32, #tpu.memory_space<vmem>>) semaphore(%arg16 : memref<!tpu.dma_semaphore, #tpu.memory_space<semaphore_mem>>) {add = true}
      %dma_wait3A_350 = arith.constant 0 : i32
      %dma_wait3A_351 = arith.constant 1 : i32
      %dma_wait3A_352 = arith.constant 0 : i32
      %dma_wait3A_353 = tpu.memref_slice %arg8[%dma_wait3A_350, %dma_wait3A_351, %dma_wait3A_352] : memref<2x8x125xi32, #tpu.memory_space<vmem>> -> memref<1x1x125xi32, #tpu.memory_space<vmem>>
      %dma_wait3A_354 = tpu.memref_squeeze %dma_wait3A_353 : memref<1x1x125xi32, #tpu.memory_space<vmem>> -> memref<125xi32, #tpu.memory_space<vmem>>
      %dma_wait3A_355 = arith.constant 0 : i32
      %dma_wait3A_356 = arith.constant 0 : i32
      %dma_wait3A_357 = tpu.memref_slice %arg2[%dma_wait3A_355, %dma_wait3A_356] : memref<20000x128xf32, #tpu.memory_space<hbm>> -> memref<20000x128xf32, #tpu.memory_space<hbm>>
      tpu.wait_indirect_dma semaphore(%arg15 : memref<!tpu.dma_semaphore, #tpu.memory_space<semaphore_mem>>) src(%dma_wait3A_357 : memref<20000x128xf32, #tpu.memory_space<hbm>>) dst(%arg10 : memref<125x128xf32, #tpu.memory_space<vmem>>)
      %dma_wait3A_358 = arith.constant 1 : i32
      %dma_wait3A_359 = arith.constant 0 : i32
      %dma_wait3A_360 = arith.constant 0 : i32
      %dma_wait3A_361 = tpu.memref_slice %arg8[%dma_wait3A_358, %dma_wait3A_359, %dma_wait3A_360] : memref<2x8x125xi32, #tpu.memory_space<vmem>> -> memref<1x1x125xi32, #tpu.memory_space<vmem>>
      %dma_wait3A_362 = tpu.memref_squeeze %dma_wait3A_361 : memref<1x1x125xi32, #tpu.memory_space<vmem>> -> memref<125xi32, #tpu.memory_space<vmem>>
      %dma_wait3A_363 = arith.constant 0 : i32
      %dma_wait3A_364 = arith.constant 0 : i32
      %dma_wait3A_365 = tpu.memref_slice %arg11[%dma_wait3A_363, %dma_wait3A_364] : memref<10240x128xf32, #tpu.memory_space<vmem_shared>> -> memref<10240x128xf32, #tpu.memory_space<vmem_shared>>
      tpu.wait_indirect_dma semaphore(%arg16 : memref<!tpu.dma_semaphore, #tpu.memory_space<semaphore_mem>>) src(%arg9 : memref<125x128xf32, #tpu.memory_space<vmem>>) dst(%dma_wait3A_365 : memref<10240x128xf32, #tpu.memory_space<vmem_shared>>)
      %dma_start3A_366 = arith.constant 0 : i32
      %dma_start3A_367 = arith.constant 2 : i32
      %dma_start3A_368 = arith.constant 0 : i32
      %dma_start3A_369 = tpu.memref_slice %arg8[%dma_start3A_366, %dma_start3A_367, %dma_start3A_368] : memref<2x8x125xi32, #tpu.memory_space<vmem>> -> memref<1x1x125xi32, #tpu.memory_space<vmem>>
      %dma_start3A_370 = tpu.memref_squeeze %dma_start3A_369 : memref<1x1x125xi32, #tpu.memory_space<vmem>> -> memref<125xi32, #tpu.memory_space<vmem>>
      %dma_start3A_371 = arith.constant 0 : i32
      %dma_start3A_372 = arith.constant 0 : i32
      %dma_start3A_373 = tpu.memref_slice %arg2[%dma_start3A_371, %dma_start3A_372] : memref<20000x128xf32, #tpu.memory_space<hbm>> -> memref<20000x128xf32, #tpu.memory_space<hbm>>
      tpu.enqueue_indirect_dma source(%dma_start3A_373 : memref<20000x128xf32, #tpu.memory_space<hbm>>) target(%arg9 : memref<125x128xf32, #tpu.memory_space<vmem>>) offsets(%dma_start3A_370 : memref<125xi32, #tpu.memory_space<vmem>>) semaphore(%arg14 : memref<!tpu.dma_semaphore, #tpu.memory_space<semaphore_mem>>)
      %dma_start3A_374 = arith.constant 1 : i32
      %dma_start3A_375 = arith.constant 1 : i32
      %dma_start3A_376 = arith.constant 0 : i32
      %dma_start3A_377 = tpu.memref_slice %arg8[%dma_start3A_374, %dma_start3A_375, %dma_start3A_376] : memref<2x8x125xi32, #tpu.memory_space<vmem>> -> memref<1x1x125xi32, #tpu.memory_space<vmem>>
      %dma_start3A_378 = tpu.memref_squeeze %dma_start3A_377 : memref<1x1x125xi32, #tpu.memory_space<vmem>> -> memref<125xi32, #tpu.memory_space<vmem>>
      %dma_start3A_379 = arith.constant 0 : i32
      %dma_start3A_380 = arith.constant 0 : i32
      %dma_start3A_381 = tpu.memref_slice %arg11[%dma_start3A_379, %dma_start3A_380] : memref<10240x128xf32, #tpu.memory_space<vmem_shared>> -> memref<10240x128xf32, #tpu.memory_space<vmem_shared>>
      tpu.enqueue_indirect_dma source(%arg10 : memref<125x128xf32, #tpu.memory_space<vmem>>) target(%dma_start3A_381 : memref<10240x128xf32, #tpu.memory_space<vmem_shared>>) offsets(%dma_start3A_378 : memref<125xi32, #tpu.memory_space<vmem>>) semaphore(%arg17 : memref<!tpu.dma_semaphore, #tpu.memory_space<semaphore_mem>>) {add = true}
      %dma_wait3A_382 = arith.constant 0 : i32
      %dma_wait3A_383 = arith.constant 2 : i32
      %dma_wait3A_384 = arith.constant 0 : i32
      %dma_wait3A_385 = tpu.memref_slice %arg8[%dma_wait3A_382, %dma_wait3A_383, %dma_wait3A_384] : memref<2x8x125xi32, #tpu.memory_space<vmem>> -> memref<1x1x125xi32, #tpu.memory_space<vmem>>
      %dma_wait3A_386 = tpu.memref_squeeze %dma_wait3A_385 : memref<1x1x125xi32, #tpu.memory_space<vmem>> -> memref<125xi32, #tpu.memory_space<vmem>>
      %dma_wait3A_387 = arith.constant 0 : i32
      %dma_wait3A_388 = arith.constant 0 : i32
      %dma_wait3A_389 = tpu.memref_slice %arg2[%dma_wait3A_387, %dma_wait3A_388] : memref<20000x128xf32, #tpu.memory_space<hbm>> -> memref<20000x128xf32, #tpu.memory_space<hbm>>
      tpu.wait_indirect_dma semaphore(%arg14 : memref<!tpu.dma_semaphore, #tpu.memory_space<semaphore_mem>>) src(%dma_wait3A_389 : memref<20000x128xf32, #tpu.memory_space<hbm>>) dst(%arg9 : memref<125x128xf32, #tpu.memory_space<vmem>>)
      %dma_wait3A_390 = arith.constant 1 : i32
      %dma_wait3A_391 = arith.constant 1 : i32
      %dma_wait3A_392 = arith.constant 0 : i32
      %dma_wait3A_393 = tpu.memref_slice %arg8[%dma_wait3A_390, %dma_wait3A_391, %dma_wait3A_392] : memref<2x8x125xi32, #tpu.memory_space<vmem>> -> memref<1x1x125xi32, #tpu.memory_space<vmem>>
      %dma_wait3A_394 = tpu.memref_squeeze %dma_wait3A_393 : memref<1x1x125xi32, #tpu.memory_space<vmem>> -> memref<125xi32, #tpu.memory_space<vmem>>
      %dma_wait3A_395 = arith.constant 0 : i32
      %dma_wait3A_396 = arith.constant 0 : i32
      %dma_wait3A_397 = tpu.memref_slice %arg11[%dma_wait3A_395, %dma_wait3A_396] : memref<10240x128xf32, #tpu.memory_space<vmem_shared>> -> memref<10240x128xf32, #tpu.memory_space<vmem_shared>>
      tpu.wait_indirect_dma semaphore(%arg17 : memref<!tpu.dma_semaphore, #tpu.memory_space<semaphore_mem>>) src(%arg10 : memref<125x128xf32, #tpu.memory_space<vmem>>) dst(%dma_wait3A_397 : memref<10240x128xf32, #tpu.memory_space<vmem_shared>>)
      %dma_start3A_398 = arith.constant 0 : i32
      %dma_start3A_399 = arith.constant 3 : i32
      %dma_start3A_400 = arith.constant 0 : i32
      %dma_start3A_401 = tpu.memref_slice %arg8[%dma_start3A_398, %dma_start3A_399, %dma_start3A_400] : memref<2x8x125xi32, #tpu.memory_space<vmem>> -> memref<1x1x125xi32, #tpu.memory_space<vmem>>
      %dma_start3A_402 = tpu.memref_squeeze %dma_start3A_401 : memref<1x1x125xi32, #tpu.memory_space<vmem>> -> memref<125xi32, #tpu.memory_space<vmem>>
      %dma_start3A_403 = arith.constant 0 : i32
      %dma_start3A_404 = arith.constant 0 : i32
      %dma_start3A_405 = tpu.memref_slice %arg2[%dma_start3A_403, %dma_start3A_404] : memref<20000x128xf32, #tpu.memory_space<hbm>> -> memref<20000x128xf32, #tpu.memory_space<hbm>>
      tpu.enqueue_indirect_dma source(%dma_start3A_405 : memref<20000x128xf32, #tpu.memory_space<hbm>>) target(%arg10 : memref<125x128xf32, #tpu.memory_space<vmem>>) offsets(%dma_start3A_402 : memref<125xi32, #tpu.memory_space<vmem>>) semaphore(%arg15 : memref<!tpu.dma_semaphore, #tpu.memory_space<semaphore_mem>>)
      %dma_start3A_406 = arith.constant 1 : i32
      %dma_start3A_407 = arith.constant 2 : i32
      %dma_start3A_408 = arith.constant 0 : i32
      %dma_start3A_409 = tpu.memref_slice %arg8[%dma_start3A_406, %dma_start3A_407, %dma_start3A_408] : memref<2x8x125xi32, #tpu.memory_space<vmem>> -> memref<1x1x125xi32, #tpu.memory_space<vmem>>
      %dma_start3A_410 = tpu.memref_squeeze %dma_start3A_409 : memref<1x1x125xi32, #tpu.memory_space<vmem>> -> memref<125xi32, #tpu.memory_space<vmem>>
      %dma_start3A_411 = arith.constant 0 : i32
      %dma_start3A_412 = arith.constant 0 : i32
      %dma_start3A_413 = tpu.memref_slice %arg11[%dma_start3A_411, %dma_start3A_412] : memref<10240x128xf32, #tpu.memory_space<vmem_shared>> -> memref<10240x128xf32, #tpu.memory_space<vmem_shared>>
      tpu.enqueue_indirect_dma source(%arg9 : memref<125x128xf32, #tpu.memory_space<vmem>>) target(%dma_start3A_413 : memref<10240x128xf32, #tpu.memory_space<vmem_shared>>) offsets(%dma_start3A_410 : memref<125xi32, #tpu.memory_space<vmem>>) semaphore(%arg16 : memref<!tpu.dma_semaphore, #tpu.memory_space<semaphore_mem>>) {add = true}
      %dma_wait3A_414 = arith.constant 0 : i32
      %dma_wait3A_415 = arith.constant 3 : i32
      %dma_wait3A_416 = arith.constant 0 : i32
      %dma_wait3A_417 = tpu.memref_slice %arg8[%dma_wait3A_414, %dma_wait3A_415, %dma_wait3A_416] : memref<2x8x125xi32, #tpu.memory_space<vmem>> -> memref<1x1x125xi32, #tpu.memory_space<vmem>>
      %dma_wait3A_418 = tpu.memref_squeeze %dma_wait3A_417 : memref<1x1x125xi32, #tpu.memory_space<vmem>> -> memref<125xi32, #tpu.memory_space<vmem>>
      %dma_wait3A_419 = arith.constant 0 : i32
      %dma_wait3A_420 = arith.constant 0 : i32
      %dma_wait3A_421 = tpu.memref_slice %arg2[%dma_wait3A_419, %dma_wait3A_420] : memref<20000x128xf32, #tpu.memory_space<hbm>> -> memref<20000x128xf32, #tpu.memory_space<hbm>>
      tpu.wait_indirect_dma semaphore(%arg15 : memref<!tpu.dma_semaphore, #tpu.memory_space<semaphore_mem>>) src(%dma_wait3A_421 : memref<20000x128xf32, #tpu.memory_space<hbm>>) dst(%arg10 : memref<125x128xf32, #tpu.memory_space<vmem>>)
      %dma_wait3A_422 = arith.constant 1 : i32
      %dma_wait3A_423 = arith.constant 2 : i32
      %dma_wait3A_424 = arith.constant 0 : i32
      %dma_wait3A_425 = tpu.memref_slice %arg8[%dma_wait3A_422, %dma_wait3A_423, %dma_wait3A_424] : memref<2x8x125xi32, #tpu.memory_space<vmem>> -> memref<1x1x125xi32, #tpu.memory_space<vmem>>
      %dma_wait3A_426 = tpu.memref_squeeze %dma_wait3A_425 : memref<1x1x125xi32, #tpu.memory_space<vmem>> -> memref<125xi32, #tpu.memory_space<vmem>>
      %dma_wait3A_427 = arith.constant 0 : i32
      %dma_wait3A_428 = arith.constant 0 : i32
      %dma_wait3A_429 = tpu.memref_slice %arg11[%dma_wait3A_427, %dma_wait3A_428] : memref<10240x128xf32, #tpu.memory_space<vmem_shared>> -> memref<10240x128xf32, #tpu.memory_space<vmem_shared>>
      tpu.wait_indirect_dma semaphore(%arg16 : memref<!tpu.dma_semaphore, #tpu.memory_space<semaphore_mem>>) src(%arg9 : memref<125x128xf32, #tpu.memory_space<vmem>>) dst(%dma_wait3A_429 : memref<10240x128xf32, #tpu.memory_space<vmem_shared>>)
      %dma_start3A_430 = arith.constant 0 : i32
      %dma_start3A_431 = arith.constant 4 : i32
      %dma_start3A_432 = arith.constant 0 : i32
      %dma_start3A_433 = tpu.memref_slice %arg8[%dma_start3A_430, %dma_start3A_431, %dma_start3A_432] : memref<2x8x125xi32, #tpu.memory_space<vmem>> -> memref<1x1x125xi32, #tpu.memory_space<vmem>>
      %dma_start3A_434 = tpu.memref_squeeze %dma_start3A_433 : memref<1x1x125xi32, #tpu.memory_space<vmem>> -> memref<125xi32, #tpu.memory_space<vmem>>
      %dma_start3A_435 = arith.constant 0 : i32
      %dma_start3A_436 = arith.constant 0 : i32
      %dma_start3A_437 = tpu.memref_slice %arg2[%dma_start3A_435, %dma_start3A_436] : memref<20000x128xf32, #tpu.memory_space<hbm>> -> memref<20000x128xf32, #tpu.memory_space<hbm>>
      tpu.enqueue_indirect_dma source(%dma_start3A_437 : memref<20000x128xf32, #tpu.memory_space<hbm>>) target(%arg9 : memref<125x128xf32, #tpu.memory_space<vmem>>) offsets(%dma_start3A_434 : memref<125xi32, #tpu.memory_space<vmem>>) semaphore(%arg14 : memref<!tpu.dma_semaphore, #tpu.memory_space<semaphore_mem>>)
      %dma_start3A_438 = arith.constant 1 : i32
      %dma_start3A_439 = arith.constant 3 : i32
      %dma_start3A_440 = arith.constant 0 : i32
      %dma_start3A_441 = tpu.memref_slice %arg8[%dma_start3A_438, %dma_start3A_439, %dma_start3A_440] : memref<2x8x125xi32, #tpu.memory_space<vmem>> -> memref<1x1x125xi32, #tpu.memory_space<vmem>>
      %dma_start3A_442 = tpu.memref_squeeze %dma_start3A_441 : memref<1x1x125xi32, #tpu.memory_space<vmem>> -> memref<125xi32, #tpu.memory_space<vmem>>
      %dma_start3A_443 = arith.constant 0 : i32
      %dma_start3A_444 = arith.constant 0 : i32
      %dma_start3A_445 = tpu.memref_slice %arg11[%dma_start3A_443, %dma_start3A_444] : memref<10240x128xf32, #tpu.memory_space<vmem_shared>> -> memref<10240x128xf32, #tpu.memory_space<vmem_shared>>
      tpu.enqueue_indirect_dma source(%arg10 : memref<125x128xf32, #tpu.memory_space<vmem>>) target(%dma_start3A_445 : memref<10240x128xf32, #tpu.memory_space<vmem_shared>>) offsets(%dma_start3A_442 : memref<125xi32, #tpu.memory_space<vmem>>) semaphore(%arg17 : memref<!tpu.dma_semaphore, #tpu.memory_space<semaphore_mem>>) {add = true}
      %dma_wait3A_446 = arith.constant 0 : i32
      %dma_wait3A_447 = arith.constant 4 : i32
      %dma_wait3A_448 = arith.constant 0 : i32
      %dma_wait3A_449 = tpu.memref_slice %arg8[%dma_wait3A_446, %dma_wait3A_447, %dma_wait3A_448] : memref<2x8x125xi32, #tpu.memory_space<vmem>> -> memref<1x1x125xi32, #tpu.memory_space<vmem>>
      %dma_wait3A_450 = tpu.memref_squeeze %dma_wait3A_449 : memref<1x1x125xi32, #tpu.memory_space<vmem>> -> memref<125xi32, #tpu.memory_space<vmem>>
      %dma_wait3A_451 = arith.constant 0 : i32
      %dma_wait3A_452 = arith.constant 0 : i32
      %dma_wait3A_453 = tpu.memref_slice %arg2[%dma_wait3A_451, %dma_wait3A_452] : memref<20000x128xf32, #tpu.memory_space<hbm>> -> memref<20000x128xf32, #tpu.memory_space<hbm>>
      tpu.wait_indirect_dma semaphore(%arg14 : memref<!tpu.dma_semaphore, #tpu.memory_space<semaphore_mem>>) src(%dma_wait3A_453 : memref<20000x128xf32, #tpu.memory_space<hbm>>) dst(%arg9 : memref<125x128xf32, #tpu.memory_space<vmem>>)
      %dma_wait3A_454 = arith.constant 1 : i32
      %dma_wait3A_455 = arith.constant 3 : i32
      %dma_wait3A_456 = arith.constant 0 : i32
      %dma_wait3A_457 = tpu.memref_slice %arg8[%dma_wait3A_454, %dma_wait3A_455, %dma_wait3A_456] : memref<2x8x125xi32, #tpu.memory_space<vmem>> -> memref<1x1x125xi32, #tpu.memory_space<vmem>>
      %dma_wait3A_458 = tpu.memref_squeeze %dma_wait3A_457 : memref<1x1x125xi32, #tpu.memory_space<vmem>> -> memref<125xi32, #tpu.memory_space<vmem>>
      %dma_wait3A_459 = arith.constant 0 : i32
      %dma_wait3A_460 = arith.constant 0 : i32
      %dma_wait3A_461 = tpu.memref_slice %arg11[%dma_wait3A_459, %dma_wait3A_460] : memref<10240x128xf32, #tpu.memory_space<vmem_shared>> -> memref<10240x128xf32, #tpu.memory_space<vmem_shared>>
      tpu.wait_indirect_dma semaphore(%arg17 : memref<!tpu.dma_semaphore, #tpu.memory_space<semaphore_mem>>) src(%arg10 : memref<125x128xf32, #tpu.memory_space<vmem>>) dst(%dma_wait3A_461 : memref<10240x128xf32, #tpu.memory_space<vmem_shared>>)
      %dma_start3A_462 = arith.constant 0 : i32
      %dma_start3A_463 = arith.constant 5 : i32
      %dma_start3A_464 = arith.constant 0 : i32
      %dma_start3A_465 = tpu.memref_slice %arg8[%dma_start3A_462, %dma_start3A_463, %dma_start3A_464] : memref<2x8x125xi32, #tpu.memory_space<vmem>> -> memref<1x1x125xi32, #tpu.memory_space<vmem>>
      %dma_start3A_466 = tpu.memref_squeeze %dma_start3A_465 : memref<1x1x125xi32, #tpu.memory_space<vmem>> -> memref<125xi32, #tpu.memory_space<vmem>>
      %dma_start3A_467 = arith.constant 0 : i32
      %dma_start3A_468 = arith.constant 0 : i32
      %dma_start3A_469 = tpu.memref_slice %arg2[%dma_start3A_467, %dma_start3A_468] : memref<20000x128xf32, #tpu.memory_space<hbm>> -> memref<20000x128xf32, #tpu.memory_space<hbm>>
      tpu.enqueue_indirect_dma source(%dma_start3A_469 : memref<20000x128xf32, #tpu.memory_space<hbm>>) target(%arg10 : memref<125x128xf32, #tpu.memory_space<vmem>>) offsets(%dma_start3A_466 : memref<125xi32, #tpu.memory_space<vmem>>) semaphore(%arg15 : memref<!tpu.dma_semaphore, #tpu.memory_space<semaphore_mem>>)
      %dma_start3A_470 = arith.constant 1 : i32
      %dma_start3A_471 = arith.constant 4 : i32
      %dma_start3A_472 = arith.constant 0 : i32
      %dma_start3A_473 = tpu.memref_slice %arg8[%dma_start3A_470, %dma_start3A_471, %dma_start3A_472] : memref<2x8x125xi32, #tpu.memory_space<vmem>> -> memref<1x1x125xi32, #tpu.memory_space<vmem>>
      %dma_start3A_474 = tpu.memref_squeeze %dma_start3A_473 : memref<1x1x125xi32, #tpu.memory_space<vmem>> -> memref<125xi32, #tpu.memory_space<vmem>>
      %dma_start3A_475 = arith.constant 0 : i32
      %dma_start3A_476 = arith.constant 0 : i32
      %dma_start3A_477 = tpu.memref_slice %arg11[%dma_start3A_475, %dma_start3A_476] : memref<10240x128xf32, #tpu.memory_space<vmem_shared>> -> memref<10240x128xf32, #tpu.memory_space<vmem_shared>>
      tpu.enqueue_indirect_dma source(%arg9 : memref<125x128xf32, #tpu.memory_space<vmem>>) target(%dma_start3A_477 : memref<10240x128xf32, #tpu.memory_space<vmem_shared>>) offsets(%dma_start3A_474 : memref<125xi32, #tpu.memory_space<vmem>>) semaphore(%arg16 : memref<!tpu.dma_semaphore, #tpu.memory_space<semaphore_mem>>) {add = true}
      %dma_wait3A_478 = arith.constant 0 : i32
      %dma_wait3A_479 = arith.constant 5 : i32
      %dma_wait3A_480 = arith.constant 0 : i32
      %dma_wait3A_481 = tpu.memref_slice %arg8[%dma_wait3A_478, %dma_wait3A_479, %dma_wait3A_480] : memref<2x8x125xi32, #tpu.memory_space<vmem>> -> memref<1x1x125xi32, #tpu.memory_space<vmem>>
      %dma_wait3A_482 = tpu.memref_squeeze %dma_wait3A_481 : memref<1x1x125xi32, #tpu.memory_space<vmem>> -> memref<125xi32, #tpu.memory_space<vmem>>
      %dma_wait3A_483 = arith.constant 0 : i32
      %dma_wait3A_484 = arith.constant 0 : i32
      %dma_wait3A_485 = tpu.memref_slice %arg2[%dma_wait3A_483, %dma_wait3A_484] : memref<20000x128xf32, #tpu.memory_space<hbm>> -> memref<20000x128xf32, #tpu.memory_space<hbm>>
      tpu.wait_indirect_dma semaphore(%arg15 : memref<!tpu.dma_semaphore, #tpu.memory_space<semaphore_mem>>) src(%dma_wait3A_485 : memref<20000x128xf32, #tpu.memory_space<hbm>>) dst(%arg10 : memref<125x128xf32, #tpu.memory_space<vmem>>)
      %dma_wait3A_486 = arith.constant 1 : i32
      %dma_wait3A_487 = arith.constant 4 : i32
      %dma_wait3A_488 = arith.constant 0 : i32
      %dma_wait3A_489 = tpu.memref_slice %arg8[%dma_wait3A_486, %dma_wait3A_487, %dma_wait3A_488] : memref<2x8x125xi32, #tpu.memory_space<vmem>> -> memref<1x1x125xi32, #tpu.memory_space<vmem>>
      %dma_wait3A_490 = tpu.memref_squeeze %dma_wait3A_489 : memref<1x1x125xi32, #tpu.memory_space<vmem>> -> memref<125xi32, #tpu.memory_space<vmem>>
      %dma_wait3A_491 = arith.constant 0 : i32
      %dma_wait3A_492 = arith.constant 0 : i32
      %dma_wait3A_493 = tpu.memref_slice %arg11[%dma_wait3A_491, %dma_wait3A_492] : memref<10240x128xf32, #tpu.memory_space<vmem_shared>> -> memref<10240x128xf32, #tpu.memory_space<vmem_shared>>
      tpu.wait_indirect_dma semaphore(%arg16 : memref<!tpu.dma_semaphore, #tpu.memory_space<semaphore_mem>>) src(%arg9 : memref<125x128xf32, #tpu.memory_space<vmem>>) dst(%dma_wait3A_493 : memref<10240x128xf32, #tpu.memory_space<vmem_shared>>)
      %dma_start3A_494 = arith.constant 0 : i32
      %dma_start3A_495 = arith.constant 6 : i32
      %dma_start3A_496 = arith.constant 0 : i32
      %dma_start3A_497 = tpu.memref_slice %arg8[%dma_start3A_494, %dma_start3A_495, %dma_start3A_496] : memref<2x8x125xi32, #tpu.memory_space<vmem>> -> memref<1x1x125xi32, #tpu.memory_space<vmem>>
      %dma_start3A_498 = tpu.memref_squeeze %dma_start3A_497 : memref<1x1x125xi32, #tpu.memory_space<vmem>> -> memref<125xi32, #tpu.memory_space<vmem>>
      %dma_start3A_499 = arith.constant 0 : i32
      %dma_start3A_500 = arith.constant 0 : i32
      %dma_start3A_501 = tpu.memref_slice %arg2[%dma_start3A_499, %dma_start3A_500] : memref<20000x128xf32, #tpu.memory_space<hbm>> -> memref<20000x128xf32, #tpu.memory_space<hbm>>
      tpu.enqueue_indirect_dma source(%dma_start3A_501 : memref<20000x128xf32, #tpu.memory_space<hbm>>) target(%arg9 : memref<125x128xf32, #tpu.memory_space<vmem>>) offsets(%dma_start3A_498 : memref<125xi32, #tpu.memory_space<vmem>>) semaphore(%arg14 : memref<!tpu.dma_semaphore, #tpu.memory_space<semaphore_mem>>)
      %dma_start3A_502 = arith.constant 1 : i32
      %dma_start3A_503 = arith.constant 5 : i32
      %dma_start3A_504 = arith.constant 0 : i32
      %dma_start3A_505 = tpu.memref_slice %arg8[%dma_start3A_502, %dma_start3A_503, %dma_start3A_504] : memref<2x8x125xi32, #tpu.memory_space<vmem>> -> memref<1x1x125xi32, #tpu.memory_space<vmem>>
      %dma_start3A_506 = tpu.memref_squeeze %dma_start3A_505 : memref<1x1x125xi32, #tpu.memory_space<vmem>> -> memref<125xi32, #tpu.memory_space<vmem>>
      %dma_start3A_507 = arith.constant 0 : i32
      %dma_start3A_508 = arith.constant 0 : i32
      %dma_start3A_509 = tpu.memref_slice %arg11[%dma_start3A_507, %dma_start3A_508] : memref<10240x128xf32, #tpu.memory_space<vmem_shared>> -> memref<10240x128xf32, #tpu.memory_space<vmem_shared>>
      tpu.enqueue_indirect_dma source(%arg10 : memref<125x128xf32, #tpu.memory_space<vmem>>) target(%dma_start3A_509 : memref<10240x128xf32, #tpu.memory_space<vmem_shared>>) offsets(%dma_start3A_506 : memref<125xi32, #tpu.memory_space<vmem>>) semaphore(%arg17 : memref<!tpu.dma_semaphore, #tpu.memory_space<semaphore_mem>>) {add = true}
      %dma_wait3A_510 = arith.constant 0 : i32
      %dma_wait3A_511 = arith.constant 6 : i32
      %dma_wait3A_512 = arith.constant 0 : i32
      %dma_wait3A_513 = tpu.memref_slice %arg8[%dma_wait3A_510, %dma_wait3A_511, %dma_wait3A_512] : memref<2x8x125xi32, #tpu.memory_space<vmem>> -> memref<1x1x125xi32, #tpu.memory_space<vmem>>
      %dma_wait3A_514 = tpu.memref_squeeze %dma_wait3A_513 : memref<1x1x125xi32, #tpu.memory_space<vmem>> -> memref<125xi32, #tpu.memory_space<vmem>>
      %dma_wait3A_515 = arith.constant 0 : i32
      %dma_wait3A_516 = arith.constant 0 : i32
      %dma_wait3A_517 = tpu.memref_slice %arg2[%dma_wait3A_515, %dma_wait3A_516] : memref<20000x128xf32, #tpu.memory_space<hbm>> -> memref<20000x128xf32, #tpu.memory_space<hbm>>
      tpu.wait_indirect_dma semaphore(%arg14 : memref<!tpu.dma_semaphore, #tpu.memory_space<semaphore_mem>>) src(%dma_wait3A_517 : memref<20000x128xf32, #tpu.memory_space<hbm>>) dst(%arg9 : memref<125x128xf32, #tpu.memory_space<vmem>>)
      %dma_wait3A_518 = arith.constant 1 : i32
      %dma_wait3A_519 = arith.constant 5 : i32
      %dma_wait3A_520 = arith.constant 0 : i32
      %dma_wait3A_521 = tpu.memref_slice %arg8[%dma_wait3A_518, %dma_wait3A_519, %dma_wait3A_520] : memref<2x8x125xi32, #tpu.memory_space<vmem>> -> memref<1x1x125xi32, #tpu.memory_space<vmem>>
      %dma_wait3A_522 = tpu.memref_squeeze %dma_wait3A_521 : memref<1x1x125xi32, #tpu.memory_space<vmem>> -> memref<125xi32, #tpu.memory_space<vmem>>
      %dma_wait3A_523 = arith.constant 0 : i32
      %dma_wait3A_524 = arith.constant 0 : i32
      %dma_wait3A_525 = tpu.memref_slice %arg11[%dma_wait3A_523, %dma_wait3A_524] : memref<10240x128xf32, #tpu.memory_space<vmem_shared>> -> memref<10240x128xf32, #tpu.memory_space<vmem_shared>>
      tpu.wait_indirect_dma semaphore(%arg17 : memref<!tpu.dma_semaphore, #tpu.memory_space<semaphore_mem>>) src(%arg10 : memref<125x128xf32, #tpu.memory_space<vmem>>) dst(%dma_wait3A_525 : memref<10240x128xf32, #tpu.memory_space<vmem_shared>>)
      %dma_start3A_526 = arith.constant 0 : i32
      %dma_start3A_527 = arith.constant 7 : i32
      %dma_start3A_528 = arith.constant 0 : i32
      %dma_start3A_529 = tpu.memref_slice %arg8[%dma_start3A_526, %dma_start3A_527, %dma_start3A_528] : memref<2x8x125xi32, #tpu.memory_space<vmem>> -> memref<1x1x125xi32, #tpu.memory_space<vmem>>
      %dma_start3A_530 = tpu.memref_squeeze %dma_start3A_529 : memref<1x1x125xi32, #tpu.memory_space<vmem>> -> memref<125xi32, #tpu.memory_space<vmem>>
      %dma_start3A_531 = arith.constant 0 : i32
      %dma_start3A_532 = arith.constant 0 : i32
      %dma_start3A_533 = tpu.memref_slice %arg2[%dma_start3A_531, %dma_start3A_532] : memref<20000x128xf32, #tpu.memory_space<hbm>> -> memref<20000x128xf32, #tpu.memory_space<hbm>>
      tpu.enqueue_indirect_dma source(%dma_start3A_533 : memref<20000x128xf32, #tpu.memory_space<hbm>>) target(%arg10 : memref<125x128xf32, #tpu.memory_space<vmem>>) offsets(%dma_start3A_530 : memref<125xi32, #tpu.memory_space<vmem>>) semaphore(%arg15 : memref<!tpu.dma_semaphore, #tpu.memory_space<semaphore_mem>>)
      %dma_start3A_534 = arith.constant 1 : i32
      %dma_start3A_535 = arith.constant 6 : i32
      %dma_start3A_536 = arith.constant 0 : i32
      %dma_start3A_537 = tpu.memref_slice %arg8[%dma_start3A_534, %dma_start3A_535, %dma_start3A_536] : memref<2x8x125xi32, #tpu.memory_space<vmem>> -> memref<1x1x125xi32, #tpu.memory_space<vmem>>
      %dma_start3A_538 = tpu.memref_squeeze %dma_start3A_537 : memref<1x1x125xi32, #tpu.memory_space<vmem>> -> memref<125xi32, #tpu.memory_space<vmem>>
      %dma_start3A_539 = arith.constant 0 : i32
      %dma_start3A_540 = arith.constant 0 : i32
      %dma_start3A_541 = tpu.memref_slice %arg11[%dma_start3A_539, %dma_start3A_540] : memref<10240x128xf32, #tpu.memory_space<vmem_shared>> -> memref<10240x128xf32, #tpu.memory_space<vmem_shared>>
      tpu.enqueue_indirect_dma source(%arg9 : memref<125x128xf32, #tpu.memory_space<vmem>>) target(%dma_start3A_541 : memref<10240x128xf32, #tpu.memory_space<vmem_shared>>) offsets(%dma_start3A_538 : memref<125xi32, #tpu.memory_space<vmem>>) semaphore(%arg16 : memref<!tpu.dma_semaphore, #tpu.memory_space<semaphore_mem>>) {add = true}
      %dma_wait3A_542 = arith.constant 0 : i32
      %dma_wait3A_543 = arith.constant 7 : i32
      %dma_wait3A_544 = arith.constant 0 : i32
      %dma_wait3A_545 = tpu.memref_slice %arg8[%dma_wait3A_542, %dma_wait3A_543, %dma_wait3A_544] : memref<2x8x125xi32, #tpu.memory_space<vmem>> -> memref<1x1x125xi32, #tpu.memory_space<vmem>>
      %dma_wait3A_546 = tpu.memref_squeeze %dma_wait3A_545 : memref<1x1x125xi32, #tpu.memory_space<vmem>> -> memref<125xi32, #tpu.memory_space<vmem>>
      %dma_wait3A_547 = arith.constant 0 : i32
      %dma_wait3A_548 = arith.constant 0 : i32
      %dma_wait3A_549 = tpu.memref_slice %arg2[%dma_wait3A_547, %dma_wait3A_548] : memref<20000x128xf32, #tpu.memory_space<hbm>> -> memref<20000x128xf32, #tpu.memory_space<hbm>>
      tpu.wait_indirect_dma semaphore(%arg15 : memref<!tpu.dma_semaphore, #tpu.memory_space<semaphore_mem>>) src(%dma_wait3A_549 : memref<20000x128xf32, #tpu.memory_space<hbm>>) dst(%arg10 : memref<125x128xf32, #tpu.memory_space<vmem>>)
      %dma_wait3A_550 = arith.constant 1 : i32
      %dma_wait3A_551 = arith.constant 6 : i32
      %dma_wait3A_552 = arith.constant 0 : i32
      %dma_wait3A_553 = tpu.memref_slice %arg8[%dma_wait3A_550, %dma_wait3A_551, %dma_wait3A_552] : memref<2x8x125xi32, #tpu.memory_space<vmem>> -> memref<1x1x125xi32, #tpu.memory_space<vmem>>
      %dma_wait3A_554 = tpu.memref_squeeze %dma_wait3A_553 : memref<1x1x125xi32, #tpu.memory_space<vmem>> -> memref<125xi32, #tpu.memory_space<vmem>>
      %dma_wait3A_555 = arith.constant 0 : i32
      %dma_wait3A_556 = arith.constant 0 : i32
      %dma_wait3A_557 = tpu.memref_slice %arg11[%dma_wait3A_555, %dma_wait3A_556] : memref<10240x128xf32, #tpu.memory_space<vmem_shared>> -> memref<10240x128xf32, #tpu.memory_space<vmem_shared>>
      tpu.wait_indirect_dma semaphore(%arg16 : memref<!tpu.dma_semaphore, #tpu.memory_space<semaphore_mem>>) src(%arg9 : memref<125x128xf32, #tpu.memory_space<vmem>>) dst(%dma_wait3A_557 : memref<10240x128xf32, #tpu.memory_space<vmem_shared>>)
      %add3A_558 = arith.constant 1 : i32
      %add3A_559 = arith.addi %add3A_325, %add3A_558 : i32
      %lt3A_560 = arith.constant 20 : i32
      %lt3A_561 = arith.cmpi slt, %add3A_559, %lt3A_560 : i32
      %convert_element_type3A_562 = arith.extui %lt3A_561 : i1 to i32
      %cond3A_563 = arith.constant 0 : i32
      %cond3A_564 = arith.cmpi ne, %convert_element_type3A_562, %cond3A_563 : i32
      scf.if %cond3A_564 {
        %add3A_588 = arith.addi %add3A, %add3A_325 : i32
        %add3A_589 = arith.constant 1 : i32
        %add3A_590 = arith.addi %add3A_588, %add3A_589 : i32
        %dma_wait3A_591 = arith.constant 0 : i32
        %dma_wait3A_592 = arith.constant 0 : i32
        %dma_wait3A_593 = arith.constant 0 : i32
        %dma_wait3A_594 = tpu.memref_slice %arg3[%add3A_590, %dma_wait3A_591, %dma_wait3A_592, %dma_wait3A_593] : memref<640x2x8x125xi32, #tpu.memory_space<hbm>> -> memref<1x2x8x125xi32, #tpu.memory_space<hbm>>
        %dma_wait3A_595 = tpu.memref_squeeze %dma_wait3A_594 : memref<1x2x8x125xi32, #tpu.memory_space<hbm>> -> memref<2x8x125xi32, #tpu.memory_space<hbm>>
        %dma_wait3A_596 = arith.constant 0 : i32
        %dma_wait3A_597 = arith.constant 0 : i32
        %dma_wait3A_598 = arith.constant 0 : i32
        %dma_wait3A_599 = tpu.memref_slice %arg3[%add3A_590, %dma_wait3A_596, %dma_wait3A_597, %dma_wait3A_598] : memref<640x2x8x125xi32, #tpu.memory_space<hbm>> -> memref<1x2x8x125xi32, #tpu.memory_space<hbm>>
        %dma_wait3A_600 = tpu.memref_squeeze %dma_wait3A_599 : memref<1x2x8x125xi32, #tpu.memory_space<hbm>> -> memref<2x8x125xi32, #tpu.memory_space<hbm>>
        tpu.wait_dma2 semaphore(%arg12 : memref<!tpu.dma_semaphore, #tpu.memory_space<semaphore_mem>>) src(%dma_wait3A_600 : memref<2x8x125xi32, #tpu.memory_space<hbm>>) dst(%arg7 : memref<2x8x125xi32, #tpu.memory_space<vmem>>)
        %dma_start3A_601 = arith.constant 0 : i32
        %dma_start3A_602 = arith.constant 0 : i32
        %dma_start3A_603 = arith.constant 0 : i32
        %dma_start3A_604 = tpu.memref_slice %arg7[%dma_start3A_601, %dma_start3A_602, %dma_start3A_603] : memref<2x8x125xi32, #tpu.memory_space<vmem>> -> memref<1x1x125xi32, #tpu.memory_space<vmem>>
        %dma_start3A_605 = tpu.memref_squeeze %dma_start3A_604 : memref<1x1x125xi32, #tpu.memory_space<vmem>> -> memref<125xi32, #tpu.memory_space<vmem>>
        %dma_start3A_606 = arith.constant 0 : i32
        %dma_start3A_607 = arith.constant 0 : i32
        %dma_start3A_608 = tpu.memref_slice %arg2[%dma_start3A_606, %dma_start3A_607] : memref<20000x128xf32, #tpu.memory_space<hbm>> -> memref<20000x128xf32, #tpu.memory_space<hbm>>
        tpu.enqueue_indirect_dma source(%dma_start3A_608 : memref<20000x128xf32, #tpu.memory_space<hbm>>) target(%arg9 : memref<125x128xf32, #tpu.memory_space<vmem>>) offsets(%dma_start3A_605 : memref<125xi32, #tpu.memory_space<vmem>>) semaphore(%arg14 : memref<!tpu.dma_semaphore, #tpu.memory_space<semaphore_mem>>)
      } else {
      }
      %dma_start3A_565 = arith.constant 1 : i32
      %dma_start3A_566 = arith.constant 7 : i32
      %dma_start3A_567 = arith.constant 0 : i32
      %dma_start3A_568 = tpu.memref_slice %arg8[%dma_start3A_565, %dma_start3A_566, %dma_start3A_567] : memref<2x8x125xi32, #tpu.memory_space<vmem>> -> memref<1x1x125xi32, #tpu.memory_space<vmem>>
      %dma_start3A_569 = tpu.memref_squeeze %dma_start3A_568 : memref<1x1x125xi32, #tpu.memory_space<vmem>> -> memref<125xi32, #tpu.memory_space<vmem>>
      %dma_start3A_570 = arith.constant 0 : i32
      %dma_start3A_571 = arith.constant 0 : i32
      %dma_start3A_572 = tpu.memref_slice %arg11[%dma_start3A_570, %dma_start3A_571] : memref<10240x128xf32, #tpu.memory_space<vmem_shared>> -> memref<10240x128xf32, #tpu.memory_space<vmem_shared>>
      tpu.enqueue_indirect_dma source(%arg10 : memref<125x128xf32, #tpu.memory_space<vmem>>) target(%dma_start3A_572 : memref<10240x128xf32, #tpu.memory_space<vmem_shared>>) offsets(%dma_start3A_569 : memref<125xi32, #tpu.memory_space<vmem>>) semaphore(%arg17 : memref<!tpu.dma_semaphore, #tpu.memory_space<semaphore_mem>>) {add = true}
      %dma_wait3A_573 = arith.constant 1 : i32
      %dma_wait3A_574 = arith.constant 7 : i32
      %dma_wait3A_575 = arith.constant 0 : i32
      %dma_wait3A_576 = tpu.memref_slice %arg8[%dma_wait3A_573, %dma_wait3A_574, %dma_wait3A_575] : memref<2x8x125xi32, #tpu.memory_space<vmem>> -> memref<1x1x125xi32, #tpu.memory_space<vmem>>
      %dma_wait3A_577 = tpu.memref_squeeze %dma_wait3A_576 : memref<1x1x125xi32, #tpu.memory_space<vmem>> -> memref<125xi32, #tpu.memory_space<vmem>>
      %dma_wait3A_578 = arith.constant 0 : i32
      %dma_wait3A_579 = arith.constant 0 : i32
      %dma_wait3A_580 = tpu.memref_slice %arg11[%dma_wait3A_578, %dma_wait3A_579] : memref<10240x128xf32, #tpu.memory_space<vmem_shared>> -> memref<10240x128xf32, #tpu.memory_space<vmem_shared>>
      tpu.wait_indirect_dma semaphore(%arg17 : memref<!tpu.dma_semaphore, #tpu.memory_space<semaphore_mem>>) src(%arg10 : memref<125x128xf32, #tpu.memory_space<vmem>>) dst(%dma_wait3A_580 : memref<10240x128xf32, #tpu.memory_space<vmem_shared>>)
      %add3A_581 = arith.constant 2 : i32
      %add3A_582 = arith.addi %add3A_325, %add3A_581 : i32
      %lt3A_583 = arith.constant 20 : i32
      %lt3A_584 = arith.cmpi slt, %add3A_582, %lt3A_583 : i32
      %convert_element_type3A_585 = arith.extui %lt3A_584 : i1 to i32
      %cond3A_586 = arith.constant 0 : i32
      %cond3A_587 = arith.cmpi ne, %convert_element_type3A_585, %cond3A_586 : i32
      scf.if %cond3A_587 {
        %add3A_588 = arith.addi %add3A, %add3A_325 : i32
        %add3A_589 = arith.constant 2 : i32
        %add3A_590 = arith.addi %add3A_588, %add3A_589 : i32
        %dma_start3A_591 = arith.constant 0 : i32
        %dma_start3A_592 = arith.constant 0 : i32
        %dma_start3A_593 = arith.constant 0 : i32
        %dma_start3A_594 = tpu.memref_slice %arg3[%add3A_590, %dma_start3A_591, %dma_start3A_592, %dma_start3A_593] : memref<640x2x8x125xi32, #tpu.memory_space<hbm>> -> memref<1x2x8x125xi32, #tpu.memory_space<hbm>>
        %dma_start3A_595 = tpu.memref_squeeze %dma_start3A_594 : memref<1x2x8x125xi32, #tpu.memory_space<hbm>> -> memref<2x8x125xi32, #tpu.memory_space<hbm>>
        %dma_start3A_596 = arith.constant 0 : i32
        %dma_start3A_597 = arith.constant 0 : i32
        %dma_start3A_598 = arith.constant 0 : i32
        %dma_start3A_599 = tpu.memref_slice %arg3[%add3A_590, %dma_start3A_596, %dma_start3A_597, %dma_start3A_598] : memref<640x2x8x125xi32, #tpu.memory_space<hbm>> -> memref<1x2x8x125xi32, #tpu.memory_space<hbm>>
        %dma_start3A_600 = tpu.memref_squeeze %dma_start3A_599 : memref<1x2x8x125xi32, #tpu.memory_space<hbm>> -> memref<2x8x125xi32, #tpu.memory_space<hbm>>
        tpu.enqueue_dma source(%dma_start3A_600 : memref<2x8x125xi32, #tpu.memory_space<hbm>>) target(%arg8 : memref<2x8x125xi32, #tpu.memory_space<vmem>>) target_semaphore(%arg13 : memref<!tpu.dma_semaphore, #tpu.memory_space<semaphore_mem>>)
      } else {
      }
    }
    %scan3A_49 = arith.constant 10 : i32
    %barrier3A_50 = arith.constant 0 : index
    tpu.barrier barrier_id(%barrier3A_50)
    %eq3A = arith.constant 0 : i32
    %eq3A_51 = arith.cmpi eq, %arg0, %eq3A : i32
    %convert_element_type3A = arith.extui %eq3A_51 : i1 to i32
    %cond3A = arith.constant 0 : i32
    %cond3A_52 = arith.cmpi ne, %convert_element_type3A, %cond3A : i32
    scf.if %cond3A_52 {
      %mul3A_58 = arith.constant 640 : i32
      %mul3A_59 = arith.muli %arg1, %mul3A_58 : i32
      %mul3A_60 = arith.constant 640 : i32
      %mul3A_61 = arith.muli %arg1, %mul3A_60 : i32
      "tpu.region"() ({
        %run_scoped3A = tpu.sem_alloc : memref<!tpu.dma_semaphore, #tpu.memory_space<semaphore_mem>>
        %dma_start3A_62 = arith.constant 0 : i32
        %dma_start3A_63 = tpu.memref_slice %arg5[%mul3A_61, %dma_start3A_62] : memref<10240x128xf32, #tpu.memory_space<hbm>> -> memref<640x128xf32, #tpu.memory_space<hbm>>
        %dma_start3A_64 = arith.constant 0 : i32
        %dma_start3A_65 = tpu.memref_slice %arg11[%mul3A_59, %dma_start3A_64] : memref<10240x128xf32, #tpu.memory_space<vmem_shared>> -> memref<640x128xf32, #tpu.memory_space<vmem_shared>>
        tpu.enqueue_dma source(%dma_start3A_65 : memref<640x128xf32, #tpu.memory_space<vmem_shared>>) target(%dma_start3A_63 : memref<640x128xf32, #tpu.memory_space<hbm>>) target_semaphore(%run_scoped3A : memref<!tpu.dma_semaphore, #tpu.memory_space<semaphore_mem>>)
        %dma_wait3A_66 = arith.constant 0 : i32
        %dma_wait3A_67 = tpu.memref_slice %arg5[%mul3A_61, %dma_wait3A_66] : memref<10240x128xf32, #tpu.memory_space<hbm>> -> memref<640x128xf32, #tpu.memory_space<hbm>>
        %dma_wait3A_68 = arith.constant 0 : i32
        %dma_wait3A_69 = tpu.memref_slice %arg11[%mul3A_59, %dma_wait3A_68] : memref<10240x128xf32, #tpu.memory_space<vmem_shared>> -> memref<640x128xf32, #tpu.memory_space<vmem_shared>>
        tpu.wait_dma2 semaphore(%run_scoped3A : memref<!tpu.dma_semaphore, #tpu.memory_space<semaphore_mem>>) src(%dma_wait3A_69 : memref<640x128xf32, #tpu.memory_space<vmem_shared>>) dst(%dma_wait3A_67 : memref<640x128xf32, #tpu.memory_space<hbm>>)
        tpu.yield
      }) : () -> ()
    } else {
    }
    %eq3A_53 = arith.constant 1 : i32
    %eq3A_54 = arith.cmpi eq, %arg0, %eq3A_53 : i32
    %convert_element_type3A_55 = arith.extui %eq3A_54 : i1 to i32
    %cond3A_56 = arith.constant 0 : i32
    %cond3A_57 = arith.cmpi ne, %convert_element_type3A_55, %cond3A_56 : i32
    scf.if %cond3A_57 {
      %mul3A_58 = arith.constant 640 : i32
      %mul3A_59 = arith.muli %arg1, %mul3A_58 : i32
      %mul3A_60 = arith.constant 640 : i32
      %mul3A_61 = arith.muli %arg1, %mul3A_60 : i32
      "tpu.region"() ({
        %run_scoped3A = tpu.sem_alloc : memref<!tpu.dma_semaphore, #tpu.memory_space<semaphore_mem>>
        %dma_start3A_62 = arith.constant 0 : i32
        %dma_start3A_63 = tpu.memref_slice %arg6[%mul3A_61, %dma_start3A_62] : memref<10240x128xf32, #tpu.memory_space<hbm>> -> memref<640x128xf32, #tpu.memory_space<hbm>>
        %dma_start3A_64 = arith.constant 0 : i32
        %dma_start3A_65 = tpu.memref_slice %arg11[%mul3A_59, %dma_start3A_64] : memref<10240x128xf32, #tpu.memory_space<vmem_shared>> -> memref<640x128xf32, #tpu.memory_space<vmem_shared>>
        tpu.enqueue_dma source(%dma_start3A_65 : memref<640x128xf32, #tpu.memory_space<vmem_shared>>) target(%dma_start3A_63 : memref<640x128xf32, #tpu.memory_space<hbm>>) target_semaphore(%run_scoped3A : memref<!tpu.dma_semaphore, #tpu.memory_space<semaphore_mem>>)
        %dma_wait3A_66 = arith.constant 0 : i32
        %dma_wait3A_67 = tpu.memref_slice %arg6[%mul3A_61, %dma_wait3A_66] : memref<10240x128xf32, #tpu.memory_space<hbm>> -> memref<640x128xf32, #tpu.memory_space<hbm>>
        %dma_wait3A_68 = arith.constant 0 : i32
        %dma_wait3A_69 = tpu.memref_slice %arg11[%mul3A_59, %dma_wait3A_68] : memref<10240x128xf32, #tpu.memory_space<vmem_shared>> -> memref<640x128xf32, #tpu.memory_space<vmem_shared>>
        tpu.wait_dma2 semaphore(%run_scoped3A : memref<!tpu.dma_semaphore, #tpu.memory_space<semaphore_mem>>) src(%dma_wait3A_69 : memref<640x128xf32, #tpu.memory_space<vmem_shared>>) dst(%dma_wait3A_67 : memref<640x128xf32, #tpu.memory_space<hbm>>)
        tpu.yield
      }) : () -> ()
    } else {
    }
    return
  }
}

#map = affine_map<(d0, d1) -> (0, 0)>
#map1 = affine_map<(d0, d1) -> (0, 0, 0, 0)>
module attributes {stable_mosaic.version = 14 : i64} {
  func.func @sc_agg(%arg0: i32, %arg1: i32, %arg2: memref<10000x128xf32, #tpu.memory_space<hbm>>, %arg3: memref<320x2x8x125xi32, #tpu.memory_space<hbm>>, %arg4: memref<10240x128xf32, #tpu.memory_space<hbm>>, %arg5: memref<10240x128xf32, #tpu.memory_space<hbm>>, %arg6: memref<10240x128xf32, #tpu.memory_space<hbm>>, %arg7: memref<2x8x125xi32, #tpu.memory_space<vmem>>, %arg8: memref<2x8x125xi32, #tpu.memory_space<vmem>>, %arg9: memref<125x128xf32, #tpu.memory_space<vmem>>, %arg10: memref<125x128xf32, #tpu.memory_space<vmem>>, %arg11: memref<10240x128xf32, #tpu.memory_space<vmem_shared>>, %arg12: memref<!tpu.dma_semaphore, #tpu.memory_space<semaphore_mem>>, %arg13: memref<!tpu.dma_semaphore, #tpu.memory_space<semaphore_mem>>, %arg14: memref<!tpu.dma_semaphore, #tpu.memory_space<semaphore_mem>>, %arg15: memref<!tpu.dma_semaphore, #tpu.memory_space<semaphore_mem>>, %arg16: memref<!tpu.dma_semaphore, #tpu.memory_space<semaphore_mem>>, %arg17: memref<!tpu.dma_semaphore, #tpu.memory_space<semaphore_mem>>) attributes {dimension_semantics = [#tpu.dimension_semantics<core_parallel>, #tpu.dimension_semantics<subcore_parallel>], iteration_bounds = array<i64: 2, 16>, scalar_prefetch = 0 : i64, scratch_operands = 11 : i64, tpu.core_type = #tpu.core_type<sc_vector_subcore>, window_params = [{transform_indices = #map}, {transform_indices = #map1}, {transform_indices = #map}, {transform_indices = #map}, {transform_indices = #map}]} {
    %mul3A = arith.constant 160 : i32
    %mul3A_0 = arith.muli %arg0, %mul3A : i32
    %mul3A_1 = arith.constant 10 : i32
    %mul3A_2 = arith.muli %arg1, %mul3A_1 : i32
    %add3A = arith.addi %mul3A_0, %mul3A_2 : i32
    %mul3A_3 = arith.constant 640 : i32
    %mul3A_4 = arith.muli %arg1, %mul3A_3 : i32
    %mul3A_5 = arith.constant 640 : i32
    %mul3A_6 = arith.muli %arg1, %mul3A_5 : i32
    "tpu.region"() ({
      %run_scoped3A = tpu.sem_alloc : memref<!tpu.dma_semaphore, #tpu.memory_space<semaphore_mem>>
      %dma_start3A_58 = arith.constant 0 : i32
      %dma_start3A_59 = tpu.memref_slice %arg11[%mul3A_6, %dma_start3A_58] : memref<10240x128xf32, #tpu.memory_space<vmem_shared>> -> memref<640x128xf32, #tpu.memory_space<vmem_shared>>
      %dma_start3A_60 = arith.constant 0 : i32
      %dma_start3A_61 = tpu.memref_slice %arg4[%mul3A_4, %dma_start3A_60] : memref<10240x128xf32, #tpu.memory_space<hbm>> -> memref<640x128xf32, #tpu.memory_space<hbm>>
      tpu.enqueue_dma source(%dma_start3A_61 : memref<640x128xf32, #tpu.memory_space<hbm>>) target(%dma_start3A_59 : memref<640x128xf32, #tpu.memory_space<vmem_shared>>) target_semaphore(%run_scoped3A : memref<!tpu.dma_semaphore, #tpu.memory_space<semaphore_mem>>)
      %dma_wait3A_62 = arith.constant 0 : i32
      %dma_wait3A_63 = tpu.memref_slice %arg11[%mul3A_6, %dma_wait3A_62] : memref<10240x128xf32, #tpu.memory_space<vmem_shared>> -> memref<640x128xf32, #tpu.memory_space<vmem_shared>>
      %dma_wait3A_64 = arith.constant 0 : i32
      %dma_wait3A_65 = tpu.memref_slice %arg4[%mul3A_4, %dma_wait3A_64] : memref<10240x128xf32, #tpu.memory_space<hbm>> -> memref<640x128xf32, #tpu.memory_space<hbm>>
      tpu.wait_dma2 semaphore(%run_scoped3A : memref<!tpu.dma_semaphore, #tpu.memory_space<semaphore_mem>>) src(%dma_wait3A_65 : memref<640x128xf32, #tpu.memory_space<hbm>>) dst(%dma_wait3A_63 : memref<640x128xf32, #tpu.memory_space<vmem_shared>>)
      tpu.yield
    }) : () -> ()
    %barrier3A = arith.constant 0 : index
    tpu.barrier barrier_id(%barrier3A)
    %dma_start3A = arith.constant 0 : i32
    %dma_start3A_7 = arith.constant 0 : i32
    %dma_start3A_8 = arith.constant 0 : i32
    %dma_start3A_9 = tpu.memref_slice %arg3[%add3A, %dma_start3A, %dma_start3A_7, %dma_start3A_8] : memref<320x2x8x125xi32, #tpu.memory_space<hbm>> -> memref<1x2x8x125xi32, #tpu.memory_space<hbm>>
    %dma_start3A_10 = tpu.memref_squeeze %dma_start3A_9 : memref<1x2x8x125xi32, #tpu.memory_space<hbm>> -> memref<2x8x125xi32, #tpu.memory_space<hbm>>
    %dma_start3A_11 = arith.constant 0 : i32
    %dma_start3A_12 = arith.constant 0 : i32
    %dma_start3A_13 = arith.constant 0 : i32
    %dma_start3A_14 = tpu.memref_slice %arg3[%add3A, %dma_start3A_11, %dma_start3A_12, %dma_start3A_13] : memref<320x2x8x125xi32, #tpu.memory_space<hbm>> -> memref<1x2x8x125xi32, #tpu.memory_space<hbm>>
    %dma_start3A_15 = tpu.memref_squeeze %dma_start3A_14 : memref<1x2x8x125xi32, #tpu.memory_space<hbm>> -> memref<2x8x125xi32, #tpu.memory_space<hbm>>
    tpu.enqueue_dma source(%dma_start3A_15 : memref<2x8x125xi32, #tpu.memory_space<hbm>>) target(%arg7 : memref<2x8x125xi32, #tpu.memory_space<vmem>>) target_semaphore(%arg12 : memref<!tpu.dma_semaphore, #tpu.memory_space<semaphore_mem>>)
    %add3A_16 = arith.constant 1 : i32
    %add3A_17 = arith.addi %add3A, %add3A_16 : i32
    %dma_start3A_18 = arith.constant 0 : i32
    %dma_start3A_19 = arith.constant 0 : i32
    %dma_start3A_20 = arith.constant 0 : i32
    %dma_start3A_21 = tpu.memref_slice %arg3[%add3A_17, %dma_start3A_18, %dma_start3A_19, %dma_start3A_20] : memref<320x2x8x125xi32, #tpu.memory_space<hbm>> -> memref<1x2x8x125xi32, #tpu.memory_space<hbm>>
    %dma_start3A_22 = tpu.memref_squeeze %dma_start3A_21 : memref<1x2x8x125xi32, #tpu.memory_space<hbm>> -> memref<2x8x125xi32, #tpu.memory_space<hbm>>
    %dma_start3A_23 = arith.constant 0 : i32
    %dma_start3A_24 = arith.constant 0 : i32
    %dma_start3A_25 = arith.constant 0 : i32
    %dma_start3A_26 = tpu.memref_slice %arg3[%add3A_17, %dma_start3A_23, %dma_start3A_24, %dma_start3A_25] : memref<320x2x8x125xi32, #tpu.memory_space<hbm>> -> memref<1x2x8x125xi32, #tpu.memory_space<hbm>>
    %dma_start3A_27 = tpu.memref_squeeze %dma_start3A_26 : memref<1x2x8x125xi32, #tpu.memory_space<hbm>> -> memref<2x8x125xi32, #tpu.memory_space<hbm>>
    tpu.enqueue_dma source(%dma_start3A_27 : memref<2x8x125xi32, #tpu.memory_space<hbm>>) target(%arg8 : memref<2x8x125xi32, #tpu.memory_space<vmem>>) target_semaphore(%arg13 : memref<!tpu.dma_semaphore, #tpu.memory_space<semaphore_mem>>)
    %dma_wait3A = arith.constant 0 : i32
    %dma_wait3A_28 = arith.constant 0 : i32
    %dma_wait3A_29 = arith.constant 0 : i32
    %dma_wait3A_30 = tpu.memref_slice %arg3[%add3A, %dma_wait3A, %dma_wait3A_28, %dma_wait3A_29] : memref<320x2x8x125xi32, #tpu.memory_space<hbm>> -> memref<1x2x8x125xi32, #tpu.memory_space<hbm>>
    %dma_wait3A_31 = tpu.memref_squeeze %dma_wait3A_30 : memref<1x2x8x125xi32, #tpu.memory_space<hbm>> -> memref<2x8x125xi32, #tpu.memory_space<hbm>>
    %dma_wait3A_32 = arith.constant 0 : i32
    %dma_wait3A_33 = arith.constant 0 : i32
    %dma_wait3A_34 = arith.constant 0 : i32
    %dma_wait3A_35 = tpu.memref_slice %arg3[%add3A, %dma_wait3A_32, %dma_wait3A_33, %dma_wait3A_34] : memref<320x2x8x125xi32, #tpu.memory_space<hbm>> -> memref<1x2x8x125xi32, #tpu.memory_space<hbm>>
    %dma_wait3A_36 = tpu.memref_squeeze %dma_wait3A_35 : memref<1x2x8x125xi32, #tpu.memory_space<hbm>> -> memref<2x8x125xi32, #tpu.memory_space<hbm>>
    tpu.wait_dma2 semaphore(%arg12 : memref<!tpu.dma_semaphore, #tpu.memory_space<semaphore_mem>>) src(%dma_wait3A_36 : memref<2x8x125xi32, #tpu.memory_space<hbm>>) dst(%arg7 : memref<2x8x125xi32, #tpu.memory_space<vmem>>)
    %dma_start3A_37 = arith.constant 0 : i32
    %dma_start3A_38 = arith.constant 0 : i32
    %dma_start3A_39 = arith.constant 0 : i32
    %dma_start3A_40 = tpu.memref_slice %arg7[%dma_start3A_37, %dma_start3A_38, %dma_start3A_39] : memref<2x8x125xi32, #tpu.memory_space<vmem>> -> memref<1x1x125xi32, #tpu.memory_space<vmem>>
    %dma_start3A_41 = tpu.memref_squeeze %dma_start3A_40 : memref<1x1x125xi32, #tpu.memory_space<vmem>> -> memref<125xi32, #tpu.memory_space<vmem>>
    %dma_start3A_42 = arith.constant 0 : i32
    %dma_start3A_43 = arith.constant 0 : i32
    %dma_start3A_44 = tpu.memref_slice %arg2[%dma_start3A_42, %dma_start3A_43] : memref<10000x128xf32, #tpu.memory_space<hbm>> -> memref<10000x128xf32, #tpu.memory_space<hbm>>
    tpu.enqueue_indirect_dma source(%dma_start3A_44 : memref<10000x128xf32, #tpu.memory_space<hbm>>) target(%arg9 : memref<125x128xf32, #tpu.memory_space<vmem>>) offsets(%dma_start3A_41 : memref<125xi32, #tpu.memory_space<vmem>>) semaphore(%arg14 : memref<!tpu.dma_semaphore, #tpu.memory_space<semaphore_mem>>)
    %scan3A = arith.constant 0 : i32
    %scan3A_45 = arith.constant 0 : i32
    %scan3A_46 = arith.constant 5 : i32
    %scan3A_47 = arith.addi %scan3A_45, %scan3A_46 : i32
    %scan3A_48 = arith.constant 1 : i32
    scf.for %scan3A_58 = %scan3A_45 to %scan3A_47 step %scan3A_48  : i32 {
      %mul3A_59 = arith.constant 2 : i32
      %mul3A_60 = arith.muli %mul3A_59, %scan3A_58 : i32
      %dma_wait3A_61 = arith.constant 0 : i32
      %dma_wait3A_62 = arith.constant 0 : i32
      %dma_wait3A_63 = arith.constant 0 : i32
      %dma_wait3A_64 = tpu.memref_slice %arg7[%dma_wait3A_61, %dma_wait3A_62, %dma_wait3A_63] : memref<2x8x125xi32, #tpu.memory_space<vmem>> -> memref<1x1x125xi32, #tpu.memory_space<vmem>>
      %dma_wait3A_65 = tpu.memref_squeeze %dma_wait3A_64 : memref<1x1x125xi32, #tpu.memory_space<vmem>> -> memref<125xi32, #tpu.memory_space<vmem>>
      %dma_wait3A_66 = arith.constant 0 : i32
      %dma_wait3A_67 = arith.constant 0 : i32
      %dma_wait3A_68 = tpu.memref_slice %arg2[%dma_wait3A_66, %dma_wait3A_67] : memref<10000x128xf32, #tpu.memory_space<hbm>> -> memref<10000x128xf32, #tpu.memory_space<hbm>>
      tpu.wait_indirect_dma semaphore(%arg14 : memref<!tpu.dma_semaphore, #tpu.memory_space<semaphore_mem>>) src(%dma_wait3A_68 : memref<10000x128xf32, #tpu.memory_space<hbm>>) dst(%arg9 : memref<125x128xf32, #tpu.memory_space<vmem>>)
      %dma_start3A_69 = arith.constant 0 : i32
      %dma_start3A_70 = arith.constant 1 : i32
      %dma_start3A_71 = arith.constant 0 : i32
      %dma_start3A_72 = tpu.memref_slice %arg7[%dma_start3A_69, %dma_start3A_70, %dma_start3A_71] : memref<2x8x125xi32, #tpu.memory_space<vmem>> -> memref<1x1x125xi32, #tpu.memory_space<vmem>>
      %dma_start3A_73 = tpu.memref_squeeze %dma_start3A_72 : memref<1x1x125xi32, #tpu.memory_space<vmem>> -> memref<125xi32, #tpu.memory_space<vmem>>
      %dma_start3A_74 = arith.constant 0 : i32
      %dma_start3A_75 = arith.constant 0 : i32
      %dma_start3A_76 = tpu.memref_slice %arg2[%dma_start3A_74, %dma_start3A_75] : memref<10000x128xf32, #tpu.memory_space<hbm>> -> memref<10000x128xf32, #tpu.memory_space<hbm>>
      tpu.enqueue_indirect_dma source(%dma_start3A_76 : memref<10000x128xf32, #tpu.memory_space<hbm>>) target(%arg10 : memref<125x128xf32, #tpu.memory_space<vmem>>) offsets(%dma_start3A_73 : memref<125xi32, #tpu.memory_space<vmem>>) semaphore(%arg15 : memref<!tpu.dma_semaphore, #tpu.memory_space<semaphore_mem>>)
      %dma_start3A_77 = arith.constant 1 : i32
      %dma_start3A_78 = arith.constant 0 : i32
      %dma_start3A_79 = arith.constant 0 : i32
      %dma_start3A_80 = tpu.memref_slice %arg7[%dma_start3A_77, %dma_start3A_78, %dma_start3A_79] : memref<2x8x125xi32, #tpu.memory_space<vmem>> -> memref<1x1x125xi32, #tpu.memory_space<vmem>>
      %dma_start3A_81 = tpu.memref_squeeze %dma_start3A_80 : memref<1x1x125xi32, #tpu.memory_space<vmem>> -> memref<125xi32, #tpu.memory_space<vmem>>
      %dma_start3A_82 = arith.constant 0 : i32
      %dma_start3A_83 = arith.constant 0 : i32
      %dma_start3A_84 = tpu.memref_slice %arg11[%dma_start3A_82, %dma_start3A_83] : memref<10240x128xf32, #tpu.memory_space<vmem_shared>> -> memref<10240x128xf32, #tpu.memory_space<vmem_shared>>
      tpu.enqueue_indirect_dma source(%arg9 : memref<125x128xf32, #tpu.memory_space<vmem>>) target(%dma_start3A_84 : memref<10240x128xf32, #tpu.memory_space<vmem_shared>>) offsets(%dma_start3A_81 : memref<125xi32, #tpu.memory_space<vmem>>) semaphore(%arg16 : memref<!tpu.dma_semaphore, #tpu.memory_space<semaphore_mem>>) {add = true}
      %dma_wait3A_85 = arith.constant 0 : i32
      %dma_wait3A_86 = arith.constant 1 : i32
      %dma_wait3A_87 = arith.constant 0 : i32
      %dma_wait3A_88 = tpu.memref_slice %arg7[%dma_wait3A_85, %dma_wait3A_86, %dma_wait3A_87] : memref<2x8x125xi32, #tpu.memory_space<vmem>> -> memref<1x1x125xi32, #tpu.memory_space<vmem>>
      %dma_wait3A_89 = tpu.memref_squeeze %dma_wait3A_88 : memref<1x1x125xi32, #tpu.memory_space<vmem>> -> memref<125xi32, #tpu.memory_space<vmem>>
      %dma_wait3A_90 = arith.constant 0 : i32
      %dma_wait3A_91 = arith.constant 0 : i32
      %dma_wait3A_92 = tpu.memref_slice %arg2[%dma_wait3A_90, %dma_wait3A_91] : memref<10000x128xf32, #tpu.memory_space<hbm>> -> memref<10000x128xf32, #tpu.memory_space<hbm>>
      tpu.wait_indirect_dma semaphore(%arg15 : memref<!tpu.dma_semaphore, #tpu.memory_space<semaphore_mem>>) src(%dma_wait3A_92 : memref<10000x128xf32, #tpu.memory_space<hbm>>) dst(%arg10 : memref<125x128xf32, #tpu.memory_space<vmem>>)
      %dma_wait3A_93 = arith.constant 1 : i32
      %dma_wait3A_94 = arith.constant 0 : i32
      %dma_wait3A_95 = arith.constant 0 : i32
      %dma_wait3A_96 = tpu.memref_slice %arg7[%dma_wait3A_93, %dma_wait3A_94, %dma_wait3A_95] : memref<2x8x125xi32, #tpu.memory_space<vmem>> -> memref<1x1x125xi32, #tpu.memory_space<vmem>>
      %dma_wait3A_97 = tpu.memref_squeeze %dma_wait3A_96 : memref<1x1x125xi32, #tpu.memory_space<vmem>> -> memref<125xi32, #tpu.memory_space<vmem>>
      %dma_wait3A_98 = arith.constant 0 : i32
      %dma_wait3A_99 = arith.constant 0 : i32
      %dma_wait3A_100 = tpu.memref_slice %arg11[%dma_wait3A_98, %dma_wait3A_99] : memref<10240x128xf32, #tpu.memory_space<vmem_shared>> -> memref<10240x128xf32, #tpu.memory_space<vmem_shared>>
      tpu.wait_indirect_dma semaphore(%arg16 : memref<!tpu.dma_semaphore, #tpu.memory_space<semaphore_mem>>) src(%arg9 : memref<125x128xf32, #tpu.memory_space<vmem>>) dst(%dma_wait3A_100 : memref<10240x128xf32, #tpu.memory_space<vmem_shared>>)
      %dma_start3A_101 = arith.constant 0 : i32
      %dma_start3A_102 = arith.constant 2 : i32
      %dma_start3A_103 = arith.constant 0 : i32
      %dma_start3A_104 = tpu.memref_slice %arg7[%dma_start3A_101, %dma_start3A_102, %dma_start3A_103] : memref<2x8x125xi32, #tpu.memory_space<vmem>> -> memref<1x1x125xi32, #tpu.memory_space<vmem>>
      %dma_start3A_105 = tpu.memref_squeeze %dma_start3A_104 : memref<1x1x125xi32, #tpu.memory_space<vmem>> -> memref<125xi32, #tpu.memory_space<vmem>>
      %dma_start3A_106 = arith.constant 0 : i32
      %dma_start3A_107 = arith.constant 0 : i32
      %dma_start3A_108 = tpu.memref_slice %arg2[%dma_start3A_106, %dma_start3A_107] : memref<10000x128xf32, #tpu.memory_space<hbm>> -> memref<10000x128xf32, #tpu.memory_space<hbm>>
      tpu.enqueue_indirect_dma source(%dma_start3A_108 : memref<10000x128xf32, #tpu.memory_space<hbm>>) target(%arg9 : memref<125x128xf32, #tpu.memory_space<vmem>>) offsets(%dma_start3A_105 : memref<125xi32, #tpu.memory_space<vmem>>) semaphore(%arg14 : memref<!tpu.dma_semaphore, #tpu.memory_space<semaphore_mem>>)
      %dma_start3A_109 = arith.constant 1 : i32
      %dma_start3A_110 = arith.constant 1 : i32
      %dma_start3A_111 = arith.constant 0 : i32
      %dma_start3A_112 = tpu.memref_slice %arg7[%dma_start3A_109, %dma_start3A_110, %dma_start3A_111] : memref<2x8x125xi32, #tpu.memory_space<vmem>> -> memref<1x1x125xi32, #tpu.memory_space<vmem>>
      %dma_start3A_113 = tpu.memref_squeeze %dma_start3A_112 : memref<1x1x125xi32, #tpu.memory_space<vmem>> -> memref<125xi32, #tpu.memory_space<vmem>>
      %dma_start3A_114 = arith.constant 0 : i32
      %dma_start3A_115 = arith.constant 0 : i32
      %dma_start3A_116 = tpu.memref_slice %arg11[%dma_start3A_114, %dma_start3A_115] : memref<10240x128xf32, #tpu.memory_space<vmem_shared>> -> memref<10240x128xf32, #tpu.memory_space<vmem_shared>>
      tpu.enqueue_indirect_dma source(%arg10 : memref<125x128xf32, #tpu.memory_space<vmem>>) target(%dma_start3A_116 : memref<10240x128xf32, #tpu.memory_space<vmem_shared>>) offsets(%dma_start3A_113 : memref<125xi32, #tpu.memory_space<vmem>>) semaphore(%arg17 : memref<!tpu.dma_semaphore, #tpu.memory_space<semaphore_mem>>) {add = true}
      %dma_wait3A_117 = arith.constant 0 : i32
      %dma_wait3A_118 = arith.constant 2 : i32
      %dma_wait3A_119 = arith.constant 0 : i32
      %dma_wait3A_120 = tpu.memref_slice %arg7[%dma_wait3A_117, %dma_wait3A_118, %dma_wait3A_119] : memref<2x8x125xi32, #tpu.memory_space<vmem>> -> memref<1x1x125xi32, #tpu.memory_space<vmem>>
      %dma_wait3A_121 = tpu.memref_squeeze %dma_wait3A_120 : memref<1x1x125xi32, #tpu.memory_space<vmem>> -> memref<125xi32, #tpu.memory_space<vmem>>
      %dma_wait3A_122 = arith.constant 0 : i32
      %dma_wait3A_123 = arith.constant 0 : i32
      %dma_wait3A_124 = tpu.memref_slice %arg2[%dma_wait3A_122, %dma_wait3A_123] : memref<10000x128xf32, #tpu.memory_space<hbm>> -> memref<10000x128xf32, #tpu.memory_space<hbm>>
      tpu.wait_indirect_dma semaphore(%arg14 : memref<!tpu.dma_semaphore, #tpu.memory_space<semaphore_mem>>) src(%dma_wait3A_124 : memref<10000x128xf32, #tpu.memory_space<hbm>>) dst(%arg9 : memref<125x128xf32, #tpu.memory_space<vmem>>)
      %dma_wait3A_125 = arith.constant 1 : i32
      %dma_wait3A_126 = arith.constant 1 : i32
      %dma_wait3A_127 = arith.constant 0 : i32
      %dma_wait3A_128 = tpu.memref_slice %arg7[%dma_wait3A_125, %dma_wait3A_126, %dma_wait3A_127] : memref<2x8x125xi32, #tpu.memory_space<vmem>> -> memref<1x1x125xi32, #tpu.memory_space<vmem>>
      %dma_wait3A_129 = tpu.memref_squeeze %dma_wait3A_128 : memref<1x1x125xi32, #tpu.memory_space<vmem>> -> memref<125xi32, #tpu.memory_space<vmem>>
      %dma_wait3A_130 = arith.constant 0 : i32
      %dma_wait3A_131 = arith.constant 0 : i32
      %dma_wait3A_132 = tpu.memref_slice %arg11[%dma_wait3A_130, %dma_wait3A_131] : memref<10240x128xf32, #tpu.memory_space<vmem_shared>> -> memref<10240x128xf32, #tpu.memory_space<vmem_shared>>
      tpu.wait_indirect_dma semaphore(%arg17 : memref<!tpu.dma_semaphore, #tpu.memory_space<semaphore_mem>>) src(%arg10 : memref<125x128xf32, #tpu.memory_space<vmem>>) dst(%dma_wait3A_132 : memref<10240x128xf32, #tpu.memory_space<vmem_shared>>)
      %dma_start3A_133 = arith.constant 0 : i32
      %dma_start3A_134 = arith.constant 3 : i32
      %dma_start3A_135 = arith.constant 0 : i32
      %dma_start3A_136 = tpu.memref_slice %arg7[%dma_start3A_133, %dma_start3A_134, %dma_start3A_135] : memref<2x8x125xi32, #tpu.memory_space<vmem>> -> memref<1x1x125xi32, #tpu.memory_space<vmem>>
      %dma_start3A_137 = tpu.memref_squeeze %dma_start3A_136 : memref<1x1x125xi32, #tpu.memory_space<vmem>> -> memref<125xi32, #tpu.memory_space<vmem>>
      %dma_start3A_138 = arith.constant 0 : i32
      %dma_start3A_139 = arith.constant 0 : i32
      %dma_start3A_140 = tpu.memref_slice %arg2[%dma_start3A_138, %dma_start3A_139] : memref<10000x128xf32, #tpu.memory_space<hbm>> -> memref<10000x128xf32, #tpu.memory_space<hbm>>
      tpu.enqueue_indirect_dma source(%dma_start3A_140 : memref<10000x128xf32, #tpu.memory_space<hbm>>) target(%arg10 : memref<125x128xf32, #tpu.memory_space<vmem>>) offsets(%dma_start3A_137 : memref<125xi32, #tpu.memory_space<vmem>>) semaphore(%arg15 : memref<!tpu.dma_semaphore, #tpu.memory_space<semaphore_mem>>)
      %dma_start3A_141 = arith.constant 1 : i32
      %dma_start3A_142 = arith.constant 2 : i32
      %dma_start3A_143 = arith.constant 0 : i32
      %dma_start3A_144 = tpu.memref_slice %arg7[%dma_start3A_141, %dma_start3A_142, %dma_start3A_143] : memref<2x8x125xi32, #tpu.memory_space<vmem>> -> memref<1x1x125xi32, #tpu.memory_space<vmem>>
      %dma_start3A_145 = tpu.memref_squeeze %dma_start3A_144 : memref<1x1x125xi32, #tpu.memory_space<vmem>> -> memref<125xi32, #tpu.memory_space<vmem>>
      %dma_start3A_146 = arith.constant 0 : i32
      %dma_start3A_147 = arith.constant 0 : i32
      %dma_start3A_148 = tpu.memref_slice %arg11[%dma_start3A_146, %dma_start3A_147] : memref<10240x128xf32, #tpu.memory_space<vmem_shared>> -> memref<10240x128xf32, #tpu.memory_space<vmem_shared>>
      tpu.enqueue_indirect_dma source(%arg9 : memref<125x128xf32, #tpu.memory_space<vmem>>) target(%dma_start3A_148 : memref<10240x128xf32, #tpu.memory_space<vmem_shared>>) offsets(%dma_start3A_145 : memref<125xi32, #tpu.memory_space<vmem>>) semaphore(%arg16 : memref<!tpu.dma_semaphore, #tpu.memory_space<semaphore_mem>>) {add = true}
      %dma_wait3A_149 = arith.constant 0 : i32
      %dma_wait3A_150 = arith.constant 3 : i32
      %dma_wait3A_151 = arith.constant 0 : i32
      %dma_wait3A_152 = tpu.memref_slice %arg7[%dma_wait3A_149, %dma_wait3A_150, %dma_wait3A_151] : memref<2x8x125xi32, #tpu.memory_space<vmem>> -> memref<1x1x125xi32, #tpu.memory_space<vmem>>
      %dma_wait3A_153 = tpu.memref_squeeze %dma_wait3A_152 : memref<1x1x125xi32, #tpu.memory_space<vmem>> -> memref<125xi32, #tpu.memory_space<vmem>>
      %dma_wait3A_154 = arith.constant 0 : i32
      %dma_wait3A_155 = arith.constant 0 : i32
      %dma_wait3A_156 = tpu.memref_slice %arg2[%dma_wait3A_154, %dma_wait3A_155] : memref<10000x128xf32, #tpu.memory_space<hbm>> -> memref<10000x128xf32, #tpu.memory_space<hbm>>
      tpu.wait_indirect_dma semaphore(%arg15 : memref<!tpu.dma_semaphore, #tpu.memory_space<semaphore_mem>>) src(%dma_wait3A_156 : memref<10000x128xf32, #tpu.memory_space<hbm>>) dst(%arg10 : memref<125x128xf32, #tpu.memory_space<vmem>>)
      %dma_wait3A_157 = arith.constant 1 : i32
      %dma_wait3A_158 = arith.constant 2 : i32
      %dma_wait3A_159 = arith.constant 0 : i32
      %dma_wait3A_160 = tpu.memref_slice %arg7[%dma_wait3A_157, %dma_wait3A_158, %dma_wait3A_159] : memref<2x8x125xi32, #tpu.memory_space<vmem>> -> memref<1x1x125xi32, #tpu.memory_space<vmem>>
      %dma_wait3A_161 = tpu.memref_squeeze %dma_wait3A_160 : memref<1x1x125xi32, #tpu.memory_space<vmem>> -> memref<125xi32, #tpu.memory_space<vmem>>
      %dma_wait3A_162 = arith.constant 0 : i32
      %dma_wait3A_163 = arith.constant 0 : i32
      %dma_wait3A_164 = tpu.memref_slice %arg11[%dma_wait3A_162, %dma_wait3A_163] : memref<10240x128xf32, #tpu.memory_space<vmem_shared>> -> memref<10240x128xf32, #tpu.memory_space<vmem_shared>>
      tpu.wait_indirect_dma semaphore(%arg16 : memref<!tpu.dma_semaphore, #tpu.memory_space<semaphore_mem>>) src(%arg9 : memref<125x128xf32, #tpu.memory_space<vmem>>) dst(%dma_wait3A_164 : memref<10240x128xf32, #tpu.memory_space<vmem_shared>>)
      %dma_start3A_165 = arith.constant 0 : i32
      %dma_start3A_166 = arith.constant 4 : i32
      %dma_start3A_167 = arith.constant 0 : i32
      %dma_start3A_168 = tpu.memref_slice %arg7[%dma_start3A_165, %dma_start3A_166, %dma_start3A_167] : memref<2x8x125xi32, #tpu.memory_space<vmem>> -> memref<1x1x125xi32, #tpu.memory_space<vmem>>
      %dma_start3A_169 = tpu.memref_squeeze %dma_start3A_168 : memref<1x1x125xi32, #tpu.memory_space<vmem>> -> memref<125xi32, #tpu.memory_space<vmem>>
      %dma_start3A_170 = arith.constant 0 : i32
      %dma_start3A_171 = arith.constant 0 : i32
      %dma_start3A_172 = tpu.memref_slice %arg2[%dma_start3A_170, %dma_start3A_171] : memref<10000x128xf32, #tpu.memory_space<hbm>> -> memref<10000x128xf32, #tpu.memory_space<hbm>>
      tpu.enqueue_indirect_dma source(%dma_start3A_172 : memref<10000x128xf32, #tpu.memory_space<hbm>>) target(%arg9 : memref<125x128xf32, #tpu.memory_space<vmem>>) offsets(%dma_start3A_169 : memref<125xi32, #tpu.memory_space<vmem>>) semaphore(%arg14 : memref<!tpu.dma_semaphore, #tpu.memory_space<semaphore_mem>>)
      %dma_start3A_173 = arith.constant 1 : i32
      %dma_start3A_174 = arith.constant 3 : i32
      %dma_start3A_175 = arith.constant 0 : i32
      %dma_start3A_176 = tpu.memref_slice %arg7[%dma_start3A_173, %dma_start3A_174, %dma_start3A_175] : memref<2x8x125xi32, #tpu.memory_space<vmem>> -> memref<1x1x125xi32, #tpu.memory_space<vmem>>
      %dma_start3A_177 = tpu.memref_squeeze %dma_start3A_176 : memref<1x1x125xi32, #tpu.memory_space<vmem>> -> memref<125xi32, #tpu.memory_space<vmem>>
      %dma_start3A_178 = arith.constant 0 : i32
      %dma_start3A_179 = arith.constant 0 : i32
      %dma_start3A_180 = tpu.memref_slice %arg11[%dma_start3A_178, %dma_start3A_179] : memref<10240x128xf32, #tpu.memory_space<vmem_shared>> -> memref<10240x128xf32, #tpu.memory_space<vmem_shared>>
      tpu.enqueue_indirect_dma source(%arg10 : memref<125x128xf32, #tpu.memory_space<vmem>>) target(%dma_start3A_180 : memref<10240x128xf32, #tpu.memory_space<vmem_shared>>) offsets(%dma_start3A_177 : memref<125xi32, #tpu.memory_space<vmem>>) semaphore(%arg17 : memref<!tpu.dma_semaphore, #tpu.memory_space<semaphore_mem>>) {add = true}
      %dma_wait3A_181 = arith.constant 0 : i32
      %dma_wait3A_182 = arith.constant 4 : i32
      %dma_wait3A_183 = arith.constant 0 : i32
      %dma_wait3A_184 = tpu.memref_slice %arg7[%dma_wait3A_181, %dma_wait3A_182, %dma_wait3A_183] : memref<2x8x125xi32, #tpu.memory_space<vmem>> -> memref<1x1x125xi32, #tpu.memory_space<vmem>>
      %dma_wait3A_185 = tpu.memref_squeeze %dma_wait3A_184 : memref<1x1x125xi32, #tpu.memory_space<vmem>> -> memref<125xi32, #tpu.memory_space<vmem>>
      %dma_wait3A_186 = arith.constant 0 : i32
      %dma_wait3A_187 = arith.constant 0 : i32
      %dma_wait3A_188 = tpu.memref_slice %arg2[%dma_wait3A_186, %dma_wait3A_187] : memref<10000x128xf32, #tpu.memory_space<hbm>> -> memref<10000x128xf32, #tpu.memory_space<hbm>>
      tpu.wait_indirect_dma semaphore(%arg14 : memref<!tpu.dma_semaphore, #tpu.memory_space<semaphore_mem>>) src(%dma_wait3A_188 : memref<10000x128xf32, #tpu.memory_space<hbm>>) dst(%arg9 : memref<125x128xf32, #tpu.memory_space<vmem>>)
      %dma_wait3A_189 = arith.constant 1 : i32
      %dma_wait3A_190 = arith.constant 3 : i32
      %dma_wait3A_191 = arith.constant 0 : i32
      %dma_wait3A_192 = tpu.memref_slice %arg7[%dma_wait3A_189, %dma_wait3A_190, %dma_wait3A_191] : memref<2x8x125xi32, #tpu.memory_space<vmem>> -> memref<1x1x125xi32, #tpu.memory_space<vmem>>
      %dma_wait3A_193 = tpu.memref_squeeze %dma_wait3A_192 : memref<1x1x125xi32, #tpu.memory_space<vmem>> -> memref<125xi32, #tpu.memory_space<vmem>>
      %dma_wait3A_194 = arith.constant 0 : i32
      %dma_wait3A_195 = arith.constant 0 : i32
      %dma_wait3A_196 = tpu.memref_slice %arg11[%dma_wait3A_194, %dma_wait3A_195] : memref<10240x128xf32, #tpu.memory_space<vmem_shared>> -> memref<10240x128xf32, #tpu.memory_space<vmem_shared>>
      tpu.wait_indirect_dma semaphore(%arg17 : memref<!tpu.dma_semaphore, #tpu.memory_space<semaphore_mem>>) src(%arg10 : memref<125x128xf32, #tpu.memory_space<vmem>>) dst(%dma_wait3A_196 : memref<10240x128xf32, #tpu.memory_space<vmem_shared>>)
      %dma_start3A_197 = arith.constant 0 : i32
      %dma_start3A_198 = arith.constant 5 : i32
      %dma_start3A_199 = arith.constant 0 : i32
      %dma_start3A_200 = tpu.memref_slice %arg7[%dma_start3A_197, %dma_start3A_198, %dma_start3A_199] : memref<2x8x125xi32, #tpu.memory_space<vmem>> -> memref<1x1x125xi32, #tpu.memory_space<vmem>>
      %dma_start3A_201 = tpu.memref_squeeze %dma_start3A_200 : memref<1x1x125xi32, #tpu.memory_space<vmem>> -> memref<125xi32, #tpu.memory_space<vmem>>
      %dma_start3A_202 = arith.constant 0 : i32
      %dma_start3A_203 = arith.constant 0 : i32
      %dma_start3A_204 = tpu.memref_slice %arg2[%dma_start3A_202, %dma_start3A_203] : memref<10000x128xf32, #tpu.memory_space<hbm>> -> memref<10000x128xf32, #tpu.memory_space<hbm>>
      tpu.enqueue_indirect_dma source(%dma_start3A_204 : memref<10000x128xf32, #tpu.memory_space<hbm>>) target(%arg10 : memref<125x128xf32, #tpu.memory_space<vmem>>) offsets(%dma_start3A_201 : memref<125xi32, #tpu.memory_space<vmem>>) semaphore(%arg15 : memref<!tpu.dma_semaphore, #tpu.memory_space<semaphore_mem>>)
      %dma_start3A_205 = arith.constant 1 : i32
      %dma_start3A_206 = arith.constant 4 : i32
      %dma_start3A_207 = arith.constant 0 : i32
      %dma_start3A_208 = tpu.memref_slice %arg7[%dma_start3A_205, %dma_start3A_206, %dma_start3A_207] : memref<2x8x125xi32, #tpu.memory_space<vmem>> -> memref<1x1x125xi32, #tpu.memory_space<vmem>>
      %dma_start3A_209 = tpu.memref_squeeze %dma_start3A_208 : memref<1x1x125xi32, #tpu.memory_space<vmem>> -> memref<125xi32, #tpu.memory_space<vmem>>
      %dma_start3A_210 = arith.constant 0 : i32
      %dma_start3A_211 = arith.constant 0 : i32
      %dma_start3A_212 = tpu.memref_slice %arg11[%dma_start3A_210, %dma_start3A_211] : memref<10240x128xf32, #tpu.memory_space<vmem_shared>> -> memref<10240x128xf32, #tpu.memory_space<vmem_shared>>
      tpu.enqueue_indirect_dma source(%arg9 : memref<125x128xf32, #tpu.memory_space<vmem>>) target(%dma_start3A_212 : memref<10240x128xf32, #tpu.memory_space<vmem_shared>>) offsets(%dma_start3A_209 : memref<125xi32, #tpu.memory_space<vmem>>) semaphore(%arg16 : memref<!tpu.dma_semaphore, #tpu.memory_space<semaphore_mem>>) {add = true}
      %dma_wait3A_213 = arith.constant 0 : i32
      %dma_wait3A_214 = arith.constant 5 : i32
      %dma_wait3A_215 = arith.constant 0 : i32
      %dma_wait3A_216 = tpu.memref_slice %arg7[%dma_wait3A_213, %dma_wait3A_214, %dma_wait3A_215] : memref<2x8x125xi32, #tpu.memory_space<vmem>> -> memref<1x1x125xi32, #tpu.memory_space<vmem>>
      %dma_wait3A_217 = tpu.memref_squeeze %dma_wait3A_216 : memref<1x1x125xi32, #tpu.memory_space<vmem>> -> memref<125xi32, #tpu.memory_space<vmem>>
      %dma_wait3A_218 = arith.constant 0 : i32
      %dma_wait3A_219 = arith.constant 0 : i32
      %dma_wait3A_220 = tpu.memref_slice %arg2[%dma_wait3A_218, %dma_wait3A_219] : memref<10000x128xf32, #tpu.memory_space<hbm>> -> memref<10000x128xf32, #tpu.memory_space<hbm>>
      tpu.wait_indirect_dma semaphore(%arg15 : memref<!tpu.dma_semaphore, #tpu.memory_space<semaphore_mem>>) src(%dma_wait3A_220 : memref<10000x128xf32, #tpu.memory_space<hbm>>) dst(%arg10 : memref<125x128xf32, #tpu.memory_space<vmem>>)
      %dma_wait3A_221 = arith.constant 1 : i32
      %dma_wait3A_222 = arith.constant 4 : i32
      %dma_wait3A_223 = arith.constant 0 : i32
      %dma_wait3A_224 = tpu.memref_slice %arg7[%dma_wait3A_221, %dma_wait3A_222, %dma_wait3A_223] : memref<2x8x125xi32, #tpu.memory_space<vmem>> -> memref<1x1x125xi32, #tpu.memory_space<vmem>>
      %dma_wait3A_225 = tpu.memref_squeeze %dma_wait3A_224 : memref<1x1x125xi32, #tpu.memory_space<vmem>> -> memref<125xi32, #tpu.memory_space<vmem>>
      %dma_wait3A_226 = arith.constant 0 : i32
      %dma_wait3A_227 = arith.constant 0 : i32
      %dma_wait3A_228 = tpu.memref_slice %arg11[%dma_wait3A_226, %dma_wait3A_227] : memref<10240x128xf32, #tpu.memory_space<vmem_shared>> -> memref<10240x128xf32, #tpu.memory_space<vmem_shared>>
      tpu.wait_indirect_dma semaphore(%arg16 : memref<!tpu.dma_semaphore, #tpu.memory_space<semaphore_mem>>) src(%arg9 : memref<125x128xf32, #tpu.memory_space<vmem>>) dst(%dma_wait3A_228 : memref<10240x128xf32, #tpu.memory_space<vmem_shared>>)
      %dma_start3A_229 = arith.constant 0 : i32
      %dma_start3A_230 = arith.constant 6 : i32
      %dma_start3A_231 = arith.constant 0 : i32
      %dma_start3A_232 = tpu.memref_slice %arg7[%dma_start3A_229, %dma_start3A_230, %dma_start3A_231] : memref<2x8x125xi32, #tpu.memory_space<vmem>> -> memref<1x1x125xi32, #tpu.memory_space<vmem>>
      %dma_start3A_233 = tpu.memref_squeeze %dma_start3A_232 : memref<1x1x125xi32, #tpu.memory_space<vmem>> -> memref<125xi32, #tpu.memory_space<vmem>>
      %dma_start3A_234 = arith.constant 0 : i32
      %dma_start3A_235 = arith.constant 0 : i32
      %dma_start3A_236 = tpu.memref_slice %arg2[%dma_start3A_234, %dma_start3A_235] : memref<10000x128xf32, #tpu.memory_space<hbm>> -> memref<10000x128xf32, #tpu.memory_space<hbm>>
      tpu.enqueue_indirect_dma source(%dma_start3A_236 : memref<10000x128xf32, #tpu.memory_space<hbm>>) target(%arg9 : memref<125x128xf32, #tpu.memory_space<vmem>>) offsets(%dma_start3A_233 : memref<125xi32, #tpu.memory_space<vmem>>) semaphore(%arg14 : memref<!tpu.dma_semaphore, #tpu.memory_space<semaphore_mem>>)
      %dma_start3A_237 = arith.constant 1 : i32
      %dma_start3A_238 = arith.constant 5 : i32
      %dma_start3A_239 = arith.constant 0 : i32
      %dma_start3A_240 = tpu.memref_slice %arg7[%dma_start3A_237, %dma_start3A_238, %dma_start3A_239] : memref<2x8x125xi32, #tpu.memory_space<vmem>> -> memref<1x1x125xi32, #tpu.memory_space<vmem>>
      %dma_start3A_241 = tpu.memref_squeeze %dma_start3A_240 : memref<1x1x125xi32, #tpu.memory_space<vmem>> -> memref<125xi32, #tpu.memory_space<vmem>>
      %dma_start3A_242 = arith.constant 0 : i32
      %dma_start3A_243 = arith.constant 0 : i32
      %dma_start3A_244 = tpu.memref_slice %arg11[%dma_start3A_242, %dma_start3A_243] : memref<10240x128xf32, #tpu.memory_space<vmem_shared>> -> memref<10240x128xf32, #tpu.memory_space<vmem_shared>>
      tpu.enqueue_indirect_dma source(%arg10 : memref<125x128xf32, #tpu.memory_space<vmem>>) target(%dma_start3A_244 : memref<10240x128xf32, #tpu.memory_space<vmem_shared>>) offsets(%dma_start3A_241 : memref<125xi32, #tpu.memory_space<vmem>>) semaphore(%arg17 : memref<!tpu.dma_semaphore, #tpu.memory_space<semaphore_mem>>) {add = true}
      %dma_wait3A_245 = arith.constant 0 : i32
      %dma_wait3A_246 = arith.constant 6 : i32
      %dma_wait3A_247 = arith.constant 0 : i32
      %dma_wait3A_248 = tpu.memref_slice %arg7[%dma_wait3A_245, %dma_wait3A_246, %dma_wait3A_247] : memref<2x8x125xi32, #tpu.memory_space<vmem>> -> memref<1x1x125xi32, #tpu.memory_space<vmem>>
      %dma_wait3A_249 = tpu.memref_squeeze %dma_wait3A_248 : memref<1x1x125xi32, #tpu.memory_space<vmem>> -> memref<125xi32, #tpu.memory_space<vmem>>
      %dma_wait3A_250 = arith.constant 0 : i32
      %dma_wait3A_251 = arith.constant 0 : i32
      %dma_wait3A_252 = tpu.memref_slice %arg2[%dma_wait3A_250, %dma_wait3A_251] : memref<10000x128xf32, #tpu.memory_space<hbm>> -> memref<10000x128xf32, #tpu.memory_space<hbm>>
      tpu.wait_indirect_dma semaphore(%arg14 : memref<!tpu.dma_semaphore, #tpu.memory_space<semaphore_mem>>) src(%dma_wait3A_252 : memref<10000x128xf32, #tpu.memory_space<hbm>>) dst(%arg9 : memref<125x128xf32, #tpu.memory_space<vmem>>)
      %dma_wait3A_253 = arith.constant 1 : i32
      %dma_wait3A_254 = arith.constant 5 : i32
      %dma_wait3A_255 = arith.constant 0 : i32
      %dma_wait3A_256 = tpu.memref_slice %arg7[%dma_wait3A_253, %dma_wait3A_254, %dma_wait3A_255] : memref<2x8x125xi32, #tpu.memory_space<vmem>> -> memref<1x1x125xi32, #tpu.memory_space<vmem>>
      %dma_wait3A_257 = tpu.memref_squeeze %dma_wait3A_256 : memref<1x1x125xi32, #tpu.memory_space<vmem>> -> memref<125xi32, #tpu.memory_space<vmem>>
      %dma_wait3A_258 = arith.constant 0 : i32
      %dma_wait3A_259 = arith.constant 0 : i32
      %dma_wait3A_260 = tpu.memref_slice %arg11[%dma_wait3A_258, %dma_wait3A_259] : memref<10240x128xf32, #tpu.memory_space<vmem_shared>> -> memref<10240x128xf32, #tpu.memory_space<vmem_shared>>
      tpu.wait_indirect_dma semaphore(%arg17 : memref<!tpu.dma_semaphore, #tpu.memory_space<semaphore_mem>>) src(%arg10 : memref<125x128xf32, #tpu.memory_space<vmem>>) dst(%dma_wait3A_260 : memref<10240x128xf32, #tpu.memory_space<vmem_shared>>)
      %dma_start3A_261 = arith.constant 0 : i32
      %dma_start3A_262 = arith.constant 7 : i32
      %dma_start3A_263 = arith.constant 0 : i32
      %dma_start3A_264 = tpu.memref_slice %arg7[%dma_start3A_261, %dma_start3A_262, %dma_start3A_263] : memref<2x8x125xi32, #tpu.memory_space<vmem>> -> memref<1x1x125xi32, #tpu.memory_space<vmem>>
      %dma_start3A_265 = tpu.memref_squeeze %dma_start3A_264 : memref<1x1x125xi32, #tpu.memory_space<vmem>> -> memref<125xi32, #tpu.memory_space<vmem>>
      %dma_start3A_266 = arith.constant 0 : i32
      %dma_start3A_267 = arith.constant 0 : i32
      %dma_start3A_268 = tpu.memref_slice %arg2[%dma_start3A_266, %dma_start3A_267] : memref<10000x128xf32, #tpu.memory_space<hbm>> -> memref<10000x128xf32, #tpu.memory_space<hbm>>
      tpu.enqueue_indirect_dma source(%dma_start3A_268 : memref<10000x128xf32, #tpu.memory_space<hbm>>) target(%arg10 : memref<125x128xf32, #tpu.memory_space<vmem>>) offsets(%dma_start3A_265 : memref<125xi32, #tpu.memory_space<vmem>>) semaphore(%arg15 : memref<!tpu.dma_semaphore, #tpu.memory_space<semaphore_mem>>)
      %dma_start3A_269 = arith.constant 1 : i32
      %dma_start3A_270 = arith.constant 6 : i32
      %dma_start3A_271 = arith.constant 0 : i32
      %dma_start3A_272 = tpu.memref_slice %arg7[%dma_start3A_269, %dma_start3A_270, %dma_start3A_271] : memref<2x8x125xi32, #tpu.memory_space<vmem>> -> memref<1x1x125xi32, #tpu.memory_space<vmem>>
      %dma_start3A_273 = tpu.memref_squeeze %dma_start3A_272 : memref<1x1x125xi32, #tpu.memory_space<vmem>> -> memref<125xi32, #tpu.memory_space<vmem>>
      %dma_start3A_274 = arith.constant 0 : i32
      %dma_start3A_275 = arith.constant 0 : i32
      %dma_start3A_276 = tpu.memref_slice %arg11[%dma_start3A_274, %dma_start3A_275] : memref<10240x128xf32, #tpu.memory_space<vmem_shared>> -> memref<10240x128xf32, #tpu.memory_space<vmem_shared>>
      tpu.enqueue_indirect_dma source(%arg9 : memref<125x128xf32, #tpu.memory_space<vmem>>) target(%dma_start3A_276 : memref<10240x128xf32, #tpu.memory_space<vmem_shared>>) offsets(%dma_start3A_273 : memref<125xi32, #tpu.memory_space<vmem>>) semaphore(%arg16 : memref<!tpu.dma_semaphore, #tpu.memory_space<semaphore_mem>>) {add = true}
      %dma_wait3A_277 = arith.constant 0 : i32
      %dma_wait3A_278 = arith.constant 7 : i32
      %dma_wait3A_279 = arith.constant 0 : i32
      %dma_wait3A_280 = tpu.memref_slice %arg7[%dma_wait3A_277, %dma_wait3A_278, %dma_wait3A_279] : memref<2x8x125xi32, #tpu.memory_space<vmem>> -> memref<1x1x125xi32, #tpu.memory_space<vmem>>
      %dma_wait3A_281 = tpu.memref_squeeze %dma_wait3A_280 : memref<1x1x125xi32, #tpu.memory_space<vmem>> -> memref<125xi32, #tpu.memory_space<vmem>>
      %dma_wait3A_282 = arith.constant 0 : i32
      %dma_wait3A_283 = arith.constant 0 : i32
      %dma_wait3A_284 = tpu.memref_slice %arg2[%dma_wait3A_282, %dma_wait3A_283] : memref<10000x128xf32, #tpu.memory_space<hbm>> -> memref<10000x128xf32, #tpu.memory_space<hbm>>
      tpu.wait_indirect_dma semaphore(%arg15 : memref<!tpu.dma_semaphore, #tpu.memory_space<semaphore_mem>>) src(%dma_wait3A_284 : memref<10000x128xf32, #tpu.memory_space<hbm>>) dst(%arg10 : memref<125x128xf32, #tpu.memory_space<vmem>>)
      %dma_wait3A_285 = arith.constant 1 : i32
      %dma_wait3A_286 = arith.constant 6 : i32
      %dma_wait3A_287 = arith.constant 0 : i32
      %dma_wait3A_288 = tpu.memref_slice %arg7[%dma_wait3A_285, %dma_wait3A_286, %dma_wait3A_287] : memref<2x8x125xi32, #tpu.memory_space<vmem>> -> memref<1x1x125xi32, #tpu.memory_space<vmem>>
      %dma_wait3A_289 = tpu.memref_squeeze %dma_wait3A_288 : memref<1x1x125xi32, #tpu.memory_space<vmem>> -> memref<125xi32, #tpu.memory_space<vmem>>
      %dma_wait3A_290 = arith.constant 0 : i32
      %dma_wait3A_291 = arith.constant 0 : i32
      %dma_wait3A_292 = tpu.memref_slice %arg11[%dma_wait3A_290, %dma_wait3A_291] : memref<10240x128xf32, #tpu.memory_space<vmem_shared>> -> memref<10240x128xf32, #tpu.memory_space<vmem_shared>>
      tpu.wait_indirect_dma semaphore(%arg16 : memref<!tpu.dma_semaphore, #tpu.memory_space<semaphore_mem>>) src(%arg9 : memref<125x128xf32, #tpu.memory_space<vmem>>) dst(%dma_wait3A_292 : memref<10240x128xf32, #tpu.memory_space<vmem_shared>>)
      %add3A_293 = arith.constant 1 : i32
      %add3A_294 = arith.addi %mul3A_60, %add3A_293 : i32
      %lt3A = arith.constant 10 : i32
      %lt3A_295 = arith.cmpi slt, %add3A_294, %lt3A : i32
      %convert_element_type3A_296 = arith.extui %lt3A_295 : i1 to i32
      %cond3A_297 = arith.constant 0 : i32
      %cond3A_298 = arith.cmpi ne, %convert_element_type3A_296, %cond3A_297 : i32
      scf.if %cond3A_298 {
        %add3A_588 = arith.addi %add3A, %mul3A_60 : i32
        %add3A_589 = arith.constant 1 : i32
        %add3A_590 = arith.addi %add3A_588, %add3A_589 : i32
        %dma_wait3A_591 = arith.constant 0 : i32
        %dma_wait3A_592 = arith.constant 0 : i32
        %dma_wait3A_593 = arith.constant 0 : i32
        %dma_wait3A_594 = tpu.memref_slice %arg3[%add3A_590, %dma_wait3A_591, %dma_wait3A_592, %dma_wait3A_593] : memref<320x2x8x125xi32, #tpu.memory_space<hbm>> -> memref<1x2x8x125xi32, #tpu.memory_space<hbm>>
        %dma_wait3A_595 = tpu.memref_squeeze %dma_wait3A_594 : memref<1x2x8x125xi32, #tpu.memory_space<hbm>> -> memref<2x8x125xi32, #tpu.memory_space<hbm>>
        %dma_wait3A_596 = arith.constant 0 : i32
        %dma_wait3A_597 = arith.constant 0 : i32
        %dma_wait3A_598 = arith.constant 0 : i32
        %dma_wait3A_599 = tpu.memref_slice %arg3[%add3A_590, %dma_wait3A_596, %dma_wait3A_597, %dma_wait3A_598] : memref<320x2x8x125xi32, #tpu.memory_space<hbm>> -> memref<1x2x8x125xi32, #tpu.memory_space<hbm>>
        %dma_wait3A_600 = tpu.memref_squeeze %dma_wait3A_599 : memref<1x2x8x125xi32, #tpu.memory_space<hbm>> -> memref<2x8x125xi32, #tpu.memory_space<hbm>>
        tpu.wait_dma2 semaphore(%arg13 : memref<!tpu.dma_semaphore, #tpu.memory_space<semaphore_mem>>) src(%dma_wait3A_600 : memref<2x8x125xi32, #tpu.memory_space<hbm>>) dst(%arg8 : memref<2x8x125xi32, #tpu.memory_space<vmem>>)
        %dma_start3A_601 = arith.constant 0 : i32
        %dma_start3A_602 = arith.constant 0 : i32
        %dma_start3A_603 = arith.constant 0 : i32
        %dma_start3A_604 = tpu.memref_slice %arg8[%dma_start3A_601, %dma_start3A_602, %dma_start3A_603] : memref<2x8x125xi32, #tpu.memory_space<vmem>> -> memref<1x1x125xi32, #tpu.memory_space<vmem>>
        %dma_start3A_605 = tpu.memref_squeeze %dma_start3A_604 : memref<1x1x125xi32, #tpu.memory_space<vmem>> -> memref<125xi32, #tpu.memory_space<vmem>>
        %dma_start3A_606 = arith.constant 0 : i32
        %dma_start3A_607 = arith.constant 0 : i32
        %dma_start3A_608 = tpu.memref_slice %arg2[%dma_start3A_606, %dma_start3A_607] : memref<10000x128xf32, #tpu.memory_space<hbm>> -> memref<10000x128xf32, #tpu.memory_space<hbm>>
        tpu.enqueue_indirect_dma source(%dma_start3A_608 : memref<10000x128xf32, #tpu.memory_space<hbm>>) target(%arg9 : memref<125x128xf32, #tpu.memory_space<vmem>>) offsets(%dma_start3A_605 : memref<125xi32, #tpu.memory_space<vmem>>) semaphore(%arg14 : memref<!tpu.dma_semaphore, #tpu.memory_space<semaphore_mem>>)
      } else {
      }
      %dma_start3A_299 = arith.constant 1 : i32
      %dma_start3A_300 = arith.constant 7 : i32
      %dma_start3A_301 = arith.constant 0 : i32
      %dma_start3A_302 = tpu.memref_slice %arg7[%dma_start3A_299, %dma_start3A_300, %dma_start3A_301] : memref<2x8x125xi32, #tpu.memory_space<vmem>> -> memref<1x1x125xi32, #tpu.memory_space<vmem>>
      %dma_start3A_303 = tpu.memref_squeeze %dma_start3A_302 : memref<1x1x125xi32, #tpu.memory_space<vmem>> -> memref<125xi32, #tpu.memory_space<vmem>>
      %dma_start3A_304 = arith.constant 0 : i32
      %dma_start3A_305 = arith.constant 0 : i32
      %dma_start3A_306 = tpu.memref_slice %arg11[%dma_start3A_304, %dma_start3A_305] : memref<10240x128xf32, #tpu.memory_space<vmem_shared>> -> memref<10240x128xf32, #tpu.memory_space<vmem_shared>>
      tpu.enqueue_indirect_dma source(%arg10 : memref<125x128xf32, #tpu.memory_space<vmem>>) target(%dma_start3A_306 : memref<10240x128xf32, #tpu.memory_space<vmem_shared>>) offsets(%dma_start3A_303 : memref<125xi32, #tpu.memory_space<vmem>>) semaphore(%arg17 : memref<!tpu.dma_semaphore, #tpu.memory_space<semaphore_mem>>) {add = true}
      %dma_wait3A_307 = arith.constant 1 : i32
      %dma_wait3A_308 = arith.constant 7 : i32
      %dma_wait3A_309 = arith.constant 0 : i32
      %dma_wait3A_310 = tpu.memref_slice %arg7[%dma_wait3A_307, %dma_wait3A_308, %dma_wait3A_309] : memref<2x8x125xi32, #tpu.memory_space<vmem>> -> memref<1x1x125xi32, #tpu.memory_space<vmem>>
      %dma_wait3A_311 = tpu.memref_squeeze %dma_wait3A_310 : memref<1x1x125xi32, #tpu.memory_space<vmem>> -> memref<125xi32, #tpu.memory_space<vmem>>
      %dma_wait3A_312 = arith.constant 0 : i32
      %dma_wait3A_313 = arith.constant 0 : i32
      %dma_wait3A_314 = tpu.memref_slice %arg11[%dma_wait3A_312, %dma_wait3A_313] : memref<10240x128xf32, #tpu.memory_space<vmem_shared>> -> memref<10240x128xf32, #tpu.memory_space<vmem_shared>>
      tpu.wait_indirect_dma semaphore(%arg17 : memref<!tpu.dma_semaphore, #tpu.memory_space<semaphore_mem>>) src(%arg10 : memref<125x128xf32, #tpu.memory_space<vmem>>) dst(%dma_wait3A_314 : memref<10240x128xf32, #tpu.memory_space<vmem_shared>>)
      %add3A_315 = arith.constant 2 : i32
      %add3A_316 = arith.addi %mul3A_60, %add3A_315 : i32
      %lt3A_317 = arith.constant 10 : i32
      %lt3A_318 = arith.cmpi slt, %add3A_316, %lt3A_317 : i32
      %convert_element_type3A_319 = arith.extui %lt3A_318 : i1 to i32
      %cond3A_320 = arith.constant 0 : i32
      %cond3A_321 = arith.cmpi ne, %convert_element_type3A_319, %cond3A_320 : i32
      scf.if %cond3A_321 {
        %add3A_588 = arith.addi %add3A, %mul3A_60 : i32
        %add3A_589 = arith.constant 2 : i32
        %add3A_590 = arith.addi %add3A_588, %add3A_589 : i32
        %dma_start3A_591 = arith.constant 0 : i32
        %dma_start3A_592 = arith.constant 0 : i32
        %dma_start3A_593 = arith.constant 0 : i32
        %dma_start3A_594 = tpu.memref_slice %arg3[%add3A_590, %dma_start3A_591, %dma_start3A_592, %dma_start3A_593] : memref<320x2x8x125xi32, #tpu.memory_space<hbm>> -> memref<1x2x8x125xi32, #tpu.memory_space<hbm>>
        %dma_start3A_595 = tpu.memref_squeeze %dma_start3A_594 : memref<1x2x8x125xi32, #tpu.memory_space<hbm>> -> memref<2x8x125xi32, #tpu.memory_space<hbm>>
        %dma_start3A_596 = arith.constant 0 : i32
        %dma_start3A_597 = arith.constant 0 : i32
        %dma_start3A_598 = arith.constant 0 : i32
        %dma_start3A_599 = tpu.memref_slice %arg3[%add3A_590, %dma_start3A_596, %dma_start3A_597, %dma_start3A_598] : memref<320x2x8x125xi32, #tpu.memory_space<hbm>> -> memref<1x2x8x125xi32, #tpu.memory_space<hbm>>
        %dma_start3A_600 = tpu.memref_squeeze %dma_start3A_599 : memref<1x2x8x125xi32, #tpu.memory_space<hbm>> -> memref<2x8x125xi32, #tpu.memory_space<hbm>>
        tpu.enqueue_dma source(%dma_start3A_600 : memref<2x8x125xi32, #tpu.memory_space<hbm>>) target(%arg7 : memref<2x8x125xi32, #tpu.memory_space<vmem>>) target_semaphore(%arg12 : memref<!tpu.dma_semaphore, #tpu.memory_space<semaphore_mem>>)
      } else {
      }
      %mul3A_322 = arith.constant 2 : i32
      %mul3A_323 = arith.muli %mul3A_322, %scan3A_58 : i32
      %add3A_324 = arith.constant 1 : i32
      %add3A_325 = arith.addi %mul3A_323, %add3A_324 : i32
      %dma_wait3A_326 = arith.constant 0 : i32
      %dma_wait3A_327 = arith.constant 0 : i32
      %dma_wait3A_328 = arith.constant 0 : i32
      %dma_wait3A_329 = tpu.memref_slice %arg8[%dma_wait3A_326, %dma_wait3A_327, %dma_wait3A_328] : memref<2x8x125xi32, #tpu.memory_space<vmem>> -> memref<1x1x125xi32, #tpu.memory_space<vmem>>
      %dma_wait3A_330 = tpu.memref_squeeze %dma_wait3A_329 : memref<1x1x125xi32, #tpu.memory_space<vmem>> -> memref<125xi32, #tpu.memory_space<vmem>>
      %dma_wait3A_331 = arith.constant 0 : i32
      %dma_wait3A_332 = arith.constant 0 : i32
      %dma_wait3A_333 = tpu.memref_slice %arg2[%dma_wait3A_331, %dma_wait3A_332] : memref<10000x128xf32, #tpu.memory_space<hbm>> -> memref<10000x128xf32, #tpu.memory_space<hbm>>
      tpu.wait_indirect_dma semaphore(%arg14 : memref<!tpu.dma_semaphore, #tpu.memory_space<semaphore_mem>>) src(%dma_wait3A_333 : memref<10000x128xf32, #tpu.memory_space<hbm>>) dst(%arg9 : memref<125x128xf32, #tpu.memory_space<vmem>>)
      %dma_start3A_334 = arith.constant 0 : i32
      %dma_start3A_335 = arith.constant 1 : i32
      %dma_start3A_336 = arith.constant 0 : i32
      %dma_start3A_337 = tpu.memref_slice %arg8[%dma_start3A_334, %dma_start3A_335, %dma_start3A_336] : memref<2x8x125xi32, #tpu.memory_space<vmem>> -> memref<1x1x125xi32, #tpu.memory_space<vmem>>
      %dma_start3A_338 = tpu.memref_squeeze %dma_start3A_337 : memref<1x1x125xi32, #tpu.memory_space<vmem>> -> memref<125xi32, #tpu.memory_space<vmem>>
      %dma_start3A_339 = arith.constant 0 : i32
      %dma_start3A_340 = arith.constant 0 : i32
      %dma_start3A_341 = tpu.memref_slice %arg2[%dma_start3A_339, %dma_start3A_340] : memref<10000x128xf32, #tpu.memory_space<hbm>> -> memref<10000x128xf32, #tpu.memory_space<hbm>>
      tpu.enqueue_indirect_dma source(%dma_start3A_341 : memref<10000x128xf32, #tpu.memory_space<hbm>>) target(%arg10 : memref<125x128xf32, #tpu.memory_space<vmem>>) offsets(%dma_start3A_338 : memref<125xi32, #tpu.memory_space<vmem>>) semaphore(%arg15 : memref<!tpu.dma_semaphore, #tpu.memory_space<semaphore_mem>>)
      %dma_start3A_342 = arith.constant 1 : i32
      %dma_start3A_343 = arith.constant 0 : i32
      %dma_start3A_344 = arith.constant 0 : i32
      %dma_start3A_345 = tpu.memref_slice %arg8[%dma_start3A_342, %dma_start3A_343, %dma_start3A_344] : memref<2x8x125xi32, #tpu.memory_space<vmem>> -> memref<1x1x125xi32, #tpu.memory_space<vmem>>
      %dma_start3A_346 = tpu.memref_squeeze %dma_start3A_345 : memref<1x1x125xi32, #tpu.memory_space<vmem>> -> memref<125xi32, #tpu.memory_space<vmem>>
      %dma_start3A_347 = arith.constant 0 : i32
      %dma_start3A_348 = arith.constant 0 : i32
      %dma_start3A_349 = tpu.memref_slice %arg11[%dma_start3A_347, %dma_start3A_348] : memref<10240x128xf32, #tpu.memory_space<vmem_shared>> -> memref<10240x128xf32, #tpu.memory_space<vmem_shared>>
      tpu.enqueue_indirect_dma source(%arg9 : memref<125x128xf32, #tpu.memory_space<vmem>>) target(%dma_start3A_349 : memref<10240x128xf32, #tpu.memory_space<vmem_shared>>) offsets(%dma_start3A_346 : memref<125xi32, #tpu.memory_space<vmem>>) semaphore(%arg16 : memref<!tpu.dma_semaphore, #tpu.memory_space<semaphore_mem>>) {add = true}
      %dma_wait3A_350 = arith.constant 0 : i32
      %dma_wait3A_351 = arith.constant 1 : i32
      %dma_wait3A_352 = arith.constant 0 : i32
      %dma_wait3A_353 = tpu.memref_slice %arg8[%dma_wait3A_350, %dma_wait3A_351, %dma_wait3A_352] : memref<2x8x125xi32, #tpu.memory_space<vmem>> -> memref<1x1x125xi32, #tpu.memory_space<vmem>>
      %dma_wait3A_354 = tpu.memref_squeeze %dma_wait3A_353 : memref<1x1x125xi32, #tpu.memory_space<vmem>> -> memref<125xi32, #tpu.memory_space<vmem>>
      %dma_wait3A_355 = arith.constant 0 : i32
      %dma_wait3A_356 = arith.constant 0 : i32
      %dma_wait3A_357 = tpu.memref_slice %arg2[%dma_wait3A_355, %dma_wait3A_356] : memref<10000x128xf32, #tpu.memory_space<hbm>> -> memref<10000x128xf32, #tpu.memory_space<hbm>>
      tpu.wait_indirect_dma semaphore(%arg15 : memref<!tpu.dma_semaphore, #tpu.memory_space<semaphore_mem>>) src(%dma_wait3A_357 : memref<10000x128xf32, #tpu.memory_space<hbm>>) dst(%arg10 : memref<125x128xf32, #tpu.memory_space<vmem>>)
      %dma_wait3A_358 = arith.constant 1 : i32
      %dma_wait3A_359 = arith.constant 0 : i32
      %dma_wait3A_360 = arith.constant 0 : i32
      %dma_wait3A_361 = tpu.memref_slice %arg8[%dma_wait3A_358, %dma_wait3A_359, %dma_wait3A_360] : memref<2x8x125xi32, #tpu.memory_space<vmem>> -> memref<1x1x125xi32, #tpu.memory_space<vmem>>
      %dma_wait3A_362 = tpu.memref_squeeze %dma_wait3A_361 : memref<1x1x125xi32, #tpu.memory_space<vmem>> -> memref<125xi32, #tpu.memory_space<vmem>>
      %dma_wait3A_363 = arith.constant 0 : i32
      %dma_wait3A_364 = arith.constant 0 : i32
      %dma_wait3A_365 = tpu.memref_slice %arg11[%dma_wait3A_363, %dma_wait3A_364] : memref<10240x128xf32, #tpu.memory_space<vmem_shared>> -> memref<10240x128xf32, #tpu.memory_space<vmem_shared>>
      tpu.wait_indirect_dma semaphore(%arg16 : memref<!tpu.dma_semaphore, #tpu.memory_space<semaphore_mem>>) src(%arg9 : memref<125x128xf32, #tpu.memory_space<vmem>>) dst(%dma_wait3A_365 : memref<10240x128xf32, #tpu.memory_space<vmem_shared>>)
      %dma_start3A_366 = arith.constant 0 : i32
      %dma_start3A_367 = arith.constant 2 : i32
      %dma_start3A_368 = arith.constant 0 : i32
      %dma_start3A_369 = tpu.memref_slice %arg8[%dma_start3A_366, %dma_start3A_367, %dma_start3A_368] : memref<2x8x125xi32, #tpu.memory_space<vmem>> -> memref<1x1x125xi32, #tpu.memory_space<vmem>>
      %dma_start3A_370 = tpu.memref_squeeze %dma_start3A_369 : memref<1x1x125xi32, #tpu.memory_space<vmem>> -> memref<125xi32, #tpu.memory_space<vmem>>
      %dma_start3A_371 = arith.constant 0 : i32
      %dma_start3A_372 = arith.constant 0 : i32
      %dma_start3A_373 = tpu.memref_slice %arg2[%dma_start3A_371, %dma_start3A_372] : memref<10000x128xf32, #tpu.memory_space<hbm>> -> memref<10000x128xf32, #tpu.memory_space<hbm>>
      tpu.enqueue_indirect_dma source(%dma_start3A_373 : memref<10000x128xf32, #tpu.memory_space<hbm>>) target(%arg9 : memref<125x128xf32, #tpu.memory_space<vmem>>) offsets(%dma_start3A_370 : memref<125xi32, #tpu.memory_space<vmem>>) semaphore(%arg14 : memref<!tpu.dma_semaphore, #tpu.memory_space<semaphore_mem>>)
      %dma_start3A_374 = arith.constant 1 : i32
      %dma_start3A_375 = arith.constant 1 : i32
      %dma_start3A_376 = arith.constant 0 : i32
      %dma_start3A_377 = tpu.memref_slice %arg8[%dma_start3A_374, %dma_start3A_375, %dma_start3A_376] : memref<2x8x125xi32, #tpu.memory_space<vmem>> -> memref<1x1x125xi32, #tpu.memory_space<vmem>>
      %dma_start3A_378 = tpu.memref_squeeze %dma_start3A_377 : memref<1x1x125xi32, #tpu.memory_space<vmem>> -> memref<125xi32, #tpu.memory_space<vmem>>
      %dma_start3A_379 = arith.constant 0 : i32
      %dma_start3A_380 = arith.constant 0 : i32
      %dma_start3A_381 = tpu.memref_slice %arg11[%dma_start3A_379, %dma_start3A_380] : memref<10240x128xf32, #tpu.memory_space<vmem_shared>> -> memref<10240x128xf32, #tpu.memory_space<vmem_shared>>
      tpu.enqueue_indirect_dma source(%arg10 : memref<125x128xf32, #tpu.memory_space<vmem>>) target(%dma_start3A_381 : memref<10240x128xf32, #tpu.memory_space<vmem_shared>>) offsets(%dma_start3A_378 : memref<125xi32, #tpu.memory_space<vmem>>) semaphore(%arg17 : memref<!tpu.dma_semaphore, #tpu.memory_space<semaphore_mem>>) {add = true}
      %dma_wait3A_382 = arith.constant 0 : i32
      %dma_wait3A_383 = arith.constant 2 : i32
      %dma_wait3A_384 = arith.constant 0 : i32
      %dma_wait3A_385 = tpu.memref_slice %arg8[%dma_wait3A_382, %dma_wait3A_383, %dma_wait3A_384] : memref<2x8x125xi32, #tpu.memory_space<vmem>> -> memref<1x1x125xi32, #tpu.memory_space<vmem>>
      %dma_wait3A_386 = tpu.memref_squeeze %dma_wait3A_385 : memref<1x1x125xi32, #tpu.memory_space<vmem>> -> memref<125xi32, #tpu.memory_space<vmem>>
      %dma_wait3A_387 = arith.constant 0 : i32
      %dma_wait3A_388 = arith.constant 0 : i32
      %dma_wait3A_389 = tpu.memref_slice %arg2[%dma_wait3A_387, %dma_wait3A_388] : memref<10000x128xf32, #tpu.memory_space<hbm>> -> memref<10000x128xf32, #tpu.memory_space<hbm>>
      tpu.wait_indirect_dma semaphore(%arg14 : memref<!tpu.dma_semaphore, #tpu.memory_space<semaphore_mem>>) src(%dma_wait3A_389 : memref<10000x128xf32, #tpu.memory_space<hbm>>) dst(%arg9 : memref<125x128xf32, #tpu.memory_space<vmem>>)
      %dma_wait3A_390 = arith.constant 1 : i32
      %dma_wait3A_391 = arith.constant 1 : i32
      %dma_wait3A_392 = arith.constant 0 : i32
      %dma_wait3A_393 = tpu.memref_slice %arg8[%dma_wait3A_390, %dma_wait3A_391, %dma_wait3A_392] : memref<2x8x125xi32, #tpu.memory_space<vmem>> -> memref<1x1x125xi32, #tpu.memory_space<vmem>>
      %dma_wait3A_394 = tpu.memref_squeeze %dma_wait3A_393 : memref<1x1x125xi32, #tpu.memory_space<vmem>> -> memref<125xi32, #tpu.memory_space<vmem>>
      %dma_wait3A_395 = arith.constant 0 : i32
      %dma_wait3A_396 = arith.constant 0 : i32
      %dma_wait3A_397 = tpu.memref_slice %arg11[%dma_wait3A_395, %dma_wait3A_396] : memref<10240x128xf32, #tpu.memory_space<vmem_shared>> -> memref<10240x128xf32, #tpu.memory_space<vmem_shared>>
      tpu.wait_indirect_dma semaphore(%arg17 : memref<!tpu.dma_semaphore, #tpu.memory_space<semaphore_mem>>) src(%arg10 : memref<125x128xf32, #tpu.memory_space<vmem>>) dst(%dma_wait3A_397 : memref<10240x128xf32, #tpu.memory_space<vmem_shared>>)
      %dma_start3A_398 = arith.constant 0 : i32
      %dma_start3A_399 = arith.constant 3 : i32
      %dma_start3A_400 = arith.constant 0 : i32
      %dma_start3A_401 = tpu.memref_slice %arg8[%dma_start3A_398, %dma_start3A_399, %dma_start3A_400] : memref<2x8x125xi32, #tpu.memory_space<vmem>> -> memref<1x1x125xi32, #tpu.memory_space<vmem>>
      %dma_start3A_402 = tpu.memref_squeeze %dma_start3A_401 : memref<1x1x125xi32, #tpu.memory_space<vmem>> -> memref<125xi32, #tpu.memory_space<vmem>>
      %dma_start3A_403 = arith.constant 0 : i32
      %dma_start3A_404 = arith.constant 0 : i32
      %dma_start3A_405 = tpu.memref_slice %arg2[%dma_start3A_403, %dma_start3A_404] : memref<10000x128xf32, #tpu.memory_space<hbm>> -> memref<10000x128xf32, #tpu.memory_space<hbm>>
      tpu.enqueue_indirect_dma source(%dma_start3A_405 : memref<10000x128xf32, #tpu.memory_space<hbm>>) target(%arg10 : memref<125x128xf32, #tpu.memory_space<vmem>>) offsets(%dma_start3A_402 : memref<125xi32, #tpu.memory_space<vmem>>) semaphore(%arg15 : memref<!tpu.dma_semaphore, #tpu.memory_space<semaphore_mem>>)
      %dma_start3A_406 = arith.constant 1 : i32
      %dma_start3A_407 = arith.constant 2 : i32
      %dma_start3A_408 = arith.constant 0 : i32
      %dma_start3A_409 = tpu.memref_slice %arg8[%dma_start3A_406, %dma_start3A_407, %dma_start3A_408] : memref<2x8x125xi32, #tpu.memory_space<vmem>> -> memref<1x1x125xi32, #tpu.memory_space<vmem>>
      %dma_start3A_410 = tpu.memref_squeeze %dma_start3A_409 : memref<1x1x125xi32, #tpu.memory_space<vmem>> -> memref<125xi32, #tpu.memory_space<vmem>>
      %dma_start3A_411 = arith.constant 0 : i32
      %dma_start3A_412 = arith.constant 0 : i32
      %dma_start3A_413 = tpu.memref_slice %arg11[%dma_start3A_411, %dma_start3A_412] : memref<10240x128xf32, #tpu.memory_space<vmem_shared>> -> memref<10240x128xf32, #tpu.memory_space<vmem_shared>>
      tpu.enqueue_indirect_dma source(%arg9 : memref<125x128xf32, #tpu.memory_space<vmem>>) target(%dma_start3A_413 : memref<10240x128xf32, #tpu.memory_space<vmem_shared>>) offsets(%dma_start3A_410 : memref<125xi32, #tpu.memory_space<vmem>>) semaphore(%arg16 : memref<!tpu.dma_semaphore, #tpu.memory_space<semaphore_mem>>) {add = true}
      %dma_wait3A_414 = arith.constant 0 : i32
      %dma_wait3A_415 = arith.constant 3 : i32
      %dma_wait3A_416 = arith.constant 0 : i32
      %dma_wait3A_417 = tpu.memref_slice %arg8[%dma_wait3A_414, %dma_wait3A_415, %dma_wait3A_416] : memref<2x8x125xi32, #tpu.memory_space<vmem>> -> memref<1x1x125xi32, #tpu.memory_space<vmem>>
      %dma_wait3A_418 = tpu.memref_squeeze %dma_wait3A_417 : memref<1x1x125xi32, #tpu.memory_space<vmem>> -> memref<125xi32, #tpu.memory_space<vmem>>
      %dma_wait3A_419 = arith.constant 0 : i32
      %dma_wait3A_420 = arith.constant 0 : i32
      %dma_wait3A_421 = tpu.memref_slice %arg2[%dma_wait3A_419, %dma_wait3A_420] : memref<10000x128xf32, #tpu.memory_space<hbm>> -> memref<10000x128xf32, #tpu.memory_space<hbm>>
      tpu.wait_indirect_dma semaphore(%arg15 : memref<!tpu.dma_semaphore, #tpu.memory_space<semaphore_mem>>) src(%dma_wait3A_421 : memref<10000x128xf32, #tpu.memory_space<hbm>>) dst(%arg10 : memref<125x128xf32, #tpu.memory_space<vmem>>)
      %dma_wait3A_422 = arith.constant 1 : i32
      %dma_wait3A_423 = arith.constant 2 : i32
      %dma_wait3A_424 = arith.constant 0 : i32
      %dma_wait3A_425 = tpu.memref_slice %arg8[%dma_wait3A_422, %dma_wait3A_423, %dma_wait3A_424] : memref<2x8x125xi32, #tpu.memory_space<vmem>> -> memref<1x1x125xi32, #tpu.memory_space<vmem>>
      %dma_wait3A_426 = tpu.memref_squeeze %dma_wait3A_425 : memref<1x1x125xi32, #tpu.memory_space<vmem>> -> memref<125xi32, #tpu.memory_space<vmem>>
      %dma_wait3A_427 = arith.constant 0 : i32
      %dma_wait3A_428 = arith.constant 0 : i32
      %dma_wait3A_429 = tpu.memref_slice %arg11[%dma_wait3A_427, %dma_wait3A_428] : memref<10240x128xf32, #tpu.memory_space<vmem_shared>> -> memref<10240x128xf32, #tpu.memory_space<vmem_shared>>
      tpu.wait_indirect_dma semaphore(%arg16 : memref<!tpu.dma_semaphore, #tpu.memory_space<semaphore_mem>>) src(%arg9 : memref<125x128xf32, #tpu.memory_space<vmem>>) dst(%dma_wait3A_429 : memref<10240x128xf32, #tpu.memory_space<vmem_shared>>)
      %dma_start3A_430 = arith.constant 0 : i32
      %dma_start3A_431 = arith.constant 4 : i32
      %dma_start3A_432 = arith.constant 0 : i32
      %dma_start3A_433 = tpu.memref_slice %arg8[%dma_start3A_430, %dma_start3A_431, %dma_start3A_432] : memref<2x8x125xi32, #tpu.memory_space<vmem>> -> memref<1x1x125xi32, #tpu.memory_space<vmem>>
      %dma_start3A_434 = tpu.memref_squeeze %dma_start3A_433 : memref<1x1x125xi32, #tpu.memory_space<vmem>> -> memref<125xi32, #tpu.memory_space<vmem>>
      %dma_start3A_435 = arith.constant 0 : i32
      %dma_start3A_436 = arith.constant 0 : i32
      %dma_start3A_437 = tpu.memref_slice %arg2[%dma_start3A_435, %dma_start3A_436] : memref<10000x128xf32, #tpu.memory_space<hbm>> -> memref<10000x128xf32, #tpu.memory_space<hbm>>
      tpu.enqueue_indirect_dma source(%dma_start3A_437 : memref<10000x128xf32, #tpu.memory_space<hbm>>) target(%arg9 : memref<125x128xf32, #tpu.memory_space<vmem>>) offsets(%dma_start3A_434 : memref<125xi32, #tpu.memory_space<vmem>>) semaphore(%arg14 : memref<!tpu.dma_semaphore, #tpu.memory_space<semaphore_mem>>)
      %dma_start3A_438 = arith.constant 1 : i32
      %dma_start3A_439 = arith.constant 3 : i32
      %dma_start3A_440 = arith.constant 0 : i32
      %dma_start3A_441 = tpu.memref_slice %arg8[%dma_start3A_438, %dma_start3A_439, %dma_start3A_440] : memref<2x8x125xi32, #tpu.memory_space<vmem>> -> memref<1x1x125xi32, #tpu.memory_space<vmem>>
      %dma_start3A_442 = tpu.memref_squeeze %dma_start3A_441 : memref<1x1x125xi32, #tpu.memory_space<vmem>> -> memref<125xi32, #tpu.memory_space<vmem>>
      %dma_start3A_443 = arith.constant 0 : i32
      %dma_start3A_444 = arith.constant 0 : i32
      %dma_start3A_445 = tpu.memref_slice %arg11[%dma_start3A_443, %dma_start3A_444] : memref<10240x128xf32, #tpu.memory_space<vmem_shared>> -> memref<10240x128xf32, #tpu.memory_space<vmem_shared>>
      tpu.enqueue_indirect_dma source(%arg10 : memref<125x128xf32, #tpu.memory_space<vmem>>) target(%dma_start3A_445 : memref<10240x128xf32, #tpu.memory_space<vmem_shared>>) offsets(%dma_start3A_442 : memref<125xi32, #tpu.memory_space<vmem>>) semaphore(%arg17 : memref<!tpu.dma_semaphore, #tpu.memory_space<semaphore_mem>>) {add = true}
      %dma_wait3A_446 = arith.constant 0 : i32
      %dma_wait3A_447 = arith.constant 4 : i32
      %dma_wait3A_448 = arith.constant 0 : i32
      %dma_wait3A_449 = tpu.memref_slice %arg8[%dma_wait3A_446, %dma_wait3A_447, %dma_wait3A_448] : memref<2x8x125xi32, #tpu.memory_space<vmem>> -> memref<1x1x125xi32, #tpu.memory_space<vmem>>
      %dma_wait3A_450 = tpu.memref_squeeze %dma_wait3A_449 : memref<1x1x125xi32, #tpu.memory_space<vmem>> -> memref<125xi32, #tpu.memory_space<vmem>>
      %dma_wait3A_451 = arith.constant 0 : i32
      %dma_wait3A_452 = arith.constant 0 : i32
      %dma_wait3A_453 = tpu.memref_slice %arg2[%dma_wait3A_451, %dma_wait3A_452] : memref<10000x128xf32, #tpu.memory_space<hbm>> -> memref<10000x128xf32, #tpu.memory_space<hbm>>
      tpu.wait_indirect_dma semaphore(%arg14 : memref<!tpu.dma_semaphore, #tpu.memory_space<semaphore_mem>>) src(%dma_wait3A_453 : memref<10000x128xf32, #tpu.memory_space<hbm>>) dst(%arg9 : memref<125x128xf32, #tpu.memory_space<vmem>>)
      %dma_wait3A_454 = arith.constant 1 : i32
      %dma_wait3A_455 = arith.constant 3 : i32
      %dma_wait3A_456 = arith.constant 0 : i32
      %dma_wait3A_457 = tpu.memref_slice %arg8[%dma_wait3A_454, %dma_wait3A_455, %dma_wait3A_456] : memref<2x8x125xi32, #tpu.memory_space<vmem>> -> memref<1x1x125xi32, #tpu.memory_space<vmem>>
      %dma_wait3A_458 = tpu.memref_squeeze %dma_wait3A_457 : memref<1x1x125xi32, #tpu.memory_space<vmem>> -> memref<125xi32, #tpu.memory_space<vmem>>
      %dma_wait3A_459 = arith.constant 0 : i32
      %dma_wait3A_460 = arith.constant 0 : i32
      %dma_wait3A_461 = tpu.memref_slice %arg11[%dma_wait3A_459, %dma_wait3A_460] : memref<10240x128xf32, #tpu.memory_space<vmem_shared>> -> memref<10240x128xf32, #tpu.memory_space<vmem_shared>>
      tpu.wait_indirect_dma semaphore(%arg17 : memref<!tpu.dma_semaphore, #tpu.memory_space<semaphore_mem>>) src(%arg10 : memref<125x128xf32, #tpu.memory_space<vmem>>) dst(%dma_wait3A_461 : memref<10240x128xf32, #tpu.memory_space<vmem_shared>>)
      %dma_start3A_462 = arith.constant 0 : i32
      %dma_start3A_463 = arith.constant 5 : i32
      %dma_start3A_464 = arith.constant 0 : i32
      %dma_start3A_465 = tpu.memref_slice %arg8[%dma_start3A_462, %dma_start3A_463, %dma_start3A_464] : memref<2x8x125xi32, #tpu.memory_space<vmem>> -> memref<1x1x125xi32, #tpu.memory_space<vmem>>
      %dma_start3A_466 = tpu.memref_squeeze %dma_start3A_465 : memref<1x1x125xi32, #tpu.memory_space<vmem>> -> memref<125xi32, #tpu.memory_space<vmem>>
      %dma_start3A_467 = arith.constant 0 : i32
      %dma_start3A_468 = arith.constant 0 : i32
      %dma_start3A_469 = tpu.memref_slice %arg2[%dma_start3A_467, %dma_start3A_468] : memref<10000x128xf32, #tpu.memory_space<hbm>> -> memref<10000x128xf32, #tpu.memory_space<hbm>>
      tpu.enqueue_indirect_dma source(%dma_start3A_469 : memref<10000x128xf32, #tpu.memory_space<hbm>>) target(%arg10 : memref<125x128xf32, #tpu.memory_space<vmem>>) offsets(%dma_start3A_466 : memref<125xi32, #tpu.memory_space<vmem>>) semaphore(%arg15 : memref<!tpu.dma_semaphore, #tpu.memory_space<semaphore_mem>>)
      %dma_start3A_470 = arith.constant 1 : i32
      %dma_start3A_471 = arith.constant 4 : i32
      %dma_start3A_472 = arith.constant 0 : i32
      %dma_start3A_473 = tpu.memref_slice %arg8[%dma_start3A_470, %dma_start3A_471, %dma_start3A_472] : memref<2x8x125xi32, #tpu.memory_space<vmem>> -> memref<1x1x125xi32, #tpu.memory_space<vmem>>
      %dma_start3A_474 = tpu.memref_squeeze %dma_start3A_473 : memref<1x1x125xi32, #tpu.memory_space<vmem>> -> memref<125xi32, #tpu.memory_space<vmem>>
      %dma_start3A_475 = arith.constant 0 : i32
      %dma_start3A_476 = arith.constant 0 : i32
      %dma_start3A_477 = tpu.memref_slice %arg11[%dma_start3A_475, %dma_start3A_476] : memref<10240x128xf32, #tpu.memory_space<vmem_shared>> -> memref<10240x128xf32, #tpu.memory_space<vmem_shared>>
      tpu.enqueue_indirect_dma source(%arg9 : memref<125x128xf32, #tpu.memory_space<vmem>>) target(%dma_start3A_477 : memref<10240x128xf32, #tpu.memory_space<vmem_shared>>) offsets(%dma_start3A_474 : memref<125xi32, #tpu.memory_space<vmem>>) semaphore(%arg16 : memref<!tpu.dma_semaphore, #tpu.memory_space<semaphore_mem>>) {add = true}
      %dma_wait3A_478 = arith.constant 0 : i32
      %dma_wait3A_479 = arith.constant 5 : i32
      %dma_wait3A_480 = arith.constant 0 : i32
      %dma_wait3A_481 = tpu.memref_slice %arg8[%dma_wait3A_478, %dma_wait3A_479, %dma_wait3A_480] : memref<2x8x125xi32, #tpu.memory_space<vmem>> -> memref<1x1x125xi32, #tpu.memory_space<vmem>>
      %dma_wait3A_482 = tpu.memref_squeeze %dma_wait3A_481 : memref<1x1x125xi32, #tpu.memory_space<vmem>> -> memref<125xi32, #tpu.memory_space<vmem>>
      %dma_wait3A_483 = arith.constant 0 : i32
      %dma_wait3A_484 = arith.constant 0 : i32
      %dma_wait3A_485 = tpu.memref_slice %arg2[%dma_wait3A_483, %dma_wait3A_484] : memref<10000x128xf32, #tpu.memory_space<hbm>> -> memref<10000x128xf32, #tpu.memory_space<hbm>>
      tpu.wait_indirect_dma semaphore(%arg15 : memref<!tpu.dma_semaphore, #tpu.memory_space<semaphore_mem>>) src(%dma_wait3A_485 : memref<10000x128xf32, #tpu.memory_space<hbm>>) dst(%arg10 : memref<125x128xf32, #tpu.memory_space<vmem>>)
      %dma_wait3A_486 = arith.constant 1 : i32
      %dma_wait3A_487 = arith.constant 4 : i32
      %dma_wait3A_488 = arith.constant 0 : i32
      %dma_wait3A_489 = tpu.memref_slice %arg8[%dma_wait3A_486, %dma_wait3A_487, %dma_wait3A_488] : memref<2x8x125xi32, #tpu.memory_space<vmem>> -> memref<1x1x125xi32, #tpu.memory_space<vmem>>
      %dma_wait3A_490 = tpu.memref_squeeze %dma_wait3A_489 : memref<1x1x125xi32, #tpu.memory_space<vmem>> -> memref<125xi32, #tpu.memory_space<vmem>>
      %dma_wait3A_491 = arith.constant 0 : i32
      %dma_wait3A_492 = arith.constant 0 : i32
      %dma_wait3A_493 = tpu.memref_slice %arg11[%dma_wait3A_491, %dma_wait3A_492] : memref<10240x128xf32, #tpu.memory_space<vmem_shared>> -> memref<10240x128xf32, #tpu.memory_space<vmem_shared>>
      tpu.wait_indirect_dma semaphore(%arg16 : memref<!tpu.dma_semaphore, #tpu.memory_space<semaphore_mem>>) src(%arg9 : memref<125x128xf32, #tpu.memory_space<vmem>>) dst(%dma_wait3A_493 : memref<10240x128xf32, #tpu.memory_space<vmem_shared>>)
      %dma_start3A_494 = arith.constant 0 : i32
      %dma_start3A_495 = arith.constant 6 : i32
      %dma_start3A_496 = arith.constant 0 : i32
      %dma_start3A_497 = tpu.memref_slice %arg8[%dma_start3A_494, %dma_start3A_495, %dma_start3A_496] : memref<2x8x125xi32, #tpu.memory_space<vmem>> -> memref<1x1x125xi32, #tpu.memory_space<vmem>>
      %dma_start3A_498 = tpu.memref_squeeze %dma_start3A_497 : memref<1x1x125xi32, #tpu.memory_space<vmem>> -> memref<125xi32, #tpu.memory_space<vmem>>
      %dma_start3A_499 = arith.constant 0 : i32
      %dma_start3A_500 = arith.constant 0 : i32
      %dma_start3A_501 = tpu.memref_slice %arg2[%dma_start3A_499, %dma_start3A_500] : memref<10000x128xf32, #tpu.memory_space<hbm>> -> memref<10000x128xf32, #tpu.memory_space<hbm>>
      tpu.enqueue_indirect_dma source(%dma_start3A_501 : memref<10000x128xf32, #tpu.memory_space<hbm>>) target(%arg9 : memref<125x128xf32, #tpu.memory_space<vmem>>) offsets(%dma_start3A_498 : memref<125xi32, #tpu.memory_space<vmem>>) semaphore(%arg14 : memref<!tpu.dma_semaphore, #tpu.memory_space<semaphore_mem>>)
      %dma_start3A_502 = arith.constant 1 : i32
      %dma_start3A_503 = arith.constant 5 : i32
      %dma_start3A_504 = arith.constant 0 : i32
      %dma_start3A_505 = tpu.memref_slice %arg8[%dma_start3A_502, %dma_start3A_503, %dma_start3A_504] : memref<2x8x125xi32, #tpu.memory_space<vmem>> -> memref<1x1x125xi32, #tpu.memory_space<vmem>>
      %dma_start3A_506 = tpu.memref_squeeze %dma_start3A_505 : memref<1x1x125xi32, #tpu.memory_space<vmem>> -> memref<125xi32, #tpu.memory_space<vmem>>
      %dma_start3A_507 = arith.constant 0 : i32
      %dma_start3A_508 = arith.constant 0 : i32
      %dma_start3A_509 = tpu.memref_slice %arg11[%dma_start3A_507, %dma_start3A_508] : memref<10240x128xf32, #tpu.memory_space<vmem_shared>> -> memref<10240x128xf32, #tpu.memory_space<vmem_shared>>
      tpu.enqueue_indirect_dma source(%arg10 : memref<125x128xf32, #tpu.memory_space<vmem>>) target(%dma_start3A_509 : memref<10240x128xf32, #tpu.memory_space<vmem_shared>>) offsets(%dma_start3A_506 : memref<125xi32, #tpu.memory_space<vmem>>) semaphore(%arg17 : memref<!tpu.dma_semaphore, #tpu.memory_space<semaphore_mem>>) {add = true}
      %dma_wait3A_510 = arith.constant 0 : i32
      %dma_wait3A_511 = arith.constant 6 : i32
      %dma_wait3A_512 = arith.constant 0 : i32
      %dma_wait3A_513 = tpu.memref_slice %arg8[%dma_wait3A_510, %dma_wait3A_511, %dma_wait3A_512] : memref<2x8x125xi32, #tpu.memory_space<vmem>> -> memref<1x1x125xi32, #tpu.memory_space<vmem>>
      %dma_wait3A_514 = tpu.memref_squeeze %dma_wait3A_513 : memref<1x1x125xi32, #tpu.memory_space<vmem>> -> memref<125xi32, #tpu.memory_space<vmem>>
      %dma_wait3A_515 = arith.constant 0 : i32
      %dma_wait3A_516 = arith.constant 0 : i32
      %dma_wait3A_517 = tpu.memref_slice %arg2[%dma_wait3A_515, %dma_wait3A_516] : memref<10000x128xf32, #tpu.memory_space<hbm>> -> memref<10000x128xf32, #tpu.memory_space<hbm>>
      tpu.wait_indirect_dma semaphore(%arg14 : memref<!tpu.dma_semaphore, #tpu.memory_space<semaphore_mem>>) src(%dma_wait3A_517 : memref<10000x128xf32, #tpu.memory_space<hbm>>) dst(%arg9 : memref<125x128xf32, #tpu.memory_space<vmem>>)
      %dma_wait3A_518 = arith.constant 1 : i32
      %dma_wait3A_519 = arith.constant 5 : i32
      %dma_wait3A_520 = arith.constant 0 : i32
      %dma_wait3A_521 = tpu.memref_slice %arg8[%dma_wait3A_518, %dma_wait3A_519, %dma_wait3A_520] : memref<2x8x125xi32, #tpu.memory_space<vmem>> -> memref<1x1x125xi32, #tpu.memory_space<vmem>>
      %dma_wait3A_522 = tpu.memref_squeeze %dma_wait3A_521 : memref<1x1x125xi32, #tpu.memory_space<vmem>> -> memref<125xi32, #tpu.memory_space<vmem>>
      %dma_wait3A_523 = arith.constant 0 : i32
      %dma_wait3A_524 = arith.constant 0 : i32
      %dma_wait3A_525 = tpu.memref_slice %arg11[%dma_wait3A_523, %dma_wait3A_524] : memref<10240x128xf32, #tpu.memory_space<vmem_shared>> -> memref<10240x128xf32, #tpu.memory_space<vmem_shared>>
      tpu.wait_indirect_dma semaphore(%arg17 : memref<!tpu.dma_semaphore, #tpu.memory_space<semaphore_mem>>) src(%arg10 : memref<125x128xf32, #tpu.memory_space<vmem>>) dst(%dma_wait3A_525 : memref<10240x128xf32, #tpu.memory_space<vmem_shared>>)
      %dma_start3A_526 = arith.constant 0 : i32
      %dma_start3A_527 = arith.constant 7 : i32
      %dma_start3A_528 = arith.constant 0 : i32
      %dma_start3A_529 = tpu.memref_slice %arg8[%dma_start3A_526, %dma_start3A_527, %dma_start3A_528] : memref<2x8x125xi32, #tpu.memory_space<vmem>> -> memref<1x1x125xi32, #tpu.memory_space<vmem>>
      %dma_start3A_530 = tpu.memref_squeeze %dma_start3A_529 : memref<1x1x125xi32, #tpu.memory_space<vmem>> -> memref<125xi32, #tpu.memory_space<vmem>>
      %dma_start3A_531 = arith.constant 0 : i32
      %dma_start3A_532 = arith.constant 0 : i32
      %dma_start3A_533 = tpu.memref_slice %arg2[%dma_start3A_531, %dma_start3A_532] : memref<10000x128xf32, #tpu.memory_space<hbm>> -> memref<10000x128xf32, #tpu.memory_space<hbm>>
      tpu.enqueue_indirect_dma source(%dma_start3A_533 : memref<10000x128xf32, #tpu.memory_space<hbm>>) target(%arg10 : memref<125x128xf32, #tpu.memory_space<vmem>>) offsets(%dma_start3A_530 : memref<125xi32, #tpu.memory_space<vmem>>) semaphore(%arg15 : memref<!tpu.dma_semaphore, #tpu.memory_space<semaphore_mem>>)
      %dma_start3A_534 = arith.constant 1 : i32
      %dma_start3A_535 = arith.constant 6 : i32
      %dma_start3A_536 = arith.constant 0 : i32
      %dma_start3A_537 = tpu.memref_slice %arg8[%dma_start3A_534, %dma_start3A_535, %dma_start3A_536] : memref<2x8x125xi32, #tpu.memory_space<vmem>> -> memref<1x1x125xi32, #tpu.memory_space<vmem>>
      %dma_start3A_538 = tpu.memref_squeeze %dma_start3A_537 : memref<1x1x125xi32, #tpu.memory_space<vmem>> -> memref<125xi32, #tpu.memory_space<vmem>>
      %dma_start3A_539 = arith.constant 0 : i32
      %dma_start3A_540 = arith.constant 0 : i32
      %dma_start3A_541 = tpu.memref_slice %arg11[%dma_start3A_539, %dma_start3A_540] : memref<10240x128xf32, #tpu.memory_space<vmem_shared>> -> memref<10240x128xf32, #tpu.memory_space<vmem_shared>>
      tpu.enqueue_indirect_dma source(%arg9 : memref<125x128xf32, #tpu.memory_space<vmem>>) target(%dma_start3A_541 : memref<10240x128xf32, #tpu.memory_space<vmem_shared>>) offsets(%dma_start3A_538 : memref<125xi32, #tpu.memory_space<vmem>>) semaphore(%arg16 : memref<!tpu.dma_semaphore, #tpu.memory_space<semaphore_mem>>) {add = true}
      %dma_wait3A_542 = arith.constant 0 : i32
      %dma_wait3A_543 = arith.constant 7 : i32
      %dma_wait3A_544 = arith.constant 0 : i32
      %dma_wait3A_545 = tpu.memref_slice %arg8[%dma_wait3A_542, %dma_wait3A_543, %dma_wait3A_544] : memref<2x8x125xi32, #tpu.memory_space<vmem>> -> memref<1x1x125xi32, #tpu.memory_space<vmem>>
      %dma_wait3A_546 = tpu.memref_squeeze %dma_wait3A_545 : memref<1x1x125xi32, #tpu.memory_space<vmem>> -> memref<125xi32, #tpu.memory_space<vmem>>
      %dma_wait3A_547 = arith.constant 0 : i32
      %dma_wait3A_548 = arith.constant 0 : i32
      %dma_wait3A_549 = tpu.memref_slice %arg2[%dma_wait3A_547, %dma_wait3A_548] : memref<10000x128xf32, #tpu.memory_space<hbm>> -> memref<10000x128xf32, #tpu.memory_space<hbm>>
      tpu.wait_indirect_dma semaphore(%arg15 : memref<!tpu.dma_semaphore, #tpu.memory_space<semaphore_mem>>) src(%dma_wait3A_549 : memref<10000x128xf32, #tpu.memory_space<hbm>>) dst(%arg10 : memref<125x128xf32, #tpu.memory_space<vmem>>)
      %dma_wait3A_550 = arith.constant 1 : i32
      %dma_wait3A_551 = arith.constant 6 : i32
      %dma_wait3A_552 = arith.constant 0 : i32
      %dma_wait3A_553 = tpu.memref_slice %arg8[%dma_wait3A_550, %dma_wait3A_551, %dma_wait3A_552] : memref<2x8x125xi32, #tpu.memory_space<vmem>> -> memref<1x1x125xi32, #tpu.memory_space<vmem>>
      %dma_wait3A_554 = tpu.memref_squeeze %dma_wait3A_553 : memref<1x1x125xi32, #tpu.memory_space<vmem>> -> memref<125xi32, #tpu.memory_space<vmem>>
      %dma_wait3A_555 = arith.constant 0 : i32
      %dma_wait3A_556 = arith.constant 0 : i32
      %dma_wait3A_557 = tpu.memref_slice %arg11[%dma_wait3A_555, %dma_wait3A_556] : memref<10240x128xf32, #tpu.memory_space<vmem_shared>> -> memref<10240x128xf32, #tpu.memory_space<vmem_shared>>
      tpu.wait_indirect_dma semaphore(%arg16 : memref<!tpu.dma_semaphore, #tpu.memory_space<semaphore_mem>>) src(%arg9 : memref<125x128xf32, #tpu.memory_space<vmem>>) dst(%dma_wait3A_557 : memref<10240x128xf32, #tpu.memory_space<vmem_shared>>)
      %add3A_558 = arith.constant 1 : i32
      %add3A_559 = arith.addi %add3A_325, %add3A_558 : i32
      %lt3A_560 = arith.constant 10 : i32
      %lt3A_561 = arith.cmpi slt, %add3A_559, %lt3A_560 : i32
      %convert_element_type3A_562 = arith.extui %lt3A_561 : i1 to i32
      %cond3A_563 = arith.constant 0 : i32
      %cond3A_564 = arith.cmpi ne, %convert_element_type3A_562, %cond3A_563 : i32
      scf.if %cond3A_564 {
        %add3A_588 = arith.addi %add3A, %add3A_325 : i32
        %add3A_589 = arith.constant 1 : i32
        %add3A_590 = arith.addi %add3A_588, %add3A_589 : i32
        %dma_wait3A_591 = arith.constant 0 : i32
        %dma_wait3A_592 = arith.constant 0 : i32
        %dma_wait3A_593 = arith.constant 0 : i32
        %dma_wait3A_594 = tpu.memref_slice %arg3[%add3A_590, %dma_wait3A_591, %dma_wait3A_592, %dma_wait3A_593] : memref<320x2x8x125xi32, #tpu.memory_space<hbm>> -> memref<1x2x8x125xi32, #tpu.memory_space<hbm>>
        %dma_wait3A_595 = tpu.memref_squeeze %dma_wait3A_594 : memref<1x2x8x125xi32, #tpu.memory_space<hbm>> -> memref<2x8x125xi32, #tpu.memory_space<hbm>>
        %dma_wait3A_596 = arith.constant 0 : i32
        %dma_wait3A_597 = arith.constant 0 : i32
        %dma_wait3A_598 = arith.constant 0 : i32
        %dma_wait3A_599 = tpu.memref_slice %arg3[%add3A_590, %dma_wait3A_596, %dma_wait3A_597, %dma_wait3A_598] : memref<320x2x8x125xi32, #tpu.memory_space<hbm>> -> memref<1x2x8x125xi32, #tpu.memory_space<hbm>>
        %dma_wait3A_600 = tpu.memref_squeeze %dma_wait3A_599 : memref<1x2x8x125xi32, #tpu.memory_space<hbm>> -> memref<2x8x125xi32, #tpu.memory_space<hbm>>
        tpu.wait_dma2 semaphore(%arg12 : memref<!tpu.dma_semaphore, #tpu.memory_space<semaphore_mem>>) src(%dma_wait3A_600 : memref<2x8x125xi32, #tpu.memory_space<hbm>>) dst(%arg7 : memref<2x8x125xi32, #tpu.memory_space<vmem>>)
        %dma_start3A_601 = arith.constant 0 : i32
        %dma_start3A_602 = arith.constant 0 : i32
        %dma_start3A_603 = arith.constant 0 : i32
        %dma_start3A_604 = tpu.memref_slice %arg7[%dma_start3A_601, %dma_start3A_602, %dma_start3A_603] : memref<2x8x125xi32, #tpu.memory_space<vmem>> -> memref<1x1x125xi32, #tpu.memory_space<vmem>>
        %dma_start3A_605 = tpu.memref_squeeze %dma_start3A_604 : memref<1x1x125xi32, #tpu.memory_space<vmem>> -> memref<125xi32, #tpu.memory_space<vmem>>
        %dma_start3A_606 = arith.constant 0 : i32
        %dma_start3A_607 = arith.constant 0 : i32
        %dma_start3A_608 = tpu.memref_slice %arg2[%dma_start3A_606, %dma_start3A_607] : memref<10000x128xf32, #tpu.memory_space<hbm>> -> memref<10000x128xf32, #tpu.memory_space<hbm>>
        tpu.enqueue_indirect_dma source(%dma_start3A_608 : memref<10000x128xf32, #tpu.memory_space<hbm>>) target(%arg9 : memref<125x128xf32, #tpu.memory_space<vmem>>) offsets(%dma_start3A_605 : memref<125xi32, #tpu.memory_space<vmem>>) semaphore(%arg14 : memref<!tpu.dma_semaphore, #tpu.memory_space<semaphore_mem>>)
      } else {
      }
      %dma_start3A_565 = arith.constant 1 : i32
      %dma_start3A_566 = arith.constant 7 : i32
      %dma_start3A_567 = arith.constant 0 : i32
      %dma_start3A_568 = tpu.memref_slice %arg8[%dma_start3A_565, %dma_start3A_566, %dma_start3A_567] : memref<2x8x125xi32, #tpu.memory_space<vmem>> -> memref<1x1x125xi32, #tpu.memory_space<vmem>>
      %dma_start3A_569 = tpu.memref_squeeze %dma_start3A_568 : memref<1x1x125xi32, #tpu.memory_space<vmem>> -> memref<125xi32, #tpu.memory_space<vmem>>
      %dma_start3A_570 = arith.constant 0 : i32
      %dma_start3A_571 = arith.constant 0 : i32
      %dma_start3A_572 = tpu.memref_slice %arg11[%dma_start3A_570, %dma_start3A_571] : memref<10240x128xf32, #tpu.memory_space<vmem_shared>> -> memref<10240x128xf32, #tpu.memory_space<vmem_shared>>
      tpu.enqueue_indirect_dma source(%arg10 : memref<125x128xf32, #tpu.memory_space<vmem>>) target(%dma_start3A_572 : memref<10240x128xf32, #tpu.memory_space<vmem_shared>>) offsets(%dma_start3A_569 : memref<125xi32, #tpu.memory_space<vmem>>) semaphore(%arg17 : memref<!tpu.dma_semaphore, #tpu.memory_space<semaphore_mem>>) {add = true}
      %dma_wait3A_573 = arith.constant 1 : i32
      %dma_wait3A_574 = arith.constant 7 : i32
      %dma_wait3A_575 = arith.constant 0 : i32
      %dma_wait3A_576 = tpu.memref_slice %arg8[%dma_wait3A_573, %dma_wait3A_574, %dma_wait3A_575] : memref<2x8x125xi32, #tpu.memory_space<vmem>> -> memref<1x1x125xi32, #tpu.memory_space<vmem>>
      %dma_wait3A_577 = tpu.memref_squeeze %dma_wait3A_576 : memref<1x1x125xi32, #tpu.memory_space<vmem>> -> memref<125xi32, #tpu.memory_space<vmem>>
      %dma_wait3A_578 = arith.constant 0 : i32
      %dma_wait3A_579 = arith.constant 0 : i32
      %dma_wait3A_580 = tpu.memref_slice %arg11[%dma_wait3A_578, %dma_wait3A_579] : memref<10240x128xf32, #tpu.memory_space<vmem_shared>> -> memref<10240x128xf32, #tpu.memory_space<vmem_shared>>
      tpu.wait_indirect_dma semaphore(%arg17 : memref<!tpu.dma_semaphore, #tpu.memory_space<semaphore_mem>>) src(%arg10 : memref<125x128xf32, #tpu.memory_space<vmem>>) dst(%dma_wait3A_580 : memref<10240x128xf32, #tpu.memory_space<vmem_shared>>)
      %add3A_581 = arith.constant 2 : i32
      %add3A_582 = arith.addi %add3A_325, %add3A_581 : i32
      %lt3A_583 = arith.constant 10 : i32
      %lt3A_584 = arith.cmpi slt, %add3A_582, %lt3A_583 : i32
      %convert_element_type3A_585 = arith.extui %lt3A_584 : i1 to i32
      %cond3A_586 = arith.constant 0 : i32
      %cond3A_587 = arith.cmpi ne, %convert_element_type3A_585, %cond3A_586 : i32
      scf.if %cond3A_587 {
        %add3A_588 = arith.addi %add3A, %add3A_325 : i32
        %add3A_589 = arith.constant 2 : i32
        %add3A_590 = arith.addi %add3A_588, %add3A_589 : i32
        %dma_start3A_591 = arith.constant 0 : i32
        %dma_start3A_592 = arith.constant 0 : i32
        %dma_start3A_593 = arith.constant 0 : i32
        %dma_start3A_594 = tpu.memref_slice %arg3[%add3A_590, %dma_start3A_591, %dma_start3A_592, %dma_start3A_593] : memref<320x2x8x125xi32, #tpu.memory_space<hbm>> -> memref<1x2x8x125xi32, #tpu.memory_space<hbm>>
        %dma_start3A_595 = tpu.memref_squeeze %dma_start3A_594 : memref<1x2x8x125xi32, #tpu.memory_space<hbm>> -> memref<2x8x125xi32, #tpu.memory_space<hbm>>
        %dma_start3A_596 = arith.constant 0 : i32
        %dma_start3A_597 = arith.constant 0 : i32
        %dma_start3A_598 = arith.constant 0 : i32
        %dma_start3A_599 = tpu.memref_slice %arg3[%add3A_590, %dma_start3A_596, %dma_start3A_597, %dma_start3A_598] : memref<320x2x8x125xi32, #tpu.memory_space<hbm>> -> memref<1x2x8x125xi32, #tpu.memory_space<hbm>>
        %dma_start3A_600 = tpu.memref_squeeze %dma_start3A_599 : memref<1x2x8x125xi32, #tpu.memory_space<hbm>> -> memref<2x8x125xi32, #tpu.memory_space<hbm>>
        tpu.enqueue_dma source(%dma_start3A_600 : memref<2x8x125xi32, #tpu.memory_space<hbm>>) target(%arg8 : memref<2x8x125xi32, #tpu.memory_space<vmem>>) target_semaphore(%arg13 : memref<!tpu.dma_semaphore, #tpu.memory_space<semaphore_mem>>)
      } else {
      }
    }
    %scan3A_49 = arith.constant 5 : i32
    %barrier3A_50 = arith.constant 0 : index
    tpu.barrier barrier_id(%barrier3A_50)
    %eq3A = arith.constant 0 : i32
    %eq3A_51 = arith.cmpi eq, %arg0, %eq3A : i32
    %convert_element_type3A = arith.extui %eq3A_51 : i1 to i32
    %cond3A = arith.constant 0 : i32
    %cond3A_52 = arith.cmpi ne, %convert_element_type3A, %cond3A : i32
    scf.if %cond3A_52 {
      %mul3A_58 = arith.constant 640 : i32
      %mul3A_59 = arith.muli %arg1, %mul3A_58 : i32
      %mul3A_60 = arith.constant 640 : i32
      %mul3A_61 = arith.muli %arg1, %mul3A_60 : i32
      "tpu.region"() ({
        %run_scoped3A = tpu.sem_alloc : memref<!tpu.dma_semaphore, #tpu.memory_space<semaphore_mem>>
        %dma_start3A_62 = arith.constant 0 : i32
        %dma_start3A_63 = tpu.memref_slice %arg5[%mul3A_61, %dma_start3A_62] : memref<10240x128xf32, #tpu.memory_space<hbm>> -> memref<640x128xf32, #tpu.memory_space<hbm>>
        %dma_start3A_64 = arith.constant 0 : i32
        %dma_start3A_65 = tpu.memref_slice %arg11[%mul3A_59, %dma_start3A_64] : memref<10240x128xf32, #tpu.memory_space<vmem_shared>> -> memref<640x128xf32, #tpu.memory_space<vmem_shared>>
        tpu.enqueue_dma source(%dma_start3A_65 : memref<640x128xf32, #tpu.memory_space<vmem_shared>>) target(%dma_start3A_63 : memref<640x128xf32, #tpu.memory_space<hbm>>) target_semaphore(%run_scoped3A : memref<!tpu.dma_semaphore, #tpu.memory_space<semaphore_mem>>)
        %dma_wait3A_66 = arith.constant 0 : i32
        %dma_wait3A_67 = tpu.memref_slice %arg5[%mul3A_61, %dma_wait3A_66] : memref<10240x128xf32, #tpu.memory_space<hbm>> -> memref<640x128xf32, #tpu.memory_space<hbm>>
        %dma_wait3A_68 = arith.constant 0 : i32
        %dma_wait3A_69 = tpu.memref_slice %arg11[%mul3A_59, %dma_wait3A_68] : memref<10240x128xf32, #tpu.memory_space<vmem_shared>> -> memref<640x128xf32, #tpu.memory_space<vmem_shared>>
        tpu.wait_dma2 semaphore(%run_scoped3A : memref<!tpu.dma_semaphore, #tpu.memory_space<semaphore_mem>>) src(%dma_wait3A_69 : memref<640x128xf32, #tpu.memory_space<vmem_shared>>) dst(%dma_wait3A_67 : memref<640x128xf32, #tpu.memory_space<hbm>>)
        tpu.yield
      }) : () -> ()
    } else {
    }
    %eq3A_53 = arith.constant 1 : i32
    %eq3A_54 = arith.cmpi eq, %arg0, %eq3A_53 : i32
    %convert_element_type3A_55 = arith.extui %eq3A_54 : i1 to i32
    %cond3A_56 = arith.constant 0 : i32
    %cond3A_57 = arith.cmpi ne, %convert_element_type3A_55, %cond3A_56 : i32
    scf.if %cond3A_57 {
      %mul3A_58 = arith.constant 640 : i32
      %mul3A_59 = arith.muli %arg1, %mul3A_58 : i32
      %mul3A_60 = arith.constant 640 : i32
      %mul3A_61 = arith.muli %arg1, %mul3A_60 : i32
      "tpu.region"() ({
        %run_scoped3A = tpu.sem_alloc : memref<!tpu.dma_semaphore, #tpu.memory_space<semaphore_mem>>
        %dma_start3A_62 = arith.constant 0 : i32
        %dma_start3A_63 = tpu.memref_slice %arg6[%mul3A_61, %dma_start3A_62] : memref<10240x128xf32, #tpu.memory_space<hbm>> -> memref<640x128xf32, #tpu.memory_space<hbm>>
        %dma_start3A_64 = arith.constant 0 : i32
        %dma_start3A_65 = tpu.memref_slice %arg11[%mul3A_59, %dma_start3A_64] : memref<10240x128xf32, #tpu.memory_space<vmem_shared>> -> memref<640x128xf32, #tpu.memory_space<vmem_shared>>
        tpu.enqueue_dma source(%dma_start3A_65 : memref<640x128xf32, #tpu.memory_space<vmem_shared>>) target(%dma_start3A_63 : memref<640x128xf32, #tpu.memory_space<hbm>>) target_semaphore(%run_scoped3A : memref<!tpu.dma_semaphore, #tpu.memory_space<semaphore_mem>>)
        %dma_wait3A_66 = arith.constant 0 : i32
        %dma_wait3A_67 = tpu.memref_slice %arg6[%mul3A_61, %dma_wait3A_66] : memref<10240x128xf32, #tpu.memory_space<hbm>> -> memref<640x128xf32, #tpu.memory_space<hbm>>
        %dma_wait3A_68 = arith.constant 0 : i32
        %dma_wait3A_69 = tpu.memref_slice %arg11[%mul3A_59, %dma_wait3A_68] : memref<10240x128xf32, #tpu.memory_space<vmem_shared>> -> memref<640x128xf32, #tpu.memory_space<vmem_shared>>
        tpu.wait_dma2 semaphore(%run_scoped3A : memref<!tpu.dma_semaphore, #tpu.memory_space<semaphore_mem>>) src(%dma_wait3A_69 : memref<640x128xf32, #tpu.memory_space<vmem_shared>>) dst(%dma_wait3A_67 : memref<640x128xf32, #tpu.memory_space<hbm>>)
        tpu.yield
      }) : () -> ()
    } else {
    }
    return
  }
}

#map = affine_map<(d0, d1) -> (0, 0)>
#map1 = affine_map<(d0, d1) -> (0, 0, 0, 0)>
module attributes {stable_mosaic.version = 14 : i64} {
  func.func @sc_agg(%arg0: i32, %arg1: i32, %arg2: memref<20000x128xf32, #tpu.memory_space<hbm>>, %arg3: memref<640x2x8x125xi32, #tpu.memory_space<hbm>>, %arg4: memref<10240x128xf32, #tpu.memory_space<hbm>>, %arg5: memref<10240x128xf32, #tpu.memory_space<hbm>>, %arg6: memref<10240x128xf32, #tpu.memory_space<hbm>>, %arg7: memref<2x8x125xi32, #tpu.memory_space<vmem>>, %arg8: memref<2x8x125xi32, #tpu.memory_space<vmem>>, %arg9: memref<125x128xf32, #tpu.memory_space<vmem>>, %arg10: memref<125x128xf32, #tpu.memory_space<vmem>>, %arg11: memref<10240x128xf32, #tpu.memory_space<vmem_shared>>, %arg12: memref<!tpu.dma_semaphore, #tpu.memory_space<semaphore_mem>>, %arg13: memref<!tpu.dma_semaphore, #tpu.memory_space<semaphore_mem>>, %arg14: memref<!tpu.dma_semaphore, #tpu.memory_space<semaphore_mem>>, %arg15: memref<!tpu.dma_semaphore, #tpu.memory_space<semaphore_mem>>, %arg16: memref<!tpu.dma_semaphore, #tpu.memory_space<semaphore_mem>>, %arg17: memref<!tpu.dma_semaphore, #tpu.memory_space<semaphore_mem>>) attributes {dimension_semantics = [#tpu.dimension_semantics<core_parallel>, #tpu.dimension_semantics<subcore_parallel>], iteration_bounds = array<i64: 2, 16>, scalar_prefetch = 0 : i64, scratch_operands = 11 : i64, tpu.core_type = #tpu.core_type<sc_vector_subcore>, window_params = [{transform_indices = #map}, {transform_indices = #map1}, {transform_indices = #map}, {transform_indices = #map}, {transform_indices = #map}]} {
    %mul3A = arith.constant 320 : i32
    %mul3A_0 = arith.muli %arg0, %mul3A : i32
    %mul3A_1 = arith.constant 20 : i32
    %mul3A_2 = arith.muli %arg1, %mul3A_1 : i32
    %add3A = arith.addi %mul3A_0, %mul3A_2 : i32
    %mul3A_3 = arith.constant 640 : i32
    %mul3A_4 = arith.muli %arg1, %mul3A_3 : i32
    %mul3A_5 = arith.constant 640 : i32
    %mul3A_6 = arith.muli %arg1, %mul3A_5 : i32
    "tpu.region"() ({
      %run_scoped3A = tpu.sem_alloc : memref<!tpu.dma_semaphore, #tpu.memory_space<semaphore_mem>>
      %dma_start3A_58 = arith.constant 0 : i32
      %dma_start3A_59 = tpu.memref_slice %arg11[%mul3A_6, %dma_start3A_58] : memref<10240x128xf32, #tpu.memory_space<vmem_shared>> -> memref<640x128xf32, #tpu.memory_space<vmem_shared>>
      %dma_start3A_60 = arith.constant 0 : i32
      %dma_start3A_61 = tpu.memref_slice %arg4[%mul3A_4, %dma_start3A_60] : memref<10240x128xf32, #tpu.memory_space<hbm>> -> memref<640x128xf32, #tpu.memory_space<hbm>>
      tpu.enqueue_dma source(%dma_start3A_61 : memref<640x128xf32, #tpu.memory_space<hbm>>) target(%dma_start3A_59 : memref<640x128xf32, #tpu.memory_space<vmem_shared>>) target_semaphore(%run_scoped3A : memref<!tpu.dma_semaphore, #tpu.memory_space<semaphore_mem>>)
      %dma_wait3A_62 = arith.constant 0 : i32
      %dma_wait3A_63 = tpu.memref_slice %arg11[%mul3A_6, %dma_wait3A_62] : memref<10240x128xf32, #tpu.memory_space<vmem_shared>> -> memref<640x128xf32, #tpu.memory_space<vmem_shared>>
      %dma_wait3A_64 = arith.constant 0 : i32
      %dma_wait3A_65 = tpu.memref_slice %arg4[%mul3A_4, %dma_wait3A_64] : memref<10240x128xf32, #tpu.memory_space<hbm>> -> memref<640x128xf32, #tpu.memory_space<hbm>>
      tpu.wait_dma2 semaphore(%run_scoped3A : memref<!tpu.dma_semaphore, #tpu.memory_space<semaphore_mem>>) src(%dma_wait3A_65 : memref<640x128xf32, #tpu.memory_space<hbm>>) dst(%dma_wait3A_63 : memref<640x128xf32, #tpu.memory_space<vmem_shared>>)
      tpu.yield
    }) : () -> ()
    %barrier3A = arith.constant 0 : index
    tpu.barrier barrier_id(%barrier3A)
    %dma_start3A = arith.constant 0 : i32
    %dma_start3A_7 = arith.constant 0 : i32
    %dma_start3A_8 = arith.constant 0 : i32
    %dma_start3A_9 = tpu.memref_slice %arg3[%add3A, %dma_start3A, %dma_start3A_7, %dma_start3A_8] : memref<640x2x8x125xi32, #tpu.memory_space<hbm>> -> memref<1x2x8x125xi32, #tpu.memory_space<hbm>>
    %dma_start3A_10 = tpu.memref_squeeze %dma_start3A_9 : memref<1x2x8x125xi32, #tpu.memory_space<hbm>> -> memref<2x8x125xi32, #tpu.memory_space<hbm>>
    %dma_start3A_11 = arith.constant 0 : i32
    %dma_start3A_12 = arith.constant 0 : i32
    %dma_start3A_13 = arith.constant 0 : i32
    %dma_start3A_14 = tpu.memref_slice %arg3[%add3A, %dma_start3A_11, %dma_start3A_12, %dma_start3A_13] : memref<640x2x8x125xi32, #tpu.memory_space<hbm>> -> memref<1x2x8x125xi32, #tpu.memory_space<hbm>>
    %dma_start3A_15 = tpu.memref_squeeze %dma_start3A_14 : memref<1x2x8x125xi32, #tpu.memory_space<hbm>> -> memref<2x8x125xi32, #tpu.memory_space<hbm>>
    tpu.enqueue_dma source(%dma_start3A_15 : memref<2x8x125xi32, #tpu.memory_space<hbm>>) target(%arg7 : memref<2x8x125xi32, #tpu.memory_space<vmem>>) target_semaphore(%arg12 : memref<!tpu.dma_semaphore, #tpu.memory_space<semaphore_mem>>)
    %add3A_16 = arith.constant 1 : i32
    %add3A_17 = arith.addi %add3A, %add3A_16 : i32
    %dma_start3A_18 = arith.constant 0 : i32
    %dma_start3A_19 = arith.constant 0 : i32
    %dma_start3A_20 = arith.constant 0 : i32
    %dma_start3A_21 = tpu.memref_slice %arg3[%add3A_17, %dma_start3A_18, %dma_start3A_19, %dma_start3A_20] : memref<640x2x8x125xi32, #tpu.memory_space<hbm>> -> memref<1x2x8x125xi32, #tpu.memory_space<hbm>>
    %dma_start3A_22 = tpu.memref_squeeze %dma_start3A_21 : memref<1x2x8x125xi32, #tpu.memory_space<hbm>> -> memref<2x8x125xi32, #tpu.memory_space<hbm>>
    %dma_start3A_23 = arith.constant 0 : i32
    %dma_start3A_24 = arith.constant 0 : i32
    %dma_start3A_25 = arith.constant 0 : i32
    %dma_start3A_26 = tpu.memref_slice %arg3[%add3A_17, %dma_start3A_23, %dma_start3A_24, %dma_start3A_25] : memref<640x2x8x125xi32, #tpu.memory_space<hbm>> -> memref<1x2x8x125xi32, #tpu.memory_space<hbm>>
    %dma_start3A_27 = tpu.memref_squeeze %dma_start3A_26 : memref<1x2x8x125xi32, #tpu.memory_space<hbm>> -> memref<2x8x125xi32, #tpu.memory_space<hbm>>
    tpu.enqueue_dma source(%dma_start3A_27 : memref<2x8x125xi32, #tpu.memory_space<hbm>>) target(%arg8 : memref<2x8x125xi32, #tpu.memory_space<vmem>>) target_semaphore(%arg13 : memref<!tpu.dma_semaphore, #tpu.memory_space<semaphore_mem>>)
    %dma_wait3A = arith.constant 0 : i32
    %dma_wait3A_28 = arith.constant 0 : i32
    %dma_wait3A_29 = arith.constant 0 : i32
    %dma_wait3A_30 = tpu.memref_slice %arg3[%add3A, %dma_wait3A, %dma_wait3A_28, %dma_wait3A_29] : memref<640x2x8x125xi32, #tpu.memory_space<hbm>> -> memref<1x2x8x125xi32, #tpu.memory_space<hbm>>
    %dma_wait3A_31 = tpu.memref_squeeze %dma_wait3A_30 : memref<1x2x8x125xi32, #tpu.memory_space<hbm>> -> memref<2x8x125xi32, #tpu.memory_space<hbm>>
    %dma_wait3A_32 = arith.constant 0 : i32
    %dma_wait3A_33 = arith.constant 0 : i32
    %dma_wait3A_34 = arith.constant 0 : i32
    %dma_wait3A_35 = tpu.memref_slice %arg3[%add3A, %dma_wait3A_32, %dma_wait3A_33, %dma_wait3A_34] : memref<640x2x8x125xi32, #tpu.memory_space<hbm>> -> memref<1x2x8x125xi32, #tpu.memory_space<hbm>>
    %dma_wait3A_36 = tpu.memref_squeeze %dma_wait3A_35 : memref<1x2x8x125xi32, #tpu.memory_space<hbm>> -> memref<2x8x125xi32, #tpu.memory_space<hbm>>
    tpu.wait_dma2 semaphore(%arg12 : memref<!tpu.dma_semaphore, #tpu.memory_space<semaphore_mem>>) src(%dma_wait3A_36 : memref<2x8x125xi32, #tpu.memory_space<hbm>>) dst(%arg7 : memref<2x8x125xi32, #tpu.memory_space<vmem>>)
    %dma_start3A_37 = arith.constant 0 : i32
    %dma_start3A_38 = arith.constant 0 : i32
    %dma_start3A_39 = arith.constant 0 : i32
    %dma_start3A_40 = tpu.memref_slice %arg7[%dma_start3A_37, %dma_start3A_38, %dma_start3A_39] : memref<2x8x125xi32, #tpu.memory_space<vmem>> -> memref<1x1x125xi32, #tpu.memory_space<vmem>>
    %dma_start3A_41 = tpu.memref_squeeze %dma_start3A_40 : memref<1x1x125xi32, #tpu.memory_space<vmem>> -> memref<125xi32, #tpu.memory_space<vmem>>
    %dma_start3A_42 = arith.constant 0 : i32
    %dma_start3A_43 = arith.constant 0 : i32
    %dma_start3A_44 = tpu.memref_slice %arg2[%dma_start3A_42, %dma_start3A_43] : memref<20000x128xf32, #tpu.memory_space<hbm>> -> memref<20000x128xf32, #tpu.memory_space<hbm>>
    tpu.enqueue_indirect_dma source(%dma_start3A_44 : memref<20000x128xf32, #tpu.memory_space<hbm>>) target(%arg9 : memref<125x128xf32, #tpu.memory_space<vmem>>) offsets(%dma_start3A_41 : memref<125xi32, #tpu.memory_space<vmem>>) semaphore(%arg14 : memref<!tpu.dma_semaphore, #tpu.memory_space<semaphore_mem>>)
    %scan3A = arith.constant 0 : i32
    %scan3A_45 = arith.constant 0 : i32
    %scan3A_46 = arith.constant 10 : i32
    %scan3A_47 = arith.addi %scan3A_45, %scan3A_46 : i32
    %scan3A_48 = arith.constant 1 : i32
    scf.for %scan3A_58 = %scan3A_45 to %scan3A_47 step %scan3A_48  : i32 {
      %mul3A_59 = arith.constant 2 : i32
      %mul3A_60 = arith.muli %mul3A_59, %scan3A_58 : i32
      %dma_wait3A_61 = arith.constant 0 : i32
      %dma_wait3A_62 = arith.constant 0 : i32
      %dma_wait3A_63 = arith.constant 0 : i32
      %dma_wait3A_64 = tpu.memref_slice %arg7[%dma_wait3A_61, %dma_wait3A_62, %dma_wait3A_63] : memref<2x8x125xi32, #tpu.memory_space<vmem>> -> memref<1x1x125xi32, #tpu.memory_space<vmem>>
      %dma_wait3A_65 = tpu.memref_squeeze %dma_wait3A_64 : memref<1x1x125xi32, #tpu.memory_space<vmem>> -> memref<125xi32, #tpu.memory_space<vmem>>
      %dma_wait3A_66 = arith.constant 0 : i32
      %dma_wait3A_67 = arith.constant 0 : i32
      %dma_wait3A_68 = tpu.memref_slice %arg2[%dma_wait3A_66, %dma_wait3A_67] : memref<20000x128xf32, #tpu.memory_space<hbm>> -> memref<20000x128xf32, #tpu.memory_space<hbm>>
      tpu.wait_indirect_dma semaphore(%arg14 : memref<!tpu.dma_semaphore, #tpu.memory_space<semaphore_mem>>) src(%dma_wait3A_68 : memref<20000x128xf32, #tpu.memory_space<hbm>>) dst(%arg9 : memref<125x128xf32, #tpu.memory_space<vmem>>)
      %dma_start3A_69 = arith.constant 0 : i32
      %dma_start3A_70 = arith.constant 1 : i32
      %dma_start3A_71 = arith.constant 0 : i32
      %dma_start3A_72 = tpu.memref_slice %arg7[%dma_start3A_69, %dma_start3A_70, %dma_start3A_71] : memref<2x8x125xi32, #tpu.memory_space<vmem>> -> memref<1x1x125xi32, #tpu.memory_space<vmem>>
      %dma_start3A_73 = tpu.memref_squeeze %dma_start3A_72 : memref<1x1x125xi32, #tpu.memory_space<vmem>> -> memref<125xi32, #tpu.memory_space<vmem>>
      %dma_start3A_74 = arith.constant 0 : i32
      %dma_start3A_75 = arith.constant 0 : i32
      %dma_start3A_76 = tpu.memref_slice %arg2[%dma_start3A_74, %dma_start3A_75] : memref<20000x128xf32, #tpu.memory_space<hbm>> -> memref<20000x128xf32, #tpu.memory_space<hbm>>
      tpu.enqueue_indirect_dma source(%dma_start3A_76 : memref<20000x128xf32, #tpu.memory_space<hbm>>) target(%arg10 : memref<125x128xf32, #tpu.memory_space<vmem>>) offsets(%dma_start3A_73 : memref<125xi32, #tpu.memory_space<vmem>>) semaphore(%arg15 : memref<!tpu.dma_semaphore, #tpu.memory_space<semaphore_mem>>)
      %dma_start3A_77 = arith.constant 1 : i32
      %dma_start3A_78 = arith.constant 0 : i32
      %dma_start3A_79 = arith.constant 0 : i32
      %dma_start3A_80 = tpu.memref_slice %arg7[%dma_start3A_77, %dma_start3A_78, %dma_start3A_79] : memref<2x8x125xi32, #tpu.memory_space<vmem>> -> memref<1x1x125xi32, #tpu.memory_space<vmem>>
      %dma_start3A_81 = tpu.memref_squeeze %dma_start3A_80 : memref<1x1x125xi32, #tpu.memory_space<vmem>> -> memref<125xi32, #tpu.memory_space<vmem>>
      %dma_start3A_82 = arith.constant 0 : i32
      %dma_start3A_83 = arith.constant 0 : i32
      %dma_start3A_84 = tpu.memref_slice %arg11[%dma_start3A_82, %dma_start3A_83] : memref<10240x128xf32, #tpu.memory_space<vmem_shared>> -> memref<10240x128xf32, #tpu.memory_space<vmem_shared>>
      tpu.enqueue_indirect_dma source(%arg9 : memref<125x128xf32, #tpu.memory_space<vmem>>) target(%dma_start3A_84 : memref<10240x128xf32, #tpu.memory_space<vmem_shared>>) offsets(%dma_start3A_81 : memref<125xi32, #tpu.memory_space<vmem>>) semaphore(%arg16 : memref<!tpu.dma_semaphore, #tpu.memory_space<semaphore_mem>>) {add = true}
      %dma_wait3A_85 = arith.constant 0 : i32
      %dma_wait3A_86 = arith.constant 1 : i32
      %dma_wait3A_87 = arith.constant 0 : i32
      %dma_wait3A_88 = tpu.memref_slice %arg7[%dma_wait3A_85, %dma_wait3A_86, %dma_wait3A_87] : memref<2x8x125xi32, #tpu.memory_space<vmem>> -> memref<1x1x125xi32, #tpu.memory_space<vmem>>
      %dma_wait3A_89 = tpu.memref_squeeze %dma_wait3A_88 : memref<1x1x125xi32, #tpu.memory_space<vmem>> -> memref<125xi32, #tpu.memory_space<vmem>>
      %dma_wait3A_90 = arith.constant 0 : i32
      %dma_wait3A_91 = arith.constant 0 : i32
      %dma_wait3A_92 = tpu.memref_slice %arg2[%dma_wait3A_90, %dma_wait3A_91] : memref<20000x128xf32, #tpu.memory_space<hbm>> -> memref<20000x128xf32, #tpu.memory_space<hbm>>
      tpu.wait_indirect_dma semaphore(%arg15 : memref<!tpu.dma_semaphore, #tpu.memory_space<semaphore_mem>>) src(%dma_wait3A_92 : memref<20000x128xf32, #tpu.memory_space<hbm>>) dst(%arg10 : memref<125x128xf32, #tpu.memory_space<vmem>>)
      %dma_wait3A_93 = arith.constant 1 : i32
      %dma_wait3A_94 = arith.constant 0 : i32
      %dma_wait3A_95 = arith.constant 0 : i32
      %dma_wait3A_96 = tpu.memref_slice %arg7[%dma_wait3A_93, %dma_wait3A_94, %dma_wait3A_95] : memref<2x8x125xi32, #tpu.memory_space<vmem>> -> memref<1x1x125xi32, #tpu.memory_space<vmem>>
      %dma_wait3A_97 = tpu.memref_squeeze %dma_wait3A_96 : memref<1x1x125xi32, #tpu.memory_space<vmem>> -> memref<125xi32, #tpu.memory_space<vmem>>
      %dma_wait3A_98 = arith.constant 0 : i32
      %dma_wait3A_99 = arith.constant 0 : i32
      %dma_wait3A_100 = tpu.memref_slice %arg11[%dma_wait3A_98, %dma_wait3A_99] : memref<10240x128xf32, #tpu.memory_space<vmem_shared>> -> memref<10240x128xf32, #tpu.memory_space<vmem_shared>>
      tpu.wait_indirect_dma semaphore(%arg16 : memref<!tpu.dma_semaphore, #tpu.memory_space<semaphore_mem>>) src(%arg9 : memref<125x128xf32, #tpu.memory_space<vmem>>) dst(%dma_wait3A_100 : memref<10240x128xf32, #tpu.memory_space<vmem_shared>>)
      %dma_start3A_101 = arith.constant 0 : i32
      %dma_start3A_102 = arith.constant 2 : i32
      %dma_start3A_103 = arith.constant 0 : i32
      %dma_start3A_104 = tpu.memref_slice %arg7[%dma_start3A_101, %dma_start3A_102, %dma_start3A_103] : memref<2x8x125xi32, #tpu.memory_space<vmem>> -> memref<1x1x125xi32, #tpu.memory_space<vmem>>
      %dma_start3A_105 = tpu.memref_squeeze %dma_start3A_104 : memref<1x1x125xi32, #tpu.memory_space<vmem>> -> memref<125xi32, #tpu.memory_space<vmem>>
      %dma_start3A_106 = arith.constant 0 : i32
      %dma_start3A_107 = arith.constant 0 : i32
      %dma_start3A_108 = tpu.memref_slice %arg2[%dma_start3A_106, %dma_start3A_107] : memref<20000x128xf32, #tpu.memory_space<hbm>> -> memref<20000x128xf32, #tpu.memory_space<hbm>>
      tpu.enqueue_indirect_dma source(%dma_start3A_108 : memref<20000x128xf32, #tpu.memory_space<hbm>>) target(%arg9 : memref<125x128xf32, #tpu.memory_space<vmem>>) offsets(%dma_start3A_105 : memref<125xi32, #tpu.memory_space<vmem>>) semaphore(%arg14 : memref<!tpu.dma_semaphore, #tpu.memory_space<semaphore_mem>>)
      %dma_start3A_109 = arith.constant 1 : i32
      %dma_start3A_110 = arith.constant 1 : i32
      %dma_start3A_111 = arith.constant 0 : i32
      %dma_start3A_112 = tpu.memref_slice %arg7[%dma_start3A_109, %dma_start3A_110, %dma_start3A_111] : memref<2x8x125xi32, #tpu.memory_space<vmem>> -> memref<1x1x125xi32, #tpu.memory_space<vmem>>
      %dma_start3A_113 = tpu.memref_squeeze %dma_start3A_112 : memref<1x1x125xi32, #tpu.memory_space<vmem>> -> memref<125xi32, #tpu.memory_space<vmem>>
      %dma_start3A_114 = arith.constant 0 : i32
      %dma_start3A_115 = arith.constant 0 : i32
      %dma_start3A_116 = tpu.memref_slice %arg11[%dma_start3A_114, %dma_start3A_115] : memref<10240x128xf32, #tpu.memory_space<vmem_shared>> -> memref<10240x128xf32, #tpu.memory_space<vmem_shared>>
      tpu.enqueue_indirect_dma source(%arg10 : memref<125x128xf32, #tpu.memory_space<vmem>>) target(%dma_start3A_116 : memref<10240x128xf32, #tpu.memory_space<vmem_shared>>) offsets(%dma_start3A_113 : memref<125xi32, #tpu.memory_space<vmem>>) semaphore(%arg17 : memref<!tpu.dma_semaphore, #tpu.memory_space<semaphore_mem>>) {add = true}
      %dma_wait3A_117 = arith.constant 0 : i32
      %dma_wait3A_118 = arith.constant 2 : i32
      %dma_wait3A_119 = arith.constant 0 : i32
      %dma_wait3A_120 = tpu.memref_slice %arg7[%dma_wait3A_117, %dma_wait3A_118, %dma_wait3A_119] : memref<2x8x125xi32, #tpu.memory_space<vmem>> -> memref<1x1x125xi32, #tpu.memory_space<vmem>>
      %dma_wait3A_121 = tpu.memref_squeeze %dma_wait3A_120 : memref<1x1x125xi32, #tpu.memory_space<vmem>> -> memref<125xi32, #tpu.memory_space<vmem>>
      %dma_wait3A_122 = arith.constant 0 : i32
      %dma_wait3A_123 = arith.constant 0 : i32
      %dma_wait3A_124 = tpu.memref_slice %arg2[%dma_wait3A_122, %dma_wait3A_123] : memref<20000x128xf32, #tpu.memory_space<hbm>> -> memref<20000x128xf32, #tpu.memory_space<hbm>>
      tpu.wait_indirect_dma semaphore(%arg14 : memref<!tpu.dma_semaphore, #tpu.memory_space<semaphore_mem>>) src(%dma_wait3A_124 : memref<20000x128xf32, #tpu.memory_space<hbm>>) dst(%arg9 : memref<125x128xf32, #tpu.memory_space<vmem>>)
      %dma_wait3A_125 = arith.constant 1 : i32
      %dma_wait3A_126 = arith.constant 1 : i32
      %dma_wait3A_127 = arith.constant 0 : i32
      %dma_wait3A_128 = tpu.memref_slice %arg7[%dma_wait3A_125, %dma_wait3A_126, %dma_wait3A_127] : memref<2x8x125xi32, #tpu.memory_space<vmem>> -> memref<1x1x125xi32, #tpu.memory_space<vmem>>
      %dma_wait3A_129 = tpu.memref_squeeze %dma_wait3A_128 : memref<1x1x125xi32, #tpu.memory_space<vmem>> -> memref<125xi32, #tpu.memory_space<vmem>>
      %dma_wait3A_130 = arith.constant 0 : i32
      %dma_wait3A_131 = arith.constant 0 : i32
      %dma_wait3A_132 = tpu.memref_slice %arg11[%dma_wait3A_130, %dma_wait3A_131] : memref<10240x128xf32, #tpu.memory_space<vmem_shared>> -> memref<10240x128xf32, #tpu.memory_space<vmem_shared>>
      tpu.wait_indirect_dma semaphore(%arg17 : memref<!tpu.dma_semaphore, #tpu.memory_space<semaphore_mem>>) src(%arg10 : memref<125x128xf32, #tpu.memory_space<vmem>>) dst(%dma_wait3A_132 : memref<10240x128xf32, #tpu.memory_space<vmem_shared>>)
      %dma_start3A_133 = arith.constant 0 : i32
      %dma_start3A_134 = arith.constant 3 : i32
      %dma_start3A_135 = arith.constant 0 : i32
      %dma_start3A_136 = tpu.memref_slice %arg7[%dma_start3A_133, %dma_start3A_134, %dma_start3A_135] : memref<2x8x125xi32, #tpu.memory_space<vmem>> -> memref<1x1x125xi32, #tpu.memory_space<vmem>>
      %dma_start3A_137 = tpu.memref_squeeze %dma_start3A_136 : memref<1x1x125xi32, #tpu.memory_space<vmem>> -> memref<125xi32, #tpu.memory_space<vmem>>
      %dma_start3A_138 = arith.constant 0 : i32
      %dma_start3A_139 = arith.constant 0 : i32
      %dma_start3A_140 = tpu.memref_slice %arg2[%dma_start3A_138, %dma_start3A_139] : memref<20000x128xf32, #tpu.memory_space<hbm>> -> memref<20000x128xf32, #tpu.memory_space<hbm>>
      tpu.enqueue_indirect_dma source(%dma_start3A_140 : memref<20000x128xf32, #tpu.memory_space<hbm>>) target(%arg10 : memref<125x128xf32, #tpu.memory_space<vmem>>) offsets(%dma_start3A_137 : memref<125xi32, #tpu.memory_space<vmem>>) semaphore(%arg15 : memref<!tpu.dma_semaphore, #tpu.memory_space<semaphore_mem>>)
      %dma_start3A_141 = arith.constant 1 : i32
      %dma_start3A_142 = arith.constant 2 : i32
      %dma_start3A_143 = arith.constant 0 : i32
      %dma_start3A_144 = tpu.memref_slice %arg7[%dma_start3A_141, %dma_start3A_142, %dma_start3A_143] : memref<2x8x125xi32, #tpu.memory_space<vmem>> -> memref<1x1x125xi32, #tpu.memory_space<vmem>>
      %dma_start3A_145 = tpu.memref_squeeze %dma_start3A_144 : memref<1x1x125xi32, #tpu.memory_space<vmem>> -> memref<125xi32, #tpu.memory_space<vmem>>
      %dma_start3A_146 = arith.constant 0 : i32
      %dma_start3A_147 = arith.constant 0 : i32
      %dma_start3A_148 = tpu.memref_slice %arg11[%dma_start3A_146, %dma_start3A_147] : memref<10240x128xf32, #tpu.memory_space<vmem_shared>> -> memref<10240x128xf32, #tpu.memory_space<vmem_shared>>
      tpu.enqueue_indirect_dma source(%arg9 : memref<125x128xf32, #tpu.memory_space<vmem>>) target(%dma_start3A_148 : memref<10240x128xf32, #tpu.memory_space<vmem_shared>>) offsets(%dma_start3A_145 : memref<125xi32, #tpu.memory_space<vmem>>) semaphore(%arg16 : memref<!tpu.dma_semaphore, #tpu.memory_space<semaphore_mem>>) {add = true}
      %dma_wait3A_149 = arith.constant 0 : i32
      %dma_wait3A_150 = arith.constant 3 : i32
      %dma_wait3A_151 = arith.constant 0 : i32
      %dma_wait3A_152 = tpu.memref_slice %arg7[%dma_wait3A_149, %dma_wait3A_150, %dma_wait3A_151] : memref<2x8x125xi32, #tpu.memory_space<vmem>> -> memref<1x1x125xi32, #tpu.memory_space<vmem>>
      %dma_wait3A_153 = tpu.memref_squeeze %dma_wait3A_152 : memref<1x1x125xi32, #tpu.memory_space<vmem>> -> memref<125xi32, #tpu.memory_space<vmem>>
      %dma_wait3A_154 = arith.constant 0 : i32
      %dma_wait3A_155 = arith.constant 0 : i32
      %dma_wait3A_156 = tpu.memref_slice %arg2[%dma_wait3A_154, %dma_wait3A_155] : memref<20000x128xf32, #tpu.memory_space<hbm>> -> memref<20000x128xf32, #tpu.memory_space<hbm>>
      tpu.wait_indirect_dma semaphore(%arg15 : memref<!tpu.dma_semaphore, #tpu.memory_space<semaphore_mem>>) src(%dma_wait3A_156 : memref<20000x128xf32, #tpu.memory_space<hbm>>) dst(%arg10 : memref<125x128xf32, #tpu.memory_space<vmem>>)
      %dma_wait3A_157 = arith.constant 1 : i32
      %dma_wait3A_158 = arith.constant 2 : i32
      %dma_wait3A_159 = arith.constant 0 : i32
      %dma_wait3A_160 = tpu.memref_slice %arg7[%dma_wait3A_157, %dma_wait3A_158, %dma_wait3A_159] : memref<2x8x125xi32, #tpu.memory_space<vmem>> -> memref<1x1x125xi32, #tpu.memory_space<vmem>>
      %dma_wait3A_161 = tpu.memref_squeeze %dma_wait3A_160 : memref<1x1x125xi32, #tpu.memory_space<vmem>> -> memref<125xi32, #tpu.memory_space<vmem>>
      %dma_wait3A_162 = arith.constant 0 : i32
      %dma_wait3A_163 = arith.constant 0 : i32
      %dma_wait3A_164 = tpu.memref_slice %arg11[%dma_wait3A_162, %dma_wait3A_163] : memref<10240x128xf32, #tpu.memory_space<vmem_shared>> -> memref<10240x128xf32, #tpu.memory_space<vmem_shared>>
      tpu.wait_indirect_dma semaphore(%arg16 : memref<!tpu.dma_semaphore, #tpu.memory_space<semaphore_mem>>) src(%arg9 : memref<125x128xf32, #tpu.memory_space<vmem>>) dst(%dma_wait3A_164 : memref<10240x128xf32, #tpu.memory_space<vmem_shared>>)
      %dma_start3A_165 = arith.constant 0 : i32
      %dma_start3A_166 = arith.constant 4 : i32
      %dma_start3A_167 = arith.constant 0 : i32
      %dma_start3A_168 = tpu.memref_slice %arg7[%dma_start3A_165, %dma_start3A_166, %dma_start3A_167] : memref<2x8x125xi32, #tpu.memory_space<vmem>> -> memref<1x1x125xi32, #tpu.memory_space<vmem>>
      %dma_start3A_169 = tpu.memref_squeeze %dma_start3A_168 : memref<1x1x125xi32, #tpu.memory_space<vmem>> -> memref<125xi32, #tpu.memory_space<vmem>>
      %dma_start3A_170 = arith.constant 0 : i32
      %dma_start3A_171 = arith.constant 0 : i32
      %dma_start3A_172 = tpu.memref_slice %arg2[%dma_start3A_170, %dma_start3A_171] : memref<20000x128xf32, #tpu.memory_space<hbm>> -> memref<20000x128xf32, #tpu.memory_space<hbm>>
      tpu.enqueue_indirect_dma source(%dma_start3A_172 : memref<20000x128xf32, #tpu.memory_space<hbm>>) target(%arg9 : memref<125x128xf32, #tpu.memory_space<vmem>>) offsets(%dma_start3A_169 : memref<125xi32, #tpu.memory_space<vmem>>) semaphore(%arg14 : memref<!tpu.dma_semaphore, #tpu.memory_space<semaphore_mem>>)
      %dma_start3A_173 = arith.constant 1 : i32
      %dma_start3A_174 = arith.constant 3 : i32
      %dma_start3A_175 = arith.constant 0 : i32
      %dma_start3A_176 = tpu.memref_slice %arg7[%dma_start3A_173, %dma_start3A_174, %dma_start3A_175] : memref<2x8x125xi32, #tpu.memory_space<vmem>> -> memref<1x1x125xi32, #tpu.memory_space<vmem>>
      %dma_start3A_177 = tpu.memref_squeeze %dma_start3A_176 : memref<1x1x125xi32, #tpu.memory_space<vmem>> -> memref<125xi32, #tpu.memory_space<vmem>>
      %dma_start3A_178 = arith.constant 0 : i32
      %dma_start3A_179 = arith.constant 0 : i32
      %dma_start3A_180 = tpu.memref_slice %arg11[%dma_start3A_178, %dma_start3A_179] : memref<10240x128xf32, #tpu.memory_space<vmem_shared>> -> memref<10240x128xf32, #tpu.memory_space<vmem_shared>>
      tpu.enqueue_indirect_dma source(%arg10 : memref<125x128xf32, #tpu.memory_space<vmem>>) target(%dma_start3A_180 : memref<10240x128xf32, #tpu.memory_space<vmem_shared>>) offsets(%dma_start3A_177 : memref<125xi32, #tpu.memory_space<vmem>>) semaphore(%arg17 : memref<!tpu.dma_semaphore, #tpu.memory_space<semaphore_mem>>) {add = true}
      %dma_wait3A_181 = arith.constant 0 : i32
      %dma_wait3A_182 = arith.constant 4 : i32
      %dma_wait3A_183 = arith.constant 0 : i32
      %dma_wait3A_184 = tpu.memref_slice %arg7[%dma_wait3A_181, %dma_wait3A_182, %dma_wait3A_183] : memref<2x8x125xi32, #tpu.memory_space<vmem>> -> memref<1x1x125xi32, #tpu.memory_space<vmem>>
      %dma_wait3A_185 = tpu.memref_squeeze %dma_wait3A_184 : memref<1x1x125xi32, #tpu.memory_space<vmem>> -> memref<125xi32, #tpu.memory_space<vmem>>
      %dma_wait3A_186 = arith.constant 0 : i32
      %dma_wait3A_187 = arith.constant 0 : i32
      %dma_wait3A_188 = tpu.memref_slice %arg2[%dma_wait3A_186, %dma_wait3A_187] : memref<20000x128xf32, #tpu.memory_space<hbm>> -> memref<20000x128xf32, #tpu.memory_space<hbm>>
      tpu.wait_indirect_dma semaphore(%arg14 : memref<!tpu.dma_semaphore, #tpu.memory_space<semaphore_mem>>) src(%dma_wait3A_188 : memref<20000x128xf32, #tpu.memory_space<hbm>>) dst(%arg9 : memref<125x128xf32, #tpu.memory_space<vmem>>)
      %dma_wait3A_189 = arith.constant 1 : i32
      %dma_wait3A_190 = arith.constant 3 : i32
      %dma_wait3A_191 = arith.constant 0 : i32
      %dma_wait3A_192 = tpu.memref_slice %arg7[%dma_wait3A_189, %dma_wait3A_190, %dma_wait3A_191] : memref<2x8x125xi32, #tpu.memory_space<vmem>> -> memref<1x1x125xi32, #tpu.memory_space<vmem>>
      %dma_wait3A_193 = tpu.memref_squeeze %dma_wait3A_192 : memref<1x1x125xi32, #tpu.memory_space<vmem>> -> memref<125xi32, #tpu.memory_space<vmem>>
      %dma_wait3A_194 = arith.constant 0 : i32
      %dma_wait3A_195 = arith.constant 0 : i32
      %dma_wait3A_196 = tpu.memref_slice %arg11[%dma_wait3A_194, %dma_wait3A_195] : memref<10240x128xf32, #tpu.memory_space<vmem_shared>> -> memref<10240x128xf32, #tpu.memory_space<vmem_shared>>
      tpu.wait_indirect_dma semaphore(%arg17 : memref<!tpu.dma_semaphore, #tpu.memory_space<semaphore_mem>>) src(%arg10 : memref<125x128xf32, #tpu.memory_space<vmem>>) dst(%dma_wait3A_196 : memref<10240x128xf32, #tpu.memory_space<vmem_shared>>)
      %dma_start3A_197 = arith.constant 0 : i32
      %dma_start3A_198 = arith.constant 5 : i32
      %dma_start3A_199 = arith.constant 0 : i32
      %dma_start3A_200 = tpu.memref_slice %arg7[%dma_start3A_197, %dma_start3A_198, %dma_start3A_199] : memref<2x8x125xi32, #tpu.memory_space<vmem>> -> memref<1x1x125xi32, #tpu.memory_space<vmem>>
      %dma_start3A_201 = tpu.memref_squeeze %dma_start3A_200 : memref<1x1x125xi32, #tpu.memory_space<vmem>> -> memref<125xi32, #tpu.memory_space<vmem>>
      %dma_start3A_202 = arith.constant 0 : i32
      %dma_start3A_203 = arith.constant 0 : i32
      %dma_start3A_204 = tpu.memref_slice %arg2[%dma_start3A_202, %dma_start3A_203] : memref<20000x128xf32, #tpu.memory_space<hbm>> -> memref<20000x128xf32, #tpu.memory_space<hbm>>
      tpu.enqueue_indirect_dma source(%dma_start3A_204 : memref<20000x128xf32, #tpu.memory_space<hbm>>) target(%arg10 : memref<125x128xf32, #tpu.memory_space<vmem>>) offsets(%dma_start3A_201 : memref<125xi32, #tpu.memory_space<vmem>>) semaphore(%arg15 : memref<!tpu.dma_semaphore, #tpu.memory_space<semaphore_mem>>)
      %dma_start3A_205 = arith.constant 1 : i32
      %dma_start3A_206 = arith.constant 4 : i32
      %dma_start3A_207 = arith.constant 0 : i32
      %dma_start3A_208 = tpu.memref_slice %arg7[%dma_start3A_205, %dma_start3A_206, %dma_start3A_207] : memref<2x8x125xi32, #tpu.memory_space<vmem>> -> memref<1x1x125xi32, #tpu.memory_space<vmem>>
      %dma_start3A_209 = tpu.memref_squeeze %dma_start3A_208 : memref<1x1x125xi32, #tpu.memory_space<vmem>> -> memref<125xi32, #tpu.memory_space<vmem>>
      %dma_start3A_210 = arith.constant 0 : i32
      %dma_start3A_211 = arith.constant 0 : i32
      %dma_start3A_212 = tpu.memref_slice %arg11[%dma_start3A_210, %dma_start3A_211] : memref<10240x128xf32, #tpu.memory_space<vmem_shared>> -> memref<10240x128xf32, #tpu.memory_space<vmem_shared>>
      tpu.enqueue_indirect_dma source(%arg9 : memref<125x128xf32, #tpu.memory_space<vmem>>) target(%dma_start3A_212 : memref<10240x128xf32, #tpu.memory_space<vmem_shared>>) offsets(%dma_start3A_209 : memref<125xi32, #tpu.memory_space<vmem>>) semaphore(%arg16 : memref<!tpu.dma_semaphore, #tpu.memory_space<semaphore_mem>>) {add = true}
      %dma_wait3A_213 = arith.constant 0 : i32
      %dma_wait3A_214 = arith.constant 5 : i32
      %dma_wait3A_215 = arith.constant 0 : i32
      %dma_wait3A_216 = tpu.memref_slice %arg7[%dma_wait3A_213, %dma_wait3A_214, %dma_wait3A_215] : memref<2x8x125xi32, #tpu.memory_space<vmem>> -> memref<1x1x125xi32, #tpu.memory_space<vmem>>
      %dma_wait3A_217 = tpu.memref_squeeze %dma_wait3A_216 : memref<1x1x125xi32, #tpu.memory_space<vmem>> -> memref<125xi32, #tpu.memory_space<vmem>>
      %dma_wait3A_218 = arith.constant 0 : i32
      %dma_wait3A_219 = arith.constant 0 : i32
      %dma_wait3A_220 = tpu.memref_slice %arg2[%dma_wait3A_218, %dma_wait3A_219] : memref<20000x128xf32, #tpu.memory_space<hbm>> -> memref<20000x128xf32, #tpu.memory_space<hbm>>
      tpu.wait_indirect_dma semaphore(%arg15 : memref<!tpu.dma_semaphore, #tpu.memory_space<semaphore_mem>>) src(%dma_wait3A_220 : memref<20000x128xf32, #tpu.memory_space<hbm>>) dst(%arg10 : memref<125x128xf32, #tpu.memory_space<vmem>>)
      %dma_wait3A_221 = arith.constant 1 : i32
      %dma_wait3A_222 = arith.constant 4 : i32
      %dma_wait3A_223 = arith.constant 0 : i32
      %dma_wait3A_224 = tpu.memref_slice %arg7[%dma_wait3A_221, %dma_wait3A_222, %dma_wait3A_223] : memref<2x8x125xi32, #tpu.memory_space<vmem>> -> memref<1x1x125xi32, #tpu.memory_space<vmem>>
      %dma_wait3A_225 = tpu.memref_squeeze %dma_wait3A_224 : memref<1x1x125xi32, #tpu.memory_space<vmem>> -> memref<125xi32, #tpu.memory_space<vmem>>
      %dma_wait3A_226 = arith.constant 0 : i32
      %dma_wait3A_227 = arith.constant 0 : i32
      %dma_wait3A_228 = tpu.memref_slice %arg11[%dma_wait3A_226, %dma_wait3A_227] : memref<10240x128xf32, #tpu.memory_space<vmem_shared>> -> memref<10240x128xf32, #tpu.memory_space<vmem_shared>>
      tpu.wait_indirect_dma semaphore(%arg16 : memref<!tpu.dma_semaphore, #tpu.memory_space<semaphore_mem>>) src(%arg9 : memref<125x128xf32, #tpu.memory_space<vmem>>) dst(%dma_wait3A_228 : memref<10240x128xf32, #tpu.memory_space<vmem_shared>>)
      %dma_start3A_229 = arith.constant 0 : i32
      %dma_start3A_230 = arith.constant 6 : i32
      %dma_start3A_231 = arith.constant 0 : i32
      %dma_start3A_232 = tpu.memref_slice %arg7[%dma_start3A_229, %dma_start3A_230, %dma_start3A_231] : memref<2x8x125xi32, #tpu.memory_space<vmem>> -> memref<1x1x125xi32, #tpu.memory_space<vmem>>
      %dma_start3A_233 = tpu.memref_squeeze %dma_start3A_232 : memref<1x1x125xi32, #tpu.memory_space<vmem>> -> memref<125xi32, #tpu.memory_space<vmem>>
      %dma_start3A_234 = arith.constant 0 : i32
      %dma_start3A_235 = arith.constant 0 : i32
      %dma_start3A_236 = tpu.memref_slice %arg2[%dma_start3A_234, %dma_start3A_235] : memref<20000x128xf32, #tpu.memory_space<hbm>> -> memref<20000x128xf32, #tpu.memory_space<hbm>>
      tpu.enqueue_indirect_dma source(%dma_start3A_236 : memref<20000x128xf32, #tpu.memory_space<hbm>>) target(%arg9 : memref<125x128xf32, #tpu.memory_space<vmem>>) offsets(%dma_start3A_233 : memref<125xi32, #tpu.memory_space<vmem>>) semaphore(%arg14 : memref<!tpu.dma_semaphore, #tpu.memory_space<semaphore_mem>>)
      %dma_start3A_237 = arith.constant 1 : i32
      %dma_start3A_238 = arith.constant 5 : i32
      %dma_start3A_239 = arith.constant 0 : i32
      %dma_start3A_240 = tpu.memref_slice %arg7[%dma_start3A_237, %dma_start3A_238, %dma_start3A_239] : memref<2x8x125xi32, #tpu.memory_space<vmem>> -> memref<1x1x125xi32, #tpu.memory_space<vmem>>
      %dma_start3A_241 = tpu.memref_squeeze %dma_start3A_240 : memref<1x1x125xi32, #tpu.memory_space<vmem>> -> memref<125xi32, #tpu.memory_space<vmem>>
      %dma_start3A_242 = arith.constant 0 : i32
      %dma_start3A_243 = arith.constant 0 : i32
      %dma_start3A_244 = tpu.memref_slice %arg11[%dma_start3A_242, %dma_start3A_243] : memref<10240x128xf32, #tpu.memory_space<vmem_shared>> -> memref<10240x128xf32, #tpu.memory_space<vmem_shared>>
      tpu.enqueue_indirect_dma source(%arg10 : memref<125x128xf32, #tpu.memory_space<vmem>>) target(%dma_start3A_244 : memref<10240x128xf32, #tpu.memory_space<vmem_shared>>) offsets(%dma_start3A_241 : memref<125xi32, #tpu.memory_space<vmem>>) semaphore(%arg17 : memref<!tpu.dma_semaphore, #tpu.memory_space<semaphore_mem>>) {add = true}
      %dma_wait3A_245 = arith.constant 0 : i32
      %dma_wait3A_246 = arith.constant 6 : i32
      %dma_wait3A_247 = arith.constant 0 : i32
      %dma_wait3A_248 = tpu.memref_slice %arg7[%dma_wait3A_245, %dma_wait3A_246, %dma_wait3A_247] : memref<2x8x125xi32, #tpu.memory_space<vmem>> -> memref<1x1x125xi32, #tpu.memory_space<vmem>>
      %dma_wait3A_249 = tpu.memref_squeeze %dma_wait3A_248 : memref<1x1x125xi32, #tpu.memory_space<vmem>> -> memref<125xi32, #tpu.memory_space<vmem>>
      %dma_wait3A_250 = arith.constant 0 : i32
      %dma_wait3A_251 = arith.constant 0 : i32
      %dma_wait3A_252 = tpu.memref_slice %arg2[%dma_wait3A_250, %dma_wait3A_251] : memref<20000x128xf32, #tpu.memory_space<hbm>> -> memref<20000x128xf32, #tpu.memory_space<hbm>>
      tpu.wait_indirect_dma semaphore(%arg14 : memref<!tpu.dma_semaphore, #tpu.memory_space<semaphore_mem>>) src(%dma_wait3A_252 : memref<20000x128xf32, #tpu.memory_space<hbm>>) dst(%arg9 : memref<125x128xf32, #tpu.memory_space<vmem>>)
      %dma_wait3A_253 = arith.constant 1 : i32
      %dma_wait3A_254 = arith.constant 5 : i32
      %dma_wait3A_255 = arith.constant 0 : i32
      %dma_wait3A_256 = tpu.memref_slice %arg7[%dma_wait3A_253, %dma_wait3A_254, %dma_wait3A_255] : memref<2x8x125xi32, #tpu.memory_space<vmem>> -> memref<1x1x125xi32, #tpu.memory_space<vmem>>
      %dma_wait3A_257 = tpu.memref_squeeze %dma_wait3A_256 : memref<1x1x125xi32, #tpu.memory_space<vmem>> -> memref<125xi32, #tpu.memory_space<vmem>>
      %dma_wait3A_258 = arith.constant 0 : i32
      %dma_wait3A_259 = arith.constant 0 : i32
      %dma_wait3A_260 = tpu.memref_slice %arg11[%dma_wait3A_258, %dma_wait3A_259] : memref<10240x128xf32, #tpu.memory_space<vmem_shared>> -> memref<10240x128xf32, #tpu.memory_space<vmem_shared>>
      tpu.wait_indirect_dma semaphore(%arg17 : memref<!tpu.dma_semaphore, #tpu.memory_space<semaphore_mem>>) src(%arg10 : memref<125x128xf32, #tpu.memory_space<vmem>>) dst(%dma_wait3A_260 : memref<10240x128xf32, #tpu.memory_space<vmem_shared>>)
      %dma_start3A_261 = arith.constant 0 : i32
      %dma_start3A_262 = arith.constant 7 : i32
      %dma_start3A_263 = arith.constant 0 : i32
      %dma_start3A_264 = tpu.memref_slice %arg7[%dma_start3A_261, %dma_start3A_262, %dma_start3A_263] : memref<2x8x125xi32, #tpu.memory_space<vmem>> -> memref<1x1x125xi32, #tpu.memory_space<vmem>>
      %dma_start3A_265 = tpu.memref_squeeze %dma_start3A_264 : memref<1x1x125xi32, #tpu.memory_space<vmem>> -> memref<125xi32, #tpu.memory_space<vmem>>
      %dma_start3A_266 = arith.constant 0 : i32
      %dma_start3A_267 = arith.constant 0 : i32
      %dma_start3A_268 = tpu.memref_slice %arg2[%dma_start3A_266, %dma_start3A_267] : memref<20000x128xf32, #tpu.memory_space<hbm>> -> memref<20000x128xf32, #tpu.memory_space<hbm>>
      tpu.enqueue_indirect_dma source(%dma_start3A_268 : memref<20000x128xf32, #tpu.memory_space<hbm>>) target(%arg10 : memref<125x128xf32, #tpu.memory_space<vmem>>) offsets(%dma_start3A_265 : memref<125xi32, #tpu.memory_space<vmem>>) semaphore(%arg15 : memref<!tpu.dma_semaphore, #tpu.memory_space<semaphore_mem>>)
      %dma_start3A_269 = arith.constant 1 : i32
      %dma_start3A_270 = arith.constant 6 : i32
      %dma_start3A_271 = arith.constant 0 : i32
      %dma_start3A_272 = tpu.memref_slice %arg7[%dma_start3A_269, %dma_start3A_270, %dma_start3A_271] : memref<2x8x125xi32, #tpu.memory_space<vmem>> -> memref<1x1x125xi32, #tpu.memory_space<vmem>>
      %dma_start3A_273 = tpu.memref_squeeze %dma_start3A_272 : memref<1x1x125xi32, #tpu.memory_space<vmem>> -> memref<125xi32, #tpu.memory_space<vmem>>
      %dma_start3A_274 = arith.constant 0 : i32
      %dma_start3A_275 = arith.constant 0 : i32
      %dma_start3A_276 = tpu.memref_slice %arg11[%dma_start3A_274, %dma_start3A_275] : memref<10240x128xf32, #tpu.memory_space<vmem_shared>> -> memref<10240x128xf32, #tpu.memory_space<vmem_shared>>
      tpu.enqueue_indirect_dma source(%arg9 : memref<125x128xf32, #tpu.memory_space<vmem>>) target(%dma_start3A_276 : memref<10240x128xf32, #tpu.memory_space<vmem_shared>>) offsets(%dma_start3A_273 : memref<125xi32, #tpu.memory_space<vmem>>) semaphore(%arg16 : memref<!tpu.dma_semaphore, #tpu.memory_space<semaphore_mem>>) {add = true}
      %dma_wait3A_277 = arith.constant 0 : i32
      %dma_wait3A_278 = arith.constant 7 : i32
      %dma_wait3A_279 = arith.constant 0 : i32
      %dma_wait3A_280 = tpu.memref_slice %arg7[%dma_wait3A_277, %dma_wait3A_278, %dma_wait3A_279] : memref<2x8x125xi32, #tpu.memory_space<vmem>> -> memref<1x1x125xi32, #tpu.memory_space<vmem>>
      %dma_wait3A_281 = tpu.memref_squeeze %dma_wait3A_280 : memref<1x1x125xi32, #tpu.memory_space<vmem>> -> memref<125xi32, #tpu.memory_space<vmem>>
      %dma_wait3A_282 = arith.constant 0 : i32
      %dma_wait3A_283 = arith.constant 0 : i32
      %dma_wait3A_284 = tpu.memref_slice %arg2[%dma_wait3A_282, %dma_wait3A_283] : memref<20000x128xf32, #tpu.memory_space<hbm>> -> memref<20000x128xf32, #tpu.memory_space<hbm>>
      tpu.wait_indirect_dma semaphore(%arg15 : memref<!tpu.dma_semaphore, #tpu.memory_space<semaphore_mem>>) src(%dma_wait3A_284 : memref<20000x128xf32, #tpu.memory_space<hbm>>) dst(%arg10 : memref<125x128xf32, #tpu.memory_space<vmem>>)
      %dma_wait3A_285 = arith.constant 1 : i32
      %dma_wait3A_286 = arith.constant 6 : i32
      %dma_wait3A_287 = arith.constant 0 : i32
      %dma_wait3A_288 = tpu.memref_slice %arg7[%dma_wait3A_285, %dma_wait3A_286, %dma_wait3A_287] : memref<2x8x125xi32, #tpu.memory_space<vmem>> -> memref<1x1x125xi32, #tpu.memory_space<vmem>>
      %dma_wait3A_289 = tpu.memref_squeeze %dma_wait3A_288 : memref<1x1x125xi32, #tpu.memory_space<vmem>> -> memref<125xi32, #tpu.memory_space<vmem>>
      %dma_wait3A_290 = arith.constant 0 : i32
      %dma_wait3A_291 = arith.constant 0 : i32
      %dma_wait3A_292 = tpu.memref_slice %arg11[%dma_wait3A_290, %dma_wait3A_291] : memref<10240x128xf32, #tpu.memory_space<vmem_shared>> -> memref<10240x128xf32, #tpu.memory_space<vmem_shared>>
      tpu.wait_indirect_dma semaphore(%arg16 : memref<!tpu.dma_semaphore, #tpu.memory_space<semaphore_mem>>) src(%arg9 : memref<125x128xf32, #tpu.memory_space<vmem>>) dst(%dma_wait3A_292 : memref<10240x128xf32, #tpu.memory_space<vmem_shared>>)
      %add3A_293 = arith.constant 1 : i32
      %add3A_294 = arith.addi %mul3A_60, %add3A_293 : i32
      %lt3A = arith.constant 20 : i32
      %lt3A_295 = arith.cmpi slt, %add3A_294, %lt3A : i32
      %convert_element_type3A_296 = arith.extui %lt3A_295 : i1 to i32
      %cond3A_297 = arith.constant 0 : i32
      %cond3A_298 = arith.cmpi ne, %convert_element_type3A_296, %cond3A_297 : i32
      scf.if %cond3A_298 {
        %add3A_588 = arith.addi %add3A, %mul3A_60 : i32
        %add3A_589 = arith.constant 1 : i32
        %add3A_590 = arith.addi %add3A_588, %add3A_589 : i32
        %dma_wait3A_591 = arith.constant 0 : i32
        %dma_wait3A_592 = arith.constant 0 : i32
        %dma_wait3A_593 = arith.constant 0 : i32
        %dma_wait3A_594 = tpu.memref_slice %arg3[%add3A_590, %dma_wait3A_591, %dma_wait3A_592, %dma_wait3A_593] : memref<640x2x8x125xi32, #tpu.memory_space<hbm>> -> memref<1x2x8x125xi32, #tpu.memory_space<hbm>>
        %dma_wait3A_595 = tpu.memref_squeeze %dma_wait3A_594 : memref<1x2x8x125xi32, #tpu.memory_space<hbm>> -> memref<2x8x125xi32, #tpu.memory_space<hbm>>
        %dma_wait3A_596 = arith.constant 0 : i32
        %dma_wait3A_597 = arith.constant 0 : i32
        %dma_wait3A_598 = arith.constant 0 : i32
        %dma_wait3A_599 = tpu.memref_slice %arg3[%add3A_590, %dma_wait3A_596, %dma_wait3A_597, %dma_wait3A_598] : memref<640x2x8x125xi32, #tpu.memory_space<hbm>> -> memref<1x2x8x125xi32, #tpu.memory_space<hbm>>
        %dma_wait3A_600 = tpu.memref_squeeze %dma_wait3A_599 : memref<1x2x8x125xi32, #tpu.memory_space<hbm>> -> memref<2x8x125xi32, #tpu.memory_space<hbm>>
        tpu.wait_dma2 semaphore(%arg13 : memref<!tpu.dma_semaphore, #tpu.memory_space<semaphore_mem>>) src(%dma_wait3A_600 : memref<2x8x125xi32, #tpu.memory_space<hbm>>) dst(%arg8 : memref<2x8x125xi32, #tpu.memory_space<vmem>>)
        %dma_start3A_601 = arith.constant 0 : i32
        %dma_start3A_602 = arith.constant 0 : i32
        %dma_start3A_603 = arith.constant 0 : i32
        %dma_start3A_604 = tpu.memref_slice %arg8[%dma_start3A_601, %dma_start3A_602, %dma_start3A_603] : memref<2x8x125xi32, #tpu.memory_space<vmem>> -> memref<1x1x125xi32, #tpu.memory_space<vmem>>
        %dma_start3A_605 = tpu.memref_squeeze %dma_start3A_604 : memref<1x1x125xi32, #tpu.memory_space<vmem>> -> memref<125xi32, #tpu.memory_space<vmem>>
        %dma_start3A_606 = arith.constant 0 : i32
        %dma_start3A_607 = arith.constant 0 : i32
        %dma_start3A_608 = tpu.memref_slice %arg2[%dma_start3A_606, %dma_start3A_607] : memref<20000x128xf32, #tpu.memory_space<hbm>> -> memref<20000x128xf32, #tpu.memory_space<hbm>>
        tpu.enqueue_indirect_dma source(%dma_start3A_608 : memref<20000x128xf32, #tpu.memory_space<hbm>>) target(%arg9 : memref<125x128xf32, #tpu.memory_space<vmem>>) offsets(%dma_start3A_605 : memref<125xi32, #tpu.memory_space<vmem>>) semaphore(%arg14 : memref<!tpu.dma_semaphore, #tpu.memory_space<semaphore_mem>>)
      } else {
      }
      %dma_start3A_299 = arith.constant 1 : i32
      %dma_start3A_300 = arith.constant 7 : i32
      %dma_start3A_301 = arith.constant 0 : i32
      %dma_start3A_302 = tpu.memref_slice %arg7[%dma_start3A_299, %dma_start3A_300, %dma_start3A_301] : memref<2x8x125xi32, #tpu.memory_space<vmem>> -> memref<1x1x125xi32, #tpu.memory_space<vmem>>
      %dma_start3A_303 = tpu.memref_squeeze %dma_start3A_302 : memref<1x1x125xi32, #tpu.memory_space<vmem>> -> memref<125xi32, #tpu.memory_space<vmem>>
      %dma_start3A_304 = arith.constant 0 : i32
      %dma_start3A_305 = arith.constant 0 : i32
      %dma_start3A_306 = tpu.memref_slice %arg11[%dma_start3A_304, %dma_start3A_305] : memref<10240x128xf32, #tpu.memory_space<vmem_shared>> -> memref<10240x128xf32, #tpu.memory_space<vmem_shared>>
      tpu.enqueue_indirect_dma source(%arg10 : memref<125x128xf32, #tpu.memory_space<vmem>>) target(%dma_start3A_306 : memref<10240x128xf32, #tpu.memory_space<vmem_shared>>) offsets(%dma_start3A_303 : memref<125xi32, #tpu.memory_space<vmem>>) semaphore(%arg17 : memref<!tpu.dma_semaphore, #tpu.memory_space<semaphore_mem>>) {add = true}
      %dma_wait3A_307 = arith.constant 1 : i32
      %dma_wait3A_308 = arith.constant 7 : i32
      %dma_wait3A_309 = arith.constant 0 : i32
      %dma_wait3A_310 = tpu.memref_slice %arg7[%dma_wait3A_307, %dma_wait3A_308, %dma_wait3A_309] : memref<2x8x125xi32, #tpu.memory_space<vmem>> -> memref<1x1x125xi32, #tpu.memory_space<vmem>>
      %dma_wait3A_311 = tpu.memref_squeeze %dma_wait3A_310 : memref<1x1x125xi32, #tpu.memory_space<vmem>> -> memref<125xi32, #tpu.memory_space<vmem>>
      %dma_wait3A_312 = arith.constant 0 : i32
      %dma_wait3A_313 = arith.constant 0 : i32
      %dma_wait3A_314 = tpu.memref_slice %arg11[%dma_wait3A_312, %dma_wait3A_313] : memref<10240x128xf32, #tpu.memory_space<vmem_shared>> -> memref<10240x128xf32, #tpu.memory_space<vmem_shared>>
      tpu.wait_indirect_dma semaphore(%arg17 : memref<!tpu.dma_semaphore, #tpu.memory_space<semaphore_mem>>) src(%arg10 : memref<125x128xf32, #tpu.memory_space<vmem>>) dst(%dma_wait3A_314 : memref<10240x128xf32, #tpu.memory_space<vmem_shared>>)
      %add3A_315 = arith.constant 2 : i32
      %add3A_316 = arith.addi %mul3A_60, %add3A_315 : i32
      %lt3A_317 = arith.constant 20 : i32
      %lt3A_318 = arith.cmpi slt, %add3A_316, %lt3A_317 : i32
      %convert_element_type3A_319 = arith.extui %lt3A_318 : i1 to i32
      %cond3A_320 = arith.constant 0 : i32
      %cond3A_321 = arith.cmpi ne, %convert_element_type3A_319, %cond3A_320 : i32
      scf.if %cond3A_321 {
        %add3A_588 = arith.addi %add3A, %mul3A_60 : i32
        %add3A_589 = arith.constant 2 : i32
        %add3A_590 = arith.addi %add3A_588, %add3A_589 : i32
        %dma_start3A_591 = arith.constant 0 : i32
        %dma_start3A_592 = arith.constant 0 : i32
        %dma_start3A_593 = arith.constant 0 : i32
        %dma_start3A_594 = tpu.memref_slice %arg3[%add3A_590, %dma_start3A_591, %dma_start3A_592, %dma_start3A_593] : memref<640x2x8x125xi32, #tpu.memory_space<hbm>> -> memref<1x2x8x125xi32, #tpu.memory_space<hbm>>
        %dma_start3A_595 = tpu.memref_squeeze %dma_start3A_594 : memref<1x2x8x125xi32, #tpu.memory_space<hbm>> -> memref<2x8x125xi32, #tpu.memory_space<hbm>>
        %dma_start3A_596 = arith.constant 0 : i32
        %dma_start3A_597 = arith.constant 0 : i32
        %dma_start3A_598 = arith.constant 0 : i32
        %dma_start3A_599 = tpu.memref_slice %arg3[%add3A_590, %dma_start3A_596, %dma_start3A_597, %dma_start3A_598] : memref<640x2x8x125xi32, #tpu.memory_space<hbm>> -> memref<1x2x8x125xi32, #tpu.memory_space<hbm>>
        %dma_start3A_600 = tpu.memref_squeeze %dma_start3A_599 : memref<1x2x8x125xi32, #tpu.memory_space<hbm>> -> memref<2x8x125xi32, #tpu.memory_space<hbm>>
        tpu.enqueue_dma source(%dma_start3A_600 : memref<2x8x125xi32, #tpu.memory_space<hbm>>) target(%arg7 : memref<2x8x125xi32, #tpu.memory_space<vmem>>) target_semaphore(%arg12 : memref<!tpu.dma_semaphore, #tpu.memory_space<semaphore_mem>>)
      } else {
      }
      %mul3A_322 = arith.constant 2 : i32
      %mul3A_323 = arith.muli %mul3A_322, %scan3A_58 : i32
      %add3A_324 = arith.constant 1 : i32
      %add3A_325 = arith.addi %mul3A_323, %add3A_324 : i32
      %dma_wait3A_326 = arith.constant 0 : i32
      %dma_wait3A_327 = arith.constant 0 : i32
      %dma_wait3A_328 = arith.constant 0 : i32
      %dma_wait3A_329 = tpu.memref_slice %arg8[%dma_wait3A_326, %dma_wait3A_327, %dma_wait3A_328] : memref<2x8x125xi32, #tpu.memory_space<vmem>> -> memref<1x1x125xi32, #tpu.memory_space<vmem>>
      %dma_wait3A_330 = tpu.memref_squeeze %dma_wait3A_329 : memref<1x1x125xi32, #tpu.memory_space<vmem>> -> memref<125xi32, #tpu.memory_space<vmem>>
      %dma_wait3A_331 = arith.constant 0 : i32
      %dma_wait3A_332 = arith.constant 0 : i32
      %dma_wait3A_333 = tpu.memref_slice %arg2[%dma_wait3A_331, %dma_wait3A_332] : memref<20000x128xf32, #tpu.memory_space<hbm>> -> memref<20000x128xf32, #tpu.memory_space<hbm>>
      tpu.wait_indirect_dma semaphore(%arg14 : memref<!tpu.dma_semaphore, #tpu.memory_space<semaphore_mem>>) src(%dma_wait3A_333 : memref<20000x128xf32, #tpu.memory_space<hbm>>) dst(%arg9 : memref<125x128xf32, #tpu.memory_space<vmem>>)
      %dma_start3A_334 = arith.constant 0 : i32
      %dma_start3A_335 = arith.constant 1 : i32
      %dma_start3A_336 = arith.constant 0 : i32
      %dma_start3A_337 = tpu.memref_slice %arg8[%dma_start3A_334, %dma_start3A_335, %dma_start3A_336] : memref<2x8x125xi32, #tpu.memory_space<vmem>> -> memref<1x1x125xi32, #tpu.memory_space<vmem>>
      %dma_start3A_338 = tpu.memref_squeeze %dma_start3A_337 : memref<1x1x125xi32, #tpu.memory_space<vmem>> -> memref<125xi32, #tpu.memory_space<vmem>>
      %dma_start3A_339 = arith.constant 0 : i32
      %dma_start3A_340 = arith.constant 0 : i32
      %dma_start3A_341 = tpu.memref_slice %arg2[%dma_start3A_339, %dma_start3A_340] : memref<20000x128xf32, #tpu.memory_space<hbm>> -> memref<20000x128xf32, #tpu.memory_space<hbm>>
      tpu.enqueue_indirect_dma source(%dma_start3A_341 : memref<20000x128xf32, #tpu.memory_space<hbm>>) target(%arg10 : memref<125x128xf32, #tpu.memory_space<vmem>>) offsets(%dma_start3A_338 : memref<125xi32, #tpu.memory_space<vmem>>) semaphore(%arg15 : memref<!tpu.dma_semaphore, #tpu.memory_space<semaphore_mem>>)
      %dma_start3A_342 = arith.constant 1 : i32
      %dma_start3A_343 = arith.constant 0 : i32
      %dma_start3A_344 = arith.constant 0 : i32
      %dma_start3A_345 = tpu.memref_slice %arg8[%dma_start3A_342, %dma_start3A_343, %dma_start3A_344] : memref<2x8x125xi32, #tpu.memory_space<vmem>> -> memref<1x1x125xi32, #tpu.memory_space<vmem>>
      %dma_start3A_346 = tpu.memref_squeeze %dma_start3A_345 : memref<1x1x125xi32, #tpu.memory_space<vmem>> -> memref<125xi32, #tpu.memory_space<vmem>>
      %dma_start3A_347 = arith.constant 0 : i32
      %dma_start3A_348 = arith.constant 0 : i32
      %dma_start3A_349 = tpu.memref_slice %arg11[%dma_start3A_347, %dma_start3A_348] : memref<10240x128xf32, #tpu.memory_space<vmem_shared>> -> memref<10240x128xf32, #tpu.memory_space<vmem_shared>>
      tpu.enqueue_indirect_dma source(%arg9 : memref<125x128xf32, #tpu.memory_space<vmem>>) target(%dma_start3A_349 : memref<10240x128xf32, #tpu.memory_space<vmem_shared>>) offsets(%dma_start3A_346 : memref<125xi32, #tpu.memory_space<vmem>>) semaphore(%arg16 : memref<!tpu.dma_semaphore, #tpu.memory_space<semaphore_mem>>) {add = true}
      %dma_wait3A_350 = arith.constant 0 : i32
      %dma_wait3A_351 = arith.constant 1 : i32
      %dma_wait3A_352 = arith.constant 0 : i32
      %dma_wait3A_353 = tpu.memref_slice %arg8[%dma_wait3A_350, %dma_wait3A_351, %dma_wait3A_352] : memref<2x8x125xi32, #tpu.memory_space<vmem>> -> memref<1x1x125xi32, #tpu.memory_space<vmem>>
      %dma_wait3A_354 = tpu.memref_squeeze %dma_wait3A_353 : memref<1x1x125xi32, #tpu.memory_space<vmem>> -> memref<125xi32, #tpu.memory_space<vmem>>
      %dma_wait3A_355 = arith.constant 0 : i32
      %dma_wait3A_356 = arith.constant 0 : i32
      %dma_wait3A_357 = tpu.memref_slice %arg2[%dma_wait3A_355, %dma_wait3A_356] : memref<20000x128xf32, #tpu.memory_space<hbm>> -> memref<20000x128xf32, #tpu.memory_space<hbm>>
      tpu.wait_indirect_dma semaphore(%arg15 : memref<!tpu.dma_semaphore, #tpu.memory_space<semaphore_mem>>) src(%dma_wait3A_357 : memref<20000x128xf32, #tpu.memory_space<hbm>>) dst(%arg10 : memref<125x128xf32, #tpu.memory_space<vmem>>)
      %dma_wait3A_358 = arith.constant 1 : i32
      %dma_wait3A_359 = arith.constant 0 : i32
      %dma_wait3A_360 = arith.constant 0 : i32
      %dma_wait3A_361 = tpu.memref_slice %arg8[%dma_wait3A_358, %dma_wait3A_359, %dma_wait3A_360] : memref<2x8x125xi32, #tpu.memory_space<vmem>> -> memref<1x1x125xi32, #tpu.memory_space<vmem>>
      %dma_wait3A_362 = tpu.memref_squeeze %dma_wait3A_361 : memref<1x1x125xi32, #tpu.memory_space<vmem>> -> memref<125xi32, #tpu.memory_space<vmem>>
      %dma_wait3A_363 = arith.constant 0 : i32
      %dma_wait3A_364 = arith.constant 0 : i32
      %dma_wait3A_365 = tpu.memref_slice %arg11[%dma_wait3A_363, %dma_wait3A_364] : memref<10240x128xf32, #tpu.memory_space<vmem_shared>> -> memref<10240x128xf32, #tpu.memory_space<vmem_shared>>
      tpu.wait_indirect_dma semaphore(%arg16 : memref<!tpu.dma_semaphore, #tpu.memory_space<semaphore_mem>>) src(%arg9 : memref<125x128xf32, #tpu.memory_space<vmem>>) dst(%dma_wait3A_365 : memref<10240x128xf32, #tpu.memory_space<vmem_shared>>)
      %dma_start3A_366 = arith.constant 0 : i32
      %dma_start3A_367 = arith.constant 2 : i32
      %dma_start3A_368 = arith.constant 0 : i32
      %dma_start3A_369 = tpu.memref_slice %arg8[%dma_start3A_366, %dma_start3A_367, %dma_start3A_368] : memref<2x8x125xi32, #tpu.memory_space<vmem>> -> memref<1x1x125xi32, #tpu.memory_space<vmem>>
      %dma_start3A_370 = tpu.memref_squeeze %dma_start3A_369 : memref<1x1x125xi32, #tpu.memory_space<vmem>> -> memref<125xi32, #tpu.memory_space<vmem>>
      %dma_start3A_371 = arith.constant 0 : i32
      %dma_start3A_372 = arith.constant 0 : i32
      %dma_start3A_373 = tpu.memref_slice %arg2[%dma_start3A_371, %dma_start3A_372] : memref<20000x128xf32, #tpu.memory_space<hbm>> -> memref<20000x128xf32, #tpu.memory_space<hbm>>
      tpu.enqueue_indirect_dma source(%dma_start3A_373 : memref<20000x128xf32, #tpu.memory_space<hbm>>) target(%arg9 : memref<125x128xf32, #tpu.memory_space<vmem>>) offsets(%dma_start3A_370 : memref<125xi32, #tpu.memory_space<vmem>>) semaphore(%arg14 : memref<!tpu.dma_semaphore, #tpu.memory_space<semaphore_mem>>)
      %dma_start3A_374 = arith.constant 1 : i32
      %dma_start3A_375 = arith.constant 1 : i32
      %dma_start3A_376 = arith.constant 0 : i32
      %dma_start3A_377 = tpu.memref_slice %arg8[%dma_start3A_374, %dma_start3A_375, %dma_start3A_376] : memref<2x8x125xi32, #tpu.memory_space<vmem>> -> memref<1x1x125xi32, #tpu.memory_space<vmem>>
      %dma_start3A_378 = tpu.memref_squeeze %dma_start3A_377 : memref<1x1x125xi32, #tpu.memory_space<vmem>> -> memref<125xi32, #tpu.memory_space<vmem>>
      %dma_start3A_379 = arith.constant 0 : i32
      %dma_start3A_380 = arith.constant 0 : i32
      %dma_start3A_381 = tpu.memref_slice %arg11[%dma_start3A_379, %dma_start3A_380] : memref<10240x128xf32, #tpu.memory_space<vmem_shared>> -> memref<10240x128xf32, #tpu.memory_space<vmem_shared>>
      tpu.enqueue_indirect_dma source(%arg10 : memref<125x128xf32, #tpu.memory_space<vmem>>) target(%dma_start3A_381 : memref<10240x128xf32, #tpu.memory_space<vmem_shared>>) offsets(%dma_start3A_378 : memref<125xi32, #tpu.memory_space<vmem>>) semaphore(%arg17 : memref<!tpu.dma_semaphore, #tpu.memory_space<semaphore_mem>>) {add = true}
      %dma_wait3A_382 = arith.constant 0 : i32
      %dma_wait3A_383 = arith.constant 2 : i32
      %dma_wait3A_384 = arith.constant 0 : i32
      %dma_wait3A_385 = tpu.memref_slice %arg8[%dma_wait3A_382, %dma_wait3A_383, %dma_wait3A_384] : memref<2x8x125xi32, #tpu.memory_space<vmem>> -> memref<1x1x125xi32, #tpu.memory_space<vmem>>
      %dma_wait3A_386 = tpu.memref_squeeze %dma_wait3A_385 : memref<1x1x125xi32, #tpu.memory_space<vmem>> -> memref<125xi32, #tpu.memory_space<vmem>>
      %dma_wait3A_387 = arith.constant 0 : i32
      %dma_wait3A_388 = arith.constant 0 : i32
      %dma_wait3A_389 = tpu.memref_slice %arg2[%dma_wait3A_387, %dma_wait3A_388] : memref<20000x128xf32, #tpu.memory_space<hbm>> -> memref<20000x128xf32, #tpu.memory_space<hbm>>
      tpu.wait_indirect_dma semaphore(%arg14 : memref<!tpu.dma_semaphore, #tpu.memory_space<semaphore_mem>>) src(%dma_wait3A_389 : memref<20000x128xf32, #tpu.memory_space<hbm>>) dst(%arg9 : memref<125x128xf32, #tpu.memory_space<vmem>>)
      %dma_wait3A_390 = arith.constant 1 : i32
      %dma_wait3A_391 = arith.constant 1 : i32
      %dma_wait3A_392 = arith.constant 0 : i32
      %dma_wait3A_393 = tpu.memref_slice %arg8[%dma_wait3A_390, %dma_wait3A_391, %dma_wait3A_392] : memref<2x8x125xi32, #tpu.memory_space<vmem>> -> memref<1x1x125xi32, #tpu.memory_space<vmem>>
      %dma_wait3A_394 = tpu.memref_squeeze %dma_wait3A_393 : memref<1x1x125xi32, #tpu.memory_space<vmem>> -> memref<125xi32, #tpu.memory_space<vmem>>
      %dma_wait3A_395 = arith.constant 0 : i32
      %dma_wait3A_396 = arith.constant 0 : i32
      %dma_wait3A_397 = tpu.memref_slice %arg11[%dma_wait3A_395, %dma_wait3A_396] : memref<10240x128xf32, #tpu.memory_space<vmem_shared>> -> memref<10240x128xf32, #tpu.memory_space<vmem_shared>>
      tpu.wait_indirect_dma semaphore(%arg17 : memref<!tpu.dma_semaphore, #tpu.memory_space<semaphore_mem>>) src(%arg10 : memref<125x128xf32, #tpu.memory_space<vmem>>) dst(%dma_wait3A_397 : memref<10240x128xf32, #tpu.memory_space<vmem_shared>>)
      %dma_start3A_398 = arith.constant 0 : i32
      %dma_start3A_399 = arith.constant 3 : i32
      %dma_start3A_400 = arith.constant 0 : i32
      %dma_start3A_401 = tpu.memref_slice %arg8[%dma_start3A_398, %dma_start3A_399, %dma_start3A_400] : memref<2x8x125xi32, #tpu.memory_space<vmem>> -> memref<1x1x125xi32, #tpu.memory_space<vmem>>
      %dma_start3A_402 = tpu.memref_squeeze %dma_start3A_401 : memref<1x1x125xi32, #tpu.memory_space<vmem>> -> memref<125xi32, #tpu.memory_space<vmem>>
      %dma_start3A_403 = arith.constant 0 : i32
      %dma_start3A_404 = arith.constant 0 : i32
      %dma_start3A_405 = tpu.memref_slice %arg2[%dma_start3A_403, %dma_start3A_404] : memref<20000x128xf32, #tpu.memory_space<hbm>> -> memref<20000x128xf32, #tpu.memory_space<hbm>>
      tpu.enqueue_indirect_dma source(%dma_start3A_405 : memref<20000x128xf32, #tpu.memory_space<hbm>>) target(%arg10 : memref<125x128xf32, #tpu.memory_space<vmem>>) offsets(%dma_start3A_402 : memref<125xi32, #tpu.memory_space<vmem>>) semaphore(%arg15 : memref<!tpu.dma_semaphore, #tpu.memory_space<semaphore_mem>>)
      %dma_start3A_406 = arith.constant 1 : i32
      %dma_start3A_407 = arith.constant 2 : i32
      %dma_start3A_408 = arith.constant 0 : i32
      %dma_start3A_409 = tpu.memref_slice %arg8[%dma_start3A_406, %dma_start3A_407, %dma_start3A_408] : memref<2x8x125xi32, #tpu.memory_space<vmem>> -> memref<1x1x125xi32, #tpu.memory_space<vmem>>
      %dma_start3A_410 = tpu.memref_squeeze %dma_start3A_409 : memref<1x1x125xi32, #tpu.memory_space<vmem>> -> memref<125xi32, #tpu.memory_space<vmem>>
      %dma_start3A_411 = arith.constant 0 : i32
      %dma_start3A_412 = arith.constant 0 : i32
      %dma_start3A_413 = tpu.memref_slice %arg11[%dma_start3A_411, %dma_start3A_412] : memref<10240x128xf32, #tpu.memory_space<vmem_shared>> -> memref<10240x128xf32, #tpu.memory_space<vmem_shared>>
      tpu.enqueue_indirect_dma source(%arg9 : memref<125x128xf32, #tpu.memory_space<vmem>>) target(%dma_start3A_413 : memref<10240x128xf32, #tpu.memory_space<vmem_shared>>) offsets(%dma_start3A_410 : memref<125xi32, #tpu.memory_space<vmem>>) semaphore(%arg16 : memref<!tpu.dma_semaphore, #tpu.memory_space<semaphore_mem>>) {add = true}
      %dma_wait3A_414 = arith.constant 0 : i32
      %dma_wait3A_415 = arith.constant 3 : i32
      %dma_wait3A_416 = arith.constant 0 : i32
      %dma_wait3A_417 = tpu.memref_slice %arg8[%dma_wait3A_414, %dma_wait3A_415, %dma_wait3A_416] : memref<2x8x125xi32, #tpu.memory_space<vmem>> -> memref<1x1x125xi32, #tpu.memory_space<vmem>>
      %dma_wait3A_418 = tpu.memref_squeeze %dma_wait3A_417 : memref<1x1x125xi32, #tpu.memory_space<vmem>> -> memref<125xi32, #tpu.memory_space<vmem>>
      %dma_wait3A_419 = arith.constant 0 : i32
      %dma_wait3A_420 = arith.constant 0 : i32
      %dma_wait3A_421 = tpu.memref_slice %arg2[%dma_wait3A_419, %dma_wait3A_420] : memref<20000x128xf32, #tpu.memory_space<hbm>> -> memref<20000x128xf32, #tpu.memory_space<hbm>>
      tpu.wait_indirect_dma semaphore(%arg15 : memref<!tpu.dma_semaphore, #tpu.memory_space<semaphore_mem>>) src(%dma_wait3A_421 : memref<20000x128xf32, #tpu.memory_space<hbm>>) dst(%arg10 : memref<125x128xf32, #tpu.memory_space<vmem>>)
      %dma_wait3A_422 = arith.constant 1 : i32
      %dma_wait3A_423 = arith.constant 2 : i32
      %dma_wait3A_424 = arith.constant 0 : i32
      %dma_wait3A_425 = tpu.memref_slice %arg8[%dma_wait3A_422, %dma_wait3A_423, %dma_wait3A_424] : memref<2x8x125xi32, #tpu.memory_space<vmem>> -> memref<1x1x125xi32, #tpu.memory_space<vmem>>
      %dma_wait3A_426 = tpu.memref_squeeze %dma_wait3A_425 : memref<1x1x125xi32, #tpu.memory_space<vmem>> -> memref<125xi32, #tpu.memory_space<vmem>>
      %dma_wait3A_427 = arith.constant 0 : i32
      %dma_wait3A_428 = arith.constant 0 : i32
      %dma_wait3A_429 = tpu.memref_slice %arg11[%dma_wait3A_427, %dma_wait3A_428] : memref<10240x128xf32, #tpu.memory_space<vmem_shared>> -> memref<10240x128xf32, #tpu.memory_space<vmem_shared>>
      tpu.wait_indirect_dma semaphore(%arg16 : memref<!tpu.dma_semaphore, #tpu.memory_space<semaphore_mem>>) src(%arg9 : memref<125x128xf32, #tpu.memory_space<vmem>>) dst(%dma_wait3A_429 : memref<10240x128xf32, #tpu.memory_space<vmem_shared>>)
      %dma_start3A_430 = arith.constant 0 : i32
      %dma_start3A_431 = arith.constant 4 : i32
      %dma_start3A_432 = arith.constant 0 : i32
      %dma_start3A_433 = tpu.memref_slice %arg8[%dma_start3A_430, %dma_start3A_431, %dma_start3A_432] : memref<2x8x125xi32, #tpu.memory_space<vmem>> -> memref<1x1x125xi32, #tpu.memory_space<vmem>>
      %dma_start3A_434 = tpu.memref_squeeze %dma_start3A_433 : memref<1x1x125xi32, #tpu.memory_space<vmem>> -> memref<125xi32, #tpu.memory_space<vmem>>
      %dma_start3A_435 = arith.constant 0 : i32
      %dma_start3A_436 = arith.constant 0 : i32
      %dma_start3A_437 = tpu.memref_slice %arg2[%dma_start3A_435, %dma_start3A_436] : memref<20000x128xf32, #tpu.memory_space<hbm>> -> memref<20000x128xf32, #tpu.memory_space<hbm>>
      tpu.enqueue_indirect_dma source(%dma_start3A_437 : memref<20000x128xf32, #tpu.memory_space<hbm>>) target(%arg9 : memref<125x128xf32, #tpu.memory_space<vmem>>) offsets(%dma_start3A_434 : memref<125xi32, #tpu.memory_space<vmem>>) semaphore(%arg14 : memref<!tpu.dma_semaphore, #tpu.memory_space<semaphore_mem>>)
      %dma_start3A_438 = arith.constant 1 : i32
      %dma_start3A_439 = arith.constant 3 : i32
      %dma_start3A_440 = arith.constant 0 : i32
      %dma_start3A_441 = tpu.memref_slice %arg8[%dma_start3A_438, %dma_start3A_439, %dma_start3A_440] : memref<2x8x125xi32, #tpu.memory_space<vmem>> -> memref<1x1x125xi32, #tpu.memory_space<vmem>>
      %dma_start3A_442 = tpu.memref_squeeze %dma_start3A_441 : memref<1x1x125xi32, #tpu.memory_space<vmem>> -> memref<125xi32, #tpu.memory_space<vmem>>
      %dma_start3A_443 = arith.constant 0 : i32
      %dma_start3A_444 = arith.constant 0 : i32
      %dma_start3A_445 = tpu.memref_slice %arg11[%dma_start3A_443, %dma_start3A_444] : memref<10240x128xf32, #tpu.memory_space<vmem_shared>> -> memref<10240x128xf32, #tpu.memory_space<vmem_shared>>
      tpu.enqueue_indirect_dma source(%arg10 : memref<125x128xf32, #tpu.memory_space<vmem>>) target(%dma_start3A_445 : memref<10240x128xf32, #tpu.memory_space<vmem_shared>>) offsets(%dma_start3A_442 : memref<125xi32, #tpu.memory_space<vmem>>) semaphore(%arg17 : memref<!tpu.dma_semaphore, #tpu.memory_space<semaphore_mem>>) {add = true}
      %dma_wait3A_446 = arith.constant 0 : i32
      %dma_wait3A_447 = arith.constant 4 : i32
      %dma_wait3A_448 = arith.constant 0 : i32
      %dma_wait3A_449 = tpu.memref_slice %arg8[%dma_wait3A_446, %dma_wait3A_447, %dma_wait3A_448] : memref<2x8x125xi32, #tpu.memory_space<vmem>> -> memref<1x1x125xi32, #tpu.memory_space<vmem>>
      %dma_wait3A_450 = tpu.memref_squeeze %dma_wait3A_449 : memref<1x1x125xi32, #tpu.memory_space<vmem>> -> memref<125xi32, #tpu.memory_space<vmem>>
      %dma_wait3A_451 = arith.constant 0 : i32
      %dma_wait3A_452 = arith.constant 0 : i32
      %dma_wait3A_453 = tpu.memref_slice %arg2[%dma_wait3A_451, %dma_wait3A_452] : memref<20000x128xf32, #tpu.memory_space<hbm>> -> memref<20000x128xf32, #tpu.memory_space<hbm>>
      tpu.wait_indirect_dma semaphore(%arg14 : memref<!tpu.dma_semaphore, #tpu.memory_space<semaphore_mem>>) src(%dma_wait3A_453 : memref<20000x128xf32, #tpu.memory_space<hbm>>) dst(%arg9 : memref<125x128xf32, #tpu.memory_space<vmem>>)
      %dma_wait3A_454 = arith.constant 1 : i32
      %dma_wait3A_455 = arith.constant 3 : i32
      %dma_wait3A_456 = arith.constant 0 : i32
      %dma_wait3A_457 = tpu.memref_slice %arg8[%dma_wait3A_454, %dma_wait3A_455, %dma_wait3A_456] : memref<2x8x125xi32, #tpu.memory_space<vmem>> -> memref<1x1x125xi32, #tpu.memory_space<vmem>>
      %dma_wait3A_458 = tpu.memref_squeeze %dma_wait3A_457 : memref<1x1x125xi32, #tpu.memory_space<vmem>> -> memref<125xi32, #tpu.memory_space<vmem>>
      %dma_wait3A_459 = arith.constant 0 : i32
      %dma_wait3A_460 = arith.constant 0 : i32
      %dma_wait3A_461 = tpu.memref_slice %arg11[%dma_wait3A_459, %dma_wait3A_460] : memref<10240x128xf32, #tpu.memory_space<vmem_shared>> -> memref<10240x128xf32, #tpu.memory_space<vmem_shared>>
      tpu.wait_indirect_dma semaphore(%arg17 : memref<!tpu.dma_semaphore, #tpu.memory_space<semaphore_mem>>) src(%arg10 : memref<125x128xf32, #tpu.memory_space<vmem>>) dst(%dma_wait3A_461 : memref<10240x128xf32, #tpu.memory_space<vmem_shared>>)
      %dma_start3A_462 = arith.constant 0 : i32
      %dma_start3A_463 = arith.constant 5 : i32
      %dma_start3A_464 = arith.constant 0 : i32
      %dma_start3A_465 = tpu.memref_slice %arg8[%dma_start3A_462, %dma_start3A_463, %dma_start3A_464] : memref<2x8x125xi32, #tpu.memory_space<vmem>> -> memref<1x1x125xi32, #tpu.memory_space<vmem>>
      %dma_start3A_466 = tpu.memref_squeeze %dma_start3A_465 : memref<1x1x125xi32, #tpu.memory_space<vmem>> -> memref<125xi32, #tpu.memory_space<vmem>>
      %dma_start3A_467 = arith.constant 0 : i32
      %dma_start3A_468 = arith.constant 0 : i32
      %dma_start3A_469 = tpu.memref_slice %arg2[%dma_start3A_467, %dma_start3A_468] : memref<20000x128xf32, #tpu.memory_space<hbm>> -> memref<20000x128xf32, #tpu.memory_space<hbm>>
      tpu.enqueue_indirect_dma source(%dma_start3A_469 : memref<20000x128xf32, #tpu.memory_space<hbm>>) target(%arg10 : memref<125x128xf32, #tpu.memory_space<vmem>>) offsets(%dma_start3A_466 : memref<125xi32, #tpu.memory_space<vmem>>) semaphore(%arg15 : memref<!tpu.dma_semaphore, #tpu.memory_space<semaphore_mem>>)
      %dma_start3A_470 = arith.constant 1 : i32
      %dma_start3A_471 = arith.constant 4 : i32
      %dma_start3A_472 = arith.constant 0 : i32
      %dma_start3A_473 = tpu.memref_slice %arg8[%dma_start3A_470, %dma_start3A_471, %dma_start3A_472] : memref<2x8x125xi32, #tpu.memory_space<vmem>> -> memref<1x1x125xi32, #tpu.memory_space<vmem>>
      %dma_start3A_474 = tpu.memref_squeeze %dma_start3A_473 : memref<1x1x125xi32, #tpu.memory_space<vmem>> -> memref<125xi32, #tpu.memory_space<vmem>>
      %dma_start3A_475 = arith.constant 0 : i32
      %dma_start3A_476 = arith.constant 0 : i32
      %dma_start3A_477 = tpu.memref_slice %arg11[%dma_start3A_475, %dma_start3A_476] : memref<10240x128xf32, #tpu.memory_space<vmem_shared>> -> memref<10240x128xf32, #tpu.memory_space<vmem_shared>>
      tpu.enqueue_indirect_dma source(%arg9 : memref<125x128xf32, #tpu.memory_space<vmem>>) target(%dma_start3A_477 : memref<10240x128xf32, #tpu.memory_space<vmem_shared>>) offsets(%dma_start3A_474 : memref<125xi32, #tpu.memory_space<vmem>>) semaphore(%arg16 : memref<!tpu.dma_semaphore, #tpu.memory_space<semaphore_mem>>) {add = true}
      %dma_wait3A_478 = arith.constant 0 : i32
      %dma_wait3A_479 = arith.constant 5 : i32
      %dma_wait3A_480 = arith.constant 0 : i32
      %dma_wait3A_481 = tpu.memref_slice %arg8[%dma_wait3A_478, %dma_wait3A_479, %dma_wait3A_480] : memref<2x8x125xi32, #tpu.memory_space<vmem>> -> memref<1x1x125xi32, #tpu.memory_space<vmem>>
      %dma_wait3A_482 = tpu.memref_squeeze %dma_wait3A_481 : memref<1x1x125xi32, #tpu.memory_space<vmem>> -> memref<125xi32, #tpu.memory_space<vmem>>
      %dma_wait3A_483 = arith.constant 0 : i32
      %dma_wait3A_484 = arith.constant 0 : i32
      %dma_wait3A_485 = tpu.memref_slice %arg2[%dma_wait3A_483, %dma_wait3A_484] : memref<20000x128xf32, #tpu.memory_space<hbm>> -> memref<20000x128xf32, #tpu.memory_space<hbm>>
      tpu.wait_indirect_dma semaphore(%arg15 : memref<!tpu.dma_semaphore, #tpu.memory_space<semaphore_mem>>) src(%dma_wait3A_485 : memref<20000x128xf32, #tpu.memory_space<hbm>>) dst(%arg10 : memref<125x128xf32, #tpu.memory_space<vmem>>)
      %dma_wait3A_486 = arith.constant 1 : i32
      %dma_wait3A_487 = arith.constant 4 : i32
      %dma_wait3A_488 = arith.constant 0 : i32
      %dma_wait3A_489 = tpu.memref_slice %arg8[%dma_wait3A_486, %dma_wait3A_487, %dma_wait3A_488] : memref<2x8x125xi32, #tpu.memory_space<vmem>> -> memref<1x1x125xi32, #tpu.memory_space<vmem>>
      %dma_wait3A_490 = tpu.memref_squeeze %dma_wait3A_489 : memref<1x1x125xi32, #tpu.memory_space<vmem>> -> memref<125xi32, #tpu.memory_space<vmem>>
      %dma_wait3A_491 = arith.constant 0 : i32
      %dma_wait3A_492 = arith.constant 0 : i32
      %dma_wait3A_493 = tpu.memref_slice %arg11[%dma_wait3A_491, %dma_wait3A_492] : memref<10240x128xf32, #tpu.memory_space<vmem_shared>> -> memref<10240x128xf32, #tpu.memory_space<vmem_shared>>
      tpu.wait_indirect_dma semaphore(%arg16 : memref<!tpu.dma_semaphore, #tpu.memory_space<semaphore_mem>>) src(%arg9 : memref<125x128xf32, #tpu.memory_space<vmem>>) dst(%dma_wait3A_493 : memref<10240x128xf32, #tpu.memory_space<vmem_shared>>)
      %dma_start3A_494 = arith.constant 0 : i32
      %dma_start3A_495 = arith.constant 6 : i32
      %dma_start3A_496 = arith.constant 0 : i32
      %dma_start3A_497 = tpu.memref_slice %arg8[%dma_start3A_494, %dma_start3A_495, %dma_start3A_496] : memref<2x8x125xi32, #tpu.memory_space<vmem>> -> memref<1x1x125xi32, #tpu.memory_space<vmem>>
      %dma_start3A_498 = tpu.memref_squeeze %dma_start3A_497 : memref<1x1x125xi32, #tpu.memory_space<vmem>> -> memref<125xi32, #tpu.memory_space<vmem>>
      %dma_start3A_499 = arith.constant 0 : i32
      %dma_start3A_500 = arith.constant 0 : i32
      %dma_start3A_501 = tpu.memref_slice %arg2[%dma_start3A_499, %dma_start3A_500] : memref<20000x128xf32, #tpu.memory_space<hbm>> -> memref<20000x128xf32, #tpu.memory_space<hbm>>
      tpu.enqueue_indirect_dma source(%dma_start3A_501 : memref<20000x128xf32, #tpu.memory_space<hbm>>) target(%arg9 : memref<125x128xf32, #tpu.memory_space<vmem>>) offsets(%dma_start3A_498 : memref<125xi32, #tpu.memory_space<vmem>>) semaphore(%arg14 : memref<!tpu.dma_semaphore, #tpu.memory_space<semaphore_mem>>)
      %dma_start3A_502 = arith.constant 1 : i32
      %dma_start3A_503 = arith.constant 5 : i32
      %dma_start3A_504 = arith.constant 0 : i32
      %dma_start3A_505 = tpu.memref_slice %arg8[%dma_start3A_502, %dma_start3A_503, %dma_start3A_504] : memref<2x8x125xi32, #tpu.memory_space<vmem>> -> memref<1x1x125xi32, #tpu.memory_space<vmem>>
      %dma_start3A_506 = tpu.memref_squeeze %dma_start3A_505 : memref<1x1x125xi32, #tpu.memory_space<vmem>> -> memref<125xi32, #tpu.memory_space<vmem>>
      %dma_start3A_507 = arith.constant 0 : i32
      %dma_start3A_508 = arith.constant 0 : i32
      %dma_start3A_509 = tpu.memref_slice %arg11[%dma_start3A_507, %dma_start3A_508] : memref<10240x128xf32, #tpu.memory_space<vmem_shared>> -> memref<10240x128xf32, #tpu.memory_space<vmem_shared>>
      tpu.enqueue_indirect_dma source(%arg10 : memref<125x128xf32, #tpu.memory_space<vmem>>) target(%dma_start3A_509 : memref<10240x128xf32, #tpu.memory_space<vmem_shared>>) offsets(%dma_start3A_506 : memref<125xi32, #tpu.memory_space<vmem>>) semaphore(%arg17 : memref<!tpu.dma_semaphore, #tpu.memory_space<semaphore_mem>>) {add = true}
      %dma_wait3A_510 = arith.constant 0 : i32
      %dma_wait3A_511 = arith.constant 6 : i32
      %dma_wait3A_512 = arith.constant 0 : i32
      %dma_wait3A_513 = tpu.memref_slice %arg8[%dma_wait3A_510, %dma_wait3A_511, %dma_wait3A_512] : memref<2x8x125xi32, #tpu.memory_space<vmem>> -> memref<1x1x125xi32, #tpu.memory_space<vmem>>
      %dma_wait3A_514 = tpu.memref_squeeze %dma_wait3A_513 : memref<1x1x125xi32, #tpu.memory_space<vmem>> -> memref<125xi32, #tpu.memory_space<vmem>>
      %dma_wait3A_515 = arith.constant 0 : i32
      %dma_wait3A_516 = arith.constant 0 : i32
      %dma_wait3A_517 = tpu.memref_slice %arg2[%dma_wait3A_515, %dma_wait3A_516] : memref<20000x128xf32, #tpu.memory_space<hbm>> -> memref<20000x128xf32, #tpu.memory_space<hbm>>
      tpu.wait_indirect_dma semaphore(%arg14 : memref<!tpu.dma_semaphore, #tpu.memory_space<semaphore_mem>>) src(%dma_wait3A_517 : memref<20000x128xf32, #tpu.memory_space<hbm>>) dst(%arg9 : memref<125x128xf32, #tpu.memory_space<vmem>>)
      %dma_wait3A_518 = arith.constant 1 : i32
      %dma_wait3A_519 = arith.constant 5 : i32
      %dma_wait3A_520 = arith.constant 0 : i32
      %dma_wait3A_521 = tpu.memref_slice %arg8[%dma_wait3A_518, %dma_wait3A_519, %dma_wait3A_520] : memref<2x8x125xi32, #tpu.memory_space<vmem>> -> memref<1x1x125xi32, #tpu.memory_space<vmem>>
      %dma_wait3A_522 = tpu.memref_squeeze %dma_wait3A_521 : memref<1x1x125xi32, #tpu.memory_space<vmem>> -> memref<125xi32, #tpu.memory_space<vmem>>
      %dma_wait3A_523 = arith.constant 0 : i32
      %dma_wait3A_524 = arith.constant 0 : i32
      %dma_wait3A_525 = tpu.memref_slice %arg11[%dma_wait3A_523, %dma_wait3A_524] : memref<10240x128xf32, #tpu.memory_space<vmem_shared>> -> memref<10240x128xf32, #tpu.memory_space<vmem_shared>>
      tpu.wait_indirect_dma semaphore(%arg17 : memref<!tpu.dma_semaphore, #tpu.memory_space<semaphore_mem>>) src(%arg10 : memref<125x128xf32, #tpu.memory_space<vmem>>) dst(%dma_wait3A_525 : memref<10240x128xf32, #tpu.memory_space<vmem_shared>>)
      %dma_start3A_526 = arith.constant 0 : i32
      %dma_start3A_527 = arith.constant 7 : i32
      %dma_start3A_528 = arith.constant 0 : i32
      %dma_start3A_529 = tpu.memref_slice %arg8[%dma_start3A_526, %dma_start3A_527, %dma_start3A_528] : memref<2x8x125xi32, #tpu.memory_space<vmem>> -> memref<1x1x125xi32, #tpu.memory_space<vmem>>
      %dma_start3A_530 = tpu.memref_squeeze %dma_start3A_529 : memref<1x1x125xi32, #tpu.memory_space<vmem>> -> memref<125xi32, #tpu.memory_space<vmem>>
      %dma_start3A_531 = arith.constant 0 : i32
      %dma_start3A_532 = arith.constant 0 : i32
      %dma_start3A_533 = tpu.memref_slice %arg2[%dma_start3A_531, %dma_start3A_532] : memref<20000x128xf32, #tpu.memory_space<hbm>> -> memref<20000x128xf32, #tpu.memory_space<hbm>>
      tpu.enqueue_indirect_dma source(%dma_start3A_533 : memref<20000x128xf32, #tpu.memory_space<hbm>>) target(%arg10 : memref<125x128xf32, #tpu.memory_space<vmem>>) offsets(%dma_start3A_530 : memref<125xi32, #tpu.memory_space<vmem>>) semaphore(%arg15 : memref<!tpu.dma_semaphore, #tpu.memory_space<semaphore_mem>>)
      %dma_start3A_534 = arith.constant 1 : i32
      %dma_start3A_535 = arith.constant 6 : i32
      %dma_start3A_536 = arith.constant 0 : i32
      %dma_start3A_537 = tpu.memref_slice %arg8[%dma_start3A_534, %dma_start3A_535, %dma_start3A_536] : memref<2x8x125xi32, #tpu.memory_space<vmem>> -> memref<1x1x125xi32, #tpu.memory_space<vmem>>
      %dma_start3A_538 = tpu.memref_squeeze %dma_start3A_537 : memref<1x1x125xi32, #tpu.memory_space<vmem>> -> memref<125xi32, #tpu.memory_space<vmem>>
      %dma_start3A_539 = arith.constant 0 : i32
      %dma_start3A_540 = arith.constant 0 : i32
      %dma_start3A_541 = tpu.memref_slice %arg11[%dma_start3A_539, %dma_start3A_540] : memref<10240x128xf32, #tpu.memory_space<vmem_shared>> -> memref<10240x128xf32, #tpu.memory_space<vmem_shared>>
      tpu.enqueue_indirect_dma source(%arg9 : memref<125x128xf32, #tpu.memory_space<vmem>>) target(%dma_start3A_541 : memref<10240x128xf32, #tpu.memory_space<vmem_shared>>) offsets(%dma_start3A_538 : memref<125xi32, #tpu.memory_space<vmem>>) semaphore(%arg16 : memref<!tpu.dma_semaphore, #tpu.memory_space<semaphore_mem>>) {add = true}
      %dma_wait3A_542 = arith.constant 0 : i32
      %dma_wait3A_543 = arith.constant 7 : i32
      %dma_wait3A_544 = arith.constant 0 : i32
      %dma_wait3A_545 = tpu.memref_slice %arg8[%dma_wait3A_542, %dma_wait3A_543, %dma_wait3A_544] : memref<2x8x125xi32, #tpu.memory_space<vmem>> -> memref<1x1x125xi32, #tpu.memory_space<vmem>>
      %dma_wait3A_546 = tpu.memref_squeeze %dma_wait3A_545 : memref<1x1x125xi32, #tpu.memory_space<vmem>> -> memref<125xi32, #tpu.memory_space<vmem>>
      %dma_wait3A_547 = arith.constant 0 : i32
      %dma_wait3A_548 = arith.constant 0 : i32
      %dma_wait3A_549 = tpu.memref_slice %arg2[%dma_wait3A_547, %dma_wait3A_548] : memref<20000x128xf32, #tpu.memory_space<hbm>> -> memref<20000x128xf32, #tpu.memory_space<hbm>>
      tpu.wait_indirect_dma semaphore(%arg15 : memref<!tpu.dma_semaphore, #tpu.memory_space<semaphore_mem>>) src(%dma_wait3A_549 : memref<20000x128xf32, #tpu.memory_space<hbm>>) dst(%arg10 : memref<125x128xf32, #tpu.memory_space<vmem>>)
      %dma_wait3A_550 = arith.constant 1 : i32
      %dma_wait3A_551 = arith.constant 6 : i32
      %dma_wait3A_552 = arith.constant 0 : i32
      %dma_wait3A_553 = tpu.memref_slice %arg8[%dma_wait3A_550, %dma_wait3A_551, %dma_wait3A_552] : memref<2x8x125xi32, #tpu.memory_space<vmem>> -> memref<1x1x125xi32, #tpu.memory_space<vmem>>
      %dma_wait3A_554 = tpu.memref_squeeze %dma_wait3A_553 : memref<1x1x125xi32, #tpu.memory_space<vmem>> -> memref<125xi32, #tpu.memory_space<vmem>>
      %dma_wait3A_555 = arith.constant 0 : i32
      %dma_wait3A_556 = arith.constant 0 : i32
      %dma_wait3A_557 = tpu.memref_slice %arg11[%dma_wait3A_555, %dma_wait3A_556] : memref<10240x128xf32, #tpu.memory_space<vmem_shared>> -> memref<10240x128xf32, #tpu.memory_space<vmem_shared>>
      tpu.wait_indirect_dma semaphore(%arg16 : memref<!tpu.dma_semaphore, #tpu.memory_space<semaphore_mem>>) src(%arg9 : memref<125x128xf32, #tpu.memory_space<vmem>>) dst(%dma_wait3A_557 : memref<10240x128xf32, #tpu.memory_space<vmem_shared>>)
      %add3A_558 = arith.constant 1 : i32
      %add3A_559 = arith.addi %add3A_325, %add3A_558 : i32
      %lt3A_560 = arith.constant 20 : i32
      %lt3A_561 = arith.cmpi slt, %add3A_559, %lt3A_560 : i32
      %convert_element_type3A_562 = arith.extui %lt3A_561 : i1 to i32
      %cond3A_563 = arith.constant 0 : i32
      %cond3A_564 = arith.cmpi ne, %convert_element_type3A_562, %cond3A_563 : i32
      scf.if %cond3A_564 {
        %add3A_588 = arith.addi %add3A, %add3A_325 : i32
        %add3A_589 = arith.constant 1 : i32
        %add3A_590 = arith.addi %add3A_588, %add3A_589 : i32
        %dma_wait3A_591 = arith.constant 0 : i32
        %dma_wait3A_592 = arith.constant 0 : i32
        %dma_wait3A_593 = arith.constant 0 : i32
        %dma_wait3A_594 = tpu.memref_slice %arg3[%add3A_590, %dma_wait3A_591, %dma_wait3A_592, %dma_wait3A_593] : memref<640x2x8x125xi32, #tpu.memory_space<hbm>> -> memref<1x2x8x125xi32, #tpu.memory_space<hbm>>
        %dma_wait3A_595 = tpu.memref_squeeze %dma_wait3A_594 : memref<1x2x8x125xi32, #tpu.memory_space<hbm>> -> memref<2x8x125xi32, #tpu.memory_space<hbm>>
        %dma_wait3A_596 = arith.constant 0 : i32
        %dma_wait3A_597 = arith.constant 0 : i32
        %dma_wait3A_598 = arith.constant 0 : i32
        %dma_wait3A_599 = tpu.memref_slice %arg3[%add3A_590, %dma_wait3A_596, %dma_wait3A_597, %dma_wait3A_598] : memref<640x2x8x125xi32, #tpu.memory_space<hbm>> -> memref<1x2x8x125xi32, #tpu.memory_space<hbm>>
        %dma_wait3A_600 = tpu.memref_squeeze %dma_wait3A_599 : memref<1x2x8x125xi32, #tpu.memory_space<hbm>> -> memref<2x8x125xi32, #tpu.memory_space<hbm>>
        tpu.wait_dma2 semaphore(%arg12 : memref<!tpu.dma_semaphore, #tpu.memory_space<semaphore_mem>>) src(%dma_wait3A_600 : memref<2x8x125xi32, #tpu.memory_space<hbm>>) dst(%arg7 : memref<2x8x125xi32, #tpu.memory_space<vmem>>)
        %dma_start3A_601 = arith.constant 0 : i32
        %dma_start3A_602 = arith.constant 0 : i32
        %dma_start3A_603 = arith.constant 0 : i32
        %dma_start3A_604 = tpu.memref_slice %arg7[%dma_start3A_601, %dma_start3A_602, %dma_start3A_603] : memref<2x8x125xi32, #tpu.memory_space<vmem>> -> memref<1x1x125xi32, #tpu.memory_space<vmem>>
        %dma_start3A_605 = tpu.memref_squeeze %dma_start3A_604 : memref<1x1x125xi32, #tpu.memory_space<vmem>> -> memref<125xi32, #tpu.memory_space<vmem>>
        %dma_start3A_606 = arith.constant 0 : i32
        %dma_start3A_607 = arith.constant 0 : i32
        %dma_start3A_608 = tpu.memref_slice %arg2[%dma_start3A_606, %dma_start3A_607] : memref<20000x128xf32, #tpu.memory_space<hbm>> -> memref<20000x128xf32, #tpu.memory_space<hbm>>
        tpu.enqueue_indirect_dma source(%dma_start3A_608 : memref<20000x128xf32, #tpu.memory_space<hbm>>) target(%arg9 : memref<125x128xf32, #tpu.memory_space<vmem>>) offsets(%dma_start3A_605 : memref<125xi32, #tpu.memory_space<vmem>>) semaphore(%arg14 : memref<!tpu.dma_semaphore, #tpu.memory_space<semaphore_mem>>)
      } else {
      }
      %dma_start3A_565 = arith.constant 1 : i32
      %dma_start3A_566 = arith.constant 7 : i32
      %dma_start3A_567 = arith.constant 0 : i32
      %dma_start3A_568 = tpu.memref_slice %arg8[%dma_start3A_565, %dma_start3A_566, %dma_start3A_567] : memref<2x8x125xi32, #tpu.memory_space<vmem>> -> memref<1x1x125xi32, #tpu.memory_space<vmem>>
      %dma_start3A_569 = tpu.memref_squeeze %dma_start3A_568 : memref<1x1x125xi32, #tpu.memory_space<vmem>> -> memref<125xi32, #tpu.memory_space<vmem>>
      %dma_start3A_570 = arith.constant 0 : i32
      %dma_start3A_571 = arith.constant 0 : i32
      %dma_start3A_572 = tpu.memref_slice %arg11[%dma_start3A_570, %dma_start3A_571] : memref<10240x128xf32, #tpu.memory_space<vmem_shared>> -> memref<10240x128xf32, #tpu.memory_space<vmem_shared>>
      tpu.enqueue_indirect_dma source(%arg10 : memref<125x128xf32, #tpu.memory_space<vmem>>) target(%dma_start3A_572 : memref<10240x128xf32, #tpu.memory_space<vmem_shared>>) offsets(%dma_start3A_569 : memref<125xi32, #tpu.memory_space<vmem>>) semaphore(%arg17 : memref<!tpu.dma_semaphore, #tpu.memory_space<semaphore_mem>>) {add = true}
      %dma_wait3A_573 = arith.constant 1 : i32
      %dma_wait3A_574 = arith.constant 7 : i32
      %dma_wait3A_575 = arith.constant 0 : i32
      %dma_wait3A_576 = tpu.memref_slice %arg8[%dma_wait3A_573, %dma_wait3A_574, %dma_wait3A_575] : memref<2x8x125xi32, #tpu.memory_space<vmem>> -> memref<1x1x125xi32, #tpu.memory_space<vmem>>
      %dma_wait3A_577 = tpu.memref_squeeze %dma_wait3A_576 : memref<1x1x125xi32, #tpu.memory_space<vmem>> -> memref<125xi32, #tpu.memory_space<vmem>>
      %dma_wait3A_578 = arith.constant 0 : i32
      %dma_wait3A_579 = arith.constant 0 : i32
      %dma_wait3A_580 = tpu.memref_slice %arg11[%dma_wait3A_578, %dma_wait3A_579] : memref<10240x128xf32, #tpu.memory_space<vmem_shared>> -> memref<10240x128xf32, #tpu.memory_space<vmem_shared>>
      tpu.wait_indirect_dma semaphore(%arg17 : memref<!tpu.dma_semaphore, #tpu.memory_space<semaphore_mem>>) src(%arg10 : memref<125x128xf32, #tpu.memory_space<vmem>>) dst(%dma_wait3A_580 : memref<10240x128xf32, #tpu.memory_space<vmem_shared>>)
      %add3A_581 = arith.constant 2 : i32
      %add3A_582 = arith.addi %add3A_325, %add3A_581 : i32
      %lt3A_583 = arith.constant 20 : i32
      %lt3A_584 = arith.cmpi slt, %add3A_582, %lt3A_583 : i32
      %convert_element_type3A_585 = arith.extui %lt3A_584 : i1 to i32
      %cond3A_586 = arith.constant 0 : i32
      %cond3A_587 = arith.cmpi ne, %convert_element_type3A_585, %cond3A_586 : i32
      scf.if %cond3A_587 {
        %add3A_588 = arith.addi %add3A, %add3A_325 : i32
        %add3A_589 = arith.constant 2 : i32
        %add3A_590 = arith.addi %add3A_588, %add3A_589 : i32
        %dma_start3A_591 = arith.constant 0 : i32
        %dma_start3A_592 = arith.constant 0 : i32
        %dma_start3A_593 = arith.constant 0 : i32
        %dma_start3A_594 = tpu.memref_slice %arg3[%add3A_590, %dma_start3A_591, %dma_start3A_592, %dma_start3A_593] : memref<640x2x8x125xi32, #tpu.memory_space<hbm>> -> memref<1x2x8x125xi32, #tpu.memory_space<hbm>>
        %dma_start3A_595 = tpu.memref_squeeze %dma_start3A_594 : memref<1x2x8x125xi32, #tpu.memory_space<hbm>> -> memref<2x8x125xi32, #tpu.memory_space<hbm>>
        %dma_start3A_596 = arith.constant 0 : i32
        %dma_start3A_597 = arith.constant 0 : i32
        %dma_start3A_598 = arith.constant 0 : i32
        %dma_start3A_599 = tpu.memref_slice %arg3[%add3A_590, %dma_start3A_596, %dma_start3A_597, %dma_start3A_598] : memref<640x2x8x125xi32, #tpu.memory_space<hbm>> -> memref<1x2x8x125xi32, #tpu.memory_space<hbm>>
        %dma_start3A_600 = tpu.memref_squeeze %dma_start3A_599 : memref<1x2x8x125xi32, #tpu.memory_space<hbm>> -> memref<2x8x125xi32, #tpu.memory_space<hbm>>
        tpu.enqueue_dma source(%dma_start3A_600 : memref<2x8x125xi32, #tpu.memory_space<hbm>>) target(%arg8 : memref<2x8x125xi32, #tpu.memory_space<vmem>>) target_semaphore(%arg13 : memref<!tpu.dma_semaphore, #tpu.memory_space<semaphore_mem>>)
      } else {
      }
    }
    %scan3A_49 = arith.constant 10 : i32
    %barrier3A_50 = arith.constant 0 : index
    tpu.barrier barrier_id(%barrier3A_50)
    %eq3A = arith.constant 0 : i32
    %eq3A_51 = arith.cmpi eq, %arg0, %eq3A : i32
    %convert_element_type3A = arith.extui %eq3A_51 : i1 to i32
    %cond3A = arith.constant 0 : i32
    %cond3A_52 = arith.cmpi ne, %convert_element_type3A, %cond3A : i32
    scf.if %cond3A_52 {
      %mul3A_58 = arith.constant 640 : i32
      %mul3A_59 = arith.muli %arg1, %mul3A_58 : i32
      %mul3A_60 = arith.constant 640 : i32
      %mul3A_61 = arith.muli %arg1, %mul3A_60 : i32
      "tpu.region"() ({
        %run_scoped3A = tpu.sem_alloc : memref<!tpu.dma_semaphore, #tpu.memory_space<semaphore_mem>>
        %dma_start3A_62 = arith.constant 0 : i32
        %dma_start3A_63 = tpu.memref_slice %arg5[%mul3A_61, %dma_start3A_62] : memref<10240x128xf32, #tpu.memory_space<hbm>> -> memref<640x128xf32, #tpu.memory_space<hbm>>
        %dma_start3A_64 = arith.constant 0 : i32
        %dma_start3A_65 = tpu.memref_slice %arg11[%mul3A_59, %dma_start3A_64] : memref<10240x128xf32, #tpu.memory_space<vmem_shared>> -> memref<640x128xf32, #tpu.memory_space<vmem_shared>>
        tpu.enqueue_dma source(%dma_start3A_65 : memref<640x128xf32, #tpu.memory_space<vmem_shared>>) target(%dma_start3A_63 : memref<640x128xf32, #tpu.memory_space<hbm>>) target_semaphore(%run_scoped3A : memref<!tpu.dma_semaphore, #tpu.memory_space<semaphore_mem>>)
        %dma_wait3A_66 = arith.constant 0 : i32
        %dma_wait3A_67 = tpu.memref_slice %arg5[%mul3A_61, %dma_wait3A_66] : memref<10240x128xf32, #tpu.memory_space<hbm>> -> memref<640x128xf32, #tpu.memory_space<hbm>>
        %dma_wait3A_68 = arith.constant 0 : i32
        %dma_wait3A_69 = tpu.memref_slice %arg11[%mul3A_59, %dma_wait3A_68] : memref<10240x128xf32, #tpu.memory_space<vmem_shared>> -> memref<640x128xf32, #tpu.memory_space<vmem_shared>>
        tpu.wait_dma2 semaphore(%run_scoped3A : memref<!tpu.dma_semaphore, #tpu.memory_space<semaphore_mem>>) src(%dma_wait3A_69 : memref<640x128xf32, #tpu.memory_space<vmem_shared>>) dst(%dma_wait3A_67 : memref<640x128xf32, #tpu.memory_space<hbm>>)
        tpu.yield
      }) : () -> ()
    } else {
    }
    %eq3A_53 = arith.constant 1 : i32
    %eq3A_54 = arith.cmpi eq, %arg0, %eq3A_53 : i32
    %convert_element_type3A_55 = arith.extui %eq3A_54 : i1 to i32
    %cond3A_56 = arith.constant 0 : i32
    %cond3A_57 = arith.cmpi ne, %convert_element_type3A_55, %cond3A_56 : i32
    scf.if %cond3A_57 {
      %mul3A_58 = arith.constant 640 : i32
      %mul3A_59 = arith.muli %arg1, %mul3A_58 : i32
      %mul3A_60 = arith.constant 640 : i32
      %mul3A_61 = arith.muli %arg1, %mul3A_60 : i32
      "tpu.region"() ({
        %run_scoped3A = tpu.sem_alloc : memref<!tpu.dma_semaphore, #tpu.memory_space<semaphore_mem>>
        %dma_start3A_62 = arith.constant 0 : i32
        %dma_start3A_63 = tpu.memref_slice %arg6[%mul3A_61, %dma_start3A_62] : memref<10240x128xf32, #tpu.memory_space<hbm>> -> memref<640x128xf32, #tpu.memory_space<hbm>>
        %dma_start3A_64 = arith.constant 0 : i32
        %dma_start3A_65 = tpu.memref_slice %arg11[%mul3A_59, %dma_start3A_64] : memref<10240x128xf32, #tpu.memory_space<vmem_shared>> -> memref<640x128xf32, #tpu.memory_space<vmem_shared>>
        tpu.enqueue_dma source(%dma_start3A_65 : memref<640x128xf32, #tpu.memory_space<vmem_shared>>) target(%dma_start3A_63 : memref<640x128xf32, #tpu.memory_space<hbm>>) target_semaphore(%run_scoped3A : memref<!tpu.dma_semaphore, #tpu.memory_space<semaphore_mem>>)
        %dma_wait3A_66 = arith.constant 0 : i32
        %dma_wait3A_67 = tpu.memref_slice %arg6[%mul3A_61, %dma_wait3A_66] : memref<10240x128xf32, #tpu.memory_space<hbm>> -> memref<640x128xf32, #tpu.memory_space<hbm>>
        %dma_wait3A_68 = arith.constant 0 : i32
        %dma_wait3A_69 = tpu.memref_slice %arg11[%mul3A_59, %dma_wait3A_68] : memref<10240x128xf32, #tpu.memory_space<vmem_shared>> -> memref<640x128xf32, #tpu.memory_space<vmem_shared>>
        tpu.wait_dma2 semaphore(%run_scoped3A : memref<!tpu.dma_semaphore, #tpu.memory_space<semaphore_mem>>) src(%dma_wait3A_69 : memref<640x128xf32, #tpu.memory_space<vmem_shared>>) dst(%dma_wait3A_67 : memref<640x128xf32, #tpu.memory_space<hbm>>)
        tpu.yield
      }) : () -> ()
    } else {
    }
    return
  }
}

module attributes {stable_mosaic.version = 14 : i64} {
  func.func @_tc_layer0_body(%arg0: i32, %arg1: memref<1000x128xf32, #tpu.memory_space<vmem>>, %arg2: memref<1000x128xf32, #tpu.memory_space<vmem>>, %arg3: memref<1000x1xf32, #tpu.memory_space<vmem>>, %arg4: memref<1000x128xf32, #tpu.memory_space<vmem>>, %arg5: memref<128x256xf32, #tpu.memory_space<vmem>>, %arg6: memref<128x256xf32, #tpu.memory_space<vmem>>, %arg7: memref<1x256xf32, #tpu.memory_space<vmem>>, %arg8: memref<1x256xf32, #tpu.memory_space<vmem>>, %arg9: memref<1x256xf32, #tpu.memory_space<vmem>>, %arg10: memref<2x1000x128xf32, #tpu.memory_space<vmem>>) attributes {dimension_semantics = [#tpu.dimension_semantics<arbitrary>], iteration_bounds = array<i64: 10>, scalar_prefetch = 0 : i64, scratch_operands = 0 : i64, tpu.core_type = #tpu.core_type<tc>, window_params = [{transform_indices = @transform_0, window_bounds = array<i64: 1000, 128>}, {transform_indices = @transform_1, window_bounds = array<i64: 1000, 128>}, {transform_indices = @transform_2, window_bounds = array<i64: 1000, 1>}, {transform_indices = @transform_3, window_bounds = array<i64: 1000, 128>}, {pipeline_mode = #tpu.pipeline_mode<synchronous>, transform_indices = @transform_4, window_bounds = array<i64: 128, 256>}, {pipeline_mode = #tpu.pipeline_mode<synchronous>, transform_indices = @transform_5, window_bounds = array<i64: 128, 256>}, {pipeline_mode = #tpu.pipeline_mode<synchronous>, transform_indices = @transform_6, window_bounds = array<i64: 1, 256>}, {pipeline_mode = #tpu.pipeline_mode<synchronous>, transform_indices = @transform_7, window_bounds = array<i64: 1, 256>}, {pipeline_mode = #tpu.pipeline_mode<synchronous>, transform_indices = @transform_8, window_bounds = array<i64: 1, 256>}, {transform_indices = @transform_9, window_bounds = array<i64: 2, 1000, 128>}]} {
    %get3A = arith.constant 0 : index
    %get3A_0 = arith.constant 0 : index
    %get3A_1 = vector.load %arg4[%get3A, %get3A_0] : memref<1000x128xf32, #tpu.memory_space<vmem>>, vector<1000x128xf32>
    %get3A_2 = arith.constant 0 : index
    %get3A_3 = arith.constant 0 : index
    %get3A_4 = vector.load %arg6[%get3A_2, %get3A_3] : memref<128x256xf32, #tpu.memory_space<vmem>>, vector<128x256xf32>
    %dot_general3A = arith.constant dense<0.000000e+00> : vector<1000x256xf32>
    %dot_general3A_5 = tpu.matmul %get3A_1, %get3A_4, %dot_general3A {dimension_numbers = #tpu.dot_dimension_numbers<[1], [0], [0], [1], [0, 0, 1, 1], [], []>, transpose_lhs_hint = false} : vector<1000x128xf32>, vector<128x256xf32>, vector<1000x256xf32> -> vector<1000x256xf32>
    %get3A_6 = arith.constant 0 : index
    %get3A_7 = arith.constant 0 : index
    %get3A_8 = vector.load %arg7[%get3A_6, %get3A_7] : memref<1x256xf32, #tpu.memory_space<vmem>>, vector<1x256xf32>
    %add3A = vector.broadcast %get3A_8 : vector<1x256xf32> to vector<1000x256xf32>
    %add3A_9 = arith.addf %dot_general3A_5, %add3A : vector<1000x256xf32>
    %get3A_10 = arith.constant 0 : index
    %get3A_11 = arith.constant 0 : index
    %get3A_12 = vector.load %arg1[%get3A_10, %get3A_11] : memref<1000x128xf32, #tpu.memory_space<vmem>>, vector<1000x128xf32>
    %get3A_13 = arith.constant 0 : index
    %get3A_14 = arith.constant 0 : index
    %get3A_15 = vector.load %arg2[%get3A_13, %get3A_14] : memref<1000x128xf32, #tpu.memory_space<vmem>>, vector<1000x128xf32>
    %add3A_16 = arith.addf %get3A_12, %get3A_15 : vector<1000x128xf32>
    %get3A_17 = arith.constant 0 : index
    %get3A_18 = arith.constant 0 : index
    %get3A_19 = vector.load %arg3[%get3A_17, %get3A_18] : memref<1000x1xf32, #tpu.memory_space<vmem>>, vector<1000x1xf32>
    %max3A = arith.constant 1.000000e+00 : f32
    %max3A_20 = vector.broadcast %max3A : f32 to vector<1000x1xf32>
    %max3A_21 = arith.maximumf %get3A_19, %max3A_20 : vector<1000x1xf32>
    %div3A = arith.constant 1.000000e+00 : f32
    %div3A_22 = vector.broadcast %div3A : f32 to vector<1000x1xf32>
    %div3A_23 = arith.divf %div3A_22, %max3A_21 : vector<1000x1xf32>
    %mul3A = vector.broadcast %div3A_23 : vector<1000x1xf32> to vector<1000x128xf32>
    %mul3A_24 = arith.mulf %add3A_16, %mul3A : vector<1000x128xf32>
    %get3A_25 = arith.constant 0 : index
    %get3A_26 = arith.constant 0 : index
    %get3A_27 = vector.load %arg5[%get3A_25, %get3A_26] : memref<128x256xf32, #tpu.memory_space<vmem>>, vector<128x256xf32>
    %dot_general3A_28 = arith.constant dense<0.000000e+00> : vector<1000x256xf32>
    %dot_general3A_29 = tpu.matmul %mul3A_24, %get3A_27, %dot_general3A_28 {dimension_numbers = #tpu.dot_dimension_numbers<[1], [0], [0], [1], [0, 0, 1, 1], [], []>, transpose_lhs_hint = false} : vector<1000x128xf32>, vector<128x256xf32>, vector<1000x256xf32> -> vector<1000x256xf32>
    %add3A_30 = arith.addf %dot_general3A_29, %add3A_9 : vector<1000x256xf32>
    %reduce_sum3A = arith.constant dense<0.000000e+00> : vector<1000xf32>
    %reduce_sum3A_31 = vector.multi_reduction <add>, %add3A_30, %reduce_sum3A [1] : vector<1000x256xf32> to vector<1000xf32>
    %broadcast_in_dim3A = vector.shape_cast %reduce_sum3A_31 : vector<1000xf32> to vector<1000x1xf32>
    %div3A_32 = arith.constant 2.560000e+02 : f32
    %div3A_33 = vector.broadcast %div3A_32 : f32 to vector<1000x1xf32>
    %div3A_34 = arith.divf %broadcast_in_dim3A, %div3A_33 : vector<1000x1xf32>
    %sub3A = vector.broadcast %div3A_34 : vector<1000x1xf32> to vector<1000x256xf32>
    %sub3A_35 = arith.subf %add3A_30, %sub3A : vector<1000x256xf32>
    %mul3A_36 = arith.mulf %sub3A_35, %sub3A_35 : vector<1000x256xf32>
    %reduce_sum3A_37 = arith.constant dense<0.000000e+00> : vector<1000xf32>
    %reduce_sum3A_38 = vector.multi_reduction <add>, %mul3A_36, %reduce_sum3A_37 [1] : vector<1000x256xf32> to vector<1000xf32>
    %broadcast_in_dim3A_39 = vector.shape_cast %reduce_sum3A_38 : vector<1000xf32> to vector<1000x1xf32>
    %div3A_40 = arith.constant 2.560000e+02 : f32
    %div3A_41 = vector.broadcast %div3A_40 : f32 to vector<1000x1xf32>
    %div3A_42 = arith.divf %broadcast_in_dim3A_39, %div3A_41 : vector<1000x1xf32>
    %add3A_43 = arith.constant 9.99999974E-6 : f32
    %add3A_44 = vector.broadcast %add3A_43 : f32 to vector<1000x1xf32>
    %add3A_45 = arith.addf %div3A_42, %add3A_44 : vector<1000x1xf32>
    %rsqrt3A = math.rsqrt %add3A_45 : vector<1000x1xf32>
    %mul3A_46 = vector.broadcast %rsqrt3A : vector<1000x1xf32> to vector<1000x256xf32>
    %mul3A_47 = arith.mulf %sub3A_35, %mul3A_46 : vector<1000x256xf32>
    %get3A_48 = arith.constant 0 : index
    %get3A_49 = arith.constant 0 : index
    %get3A_50 = vector.load %arg8[%get3A_48, %get3A_49] : memref<1x256xf32, #tpu.memory_space<vmem>>, vector<1x256xf32>
    %mul3A_51 = vector.broadcast %get3A_50 : vector<1x256xf32> to vector<1000x256xf32>
    %mul3A_52 = arith.mulf %mul3A_47, %mul3A_51 : vector<1000x256xf32>
    %get3A_53 = arith.constant 0 : index
    %get3A_54 = arith.constant 0 : index
    %get3A_55 = vector.load %arg9[%get3A_53, %get3A_54] : memref<1x256xf32, #tpu.memory_space<vmem>>, vector<1x256xf32>
    %add3A_56 = vector.broadcast %get3A_55 : vector<1x256xf32> to vector<1000x256xf32>
    %add3A_57 = arith.addf %mul3A_52, %add3A_56 : vector<1000x256xf32>
    %max3A_58 = arith.constant 0.000000e+00 : f32
    %max3A_59 = vector.broadcast %max3A_58 : f32 to vector<1000x256xf32>
    %max3A_60 = arith.maximumf %add3A_57, %max3A_59 : vector<1000x256xf32>
    %slice3A = vector.extract_strided_slice %max3A_60 {offsets = [0, 0], sizes = [1000, 128], strides = [1, 1]} : vector<1000x256xf32> to vector<1000x128xf32>
    %swap3A = arith.constant 0 : index
    %swap3A_61 = arith.constant 0 : index
    %swap3A_62 = arith.constant 0 : index
    %swap3A_63 = vector.load %arg10[%swap3A, %swap3A_61, %swap3A_62] : memref<2x1000x128xf32, #tpu.memory_space<vmem>>, vector<1x1000x128xf32>
    %swap3A_64 = vector.shape_cast %swap3A_63 : vector<1x1000x128xf32> to vector<1000x128xf32>
    %swap3A_65 = vector.shape_cast %slice3A : vector<1000x128xf32> to vector<1x1000x128xf32>
    tpu.vector_store %arg10[%swap3A, %swap3A_61, %swap3A_62], %swap3A_65 {strides = array<i32>} : memref<2x1000x128xf32, #tpu.memory_space<vmem>>, vector<1x1000x128xf32>,
    %slice3A_66 = vector.extract_strided_slice %max3A_60 {offsets = [0, 128], sizes = [1000, 128], strides = [1, 1]} : vector<1000x256xf32> to vector<1000x128xf32>
    %swap3A_67 = arith.constant 1 : index
    %swap3A_68 = arith.constant 0 : index
    %swap3A_69 = arith.constant 0 : index
    %swap3A_70 = vector.load %arg10[%swap3A_67, %swap3A_68, %swap3A_69] : memref<2x1000x128xf32, #tpu.memory_space<vmem>>, vector<1x1000x128xf32>
    %swap3A_71 = vector.shape_cast %swap3A_70 : vector<1x1000x128xf32> to vector<1000x128xf32>
    %swap3A_72 = vector.shape_cast %slice3A_66 : vector<1000x128xf32> to vector<1x1000x128xf32>
    tpu.vector_store %arg10[%swap3A_67, %swap3A_68, %swap3A_69], %swap3A_72 {strides = array<i32>} : memref<2x1000x128xf32, #tpu.memory_space<vmem>>, vector<1x1000x128xf32>,
    return
  }
  func.func @transform_0(%arg0: i32) -> (i32, i32) {
    %c0_i32 = arith.constant 0 : i32
    %c0_i32_0 = arith.constant 0 : i32
    return %arg0, %c0_i32 : i32, i32
  }
  func.func @transform_1(%arg0: i32) -> (i32, i32) {
    %c0_i32 = arith.constant 0 : i32
    %c0_i32_0 = arith.constant 0 : i32
    return %arg0, %c0_i32 : i32, i32
  }
  func.func @transform_2(%arg0: i32) -> (i32, i32) {
    %c0_i32 = arith.constant 0 : i32
    %c0_i32_0 = arith.constant 0 : i32
    return %arg0, %c0_i32 : i32, i32
  }
  func.func @transform_3(%arg0: i32) -> (i32, i32) {
    %c0_i32 = arith.constant 0 : i32
    %c0_i32_0 = arith.constant 0 : i32
    return %arg0, %c0_i32 : i32, i32
  }
  func.func @transform_4(%arg0: i32) -> (i32, i32) {
    %c0_i32 = arith.constant 0 : i32
    %c0_i32_0 = arith.constant 0 : i32
    %c0_i32_1 = arith.constant 0 : i32
    return %c0_i32, %c0_i32_0 : i32, i32
  }
  func.func @transform_5(%arg0: i32) -> (i32, i32) {
    %c0_i32 = arith.constant 0 : i32
    %c0_i32_0 = arith.constant 0 : i32
    %c0_i32_1 = arith.constant 0 : i32
    return %c0_i32, %c0_i32_0 : i32, i32
  }
  func.func @transform_6(%arg0: i32) -> (i32, i32) {
    %c0_i32 = arith.constant 0 : i32
    %c0_i32_0 = arith.constant 0 : i32
    %c0_i32_1 = arith.constant 0 : i32
    return %c0_i32, %c0_i32_0 : i32, i32
  }
  func.func @transform_7(%arg0: i32) -> (i32, i32) {
    %c0_i32 = arith.constant 0 : i32
    %c0_i32_0 = arith.constant 0 : i32
    %c0_i32_1 = arith.constant 0 : i32
    return %c0_i32, %c0_i32_0 : i32, i32
  }
  func.func @transform_8(%arg0: i32) -> (i32, i32) {
    %c0_i32 = arith.constant 0 : i32
    %c0_i32_0 = arith.constant 0 : i32
    %c0_i32_1 = arith.constant 0 : i32
    return %c0_i32, %c0_i32_0 : i32, i32
  }
  func.func @transform_9(%arg0: i32) -> (i32, i32, i32) {
    %c0_i32 = arith.constant 0 : i32
    %c0_i32_0 = arith.constant 0 : i32
    %c0_i32_1 = arith.constant 0 : i32
    return %c0_i32, %arg0, %c0_i32_0 : i32, i32, i32
  }
}

module attributes {stable_mosaic.version = 14 : i64} {
  func.func @_tc_layer12_body(%arg0: i32, %arg1: memref<1000x128xf32, #tpu.memory_space<vmem>>, %arg2: memref<1000x128xf32, #tpu.memory_space<vmem>>, %arg3: memref<1000x1xf32, #tpu.memory_space<vmem>>, %arg4: memref<2x1000x128xf32, #tpu.memory_space<vmem>>, %arg5: memref<256x256xf32, #tpu.memory_space<vmem>>, %arg6: memref<256x256xf32, #tpu.memory_space<vmem>>, %arg7: memref<1x256xf32, #tpu.memory_space<vmem>>, %arg8: memref<1x256xf32, #tpu.memory_space<vmem>>, %arg9: memref<1x256xf32, #tpu.memory_space<vmem>>, %arg10: memref<2x1000x128xf32, #tpu.memory_space<vmem>>) attributes {dimension_semantics = [#tpu.dimension_semantics<arbitrary>], iteration_bounds = array<i64: 10>, scalar_prefetch = 0 : i64, scratch_operands = 0 : i64, tpu.core_type = #tpu.core_type<tc>, window_params = [{transform_indices = @transform_0, window_bounds = array<i64: 1000, 128>}, {transform_indices = @transform_1, window_bounds = array<i64: 1000, 128>}, {transform_indices = @transform_2, window_bounds = array<i64: 1000, 1>}, {transform_indices = @transform_3, window_bounds = array<i64: 2, 1000, 128>}, {pipeline_mode = #tpu.pipeline_mode<synchronous>, transform_indices = @transform_4, window_bounds = array<i64: 256, 256>}, {pipeline_mode = #tpu.pipeline_mode<synchronous>, transform_indices = @transform_5, window_bounds = array<i64: 256, 256>}, {pipeline_mode = #tpu.pipeline_mode<synchronous>, transform_indices = @transform_6, window_bounds = array<i64: 1, 256>}, {pipeline_mode = #tpu.pipeline_mode<synchronous>, transform_indices = @transform_7, window_bounds = array<i64: 1, 256>}, {pipeline_mode = #tpu.pipeline_mode<synchronous>, transform_indices = @transform_8, window_bounds = array<i64: 1, 256>}, {transform_indices = @transform_9, window_bounds = array<i64: 2, 1000, 128>}]} {
    %get3A = arith.constant 0 : index
    %get3A_0 = arith.constant 0 : index
    %get3A_1 = arith.constant 0 : index
    %get3A_2 = vector.load %arg4[%get3A, %get3A_0, %get3A_1] : memref<2x1000x128xf32, #tpu.memory_space<vmem>>, vector<1x1000x128xf32>
    %get3A_3 = vector.shape_cast %get3A_2 : vector<1x1000x128xf32> to vector<1000x128xf32>
    %get3A_4 = arith.constant 1 : index
    %get3A_5 = arith.constant 0 : index
    %get3A_6 = arith.constant 0 : index
    %get3A_7 = vector.load %arg4[%get3A_4, %get3A_5, %get3A_6] : memref<2x1000x128xf32, #tpu.memory_space<vmem>>, vector<1x1000x128xf32>
    %get3A_8 = vector.shape_cast %get3A_7 : vector<1x1000x128xf32> to vector<1000x128xf32>
    %concatenate3A = tpu.concatenate %get3A_3, %get3A_8 in 1 : vector<1000x128xf32>, vector<1000x128xf32> -> vector<1000x256xf32>
    %get3A_9 = arith.constant 0 : index
    %get3A_10 = arith.constant 0 : index
    %get3A_11 = vector.load %arg6[%get3A_9, %get3A_10] : memref<256x256xf32, #tpu.memory_space<vmem>>, vector<256x256xf32>
    %dot_general3A = arith.constant dense<0.000000e+00> : vector<1000x256xf32>
    %dot_general3A_12 = tpu.matmul %concatenate3A, %get3A_11, %dot_general3A {dimension_numbers = #tpu.dot_dimension_numbers<[1], [0], [0], [1], [0, 0, 1, 1], [], []>, transpose_lhs_hint = false} : vector<1000x256xf32>, vector<256x256xf32>, vector<1000x256xf32> -> vector<1000x256xf32>
    %get3A_13 = arith.constant 0 : index
    %get3A_14 = arith.constant 0 : index
    %get3A_15 = vector.load %arg7[%get3A_13, %get3A_14] : memref<1x256xf32, #tpu.memory_space<vmem>>, vector<1x256xf32>
    %add3A = vector.broadcast %get3A_15 : vector<1x256xf32> to vector<1000x256xf32>
    %add3A_16 = arith.addf %dot_general3A_12, %add3A : vector<1000x256xf32>
    %get3A_17 = arith.constant 0 : index
    %get3A_18 = arith.constant 0 : index
    %get3A_19 = vector.load %arg1[%get3A_17, %get3A_18] : memref<1000x128xf32, #tpu.memory_space<vmem>>, vector<1000x128xf32>
    %get3A_20 = arith.constant 0 : index
    %get3A_21 = arith.constant 0 : index
    %get3A_22 = vector.load %arg2[%get3A_20, %get3A_21] : memref<1000x128xf32, #tpu.memory_space<vmem>>, vector<1000x128xf32>
    %concatenate3A_23 = tpu.concatenate %get3A_19, %get3A_22 in 1 : vector<1000x128xf32>, vector<1000x128xf32> -> vector<1000x256xf32>
    %get3A_24 = arith.constant 0 : index
    %get3A_25 = arith.constant 0 : index
    %get3A_26 = vector.load %arg3[%get3A_24, %get3A_25] : memref<1000x1xf32, #tpu.memory_space<vmem>>, vector<1000x1xf32>
    %max3A = arith.constant 1.000000e+00 : f32
    %max3A_27 = vector.broadcast %max3A : f32 to vector<1000x1xf32>
    %max3A_28 = arith.maximumf %get3A_26, %max3A_27 : vector<1000x1xf32>
    %div3A = arith.constant 1.000000e+00 : f32
    %div3A_29 = vector.broadcast %div3A : f32 to vector<1000x1xf32>
    %div3A_30 = arith.divf %div3A_29, %max3A_28 : vector<1000x1xf32>
    %mul3A = vector.broadcast %div3A_30 : vector<1000x1xf32> to vector<1000x256xf32>
    %mul3A_31 = arith.mulf %concatenate3A_23, %mul3A : vector<1000x256xf32>
    %get3A_32 = arith.constant 0 : index
    %get3A_33 = arith.constant 0 : index
    %get3A_34 = vector.load %arg5[%get3A_32, %get3A_33] : memref<256x256xf32, #tpu.memory_space<vmem>>, vector<256x256xf32>
    %dot_general3A_35 = arith.constant dense<0.000000e+00> : vector<1000x256xf32>
    %dot_general3A_36 = tpu.matmul %mul3A_31, %get3A_34, %dot_general3A_35 {dimension_numbers = #tpu.dot_dimension_numbers<[1], [0], [0], [1], [0, 0, 1, 1], [], []>, transpose_lhs_hint = false} : vector<1000x256xf32>, vector<256x256xf32>, vector<1000x256xf32> -> vector<1000x256xf32>
    %add3A_37 = arith.addf %dot_general3A_36, %add3A_16 : vector<1000x256xf32>
    %reduce_sum3A = arith.constant dense<0.000000e+00> : vector<1000xf32>
    %reduce_sum3A_38 = vector.multi_reduction <add>, %add3A_37, %reduce_sum3A [1] : vector<1000x256xf32> to vector<1000xf32>
    %broadcast_in_dim3A = vector.shape_cast %reduce_sum3A_38 : vector<1000xf32> to vector<1000x1xf32>
    %div3A_39 = arith.constant 2.560000e+02 : f32
    %div3A_40 = vector.broadcast %div3A_39 : f32 to vector<1000x1xf32>
    %div3A_41 = arith.divf %broadcast_in_dim3A, %div3A_40 : vector<1000x1xf32>
    %sub3A = vector.broadcast %div3A_41 : vector<1000x1xf32> to vector<1000x256xf32>
    %sub3A_42 = arith.subf %add3A_37, %sub3A : vector<1000x256xf32>
    %mul3A_43 = arith.mulf %sub3A_42, %sub3A_42 : vector<1000x256xf32>
    %reduce_sum3A_44 = arith.constant dense<0.000000e+00> : vector<1000xf32>
    %reduce_sum3A_45 = vector.multi_reduction <add>, %mul3A_43, %reduce_sum3A_44 [1] : vector<1000x256xf32> to vector<1000xf32>
    %broadcast_in_dim3A_46 = vector.shape_cast %reduce_sum3A_45 : vector<1000xf32> to vector<1000x1xf32>
    %div3A_47 = arith.constant 2.560000e+02 : f32
    %div3A_48 = vector.broadcast %div3A_47 : f32 to vector<1000x1xf32>
    %div3A_49 = arith.divf %broadcast_in_dim3A_46, %div3A_48 : vector<1000x1xf32>
    %add3A_50 = arith.constant 9.99999974E-6 : f32
    %add3A_51 = vector.broadcast %add3A_50 : f32 to vector<1000x1xf32>
    %add3A_52 = arith.addf %div3A_49, %add3A_51 : vector<1000x1xf32>
    %rsqrt3A = math.rsqrt %add3A_52 : vector<1000x1xf32>
    %mul3A_53 = vector.broadcast %rsqrt3A : vector<1000x1xf32> to vector<1000x256xf32>
    %mul3A_54 = arith.mulf %sub3A_42, %mul3A_53 : vector<1000x256xf32>
    %get3A_55 = arith.constant 0 : index
    %get3A_56 = arith.constant 0 : index
    %get3A_57 = vector.load %arg8[%get3A_55, %get3A_56] : memref<1x256xf32, #tpu.memory_space<vmem>>, vector<1x256xf32>
    %mul3A_58 = vector.broadcast %get3A_57 : vector<1x256xf32> to vector<1000x256xf32>
    %mul3A_59 = arith.mulf %mul3A_54, %mul3A_58 : vector<1000x256xf32>
    %get3A_60 = arith.constant 0 : index
    %get3A_61 = arith.constant 0 : index
    %get3A_62 = vector.load %arg9[%get3A_60, %get3A_61] : memref<1x256xf32, #tpu.memory_space<vmem>>, vector<1x256xf32>
    %add3A_63 = vector.broadcast %get3A_62 : vector<1x256xf32> to vector<1000x256xf32>
    %add3A_64 = arith.addf %mul3A_59, %add3A_63 : vector<1000x256xf32>
    %max3A_65 = arith.constant 0.000000e+00 : f32
    %max3A_66 = vector.broadcast %max3A_65 : f32 to vector<1000x256xf32>
    %max3A_67 = arith.maximumf %add3A_64, %max3A_66 : vector<1000x256xf32>
    %slice3A = vector.extract_strided_slice %max3A_67 {offsets = [0, 0], sizes = [1000, 128], strides = [1, 1]} : vector<1000x256xf32> to vector<1000x128xf32>
    %swap3A = arith.constant 0 : index
    %swap3A_68 = arith.constant 0 : index
    %swap3A_69 = arith.constant 0 : index
    %swap3A_70 = vector.load %arg10[%swap3A, %swap3A_68, %swap3A_69] : memref<2x1000x128xf32, #tpu.memory_space<vmem>>, vector<1x1000x128xf32>
    %swap3A_71 = vector.shape_cast %swap3A_70 : vector<1x1000x128xf32> to vector<1000x128xf32>
    %swap3A_72 = vector.shape_cast %slice3A : vector<1000x128xf32> to vector<1x1000x128xf32>
    tpu.vector_store %arg10[%swap3A, %swap3A_68, %swap3A_69], %swap3A_72 {strides = array<i32>} : memref<2x1000x128xf32, #tpu.memory_space<vmem>>, vector<1x1000x128xf32>,
    %slice3A_73 = vector.extract_strided_slice %max3A_67 {offsets = [0, 128], sizes = [1000, 128], strides = [1, 1]} : vector<1000x256xf32> to vector<1000x128xf32>
    %swap3A_74 = arith.constant 1 : index
    %swap3A_75 = arith.constant 0 : index
    %swap3A_76 = arith.constant 0 : index
    %swap3A_77 = vector.load %arg10[%swap3A_74, %swap3A_75, %swap3A_76] : memref<2x1000x128xf32, #tpu.memory_space<vmem>>, vector<1x1000x128xf32>
    %swap3A_78 = vector.shape_cast %swap3A_77 : vector<1x1000x128xf32> to vector<1000x128xf32>
    %swap3A_79 = vector.shape_cast %slice3A_73 : vector<1000x128xf32> to vector<1x1000x128xf32>
    tpu.vector_store %arg10[%swap3A_74, %swap3A_75, %swap3A_76], %swap3A_79 {strides = array<i32>} : memref<2x1000x128xf32, #tpu.memory_space<vmem>>, vector<1x1000x128xf32>,
    return
  }
  func.func @transform_0(%arg0: i32) -> (i32, i32) {
    %c0_i32 = arith.constant 0 : i32
    %c0_i32_0 = arith.constant 0 : i32
    return %arg0, %c0_i32 : i32, i32
  }
  func.func @transform_1(%arg0: i32) -> (i32, i32) {
    %c0_i32 = arith.constant 0 : i32
    %c0_i32_0 = arith.constant 0 : i32
    return %arg0, %c0_i32 : i32, i32
  }
  func.func @transform_2(%arg0: i32) -> (i32, i32) {
    %c0_i32 = arith.constant 0 : i32
    %c0_i32_0 = arith.constant 0 : i32
    return %arg0, %c0_i32 : i32, i32
  }
  func.func @transform_3(%arg0: i32) -> (i32, i32, i32) {
    %c0_i32 = arith.constant 0 : i32
    %c0_i32_0 = arith.constant 0 : i32
    %c0_i32_1 = arith.constant 0 : i32
    return %c0_i32, %arg0, %c0_i32_0 : i32, i32, i32
  }
  func.func @transform_4(%arg0: i32) -> (i32, i32) {
    %c0_i32 = arith.constant 0 : i32
    %c0_i32_0 = arith.constant 0 : i32
    %c0_i32_1 = arith.constant 0 : i32
    return %c0_i32, %c0_i32_0 : i32, i32
  }
  func.func @transform_5(%arg0: i32) -> (i32, i32) {
    %c0_i32 = arith.constant 0 : i32
    %c0_i32_0 = arith.constant 0 : i32
    %c0_i32_1 = arith.constant 0 : i32
    return %c0_i32, %c0_i32_0 : i32, i32
  }
  func.func @transform_6(%arg0: i32) -> (i32, i32) {
    %c0_i32 = arith.constant 0 : i32
    %c0_i32_0 = arith.constant 0 : i32
    %c0_i32_1 = arith.constant 0 : i32
    return %c0_i32, %c0_i32_0 : i32, i32
  }
  func.func @transform_7(%arg0: i32) -> (i32, i32) {
    %c0_i32 = arith.constant 0 : i32
    %c0_i32_0 = arith.constant 0 : i32
    %c0_i32_1 = arith.constant 0 : i32
    return %c0_i32, %c0_i32_0 : i32, i32
  }
  func.func @transform_8(%arg0: i32) -> (i32, i32) {
    %c0_i32 = arith.constant 0 : i32
    %c0_i32_0 = arith.constant 0 : i32
    %c0_i32_1 = arith.constant 0 : i32
    return %c0_i32, %c0_i32_0 : i32, i32
  }
  func.func @transform_9(%arg0: i32) -> (i32, i32, i32) {
    %c0_i32 = arith.constant 0 : i32
    %c0_i32_0 = arith.constant 0 : i32
    %c0_i32_1 = arith.constant 0 : i32
    return %c0_i32, %arg0, %c0_i32_0 : i32, i32, i32
  }
}

module attributes {stable_mosaic.version = 14 : i64} {
  func.func @_tc_layer2_pool_body(%arg0: i32, %arg1: memref<1000x128xf32, #tpu.memory_space<vmem>>, %arg2: memref<1000x128xf32, #tpu.memory_space<vmem>>, %arg3: memref<1000x1xf32, #tpu.memory_space<vmem>>, %arg4: memref<2x1000x128xf32, #tpu.memory_space<vmem>>, %arg5: memref<256x256xf32, #tpu.memory_space<vmem>>, %arg6: memref<256x256xf32, #tpu.memory_space<vmem>>, %arg7: memref<1x256xf32, #tpu.memory_space<vmem>>, %arg8: memref<1x256xf32, #tpu.memory_space<vmem>>, %arg9: memref<1x256xf32, #tpu.memory_space<vmem>>, %arg10: memref<1000x1xi32, #tpu.memory_space<vmem>>, %arg11: memref<256x256xf32, #tpu.memory_space<vmem>>, %arg12: memref<1x256xf32, #tpu.memory_space<vmem>>, %arg13: memref<64x256xf32, #tpu.memory_space<vmem>>, %arg14: memref<64x256xf32, #tpu.memory_space<vmem>>, %arg15: memref<64x128xf32, #tpu.memory_space<vmem>>) attributes {dimension_semantics = [#tpu.dimension_semantics<arbitrary>], iteration_bounds = array<i64: 10>, scalar_prefetch = 0 : i64, scratch_operands = 2 : i64, tpu.core_type = #tpu.core_type<tc>, window_params = [{transform_indices = @transform_0, window_bounds = array<i64: 1000, 128>}, {transform_indices = @transform_1, window_bounds = array<i64: 1000, 128>}, {transform_indices = @transform_2, window_bounds = array<i64: 1000, 1>}, {transform_indices = @transform_3, window_bounds = array<i64: 2, 1000, 128>}, {pipeline_mode = #tpu.pipeline_mode<synchronous>, transform_indices = @transform_4, window_bounds = array<i64: 256, 256>}, {pipeline_mode = #tpu.pipeline_mode<synchronous>, transform_indices = @transform_5, window_bounds = array<i64: 256, 256>}, {pipeline_mode = #tpu.pipeline_mode<synchronous>, transform_indices = @transform_6, window_bounds = array<i64: 1, 256>}, {pipeline_mode = #tpu.pipeline_mode<synchronous>, transform_indices = @transform_7, window_bounds = array<i64: 1, 256>}, {pipeline_mode = #tpu.pipeline_mode<synchronous>, transform_indices = @transform_8, window_bounds = array<i64: 1, 256>}, {transform_indices = @transform_9, window_bounds = array<i64: 1000, 1>}, {pipeline_mode = #tpu.pipeline_mode<synchronous>, transform_indices = @transform_10, window_bounds = array<i64: 256, 256>}, {pipeline_mode = #tpu.pipeline_mode<synchronous>, transform_indices = @transform_11, window_bounds = array<i64: 1, 256>}, {pipeline_mode = #tpu.pipeline_mode<synchronous>, transform_indices = @transform_12, window_bounds = array<i64: 64, 256>}]} {
    %eq3A = arith.constant 0 : i32
    %eq3A_0 = arith.cmpi eq, %arg0, %eq3A : i32
    %convert_element_type3A = arith.extui %eq3A_0 : i1 to i32
    %cond3A = arith.constant 0 : i32
    %cond3A_1 = arith.cmpi ne, %convert_element_type3A, %cond3A : i32
    scf.if %cond3A_1 {
      %broadcast_in_dim3A_102 = arith.constant 0.000000e+00 : f32
      %broadcast_in_dim3A_103 = vector.broadcast %broadcast_in_dim3A_102 : f32 to vector<64x256xf32>
      %swap3A_104 = arith.constant 0 : index
      %swap3A_105 = arith.constant 0 : index
      %swap3A_106 = vector.load %arg14[%swap3A_104, %swap3A_105] : memref<64x256xf32, #tpu.memory_space<vmem>>, vector<64x256xf32>
      tpu.vector_store %arg14[%swap3A_104, %swap3A_105], %broadcast_in_dim3A_103 {strides = array<i32>} : memref<64x256xf32, #tpu.memory_space<vmem>>, vector<64x256xf32>,
      %broadcast_in_dim3A_107 = arith.constant 0.000000e+00 : f32
      %broadcast_in_dim3A_108 = vector.broadcast %broadcast_in_dim3A_107 : f32 to vector<64x128xf32>
      %swap3A_109 = arith.constant 0 : index
      %swap3A_110 = arith.constant 0 : index
      %swap3A_111 = vector.load %arg15[%swap3A_109, %swap3A_110] : memref<64x128xf32, #tpu.memory_space<vmem>>, vector<64x128xf32>
      tpu.vector_store %arg15[%swap3A_109, %swap3A_110], %broadcast_in_dim3A_108 {strides = array<i32>} : memref<64x128xf32, #tpu.memory_space<vmem>>, vector<64x128xf32>,
    } else {
    }
    %get3A = arith.constant 0 : index
    %get3A_2 = arith.constant 0 : index
    %get3A_3 = arith.constant 0 : index
    %get3A_4 = vector.load %arg4[%get3A, %get3A_2, %get3A_3] : memref<2x1000x128xf32, #tpu.memory_space<vmem>>, vector<1x1000x128xf32>
    %get3A_5 = vector.shape_cast %get3A_4 : vector<1x1000x128xf32> to vector<1000x128xf32>
    %get3A_6 = arith.constant 1 : index
    %get3A_7 = arith.constant 0 : index
    %get3A_8 = arith.constant 0 : index
    %get3A_9 = vector.load %arg4[%get3A_6, %get3A_7, %get3A_8] : memref<2x1000x128xf32, #tpu.memory_space<vmem>>, vector<1x1000x128xf32>
    %get3A_10 = vector.shape_cast %get3A_9 : vector<1x1000x128xf32> to vector<1000x128xf32>
    %concatenate3A = tpu.concatenate %get3A_5, %get3A_10 in 1 : vector<1000x128xf32>, vector<1000x128xf32> -> vector<1000x256xf32>
    %get3A_11 = arith.constant 0 : index
    %get3A_12 = arith.constant 0 : index
    %get3A_13 = vector.load %arg6[%get3A_11, %get3A_12] : memref<256x256xf32, #tpu.memory_space<vmem>>, vector<256x256xf32>
    %dot_general3A = arith.constant dense<0.000000e+00> : vector<1000x256xf32>
    %dot_general3A_14 = tpu.matmul %concatenate3A, %get3A_13, %dot_general3A {dimension_numbers = #tpu.dot_dimension_numbers<[1], [0], [0], [1], [0, 0, 1, 1], [], []>, transpose_lhs_hint = false} : vector<1000x256xf32>, vector<256x256xf32>, vector<1000x256xf32> -> vector<1000x256xf32>
    %get3A_15 = arith.constant 0 : index
    %get3A_16 = arith.constant 0 : index
    %get3A_17 = vector.load %arg7[%get3A_15, %get3A_16] : memref<1x256xf32, #tpu.memory_space<vmem>>, vector<1x256xf32>
    %add3A = vector.broadcast %get3A_17 : vector<1x256xf32> to vector<1000x256xf32>
    %add3A_18 = arith.addf %dot_general3A_14, %add3A : vector<1000x256xf32>
    %get3A_19 = arith.constant 0 : index
    %get3A_20 = arith.constant 0 : index
    %get3A_21 = vector.load %arg1[%get3A_19, %get3A_20] : memref<1000x128xf32, #tpu.memory_space<vmem>>, vector<1000x128xf32>
    %get3A_22 = arith.constant 0 : index
    %get3A_23 = arith.constant 0 : index
    %get3A_24 = vector.load %arg2[%get3A_22, %get3A_23] : memref<1000x128xf32, #tpu.memory_space<vmem>>, vector<1000x128xf32>
    %concatenate3A_25 = tpu.concatenate %get3A_21, %get3A_24 in 1 : vector<1000x128xf32>, vector<1000x128xf32> -> vector<1000x256xf32>
    %get3A_26 = arith.constant 0 : index
    %get3A_27 = arith.constant 0 : index
    %get3A_28 = vector.load %arg3[%get3A_26, %get3A_27] : memref<1000x1xf32, #tpu.memory_space<vmem>>, vector<1000x1xf32>
    %max3A = arith.constant 1.000000e+00 : f32
    %max3A_29 = vector.broadcast %max3A : f32 to vector<1000x1xf32>
    %max3A_30 = arith.maximumf %get3A_28, %max3A_29 : vector<1000x1xf32>
    %div3A = arith.constant 1.000000e+00 : f32
    %div3A_31 = vector.broadcast %div3A : f32 to vector<1000x1xf32>
    %div3A_32 = arith.divf %div3A_31, %max3A_30 : vector<1000x1xf32>
    %mul3A = vector.broadcast %div3A_32 : vector<1000x1xf32> to vector<1000x256xf32>
    %mul3A_33 = arith.mulf %concatenate3A_25, %mul3A : vector<1000x256xf32>
    %get3A_34 = arith.constant 0 : index
    %get3A_35 = arith.constant 0 : index
    %get3A_36 = vector.load %arg5[%get3A_34, %get3A_35] : memref<256x256xf32, #tpu.memory_space<vmem>>, vector<256x256xf32>
    %dot_general3A_37 = arith.constant dense<0.000000e+00> : vector<1000x256xf32>
    %dot_general3A_38 = tpu.matmul %mul3A_33, %get3A_36, %dot_general3A_37 {dimension_numbers = #tpu.dot_dimension_numbers<[1], [0], [0], [1], [0, 0, 1, 1], [], []>, transpose_lhs_hint = false} : vector<1000x256xf32>, vector<256x256xf32>, vector<1000x256xf32> -> vector<1000x256xf32>
    %add3A_39 = arith.addf %dot_general3A_38, %add3A_18 : vector<1000x256xf32>
    %reduce_sum3A = arith.constant dense<0.000000e+00> : vector<1000xf32>
    %reduce_sum3A_40 = vector.multi_reduction <add>, %add3A_39, %reduce_sum3A [1] : vector<1000x256xf32> to vector<1000xf32>
    %broadcast_in_dim3A = vector.shape_cast %reduce_sum3A_40 : vector<1000xf32> to vector<1000x1xf32>
    %div3A_41 = arith.constant 2.560000e+02 : f32
    %div3A_42 = vector.broadcast %div3A_41 : f32 to vector<1000x1xf32>
    %div3A_43 = arith.divf %broadcast_in_dim3A, %div3A_42 : vector<1000x1xf32>
    %sub3A = vector.broadcast %div3A_43 : vector<1000x1xf32> to vector<1000x256xf32>
    %sub3A_44 = arith.subf %add3A_39, %sub3A : vector<1000x256xf32>
    %mul3A_45 = arith.mulf %sub3A_44, %sub3A_44 : vector<1000x256xf32>
    %reduce_sum3A_46 = arith.constant dense<0.000000e+00> : vector<1000xf32>
    %reduce_sum3A_47 = vector.multi_reduction <add>, %mul3A_45, %reduce_sum3A_46 [1] : vector<1000x256xf32> to vector<1000xf32>
    %broadcast_in_dim3A_48 = vector.shape_cast %reduce_sum3A_47 : vector<1000xf32> to vector<1000x1xf32>
    %div3A_49 = arith.constant 2.560000e+02 : f32
    %div3A_50 = vector.broadcast %div3A_49 : f32 to vector<1000x1xf32>
    %div3A_51 = arith.divf %broadcast_in_dim3A_48, %div3A_50 : vector<1000x1xf32>
    %add3A_52 = arith.constant 9.99999974E-6 : f32
    %add3A_53 = vector.broadcast %add3A_52 : f32 to vector<1000x1xf32>
    %add3A_54 = arith.addf %div3A_51, %add3A_53 : vector<1000x1xf32>
    %rsqrt3A = math.rsqrt %add3A_54 : vector<1000x1xf32>
    %mul3A_55 = vector.broadcast %rsqrt3A : vector<1000x1xf32> to vector<1000x256xf32>
    %mul3A_56 = arith.mulf %sub3A_44, %mul3A_55 : vector<1000x256xf32>
    %get3A_57 = arith.constant 0 : index
    %get3A_58 = arith.constant 0 : index
    %get3A_59 = vector.load %arg8[%get3A_57, %get3A_58] : memref<1x256xf32, #tpu.memory_space<vmem>>, vector<1x256xf32>
    %mul3A_60 = vector.broadcast %get3A_59 : vector<1x256xf32> to vector<1000x256xf32>
    %mul3A_61 = arith.mulf %mul3A_56, %mul3A_60 : vector<1000x256xf32>
    %get3A_62 = arith.constant 0 : index
    %get3A_63 = arith.constant 0 : index
    %get3A_64 = vector.load %arg9[%get3A_62, %get3A_63] : memref<1x256xf32, #tpu.memory_space<vmem>>, vector<1x256xf32>
    %add3A_65 = vector.broadcast %get3A_64 : vector<1x256xf32> to vector<1000x256xf32>
    %add3A_66 = arith.addf %mul3A_61, %add3A_65 : vector<1000x256xf32>
    %max3A_67 = arith.constant 0.000000e+00 : f32
    %max3A_68 = vector.broadcast %max3A_67 : f32 to vector<1000x256xf32>
    %max3A_69 = arith.maximumf %add3A_66, %max3A_68 : vector<1000x256xf32>
    %iota3A = tpu.iota {dimensions = array<i32: 1>} : vector<1x64xi32>
    %get3A_70 = arith.constant 0 : index
    %get3A_71 = arith.constant 0 : index
    %get3A_72 = vector.load %arg10[%get3A_70, %get3A_71] : memref<1000x1xi32, #tpu.memory_space<vmem>>, vector<1000x1xi32>
    %eq3A_73 = vector.broadcast %get3A_72 : vector<1000x1xi32> to vector<1000x64xi32>
    %eq3A_74 = vector.broadcast %iota3A : vector<1x64xi32> to vector<1000x64xi32>
    %eq3A_75 = arith.cmpi eq, %eq3A_73, %eq3A_74 : vector<1000x64xi32>
    %convert_element_type3A_76 = arith.extui %eq3A_75 : vector<1000x64xi1> to vector<1000x64xi32>
    %convert_element_type3A_77 = arith.sitofp %convert_element_type3A_76 : vector<1000x64xi32> to vector<1000x64xf32>
    %get3A_78 = arith.constant 0 : index
    %get3A_79 = arith.constant 0 : index
    %get3A_80 = vector.load %arg14[%get3A_78, %get3A_79] : memref<64x256xf32, #tpu.memory_space<vmem>>, vector<64x256xf32>
    %dot_general3A_81 = arith.constant dense<0.000000e+00> : vector<64x256xf32>
    %dot_general3A_82 = tpu.matmul %convert_element_type3A_77, %max3A_69, %dot_general3A_81 {dimension_numbers = #tpu.dot_dimension_numbers<[0], [0], [1], [1], [0, 1, 1, 1], [], []>, transpose_lhs_hint = false} : vector<1000x64xf32>, vector<1000x256xf32>, vector<64x256xf32> -> vector<64x256xf32>
    %add3A_83 = arith.addf %get3A_80, %dot_general3A_82 : vector<64x256xf32>
    %swap3A = arith.constant 0 : index
    %swap3A_84 = arith.constant 0 : index
    %swap3A_85 = vector.load %arg14[%swap3A, %swap3A_84] : memref<64x256xf32, #tpu.memory_space<vmem>>, vector<64x256xf32>
    tpu.vector_store %arg14[%swap3A, %swap3A_84], %add3A_83 {strides = array<i32>} : memref<64x256xf32, #tpu.memory_space<vmem>>, vector<64x256xf32>,
    %broadcast_in_dim3A_86 = arith.constant 1.000000e+00 : f32
    %broadcast_in_dim3A_87 = vector.broadcast %broadcast_in_dim3A_86 : f32 to vector<1000x128xf32>
    %get3A_88 = arith.constant 0 : index
    %get3A_89 = arith.constant 0 : index
    %get3A_90 = vector.load %arg15[%get3A_88, %get3A_89] : memref<64x128xf32, #tpu.memory_space<vmem>>, vector<64x128xf32>
    %dot_general3A_91 = arith.constant dense<0.000000e+00> : vector<64x128xf32>
    %dot_general3A_92 = tpu.matmul %convert_element_type3A_77, %broadcast_in_dim3A_87, %dot_general3A_91 {dimension_numbers = #tpu.dot_dimension_numbers<[0], [0], [1], [1], [0, 1, 1, 1], [], []>, transpose_lhs_hint = false} : vector<1000x64xf32>, vector<1000x128xf32>, vector<64x128xf32> -> vector<64x128xf32>
    %add3A_93 = arith.addf %get3A_90, %dot_general3A_92 : vector<64x128xf32>
    %swap3A_94 = arith.constant 0 : index
    %swap3A_95 = arith.constant 0 : index
    %swap3A_96 = vector.load %arg15[%swap3A_94, %swap3A_95] : memref<64x128xf32, #tpu.memory_space<vmem>>, vector<64x128xf32>
    tpu.vector_store %arg15[%swap3A_94, %swap3A_95], %add3A_93 {strides = array<i32>} : memref<64x128xf32, #tpu.memory_space<vmem>>, vector<64x128xf32>,
    %eq3A_97 = arith.constant 9 : i32
    %eq3A_98 = arith.cmpi eq, %arg0, %eq3A_97 : i32
    %convert_element_type3A_99 = arith.extui %eq3A_98 : i1 to i32
    %cond3A_100 = arith.constant 0 : i32
    %cond3A_101 = arith.cmpi ne, %convert_element_type3A_99, %cond3A_100 : i32
    scf.if %cond3A_101 {
      %get3A_102 = arith.constant 0 : index
      %get3A_103 = arith.constant 0 : index
      %get3A_104 = vector.load %arg14[%get3A_102, %get3A_103] : memref<64x256xf32, #tpu.memory_space<vmem>>, vector<64x256xf32>
      %get3A_105 = arith.constant 0 : index
      %get3A_106 = arith.constant 0 : index
      %get3A_107 = vector.load %arg15[%get3A_105, %get3A_106] : memref<64x128xf32, #tpu.memory_space<vmem>>, vector<64x1xf32>
      %max3A_108 = arith.constant 1.000000e+00 : f32
      %max3A_109 = vector.broadcast %max3A_108 : f32 to vector<64x1xf32>
      %max3A_110 = arith.maximumf %get3A_107, %max3A_109 : vector<64x1xf32>
      %div3A_111 = vector.broadcast %max3A_110 : vector<64x1xf32> to vector<64x256xf32>
      %div3A_112 = arith.divf %get3A_104, %div3A_111 : vector<64x256xf32>
      %get3A_113 = arith.constant 0 : index
      %get3A_114 = arith.constant 0 : index
      %get3A_115 = vector.load %arg11[%get3A_113, %get3A_114] : memref<256x256xf32, #tpu.memory_space<vmem>>, vector<256x256xf32>
      %dot_general3A_116 = arith.constant dense<0.000000e+00> : vector<64x256xf32>
      %dot_general3A_117 = tpu.matmul %div3A_112, %get3A_115, %dot_general3A_116 {dimension_numbers = #tpu.dot_dimension_numbers<[1], [0], [0], [1], [0, 0, 1, 1], [], []>, transpose_lhs_hint = false} : vector<64x256xf32>, vector<256x256xf32>, vector<64x256xf32> -> vector<64x256xf32>
      %get3A_118 = arith.constant 0 : index
      %get3A_119 = arith.constant 0 : index
      %get3A_120 = vector.load %arg12[%get3A_118, %get3A_119] : memref<1x256xf32, #tpu.memory_space<vmem>>, vector<1x256xf32>
      %add3A_121 = vector.broadcast %get3A_120 : vector<1x256xf32> to vector<64x256xf32>
      %add3A_122 = arith.addf %dot_general3A_117, %add3A_121 : vector<64x256xf32>
      %tanh3A = math.tanh %add3A_122 : vector<64x256xf32>
      %swap3A_123 = arith.constant 0 : index
      %swap3A_124 = arith.constant 0 : index
      %swap3A_125 = vector.load %arg13[%swap3A_123, %swap3A_124] : memref<64x256xf32, #tpu.memory_space<vmem>>, vector<64x256xf32>
      tpu.vector_store %arg13[%swap3A_123, %swap3A_124], %tanh3A {strides = array<i32>} : memref<64x256xf32, #tpu.memory_space<vmem>>, vector<64x256xf32>,
    } else {
    }
    return
  }
  func.func @transform_0(%arg0: i32) -> (i32, i32) {
    %c0_i32 = arith.constant 0 : i32
    %c0_i32_0 = arith.constant 0 : i32
    return %arg0, %c0_i32 : i32, i32
  }
  func.func @transform_1(%arg0: i32) -> (i32, i32) {
    %c0_i32 = arith.constant 0 : i32
    %c0_i32_0 = arith.constant 0 : i32
    return %arg0, %c0_i32 : i32, i32
  }
  func.func @transform_2(%arg0: i32) -> (i32, i32) {
    %c0_i32 = arith.constant 0 : i32
    %c0_i32_0 = arith.constant 0 : i32
    return %arg0, %c0_i32 : i32, i32
  }
  func.func @transform_3(%arg0: i32) -> (i32, i32, i32) {
    %c0_i32 = arith.constant 0 : i32
    %c0_i32_0 = arith.constant 0 : i32
    %c0_i32_1 = arith.constant 0 : i32
    return %c0_i32, %arg0, %c0_i32_0 : i32, i32, i32
  }
  func.func @transform_4(%arg0: i32) -> (i32, i32) {
    %c0_i32 = arith.constant 0 : i32
    %c0_i32_0 = arith.constant 0 : i32
    %c0_i32_1 = arith.constant 0 : i32
    return %c0_i32, %c0_i32_0 : i32, i32
  }
  func.func @transform_5(%arg0: i32) -> (i32, i32) {
    %c0_i32 = arith.constant 0 : i32
    %c0_i32_0 = arith.constant 0 : i32
    %c0_i32_1 = arith.constant 0 : i32
    return %c0_i32, %c0_i32_0 : i32, i32
  }
  func.func @transform_6(%arg0: i32) -> (i32, i32) {
    %c0_i32 = arith.constant 0 : i32
    %c0_i32_0 = arith.constant 0 : i32
    %c0_i32_1 = arith.constant 0 : i32
    return %c0_i32, %c0_i32_0 : i32, i32
  }
  func.func @transform_7(%arg0: i32) -> (i32, i32) {
    %c0_i32 = arith.constant 0 : i32
    %c0_i32_0 = arith.constant 0 : i32
    %c0_i32_1 = arith.constant 0 : i32
    return %c0_i32, %c0_i32_0 : i32, i32
  }
  func.func @transform_8(%arg0: i32) -> (i32, i32) {
    %c0_i32 = arith.constant 0 : i32
    %c0_i32_0 = arith.constant 0 : i32
    %c0_i32_1 = arith.constant 0 : i32
    return %c0_i32, %c0_i32_0 : i32, i32
  }
  func.func @transform_9(%arg0: i32) -> (i32, i32) {
    %c0_i32 = arith.constant 0 : i32
    %c0_i32_0 = arith.constant 0 : i32
    return %arg0, %c0_i32 : i32, i32
  }
  func.func @transform_10(%arg0: i32) -> (i32, i32) {
    %c0_i32 = arith.constant 0 : i32
    %c0_i32_0 = arith.constant 0 : i32
    %c0_i32_1 = arith.constant 0 : i32
    return %c0_i32, %c0_i32_0 : i32, i32
  }
  func.func @transform_11(%arg0: i32) -> (i32, i32) {
    %c0_i32 = arith.constant 0 : i32
    %c0_i32_0 = arith.constant 0 : i32
    %c0_i32_1 = arith.constant 0 : i32
    return %c0_i32, %c0_i32_0 : i32, i32
  }
  func.func @transform_12(%arg0: i32) -> (i32, i32) {
    %c0_i32 = arith.constant 0 : i32
    %c0_i32_0 = arith.constant 0 : i32
    %c0_i32_1 = arith.constant 0 : i32
    return %c0_i32, %c0_i32_0 : i32, i32
  }
}

</mosaic_0001>

<sc_bundles>
// kernel: kernel.12.cloned.1.call-start
scs
__scs_entry_jumppad:
0x0: {  	(pc) =	sbr.rel $0x88, $3  }
0x1: {  	(tag) =	ssettag $0x0;
	lr =	simm.s32 $0x1  }
0x2: {  	[smem:$0x3F91] =	sst lr;
	_ =	strace $0xD0000000  }
0x3: {  	_ = 	snop  }
0x4: {  	_ = 	snop  }
0x5: {  	_ = 	snop  }
0x6: {  	_ = 	snop  }
0x7: {  	_ = 	snop  }
__scs_overlays_trampoline_lowered:
0x8: {  	[smem:$0x3FA0] =	sst s0  }
0x9: {  	[smem:$0x3FA1] =	sst s1  }
0xa: {  	[smem:$0x3FA2] =	sst s2  }
0xb: {  	[smem:$0x3FA3] =	sst s3  }
0xc: {  	[smem:$0x3FA4] =	sst s4  }
0xd: {  	[smem:$0x3FA5] =	sst s5  }
0xe: {  	[smem:$0x3FA6] =	sst s6  }
0xf: {  	[smem:$0x3FA7] =	sst s7  }
0x10: {  	[smem:$0x3FA8] =	sst s8  }
0x11: {  	[smem:$0x3FA9] =	sst s9;
	s0 =	simm.s32 @!p0 $0x0  }
0x12: {  	s1 =	sld [smem:$0x3F8F];
	s0 =	simm.s32 @p0 $0x1  }
0x13: {  	[smem:$0x3FAA] =	sst s0;
	s0 =	simm.s32 @!p1 $0x0  }
0x14: {  	s2 =	sld [smem:$0x3F8E];
	s0 =	simm.s32 @p1 $0x1  }
0x15: {  	[smem:$0x3FAB] =	sst s0;
	s0 =	simm.s32 @!p2 $0x0  }
0x16: {  	s3 =	sld [smem:$0x3FDB];
	s0 =	simm.s32 @p2 $0x1  }
0x17: {  	s4 =	simm.s32 $0x1BF5;
	[smem:$0x3FAD] =	sst s0  }
0x18: {  	s0 =	sld [smem:$0x3F90];
	_ =	swait.ge [sflag:s4], $0x0  }
0x19: {  	s7 =	sld [smem:$0x3F91]  }
0x1a: {  	s8 =	sadd.s32 $0xFFFFE003, lr  }
0x1b: {  	s9 =	sadd.s32 $0xFFFFFEF7, lr;
	s5 =	simm.s32 $0xFFFFFFFF;
	p2 =	slt.u32 s8, $0xFFFFF086  }
0x1c: {  	p1 =	slt.u32 s9, $0xF7A;
	s5 =	simm.s32 @!p2 $0x0  }
0x1d: {  	s5 =	simm.s32 @p1 $0x1;
	p0 =	seq.s32 s7, s2  }
0x1e: {  	s7 =	smul.u32 @!p0 $0xF7A, s2;
	p2 =	seq.s32 @!p0 s5, $0x0  }
0x1f: {  	s9 =	smul.u32 $0xF7A, s1;
	s8 =	simm.s32 @!p0 $0x1BF5;
	p2 =	por !p2, p0  }
0x20: {  	[sflag:s8] =	ssyncset.s32 @!p0 $0xFFFFF086;
	s6 =	sadd.s32 @!p0 s3, s7;
	s7 =	simm.s32 @!p0 $0x108  }
0x21: {  	s3 =	sadd.s32 s3, s9;
	s6 =	sadd.s32 @!p0 $0x88, s6;
	s7 =	simm.s32 @p2 $0x1082  }
0x22: {  	[simem:s7], [sflag:s8] =	dma.local @!p0 [hbm:s6], $0xF7A  }
0x23: {  	s9 =	sor.u32 $0xD0000000, s2;
	s6 =	simm.s32 $0x108;
	_ =	swait.ge @!p0 [sflag:s8], $0x0  }
0x24: {  	s3 =	sadd.s32 $0x88, s3;
	s6 =	simm.s32 @!p1 $0x1082;
	[sflag:s4] =	ssyncset.s32 $0xFFFFF086  }
0x25: {  	[simem:s6], [sflag:s4] =	dma.local [hbm:s3], $0xF7A  }
0x26: {  	[smem:$0x3F91] =	sst s1;
	(tag) =	ssettag s2;
	_ =	strace s9  }
0x27: {  	s1 =	sld [smem:$0x3FA1]  }
0x28: {  	s2 =	sld [smem:$0x3FA2]  }
0x29: {  	s4 =	sld [smem:$0x3FA4]  }
0x2a: {  	p0 =	seq.s32 s5, $0x0;
	s5 =	sld [smem:$0x3FA5]  }
0x2b: {  	s6 =	sld [smem:$0x3FA6]  }
0x2c: {  	s7 =	sld [smem:$0x3FA7]  }
0x2d: {  	s3 =	simm.s32 $0x108;
	s8 =	sld [smem:$0x3FA8]  }
0x2e: {  	s3 =	simm.s32 @!p0 $0x1082;
	s9 =	sld [smem:$0x3FA9]  }
0x2f: {  	lr =	sadd.s32 s0, s3;
	s0 =	sld [smem:$0x3FA0]  }
0x30: {  	s3 =	sld [smem:$0x3FA3]  }
0x31: {  	[smem:$0x3FAC] =	sst s10  }
0x32: {  	s10 =	sld [smem:$0x3FAA];
	_ =	sdelay $0x3  }
0x33: {  	p0 =	seq.s32 s10, $0x1;
	s10 =	sld [smem:$0x3FAC];
	_ =	sdelay $0x3  }
0x34: {  	[smem:$0x3FAC] =	sst s10  }
0x35: {  	s10 =	sld [smem:$0x3FAB];
	_ =	sdelay $0x3  }
0x36: {  	p1 =	seq.s32 s10, $0x1;
	s10 =	sld [smem:$0x3FAC];
	_ =	sdelay $0x3  }
0x37: {  	[smem:$0x3FAC] =	sst s10  }
0x38: {  	s10 =	sld [smem:$0x3FAD]  }
0x39: {  	_ = 	snop;
	(pc) =	sbr.ind lr, $3  }
0x3a: {  	_ = 	snop  }
0x3b: {  	_ = 	snop  }
0x3c: {  	p2 =	seq.s32 s10, $0x1;
	s10 =	sld [smem:$0x3FAC]  }
0x3d: {  	_ =	shalt  }
0x3e: {  	_ =	shalt  }
0x3f: {  	_ =	shalt  }
0x40: {  	_ =	shalt  }
0x41: {  	_ =	shalt  }
0x42: {  	_ =	shalt  }
0x43: {  	_ =	shalt  }
0x44: {  	_ =	shalt  }
0x45: {  	_ =	shalt  }
0x46: {  	_ =	shalt  }
0x47: {  	_ =	shalt  }
0x48: {  	_ =	shalt  }
0x49: {  	_ =	shalt  }
0x4a: {  	_ =	shalt  }
0x4b: {  	_ =	shalt  }
0x4c: {  	_ =	shalt  }
0x4d: {  	_ =	shalt  }
0x4e: {  	_ =	shalt  }
0x4f: {  	_ =	shalt  }
0x50: {  	_ =	shalt  }
0x51: {  	_ =	shalt  }
0x52: {  	_ =	shalt  }
0x53: {  	_ =	shalt  }
0x54: {  	_ =	shalt  }
0x55: {  	_ =	shalt  }
0x56: {  	_ =	shalt  }
0x57: {  	_ =	shalt  }
0x58: {  	_ =	shalt  }
0x59: {  	_ =	shalt  }
0x5a: {  	_ =	shalt  }
0x5b: {  	_ =	shalt  }
0x5c: {  	_ =	shalt  }
0x5d: {  	_ =	shalt  }
0x5e: {  	_ =	shalt  }
0x5f: {  	_ =	shalt  }
0x60: {  	_ =	shalt  }
0x61: {  	_ =	shalt  }
0x62: {  	_ =	shalt  }
0x63: {  	_ =	shalt  }
0x64: {  	_ =	shalt  }
0x65: {  	_ =	shalt  }
0x66: {  	_ =	shalt  }
0x67: {  	_ =	shalt  }
0x68: {  	_ =	shalt  }
0x69: {  	_ =	shalt  }
0x6a: {  	_ =	shalt  }
0x6b: {  	_ =	shalt  }
0x6c: {  	_ =	shalt  }
0x6d: {  	_ =	shalt  }
0x6e: {  	_ =	shalt  }
0x6f: {  	_ =	shalt  }
0x70: {  	_ =	shalt  }
0x71: {  	_ =	shalt  }
0x72: {  	_ =	shalt  }
0x73: {  	_ =	shalt  }
0x74: {  	_ =	shalt  }
0x75: {  	_ =	shalt  }
0x76: {  	_ =	shalt  }
0x77: {  	_ =	shalt  }
0x78: {  	_ =	shalt  }
0x79: {  	_ =	shalt  }
0x7a: {  	_ =	shalt  }
0x7b: {  	_ =	shalt  }
0x7c: {  	_ =	shalt  }
0x7d: {  	_ =	shalt  }
0x7e: {  	_ =	shalt  }
0x7f: {  	_ =	shalt  }
0x80: {  	_ =	shalt  }
0x81: {  	_ =	shalt  }
0x82: {  	_ =	shalt  }
0x83: {  	_ =	shalt  }
0x84: {  	_ =	shalt  }
0x85: {  	_ =	shalt  }
0x86: {  	_ =	shalt  }
0x87: {  	_ =	shalt  }
.Lfunc_end0:
.L_simem_size_0:
called_computation.1_lowered:
.L_overlay_start_0:
0x88: {  	s2 =	sld [smem:$0x3FD9]  }
0x89: {  	s3 =	sld [smem:$0x3FFE];
	_ =	sdelay $0x1  }
0x8a: {  	s1 =	srdreg.scid  }
0x8b: {  	s0 =	sand.u32 $0x1, s1  }
0x8c: {  	s17 =	sshll.u32 s0, $0xA;
	s2 =	sadd.s32 s3, s2  }
0x8d: {  	s2 =	sadd.s32 s2, s17  }
0x8e: {  	[smem:$0x3FB8] =	sst s2  }
0x8f: {  	_ = 	snop  }
0x90: {  	s18 =	sld [smem:$0x3FC9];
	(tm) =	ssettm $0x1  }
0x91: {  	s19 =	sld [smem:$0x3FFB];
	_ =	sdelay $0x3  }
0x92: {  	_ =	strace s19  }
0x93: {  	s2 =	sld [smem:$0x3FFC];
	_ =	sdelay $0x3  }
0x94: {  	_ =	strace s2  }
0x95: {  	s2 =	sld [smem:$0x3FFD];
	_ =	sdelay $0x3  }
0x96: {  	_ =	strace s2  }
0x97: {  	_ =	strace $0x8FFFFFFF  }
0x98: {  	s20 =	sld [smem:$0x3FDB];
	_ =	sdelay $0x1  }
0x99: {  	s4 =	simm.s32 $_scs_section_size  }
0x9a: {  	s5 =	simm.s32 $_size__tile_overlayer_lowered;
	s6 =	simm.s32 $_tile_overlayer_lowered  }
0x9b: {  	s7 =	simm.s32 $0x1BFF;
	s21 =	sshll.u32 s6, $0x1;
	s4 =	sadd.s32 s4, s20  }
0x9c: {  	s22 =	simm.s32 $0x0;
	s5 =	sshll.u32 s5, $0x1;
	s6 =	sadd.s32 s21, s4  }
0x9d: {  	[timem:s22], [sflag:s7] =	dma.local [hbm:s6], s5  }
0x9e: {  	_ =	swait.ge [sflag:s7], s5  }
0x9f: {  	s5 =	ssub.s32 $0x0, s5;
	[sflag:s7] =	ssyncset.done $0x0  }
0xa0: {  	[sflag:s7] =	ssyncadd.s32 s5;
	_ =	sdelay $0x1  }
0xa1: {  	s23 =	simm.s32 $0x1B8B  }
0xa2: {  	_ =	swait.ge [sflag:s23], $0x1  }
0xa3: {  	[sflag:s23] =	ssyncset.done $0x0  }
0xa4: {  	[sflag:s23] =	ssyncadd.s32 $0xFFFFFFFF  }
0xa5: {  	s5 =	sld [smem:$0x0]  }
0xa6: {  	s6 =	sand.u32 $0xFFFFFFFE, s1  }
0xa7: {  	p0 =	sne.s32 s1, s6  }
0xa8: {  	s6 =	sshll.u32 @p0 s6, $0xE  }
0xa9: {  	s6 =	sadd.s32 @p0 $0x11B8D, s6;
	s7 =	sshll.u32 @p0 s5, $0x11  }
0xaa: {  	s6 =	sor.u32 @p0 s7, s6  }
0xab: {  	[sflag:s6] =	ssyncadd.remote.s32 @p0 $0x1;
	_ =	sdelay $0x1  }
0xac: {  	s6 =	simm.s32 @p0 $0x1B8D  }
0xad: {  	_ =	swait.eq @p0 [sflag:s6], $0x1  }
0xae: {  	[sflag:s6] =	ssyncadd.s32 @p0 $0xFFFFFFFF  }
0xaf: {  	s7 =	sshll.u32 @!p0 s1, $0xE  }
0xb0: {  	s7 =	sor.u32 @!p0 $0x4000, s7;
	s6 =	simm.s32 @!p0 $0x1B8D  }
0xb1: {  	s5 =	sshll.u32 @!p0 s5, $0x11;
	s7 =	sadd.s32 @!p0 $0x11B8D, s7;
	_ =	swait.eq @!p0 [sflag:s6], $0x1  }
0xb2: {  	s5 =	sor.u32 @!p0 s5, s7;
	[sflag:s6] =	ssyncadd.s32 @!p0 $0xFFFFFFFF  }
0xb3: {  	s25 =	simm.s32 $0x1B8E;
	s24 =	sld [smem:$0x3FFE];
	[sflag:s5] =	ssyncadd.remote.s32 @!p0 $0x1  }
0xb4: {  	s26 =	simm.s32 $execute0_lowered;
	[smem:$0x3FD2] =	sst s25  }
0xb5: {  	s6 =	sshll.u32 s26, $0x1;
	_ =	strace $0x80000049;
	[dreg:$0x1] =	wrdreg $0xFFFFFFFF  }
0xb6: {  	s28 =	simm.s32 $_size_execute0_lowered;
	s4 =	sadd.s32 s4, s6;
	[dreg:$0x0] =	wrdreg $0x0  }
0xb7: {  	s6 =	sshll.u32 s28, $0x1;
	[dreg:$0x2] =	wrdreg s4  }
0xb8: {  	[dreg:$0x3] =	wrdreg s6  }
0xb9: {  	[dreg:$0x4] =	wrdreg $0xC0  }
0xba: {  	_ =	task [dreg:s22], $0x5FFFF  }
0xbb: {  	[dreg:$0x1] =	wrdreg $0xFFFFFFFF  }
0xbc: {  	[dreg:$0x0] =	wrdreg $0x60  }
0xbd: {  	[dreg:$0x2] =	wrdreg s18  }
0xbe: {  	[dreg:$0x3] =	wrdreg s24  }
0xbf: {  	[dreg:$0x4] =	wrdreg $0x90000  }
0xc0: {  	[dreg:$0x5] =	wrdreg $0xA  }
0xc1: {  	_ =	task.clear_ibuf [dreg:s22], $0x6FFFF;
	_ =	strace $0x90000049  }
0xc2: {  	s29 =	simm.s32 $0xA;
	_ =	strace $0x8000004B  }
0xc3: {  	_ =	swait.ge [sflag:s29], $0x1  }
0xc4: {  	[sflag:s29] =	ssyncadd.s32 $0xFFFFFFFF  }
0xc5: {  	_ =	strace $0x9000004B  }
0xc6: {  	_ =	sfence  }
0xc7: {  	s30 =	sld [smem:$0x0];
	_ =	sdelay $0x2  }
0xc8: {  	s31 =	sshll.u32 s1, $0xD;
	s1 =	sshrl.u32 s1, $0x2  }
0xc9: {  	s4 =	sand.u32 $0x4000, s31;
	s1 =	sadd.s32 s1, s30  }
0xca: {  	s0 =	sor.u32 s4, s0;
	s1 =	sshll.u32 s1, $0x11  }
0xcb: {  	s0 =	sor.u32 s1, s0  }
0xcc: {  	s0 =	sadd.s32 $0x8F2B, s0  }
0xcd: {  	[sflag:s0] =	ssyncadd.remote.s32 $0x1  }
0xce: {  	_ =	sfence.sel $0xFFFF  }
0xcf: {  	[dreg:$0x0] =	wrdreg $0xFFFFFFFF;
	(pc) =	sbr.abs _section_cstart, $3  }
0xd0: {  	[dreg:$0x1] =	wrdreg $0xFFFFFFFF  }
0xd1: {  	_ =	task.clear_ibuf [dreg:s22], $0x2FFFF;
	_ =	strace $0x9FFFFFFF  }
0xd2: {  	(tm) =	ssettm $0x7FFFFFFF  }
0xd3: {  	_ =	shalt  }
tec
execute0_lowered:
.L_overlay_start_1:
0x0: {  	(tag) =	ssettag $0x1  }
0x1: {  	s1 =	rddreg [dreg:$0x0]  }
0x2: {  	s0 =	rddreg [dreg:$0x1];
	s11 =	stileid.u32  }
0x3: {  	s2 =	srdreg.scid;
	s3 =	rddreg [dreg:$0x2];
	s4 =	simm.s32 $0x0  }
0x4: {  	s14 =	simm.s32 $0x800;
	s15 =	simm.s32 $0x1;
	s16 =	simm.s32 $0x7D  }
0x5: {  	s17 =	simm.s32 $0x1000;
	s18 =	simm.s32 $0x3;
	s19 =	simm.s32 $0x900  }
0x6: {  	s28 =	simm.s32 $0xA00;
	s29 =	simm.s32 $0xD80;
	s5 =	smul.u32 $0x2800, s11  }
0x7: {  	s30 =	simm.s32 $0xA80;
	s31 =	simm.s32 $0xE00;
	s7 =	smul.u32 $0xA, s11  }
0x8: {  	s12 =	simm.s32 $0x0;
	s2 =	sand.u32 $0x1, s2;
	s8 =	smul.u32 $0x50000, s11  }
0x9: {  	[smem:$0x7FF] =	sst s4;
	s9 =	sadd.s32 $0x37600, s0;
	s25 =	smul.u32 $0xA00, s11  }
0xa: {  	s23 =	sshll.u32 s11, $0x6;
	s6 =	smul.u32 $0xA0, s2;
	_ =	strace $0x8000004A  }
0xb: {  	s20 =	ssub.s32 $0x2, s2;
	s24 =	smul.u32 $0xA000, s2;
	p0 =	seq.s32 s2, $0x1  }
0xc: {  	s2 =	simm.s32 $0x73600;
	s0 =	sadd.s32 s5, s0;
	s10 =	sshrl.u32 s20, $0x1  }
0xd: {  	s21 =	sshrl.u32 s8, $0x2;
	s8 =	sor.u32 $0x1C07, s23;
	s2 =	simm.s32 @!p0 $0x4B600  }
0xe: {  	s23 =	simm.s32 $0x5;
	s6 =	sadd.s32 s7, s6;
	s5 =	ssub.s32 s20, s10  }
0xf: {  	s7 =	sadd.s32 s21, s3;
	s22 =	sadd.s32 $0xF000, s0;
	[dreg:$0x6] =	wrdreg s8  }
0x10: {  	s26 =	sadd.s32 s24, s9;
	s0 =	sadd.s32 s2, s0;
	s20 =	simm.s32 $0x5000  }
0x11: {  	s10 =	simm.s32 $0x2;
	s21 =	simm.s32 $0xC80;
	s24 =	simm.s32 $0x980  }
0x12: {  	s2 =	simm.s32 $0xB00;
	s8 =	simm.s32 $0xF00;
	[dreg:$0x4] =	wrdreg s22  }
0x13: {  	s6 =	sshll.u32 s6, $0x8;
	s5 =	smax.u32 s5, $0x1;
	[dreg:$0x9] =	wrdreg s0  }
.Ltmp0:
0x14: {  	s11 =	sadd.s32 s25, s26;
	s7 =	sshrl.u32 s7, $0x3;
	(pc) =	sbr.rel .LBB2_1-.Ltmp0, $4  }
0x15: {  	s22 =	simm.s32 $0x4;
	s26 =	simm.s32 $0x6;
	[dreg:$0x8] =	wrdreg s5  }
0x16: {  	s25 =	simm.s32 $0xD00;
	s6 =	sadd.s32 s9, s6;
	[dreg:$0xa] =	wrdreg s7  }
0x17: {  	s0 =	simm.s32 $0xE80;
	[dreg:$0x5] =	wrdreg s6;
	s6 =	sadd.s32 $0x100, s6  }
0x18: {  	s5 =	simm.s32 $0xB80;
	s9 =	simm.s32 $0xF80;
	[dreg:$0x7] =	wrdreg s6  }
.LBB2_4:
0x19: {  	[spmem:s3] =	stream.indirect.scatter.add.f32 [tilespmem:s20], [sflag:$0x6], $0x80, s9, s16, $0xb8;
	[tilespmem:$0x1D000] =	vst v63  }
0x1a: {  	_ =	swait.ge [sflag:s26], $0x3E80  }
0x1b: {  	[sflag:s26] =	ssyncset.done $0x0  }
0x1c: {  	[sflag:s26] =	ssyncadd.s32 $0xFFFFC180  }
0x1d: {  	[bflag:$0x0] =	sbarrier.arrive $0xFFFF  }
0x1e: {  	s12 =	rddreg [dreg:$0x6]  }
0x1f: {  	s6 =	rddreg [dreg:$0x9]  }
0x20: {  	s7 =	rddreg [dreg:$0xa]  }
0x21: {  	[hbm:s6], [sflag:s12] =	dma.local [spmem:s7], $0x2800  }
0x22: {  	s6 =	simm.s32 $0x7  }
0x23: {  	_ =	swait.ge [sflag:s6], $0x2800  }
0x24: {  	s13 =	rddreg [dreg:$0xb]  }
0x25: {  	s12 =	sadd.s32 $0x1, s13;
	s13 =	rddreg [dreg:$0x8]  }
0x26: {  	p0 =	sne.s32 s12, s13  }
.Ltmp1:
0x27: {  	_ = 	snop;
	(pc) =	sbr.rel @!p0 .LBB2_5-.Ltmp1, $3  }
0x28: {  	_ =	sdelay $0x1  }
0x29: {  	[sflag:s6] =	ssyncset.done $0x0;
	s13 =	simm.s32 $0x7  }
0x2a: {  	[sflag:s13] =	ssyncadd.s32 $0xFFFFD800  }
.LBB2_1:
0x2b: {  	[dreg:$0xb] =	wrdreg s12  }
0x2c: {  	s6 =	rddreg [dreg:$0x4]  }
0x2d: {  	s12 =	simm.s32 $0x7;
	s13 =	rddreg [dreg:$0x6]  }
0x2e: {  	[spmem:s7], [sflag:s13] =	dma.local [hbm:s6], $0x2800  }
0x2f: {  	_ =	swait.ge [sflag:s12], $0x2800  }
0x30: {  	[sflag:s12] =	ssyncset.done $0x0  }
0x31: {  	[sflag:s12] =	ssyncadd.s32 $0xFFFFD800  }
0x32: {  	[bflag:$0x0] =	sbarrier.arrive $0xFFFF  }
0x33: {  	s7 =	rddreg [dreg:$0x5]  }
0x34: {  	[tilespmem:s4], [sflag:$0x1] =	stream.linear.gather [hbm4b:s7+s4], $0x800, $0x38;
	[tilespmem:$0x1D000] =	vst v63  }
0x35: {  	s12 =	rddreg [dreg:$0x7]  }
0x36: {  	[tilespmem:s14], [sflag:$0x2] =	stream.linear.gather [hbm4b:s12+s4], $0x800, $0x38;
	[tilespmem:$0x1D000] =	vst v63  }
0x37: {  	_ =	swait.ge [sflag:s15], $0x800  }
0x38: {  	[sflag:s15] =	ssyncset.done $0x0  }
0x39: {  	s13 =	simm.s32 $0xC00;
	s6 =	simm.s32 $0xFFFFF800;
	[sflag:s15] =	ssyncadd.s32 $0xFFFFF800  }
0x3a: {  	[tilespmem:s17], [sflag:$0x3] =	stream.indirect.gather [hbm4b:s1+s16], $0x80, s4, s16, $0xb8;
	[tilespmem:$0x1D000] =	vst v63  }
.LBB2_2:
0x3b: {  	_ =	swait.ge [sflag:s18], $0x3E80  }
0x3c: {  	[sflag:s18] =	ssyncset.done $0x0  }
0x3d: {  	s7 =	simm.s32 $0x80;
	[sflag:s18] =	ssyncadd.s32 $0xFFFFC180  }
0x3e: {  	[tilespmem:s20], [sflag:$0x4] =	stream.indirect.gather [hbm4b:s1+s16], $0x80, s7, s16, $0xb8;
	[tilespmem:$0x1D000] =	vst v63  }
0x3f: {  	s12 =	simm.s32 $0x400  }
0x40: {  	[spmem:s3] =	stream.indirect.scatter.add.f32 [tilespmem:s17], [sflag:$0x5], $0x80, s12, s16, $0xb8;
	[tilespmem:$0x1D000] =	vst v63  }
0x41: {  	_ =	swait.ge [sflag:s22], $0x3E80  }
0x42: {  	[sflag:s22] =	ssyncset.done $0x0  }
0x43: {  	[sflag:s22] =	ssyncadd.s32 $0xFFFFC180  }
0x44: {  	_ =	swait.ge [sflag:s23], $0x3E80  }
0x45: {  	[sflag:s23] =	ssyncset.done $0x0  }
0x46: {  	s12 =	simm.s32 $0x100;
	[sflag:s23] =	ssyncadd.s32 $0xFFFFC180  }
0x47: {  	[tilespmem:s17], [sflag:$0x3] =	stream.indirect.gather [hbm4b:s1+s16], $0x80, s12, s16, $0xb8;
	[tilespmem:$0x1D000] =	vst v63  }
0x48: {  	s12 =	simm.s32 $0x480  }
0x49: {  	[spmem:s3] =	stream.indirect.scatter.add.f32 [tilespmem:s20], [sflag:$0x6], $0x80, s12, s16, $0xb8;
	[tilespmem:$0x1D000] =	vst v63  }
0x4a: {  	_ =	swait.ge [sflag:s18], $0x3E80  }
0x4b: {  	[sflag:s18] =	ssyncset.done $0x0  }
0x4c: {  	[sflag:s18] =	ssyncadd.s32 $0xFFFFC180  }
0x4d: {  	_ =	swait.ge [sflag:s26], $0x3E80  }
0x4e: {  	[sflag:s26] =	ssyncset.done $0x0  }
0x4f: {  	s12 =	simm.s32 $0x180;
	[sflag:s26] =	ssyncadd.s32 $0xFFFFC180  }
0x50: {  	[tilespmem:s20], [sflag:$0x4] =	stream.indirect.gather [hbm4b:s1+s16], $0x80, s12, s16, $0xb8;
	[tilespmem:$0x1D000] =	vst v63  }
0x51: {  	s12 =	simm.s32 $0x500  }
0x52: {  	[spmem:s3] =	stream.indirect.scatter.add.f32 [tilespmem:s17], [sflag:$0x5], $0x80, s12, s16, $0xb8;
	[tilespmem:$0x1D000] =	vst v63  }
0x53: {  	_ =	swait.ge [sflag:s22], $0x3E80  }
0x54: {  	[sflag:s22] =	ssyncset.done $0x0  }
0x55: {  	[sflag:s22] =	ssyncadd.s32 $0xFFFFC180  }
0x56: {  	_ =	swait.ge [sflag:s23], $0x3E80  }
0x57: {  	[sflag:s23] =	ssyncset.done $0x0  }
0x58: {  	s12 =	simm.s32 $0x200;
	[sflag:s23] =	ssyncadd.s32 $0xFFFFC180  }
0x59: {  	[tilespmem:s17], [sflag:$0x3] =	stream.indirect.gather [hbm4b:s1+s16], $0x80, s12, s16, $0xb8;
	[tilespmem:$0x1D000] =	vst v63  }
0x5a: {  	s12 =	simm.s32 $0x580  }
0x5b: {  	[spmem:s3] =	stream.indirect.scatter.add.f32 [tilespmem:s20], [sflag:$0x6], $0x80, s12, s16, $0xb8;
	[tilespmem:$0x1D000] =	vst v63  }
0x5c: {  	_ =	swait.ge [sflag:s18], $0x3E80  }
0x5d: {  	[sflag:s18] =	ssyncset.done $0x0  }
0x5e: {  	[sflag:s18] =	ssyncadd.s32 $0xFFFFC180  }
0x5f: {  	_ =	swait.ge [sflag:s26], $0x3E80  }
0x60: {  	[sflag:s26] =	ssyncset.done $0x0  }
0x61: {  	s12 =	simm.s32 $0x280;
	[sflag:s26] =	ssyncadd.s32 $0xFFFFC180  }
0x62: {  	[tilespmem:s20], [sflag:$0x4] =	stream.indirect.gather [hbm4b:s1+s16], $0x80, s12, s16, $0xb8;
	[tilespmem:$0x1D000] =	vst v63  }
0x63: {  	s12 =	simm.s32 $0x600  }
0x64: {  	[spmem:s3] =	stream.indirect.scatter.add.f32 [tilespmem:s17], [sflag:$0x5], $0x80, s12, s16, $0xb8;
	[tilespmem:$0x1D000] =	vst v63  }
0x65: {  	_ =	swait.ge [sflag:s22], $0x3E80  }
0x66: {  	[sflag:s22] =	ssyncset.done $0x0  }
0x67: {  	[sflag:s22] =	ssyncadd.s32 $0xFFFFC180  }
0x68: {  	_ =	swait.ge [sflag:s23], $0x3E80  }
0x69: {  	[sflag:s23] =	ssyncset.done $0x0  }
0x6a: {  	s12 =	simm.s32 $0x300;
	[sflag:s23] =	ssyncadd.s32 $0xFFFFC180  }
0x6b: {  	[tilespmem:s17], [sflag:$0x3] =	stream.indirect.gather [hbm4b:s1+s16], $0x80, s12, s16, $0xb8;
	[tilespmem:$0x1D000] =	vst v63  }
0x6c: {  	s12 =	simm.s32 $0x680  }
0x6d: {  	[spmem:s3] =	stream.indirect.scatter.add.f32 [tilespmem:s20], [sflag:$0x6], $0x80, s12, s16, $0xb8;
	[tilespmem:$0x1D000] =	vst v63  }
0x6e: {  	_ =	swait.ge [sflag:s18], $0x3E80  }
0x6f: {  	[sflag:s18] =	ssyncset.done $0x0  }
0x70: {  	[sflag:s18] =	ssyncadd.s32 $0xFFFFC180  }
0x71: {  	_ =	swait.ge [sflag:s26], $0x3E80  }
0x72: {  	[sflag:s26] =	ssyncset.done $0x0  }
0x73: {  	s12 =	simm.s32 $0x380;
	[sflag:s26] =	ssyncadd.s32 $0xFFFFC180  }
0x74: {  	[tilespmem:s20], [sflag:$0x4] =	stream.indirect.gather [hbm4b:s1+s16], $0x80, s12, s16, $0xb8;
	[tilespmem:$0x1D000] =	vst v63  }
0x75: {  	s12 =	simm.s32 $0x700  }
0x76: {  	[spmem:s3] =	stream.indirect.scatter.add.f32 [tilespmem:s17], [sflag:$0x5], $0x80, s12, s16, $0xb8;
	[tilespmem:$0x1D000] =	vst v63  }
0x77: {  	_ =	swait.ge [sflag:s22], $0x3E80  }
0x78: {  	[sflag:s22] =	ssyncset.done $0x0  }
0x79: {  	[sflag:s22] =	ssyncadd.s32 $0xFFFFC180  }
0x7a: {  	_ =	swait.ge [sflag:s23], $0x3E80  }
0x7b: {  	[sflag:s23] =	ssyncset.done $0x0  }
0x7c: {  	[sflag:s23] =	ssyncadd.s32 $0xFFFFC180  }
0x7d: {  	_ =	swait.ge [sflag:s10], $0x800  }
0x7e: {  	[sflag:s10] =	ssyncset.done $0x0  }
0x7f: {  	[sflag:s10] =	ssyncadd.s32 $0xFFFFF800  }
0x80: {  	[tilespmem:s17], [sflag:$0x3] =	stream.indirect.gather [hbm4b:s1+s16], $0x80, s14, s16, $0xb8;
	[tilespmem:$0x1D000] =	vst v63  }
0x81: {  	s12 =	simm.s32 $0x780  }
0x82: {  	[spmem:s3] =	stream.indirect.scatter.add.f32 [tilespmem:s20], [sflag:$0x6], $0x80, s12, s16, $0xb8;
	[tilespmem:$0x1D000] =	vst v63  }
0x83: {  	p0 =	seq.s32 s6, $0x0;
	_ =	swait.ge [sflag:s26], $0x3E80  }
0x84: {  	s7 =	sadd.s32 @!p0 s6, s11;
	[sflag:s26] =	ssyncset.done $0x0  }
0x85: {  	s7 =	sadd.s32 @!p0 $0xA00, s7;
	s12 =	simm.s32 @!p0 $0x0;
	[sflag:s26] =	ssyncadd.s32 $0xFFFFC180  }
0x86: {  	[tilespmem:s12], [sflag:$0x1] =	stream.linear.gather @!p0 [hbm4b:s7+s12], $0x800, $0x38;
	[tilespmem:$0x1D000] =	vst v63  }
0x87: {  	_ =	swait.ge [sflag:s18], $0x3E80  }
0x88: {  	[sflag:s18] =	ssyncset.done $0x0  }
0x89: {  	s12 =	simm.s32 $0x880;
	[sflag:s18] =	ssyncadd.s32 $0xFFFFC180  }
0x8a: {  	[tilespmem:s20], [sflag:$0x4] =	stream.indirect.gather [hbm4b:s1+s16], $0x80, s12, s16, $0xb8;
	[tilespmem:$0x1D000] =	vst v63  }
0x8b: {  	_ = 	snop  }
0x8c: {  	[spmem:s3] =	stream.indirect.scatter.add.f32 [tilespmem:s17], [sflag:$0x5], $0x80, s13, s16, $0xb8;
	[tilespmem:$0x1D000] =	vst v63  }
0x8d: {  	_ =	swait.ge [sflag:s22], $0x3E80  }
0x8e: {  	[sflag:s22] =	ssyncset.done $0x0  }
0x8f: {  	[sflag:s22] =	ssyncadd.s32 $0xFFFFC180  }
0x90: {  	_ =	swait.ge [sflag:s23], $0x3E80  }
0x91: {  	[sflag:s23] =	ssyncset.done $0x0  }
0x92: {  	[sflag:s23] =	ssyncadd.s32 $0xFFFFC180  }
0x93: {  	[tilespmem:s17], [sflag:$0x3] =	stream.indirect.gather [hbm4b:s1+s16], $0x80, s19, s16, $0xb8;
	[tilespmem:$0x1D000] =	vst v63  }
0x94: {  	_ = 	snop  }
0x95: {  	[spmem:s3] =	stream.indirect.scatter.add.f32 [tilespmem:s20], [sflag:$0x6], $0x80, s21, s16, $0xb8;
	[tilespmem:$0x1D000] =	vst v63  }
0x96: {  	_ =	swait.ge [sflag:s18], $0x3E80  }
0x97: {  	[sflag:s18] =	ssyncset.done $0x0  }
0x98: {  	[sflag:s18] =	ssyncadd.s32 $0xFFFFC180  }
0x99: {  	_ =	swait.ge [sflag:s26], $0x3E80  }
0x9a: {  	[sflag:s26] =	ssyncset.done $0x0  }
0x9b: {  	[sflag:s26] =	ssyncadd.s32 $0xFFFFC180  }
0x9c: {  	[tilespmem:s20], [sflag:$0x4] =	stream.indirect.gather [hbm4b:s1+s16], $0x80, s24, s16, $0xb8;
	[tilespmem:$0x1D000] =	vst v63  }
0x9d: {  	_ = 	snop  }
0x9e: {  	[spmem:s3] =	stream.indirect.scatter.add.f32 [tilespmem:s17], [sflag:$0x5], $0x80, s25, s16, $0xb8;
	[tilespmem:$0x1D000] =	vst v63  }
0x9f: {  	_ =	swait.ge [sflag:s22], $0x3E80  }
0xa0: {  	[sflag:s22] =	ssyncset.done $0x0  }
0xa1: {  	[sflag:s22] =	ssyncadd.s32 $0xFFFFC180  }
0xa2: {  	_ =	swait.ge [sflag:s23], $0x3E80  }
0xa3: {  	[sflag:s23] =	ssyncset.done $0x0  }
0xa4: {  	[sflag:s23] =	ssyncadd.s32 $0xFFFFC180  }
0xa5: {  	[tilespmem:s17], [sflag:$0x3] =	stream.indirect.gather [hbm4b:s1+s16], $0x80, s28, s16, $0xb8;
	[tilespmem:$0x1D000] =	vst v63  }
0xa6: {  	_ = 	snop  }
0xa7: {  	[spmem:s3] =	stream.indirect.scatter.add.f32 [tilespmem:s20], [sflag:$0x6], $0x80, s29, s16, $0xb8;
	[tilespmem:$0x1D000] =	vst v63  }
0xa8: {  	_ =	swait.ge [sflag:s18], $0x3E80  }
0xa9: {  	[sflag:s18] =	ssyncset.done $0x0  }
0xaa: {  	[sflag:s18] =	ssyncadd.s32 $0xFFFFC180  }
0xab: {  	_ =	swait.ge [sflag:s26], $0x3E80  }
0xac: {  	[sflag:s26] =	ssyncset.done $0x0  }
0xad: {  	[sflag:s26] =	ssyncadd.s32 $0xFFFFC180  }
0xae: {  	[tilespmem:s20], [sflag:$0x4] =	stream.indirect.gather [hbm4b:s1+s16], $0x80, s30, s16, $0xb8;
	[tilespmem:$0x1D000] =	vst v63  }
0xaf: {  	_ = 	snop  }
0xb0: {  	[spmem:s3] =	stream.indirect.scatter.add.f32 [tilespmem:s17], [sflag:$0x5], $0x80, s31, s16, $0xb8;
	[tilespmem:$0x1D000] =	vst v63  }
0xb1: {  	_ =	swait.ge [sflag:s22], $0x3E80  }
0xb2: {  	[sflag:s22] =	ssyncset.done $0x0  }
0xb3: {  	[sflag:s22] =	ssyncadd.s32 $0xFFFFC180  }
0xb4: {  	_ =	swait.ge [sflag:s23], $0x3E80  }
0xb5: {  	[sflag:s23] =	ssyncset.done $0x0  }
0xb6: {  	[sflag:s23] =	ssyncadd.s32 $0xFFFFC180  }
0xb7: {  	[tilespmem:s17], [sflag:$0x3] =	stream.indirect.gather [hbm4b:s1+s16], $0x80, s2, s16, $0xb8;
	[tilespmem:$0x1D000] =	vst v63  }
0xb8: {  	_ = 	snop  }
0xb9: {  	[spmem:s3] =	stream.indirect.scatter.add.f32 [tilespmem:s20], [sflag:$0x6], $0x80, s0, s16, $0xb8;
	[tilespmem:$0x1D000] =	vst v63  }
0xba: {  	_ =	swait.ge [sflag:s18], $0x3E80  }
0xbb: {  	[sflag:s18] =	ssyncset.done $0x0  }
0xbc: {  	[sflag:s18] =	ssyncadd.s32 $0xFFFFC180  }
0xbd: {  	_ =	swait.ge [sflag:s26], $0x3E80  }
0xbe: {  	[sflag:s26] =	ssyncset.done $0x0  }
0xbf: {  	[sflag:s26] =	ssyncadd.s32 $0xFFFFC180  }
0xc0: {  	[tilespmem:s20], [sflag:$0x4] =	stream.indirect.gather [hbm4b:s1+s16], $0x80, s5, s16, $0xb8;
	[tilespmem:$0x1D000] =	vst v63  }
0xc1: {  	_ = 	snop  }
0xc2: {  	[spmem:s3] =	stream.indirect.scatter.add.f32 [tilespmem:s17], [sflag:$0x5], $0x80, s8, s16, $0xb8;
	[tilespmem:$0x1D000] =	vst v63  }
0xc3: {  	_ =	swait.ge [sflag:s22], $0x3E80  }
.Ltmp2:
0xc4: {  	[sflag:s22] =	ssyncset.done $0x0;
	(pc) =	sbr.rel @p0 .LBB2_4-.Ltmp2, $4  }
0xc5: {  	[sflag:s22] =	ssyncadd.s32 $0xFFFFC180  }
0xc6: {  	_ =	swait.ge [sflag:s23], $0x3E80  }
0xc7: {  	[sflag:s23] =	ssyncset.done $0x0  }
0xc8: {  	[sflag:s23] =	ssyncadd.s32 $0xFFFFC180  }
0xc9: {  	_ =	swait.ge [sflag:s15], $0x800  }
0xca: {  	[sflag:s15] =	ssyncset.done $0x0  }
0xcb: {  	[sflag:s15] =	ssyncadd.s32 $0xFFFFF800  }
0xcc: {  	[tilespmem:s17], [sflag:$0x3] =	stream.indirect.gather [hbm4b:s1+s16], $0x80, s4, s16, $0xb8;
	[tilespmem:$0x1D000] =	vst v63  }
0xcd: {  	_ = 	snop  }
0xce: {  	[spmem:s3] =	stream.indirect.scatter.add.f32 [tilespmem:s20], [sflag:$0x6], $0x80, s9, s16, $0xb8;
	[tilespmem:$0x1D000] =	vst v63  }
.Ltmp3:
0xcf: {  	_ = 	snop;
	(pc) =	sbr.rel .LBB2_2-.Ltmp3, $4  }
0xd0: {  	_ =	swait.ge [sflag:s26], $0x3E80  }
0xd1: {  	s7 =	sadd.s32 s6, s11;
	[sflag:s26] =	ssyncset.done $0x0  }
0xd2: {  	s6 =	sadd.s32 $0x200, s6;
	s7 =	sadd.s32 $0xB00, s7;
	[sflag:s26] =	ssyncadd.s32 $0xFFFFC180  }
0xd3: {  	[tilespmem:s14], [sflag:$0x2] =	stream.linear.gather [hbm4b:s7+s4], $0x800, $0x38;
	[tilespmem:$0x1D000] =	vst v63  }
.LBB2_5:
0xd4: {  	_ =	sfence.sel $0x180000  }
0xd5: {  	[bflag:$0x0] =	sbarrier.arrive $0xFFFF  }
0xd6: {  	_ =	strace $0x9000004A  }
0xd7: {  	s0 =	stileid.u32;
	[bflag:$0x2] =	sbarrier.arrive $0xFFFF  }
0xd8: {  	p0 =	sne.s32 s0, $0x0;
	s0 =	rddreg [dreg:$0x3]  }
0xd9: {  	s0 =	sadd.s32 @!p0 $0x100000, s0  }
0xda: {  	[sflag:s0] =	ssyncadd.tile.s32 @!p0 $0x1;
	_ =	shalt  }
.Lfunc_end2:
_tile_overlayer_lowered:
.L_overlay_start_2:
0xdb: {  	(tag) =	ssettag $0x2  }
0xdc: {  	s0 =	rddreg [dreg:$0x0];
	s2 =	stileid.u32  }
0xdd: {  	s1 =	rddreg [dreg:$0x1];
	p0 =	sne.s32 s2, $0x0  }
0xde: {  	s3 =	rddreg [dreg:$0x2];
	[bflag:$0x3] =	sbarrier.arrive $0xFFFF;
	s2 =	simm.s32 @!p0 $0x1C07  }
0xdf: {  	[timem:s3], [sflag:s2] =	dma.local @!p0 [hbm:s0], s1  }
0xe0: {  	s0 =	simm.s32 @!p0 $0x7  }
0xe1: {  	_ =	swait.ge @!p0 [sflag:s0], s1  }
0xe2: {  	s1 =	ssub.s32 @!p0 $0x0, s1;
	[sflag:s0] =	ssyncset.done @!p0 $0x0  }
0xe3: {  	[sflag:s0] =	ssyncadd.s32 @!p0 s1  }
0xe4: {  	[bflag:$0x3] =	sbarrier.arrive $0xFFFF  }
0xe5: {  	_ =	shalt  }

// kernel: kernel.15.cloned.1.call-start
scs
__scs_entry_jumppad:
0x0: {  	(pc) =	sbr.rel $0x88, $3  }
0x1: {  	(tag) =	ssettag $0x0;
	lr =	simm.s32 $0x1  }
0x2: {  	[smem:$0x3F91] =	sst lr;
	_ =	strace $0xD0000000  }
0x3: {  	_ = 	snop  }
0x4: {  	_ = 	snop  }
0x5: {  	_ = 	snop  }
0x6: {  	_ = 	snop  }
0x7: {  	_ = 	snop  }
__scs_overlays_trampoline_lowered:
0x8: {  	[smem:$0x3FA0] =	sst s0  }
0x9: {  	[smem:$0x3FA1] =	sst s1  }
0xa: {  	[smem:$0x3FA2] =	sst s2  }
0xb: {  	[smem:$0x3FA3] =	sst s3  }
0xc: {  	[smem:$0x3FA4] =	sst s4  }
0xd: {  	[smem:$0x3FA5] =	sst s5  }
0xe: {  	[smem:$0x3FA6] =	sst s6  }
0xf: {  	[smem:$0x3FA7] =	sst s7  }
0x10: {  	[smem:$0x3FA8] =	sst s8  }
0x11: {  	[smem:$0x3FA9] =	sst s9;
	s0 =	simm.s32 @!p0 $0x0  }
0x12: {  	s1 =	sld [smem:$0x3F8F];
	s0 =	simm.s32 @p0 $0x1  }
0x13: {  	[smem:$0x3FAA] =	sst s0;
	s0 =	simm.s32 @!p1 $0x0  }
0x14: {  	s2 =	sld [smem:$0x3F8E];
	s0 =	simm.s32 @p1 $0x1  }
0x15: {  	[smem:$0x3FAB] =	sst s0;
	s0 =	simm.s32 @!p2 $0x0  }
0x16: {  	s3 =	sld [smem:$0x3FDB];
	s0 =	simm.s32 @p2 $0x1  }
0x17: {  	s4 =	simm.s32 $0x1BF5;
	[smem:$0x3FAD] =	sst s0  }
0x18: {  	s0 =	sld [smem:$0x3F90];
	_ =	swait.ge [sflag:s4], $0x0  }
0x19: {  	s7 =	sld [smem:$0x3F91]  }
0x1a: {  	s8 =	sadd.s32 $0xFFFFE003, lr  }
0x1b: {  	s9 =	sadd.s32 $0xFFFFFEF7, lr;
	s5 =	simm.s32 $0xFFFFFFFF;
	p2 =	slt.u32 s8, $0xFFFFF086  }
0x1c: {  	p1 =	slt.u32 s9, $0xF7A;
	s5 =	simm.s32 @!p2 $0x0  }
0x1d: {  	s5 =	simm.s32 @p1 $0x1;
	p0 =	seq.s32 s7, s2  }
0x1e: {  	s7 =	smul.u32 @!p0 $0xF7A, s2;
	p2 =	seq.s32 @!p0 s5, $0x0  }
0x1f: {  	s9 =	smul.u32 $0xF7A, s1;
	s8 =	simm.s32 @!p0 $0x1BF5;
	p2 =	por !p2, p0  }
0x20: {  	[sflag:s8] =	ssyncset.s32 @!p0 $0xFFFFF086;
	s6 =	sadd.s32 @!p0 s3, s7;
	s7 =	simm.s32 @!p0 $0x108  }
0x21: {  	s3 =	sadd.s32 s3, s9;
	s6 =	sadd.s32 @!p0 $0x88, s6;
	s7 =	simm.s32 @p2 $0x1082  }
0x22: {  	[simem:s7], [sflag:s8] =	dma.local @!p0 [hbm:s6], $0xF7A  }
0x23: {  	s9 =	sor.u32 $0xD0000000, s2;
	s6 =	simm.s32 $0x108;
	_ =	swait.ge @!p0 [sflag:s8], $0x0  }
0x24: {  	s3 =	sadd.s32 $0x88, s3;
	s6 =	simm.s32 @!p1 $0x1082;
	[sflag:s4] =	ssyncset.s32 $0xFFFFF086  }
0x25: {  	[simem:s6], [sflag:s4] =	dma.local [hbm:s3], $0xF7A  }
0x26: {  	[smem:$0x3F91] =	sst s1;
	(tag) =	ssettag s2;
	_ =	strace s9  }
0x27: {  	s1 =	sld [smem:$0x3FA1]  }
0x28: {  	s2 =	sld [smem:$0x3FA2]  }
0x29: {  	s4 =	sld [smem:$0x3FA4]  }
0x2a: {  	p0 =	seq.s32 s5, $0x0;
	s5 =	sld [smem:$0x3FA5]  }
0x2b: {  	s6 =	sld [smem:$0x3FA6]  }
0x2c: {  	s7 =	sld [smem:$0x3FA7]  }
0x2d: {  	s3 =	simm.s32 $0x108;
	s8 =	sld [smem:$0x3FA8]  }
0x2e: {  	s3 =	simm.s32 @!p0 $0x1082;
	s9 =	sld [smem:$0x3FA9]  }
0x2f: {  	lr =	sadd.s32 s0, s3;
	s0 =	sld [smem:$0x3FA0]  }
0x30: {  	s3 =	sld [smem:$0x3FA3]  }
0x31: {  	[smem:$0x3FAC] =	sst s10  }
0x32: {  	s10 =	sld [smem:$0x3FAA];
	_ =	sdelay $0x3  }
0x33: {  	p0 =	seq.s32 s10, $0x1;
	s10 =	sld [smem:$0x3FAC];
	_ =	sdelay $0x3  }
0x34: {  	[smem:$0x3FAC] =	sst s10  }
0x35: {  	s10 =	sld [smem:$0x3FAB];
	_ =	sdelay $0x3  }
0x36: {  	p1 =	seq.s32 s10, $0x1;
	s10 =	sld [smem:$0x3FAC];
	_ =	sdelay $0x3  }
0x37: {  	[smem:$0x3FAC] =	sst s10  }
0x38: {  	s10 =	sld [smem:$0x3FAD]  }
0x39: {  	_ = 	snop;
	(pc) =	sbr.ind lr, $3  }
0x3a: {  	_ = 	snop  }
0x3b: {  	_ = 	snop  }
0x3c: {  	p2 =	seq.s32 s10, $0x1;
	s10 =	sld [smem:$0x3FAC]  }
0x3d: {  	_ =	shalt  }
0x3e: {  	_ =	shalt  }
0x3f: {  	_ =	shalt  }
0x40: {  	_ =	shalt  }
0x41: {  	_ =	shalt  }
0x42: {  	_ =	shalt  }
0x43: {  	_ =	shalt  }
0x44: {  	_ =	shalt  }
0x45: {  	_ =	shalt  }
0x46: {  	_ =	shalt  }
0x47: {  	_ =	shalt  }
0x48: {  	_ =	shalt  }
0x49: {  	_ =	shalt  }
0x4a: {  	_ =	shalt  }
0x4b: {  	_ =	shalt  }
0x4c: {  	_ =	shalt  }
0x4d: {  	_ =	shalt  }
0x4e: {  	_ =	shalt  }
0x4f: {  	_ =	shalt  }
0x50: {  	_ =	shalt  }
0x51: {  	_ =	shalt  }
0x52: {  	_ =	shalt  }
0x53: {  	_ =	shalt  }
0x54: {  	_ =	shalt  }
0x55: {  	_ =	shalt  }
0x56: {  	_ =	shalt  }
0x57: {  	_ =	shalt  }
0x58: {  	_ =	shalt  }
0x59: {  	_ =	shalt  }
0x5a: {  	_ =	shalt  }
0x5b: {  	_ =	shalt  }
0x5c: {  	_ =	shalt  }
0x5d: {  	_ =	shalt  }
0x5e: {  	_ =	shalt  }
0x5f: {  	_ =	shalt  }
0x60: {  	_ =	shalt  }
0x61: {  	_ =	shalt  }
0x62: {  	_ =	shalt  }
0x63: {  	_ =	shalt  }
0x64: {  	_ =	shalt  }
0x65: {  	_ =	shalt  }
0x66: {  	_ =	shalt  }
0x67: {  	_ =	shalt  }
0x68: {  	_ =	shalt  }
0x69: {  	_ =	shalt  }
0x6a: {  	_ =	shalt  }
0x6b: {  	_ =	shalt  }
0x6c: {  	_ =	shalt  }
0x6d: {  	_ =	shalt  }
0x6e: {  	_ =	shalt  }
0x6f: {  	_ =	shalt  }
0x70: {  	_ =	shalt  }
0x71: {  	_ =	shalt  }
0x72: {  	_ =	shalt  }
0x73: {  	_ =	shalt  }
0x74: {  	_ =	shalt  }
0x75: {  	_ =	shalt  }
0x76: {  	_ =	shalt  }
0x77: {  	_ =	shalt  }
0x78: {  	_ =	shalt  }
0x79: {  	_ =	shalt  }
0x7a: {  	_ =	shalt  }
0x7b: {  	_ =	shalt  }
0x7c: {  	_ =	shalt  }
0x7d: {  	_ =	shalt  }
0x7e: {  	_ =	shalt  }
0x7f: {  	_ =	shalt  }
0x80: {  	_ =	shalt  }
0x81: {  	_ =	shalt  }
0x82: {  	_ =	shalt  }
0x83: {  	_ =	shalt  }
0x84: {  	_ =	shalt  }
0x85: {  	_ =	shalt  }
0x86: {  	_ =	shalt  }
0x87: {  	_ =	shalt  }
.Lfunc_end0:
.L_simem_size_0:
called_computation.2_lowered:
.L_overlay_start_0:
0x88: {  	s2 =	sld [smem:$0x3FD9]  }
0x89: {  	s3 =	sld [smem:$0x3FFE];
	_ =	sdelay $0x1  }
0x8a: {  	s1 =	srdreg.scid  }
0x8b: {  	s0 =	sand.u32 $0x1, s1  }
0x8c: {  	s16 =	sshll.u32 s0, $0xA;
	s2 =	sadd.s32 s3, s2  }
0x8d: {  	s2 =	sadd.s32 s2, s16  }
0x8e: {  	[smem:$0x3FB8] =	sst s2  }
0x8f: {  	_ = 	snop  }
0x90: {  	(tm) =	ssettm $0x1  }
0x91: {  	s17 =	sld [smem:$0x3FFB];
	_ =	sdelay $0x3  }
0x92: {  	_ =	strace s17  }
0x93: {  	s2 =	sld [smem:$0x3FFC];
	_ =	sdelay $0x3  }
0x94: {  	_ =	strace s2  }
0x95: {  	s2 =	sld [smem:$0x3FFD];
	_ =	sdelay $0x3  }
0x96: {  	_ =	strace s2  }
0x97: {  	_ =	strace $0x8FFFFFFF  }
0x98: {  	s18 =	sld [smem:$0x3FDB];
	_ =	sdelay $0x1  }
0x99: {  	s19 =	simm.s32 $_scs_section_size  }
0x9a: {  	s4 =	simm.s32 $_size__tile_overlayer_lowered;
	s5 =	simm.s32 $_tile_overlayer_lowered  }
0x9b: {  	s22 =	simm.s32 $0x1BFF;
	s21 =	sshll.u32 s5, $0x1;
	s2 =	sadd.s32 s19, s18  }
0x9c: {  	s6 =	simm.s32 $0x0;
	s20 =	sshll.u32 s4, $0x1;
	s4 =	sadd.s32 s21, s2  }
0x9d: {  	[timem:s6], [sflag:s22] =	dma.local [hbm:s4], s20  }
0x9e: {  	_ =	swait.ge [sflag:s22], s20  }
0x9f: {  	s3 =	ssub.s32 $0x0, s20;
	[sflag:s22] =	ssyncset.done $0x0  }
0xa0: {  	[sflag:s22] =	ssyncadd.s32 s3;
	_ =	sdelay $0x1  }
0xa1: {  	s23 =	simm.s32 $0x1B8B  }
0xa2: {  	_ =	swait.ge [sflag:s23], $0x1  }
0xa3: {  	[sflag:s23] =	ssyncset.done $0x0  }
0xa4: {  	s25 =	simm.s32 $0x1B8E;
	s24 =	sld [smem:$0x3FFE];
	[sflag:s23] =	ssyncadd.s32 $0xFFFFFFFF  }
0xa5: {  	s26 =	simm.s32 $execute0_lowered;
	[smem:$0x3FD2] =	sst s25  }
0xa6: {  	s4 =	sshll.u32 s26, $0x1;
	_ =	strace $0x8000004C;
	[dreg:$0x1] =	wrdreg $0xFFFFFFFF  }
0xa7: {  	s28 =	simm.s32 $_size_execute0_lowered;
	s2 =	sadd.s32 s2, s4;
	[dreg:$0x0] =	wrdreg $0x0  }
0xa8: {  	s4 =	sshll.u32 s28, $0x1;
	[dreg:$0x2] =	wrdreg s2  }
0xa9: {  	[dreg:$0x3] =	wrdreg s4  }
0xaa: {  	[dreg:$0x4] =	wrdreg $0xC0  }
0xab: {  	_ =	task [dreg:s6], $0x5FFFF  }
0xac: {  	[dreg:$0x1] =	wrdreg $0xFFFFFFFF  }
0xad: {  	[dreg:$0x0] =	wrdreg $0x60  }
0xae: {  	[dreg:$0x2] =	wrdreg s24  }
0xaf: {  	[dreg:$0x3] =	wrdreg $0x90000  }
0xb0: {  	[dreg:$0x4] =	wrdreg $0x9  }
0xb1: {  	_ =	task.clear_ibuf [dreg:s6], $0x5FFFF;
	_ =	strace $0x9000004C  }
0xb2: {  	s29 =	simm.s32 $0x9;
	_ =	strace $0x8000004E  }
0xb3: {  	_ =	swait.ge [sflag:s29], $0x1  }
0xb4: {  	[sflag:s29] =	ssyncadd.s32 $0xFFFFFFFF  }
0xb5: {  	_ =	strace $0x9000004E  }
0xb6: {  	_ =	sfence  }
0xb7: {  	s30 =	sld [smem:$0x0];
	_ =	sdelay $0x2  }
0xb8: {  	s31 =	sshll.u32 s1, $0xD;
	s1 =	sshrl.u32 s1, $0x2  }
0xb9: {  	s3 =	sand.u32 $0x4000, s31;
	s1 =	sadd.s32 s1, s30  }
0xba: {  	s0 =	sor.u32 s3, s0;
	s1 =	sshll.u32 s1, $0x11  }
0xbb: {  	s0 =	sor.u32 s1, s0  }
0xbc: {  	s0 =	sadd.s32 $0x8F2B, s0  }
0xbd: {  	[sflag:s0] =	ssyncadd.remote.s32 $0x1  }
0xbe: {  	_ =	sfence.sel $0xFFFF  }
0xbf: {  	[dreg:$0x0] =	wrdreg $0xFFFFFFFF;
	(pc) =	sbr.abs _section_cstart, $3  }
0xc0: {  	[dreg:$0x1] =	wrdreg $0xFFFFFFFF  }
0xc1: {  	_ =	task.clear_ibuf [dreg:s6], $0x2FFFF;
	_ =	strace $0x9FFFFFFF  }
0xc2: {  	(tm) =	ssettm $0x7FFFFFFF  }
0xc3: {  	_ =	shalt  }
tec
execute0_lowered:
.L_overlay_start_1:
0x0: {  	(tag) =	ssettag $0x1  }
0x1: {  	s0 =	rddreg [dreg:$0x0]  }
0x2: {  	s11 =	stileid.u32;
	s1 =	srdreg.scid  }
0x3: {  	s2 =	rddreg [dreg:$0x1];
	s3 =	simm.s32 $0x0;
	s14 =	simm.s32 $0x800  }
0x4: {  	s15 =	simm.s32 $0x1;
	s16 =	simm.s32 $0x7D;
	s17 =	simm.s32 $0x1000  }
0x5: {  	s18 =	simm.s32 $0x3;
	s19 =	simm.s32 $0x900;
	s28 =	simm.s32 $0xA00  }
0x6: {  	s29 =	simm.s32 $0xD80;
	s30 =	simm.s32 $0xA80;
	s5 =	smul.u32 $0x2800, s11  }
0x7: {  	s31 =	simm.s32 $0xE00;
	s12 =	simm.s32 $0x0;
	s7 =	smul.u32 $0x14, s11  }
0x8: {  	s1 =	sand.u32 $0x1, s1;
	[smem:$0x7FF] =	sst s3;
	s8 =	smul.u32 $0x50000, s11  }
0x9: {  	s4 =	sadd.s32 $0x37000, s0;
	s9 =	sadd.s32 $0x9B600, s0;
	s25 =	smul.u32 $0x1400, s11  }
0xa: {  	s23 =	sshll.u32 s11, $0x6;
	s6 =	smul.u32 $0x140, s1;
	_ =	strace $0x8000004D  }
0xb: {  	s20 =	ssub.s32 $0x2, s1;
	s24 =	smul.u32 $0x14000, s1;
	p0 =	seq.s32 s1, $0x1  }
0xc: {  	s1 =	simm.s32 $0xEB600;
	s0 =	sadd.s32 s5, s0;
	s10 =	sshrl.u32 s20, $0x1  }
0xd: {  	s21 =	sshrl.u32 s8, $0x2;
	s8 =	sor.u32 $0x1C07, s23;
	s1 =	simm.s32 @!p0 $0xC3600  }
0xe: {  	s23 =	simm.s32 $0x5;
	s6 =	sadd.s32 s7, s6;
	s5 =	ssub.s32 s20, s10  }
0xf: {  	s7 =	sadd.s32 s21, s2;
	s22 =	sadd.s32 $0xF000, s0;
	[dreg:$0x5] =	wrdreg s8  }
0x10: {  	s26 =	sadd.s32 s24, s9;
	s0 =	sadd.s32 s1, s0;
	s20 =	simm.s32 $0x5000  }
0x11: {  	s10 =	simm.s32 $0x2;
	s21 =	simm.s32 $0xC80;
	s24 =	simm.s32 $0x980  }
0x12: {  	s1 =	simm.s32 $0xB00;
	s8 =	simm.s32 $0xF00;
	[dreg:$0x3] =	wrdreg s22  }
0x13: {  	s6 =	sshll.u32 s6, $0x8;
	s5 =	smax.u32 s5, $0x1;
	[dreg:$0x8] =	wrdreg s0  }
.Ltmp0:
0x14: {  	s11 =	sadd.s32 s25, s26;
	s7 =	sshrl.u32 s7, $0x3;
	(pc) =	sbr.rel .LBB2_1-.Ltmp0, $4  }
0x15: {  	s22 =	simm.s32 $0x4;
	s26 =	simm.s32 $0x6;
	[dreg:$0x7] =	wrdreg s5  }
0x16: {  	s25 =	simm.s32 $0xD00;
	s6 =	sadd.s32 s9, s6;
	[dreg:$0x9] =	wrdreg s7  }
0x17: {  	s0 =	simm.s32 $0xE80;
	[dreg:$0x4] =	wrdreg s6;
	s6 =	sadd.s32 $0x100, s6  }
0x18: {  	s5 =	simm.s32 $0xB80;
	s9 =	simm.s32 $0xF80;
	[dreg:$0x6] =	wrdreg s6  }
.LBB2_4:
0x19: {  	[spmem:s2] =	stream.indirect.scatter.add.f32 [tilespmem:s20], [sflag:$0x6], $0x80, s9, s16, $0xb8;
	[tilespmem:$0x1D000] =	vst v63  }
0x1a: {  	_ =	swait.ge [sflag:s26], $0x3E80  }
0x1b: {  	[sflag:s26] =	ssyncset.done $0x0  }
0x1c: {  	[sflag:s26] =	ssyncadd.s32 $0xFFFFC180  }
0x1d: {  	[bflag:$0x0] =	sbarrier.arrive $0xFFFF  }
0x1e: {  	s12 =	rddreg [dreg:$0x5]  }
0x1f: {  	s6 =	rddreg [dreg:$0x8]  }
0x20: {  	s7 =	rddreg [dreg:$0x9]  }
0x21: {  	[hbm:s6], [sflag:s12] =	dma.local [spmem:s7], $0x2800  }
0x22: {  	s6 =	simm.s32 $0x7  }
0x23: {  	_ =	swait.ge [sflag:s6], $0x2800  }
0x24: {  	s13 =	rddreg [dreg:$0xa]  }
0x25: {  	s12 =	sadd.s32 $0x1, s13;
	s13 =	rddreg [dreg:$0x7]  }
0x26: {  	p0 =	sne.s32 s12, s13  }
.Ltmp1:
0x27: {  	_ = 	snop;
	(pc) =	sbr.rel @!p0 .LBB2_5-.Ltmp1, $3  }
0x28: {  	_ =	sdelay $0x1  }
0x29: {  	[sflag:s6] =	ssyncset.done $0x0;
	s13 =	simm.s32 $0x7  }
0x2a: {  	[sflag:s13] =	ssyncadd.s32 $0xFFFFD800  }
.LBB2_1:
0x2b: {  	[dreg:$0xa] =	wrdreg s12  }
0x2c: {  	s6 =	rddreg [dreg:$0x3]  }
0x2d: {  	s12 =	simm.s32 $0x7;
	s13 =	rddreg [dreg:$0x5]  }
0x2e: {  	[spmem:s7], [sflag:s13] =	dma.local [hbm:s6], $0x2800  }
0x2f: {  	_ =	swait.ge [sflag:s12], $0x2800  }
0x30: {  	[sflag:s12] =	ssyncset.done $0x0  }
0x31: {  	[sflag:s12] =	ssyncadd.s32 $0xFFFFD800  }
0x32: {  	[bflag:$0x0] =	sbarrier.arrive $0xFFFF  }
0x33: {  	s7 =	rddreg [dreg:$0x4]  }
0x34: {  	[tilespmem:s3], [sflag:$0x1] =	stream.linear.gather [hbm4b:s7+s3], $0x800, $0x38;
	[tilespmem:$0x1D000] =	vst v63  }
0x35: {  	s12 =	rddreg [dreg:$0x6]  }
0x36: {  	[tilespmem:s14], [sflag:$0x2] =	stream.linear.gather [hbm4b:s12+s3], $0x800, $0x38;
	[tilespmem:$0x1D000] =	vst v63  }
0x37: {  	_ =	swait.ge [sflag:s15], $0x800  }
0x38: {  	[sflag:s15] =	ssyncset.done $0x0  }
0x39: {  	s13 =	simm.s32 $0xC00;
	s6 =	simm.s32 $0xFFFFEE00;
	[sflag:s15] =	ssyncadd.s32 $0xFFFFF800  }
0x3a: {  	[tilespmem:s17], [sflag:$0x3] =	stream.indirect.gather [hbm4b:s4+s16], $0x80, s3, s16, $0xb8;
	[tilespmem:$0x1D000] =	vst v63  }
.LBB2_2:
0x3b: {  	_ =	swait.ge [sflag:s18], $0x3E80  }
0x3c: {  	[sflag:s18] =	ssyncset.done $0x0  }
0x3d: {  	s7 =	simm.s32 $0x80;
	[sflag:s18] =	ssyncadd.s32 $0xFFFFC180  }
0x3e: {  	[tilespmem:s20], [sflag:$0x4] =	stream.indirect.gather [hbm4b:s4+s16], $0x80, s7, s16, $0xb8;
	[tilespmem:$0x1D000] =	vst v63  }
0x3f: {  	s12 =	simm.s32 $0x400  }
0x40: {  	[spmem:s2] =	stream.indirect.scatter.add.f32 [tilespmem:s17], [sflag:$0x5], $0x80, s12, s16, $0xb8;
	[tilespmem:$0x1D000] =	vst v63  }
0x41: {  	_ =	swait.ge [sflag:s22], $0x3E80  }
0x42: {  	[sflag:s22] =	ssyncset.done $0x0  }
0x43: {  	[sflag:s22] =	ssyncadd.s32 $0xFFFFC180  }
0x44: {  	_ =	swait.ge [sflag:s23], $0x3E80  }
0x45: {  	[sflag:s23] =	ssyncset.done $0x0  }
0x46: {  	s12 =	simm.s32 $0x100;
	[sflag:s23] =	ssyncadd.s32 $0xFFFFC180  }
0x47: {  	[tilespmem:s17], [sflag:$0x3] =	stream.indirect.gather [hbm4b:s4+s16], $0x80, s12, s16, $0xb8;
	[tilespmem:$0x1D000] =	vst v63  }
0x48: {  	s12 =	simm.s32 $0x480  }
0x49: {  	[spmem:s2] =	stream.indirect.scatter.add.f32 [tilespmem:s20], [sflag:$0x6], $0x80, s12, s16, $0xb8;
	[tilespmem:$0x1D000] =	vst v63  }
0x4a: {  	_ =	swait.ge [sflag:s18], $0x3E80  }
0x4b: {  	[sflag:s18] =	ssyncset.done $0x0  }
0x4c: {  	[sflag:s18] =	ssyncadd.s32 $0xFFFFC180  }
0x4d: {  	_ =	swait.ge [sflag:s26], $0x3E80  }
0x4e: {  	[sflag:s26] =	ssyncset.done $0x0  }
0x4f: {  	s12 =	simm.s32 $0x180;
	[sflag:s26] =	ssyncadd.s32 $0xFFFFC180  }
0x50: {  	[tilespmem:s20], [sflag:$0x4] =	stream.indirect.gather [hbm4b:s4+s16], $0x80, s12, s16, $0xb8;
	[tilespmem:$0x1D000] =	vst v63  }
0x51: {  	s12 =	simm.s32 $0x500  }
0x52: {  	[spmem:s2] =	stream.indirect.scatter.add.f32 [tilespmem:s17], [sflag:$0x5], $0x80, s12, s16, $0xb8;
	[tilespmem:$0x1D000] =	vst v63  }
0x53: {  	_ =	swait.ge [sflag:s22], $0x3E80  }
0x54: {  	[sflag:s22] =	ssyncset.done $0x0  }
0x55: {  	[sflag:s22] =	ssyncadd.s32 $0xFFFFC180  }
0x56: {  	_ =	swait.ge [sflag:s23], $0x3E80  }
0x57: {  	[sflag:s23] =	ssyncset.done $0x0  }
0x58: {  	s12 =	simm.s32 $0x200;
	[sflag:s23] =	ssyncadd.s32 $0xFFFFC180  }
0x59: {  	[tilespmem:s17], [sflag:$0x3] =	stream.indirect.gather [hbm4b:s4+s16], $0x80, s12, s16, $0xb8;
	[tilespmem:$0x1D000] =	vst v63  }
0x5a: {  	s12 =	simm.s32 $0x580  }
0x5b: {  	[spmem:s2] =	stream.indirect.scatter.add.f32 [tilespmem:s20], [sflag:$0x6], $0x80, s12, s16, $0xb8;
	[tilespmem:$0x1D000] =	vst v63  }
0x5c: {  	_ =	swait.ge [sflag:s18], $0x3E80  }
0x5d: {  	[sflag:s18] =	ssyncset.done $0x0  }
0x5e: {  	[sflag:s18] =	ssyncadd.s32 $0xFFFFC180  }
0x5f: {  	_ =	swait.ge [sflag:s26], $0x3E80  }
0x60: {  	[sflag:s26] =	ssyncset.done $0x0  }
0x61: {  	s12 =	simm.s32 $0x280;
	[sflag:s26] =	ssyncadd.s32 $0xFFFFC180  }
0x62: {  	[tilespmem:s20], [sflag:$0x4] =	stream.indirect.gather [hbm4b:s4+s16], $0x80, s12, s16, $0xb8;
	[tilespmem:$0x1D000] =	vst v63  }
0x63: {  	s12 =	simm.s32 $0x600  }
0x64: {  	[spmem:s2] =	stream.indirect.scatter.add.f32 [tilespmem:s17], [sflag:$0x5], $0x80, s12, s16, $0xb8;
	[tilespmem:$0x1D000] =	vst v63  }
0x65: {  	_ =	swait.ge [sflag:s22], $0x3E80  }
0x66: {  	[sflag:s22] =	ssyncset.done $0x0  }
0x67: {  	[sflag:s22] =	ssyncadd.s32 $0xFFFFC180  }
0x68: {  	_ =	swait.ge [sflag:s23], $0x3E80  }
0x69: {  	[sflag:s23] =	ssyncset.done $0x0  }
0x6a: {  	s12 =	simm.s32 $0x300;
	[sflag:s23] =	ssyncadd.s32 $0xFFFFC180  }
0x6b: {  	[tilespmem:s17], [sflag:$0x3] =	stream.indirect.gather [hbm4b:s4+s16], $0x80, s12, s16, $0xb8;
	[tilespmem:$0x1D000] =	vst v63  }
0x6c: {  	s12 =	simm.s32 $0x680  }
0x6d: {  	[spmem:s2] =	stream.indirect.scatter.add.f32 [tilespmem:s20], [sflag:$0x6], $0x80, s12, s16, $0xb8;
	[tilespmem:$0x1D000] =	vst v63  }
0x6e: {  	_ =	swait.ge [sflag:s18], $0x3E80  }
0x6f: {  	[sflag:s18] =	ssyncset.done $0x0  }
0x70: {  	[sflag:s18] =	ssyncadd.s32 $0xFFFFC180  }
0x71: {  	_ =	swait.ge [sflag:s26], $0x3E80  }
0x72: {  	[sflag:s26] =	ssyncset.done $0x0  }
0x73: {  	s12 =	simm.s32 $0x380;
	[sflag:s26] =	ssyncadd.s32 $0xFFFFC180  }
0x74: {  	[tilespmem:s20], [sflag:$0x4] =	stream.indirect.gather [hbm4b:s4+s16], $0x80, s12, s16, $0xb8;
	[tilespmem:$0x1D000] =	vst v63  }
0x75: {  	s12 =	simm.s32 $0x700  }
0x76: {  	[spmem:s2] =	stream.indirect.scatter.add.f32 [tilespmem:s17], [sflag:$0x5], $0x80, s12, s16, $0xb8;
	[tilespmem:$0x1D000] =	vst v63  }
0x77: {  	_ =	swait.ge [sflag:s22], $0x3E80  }
0x78: {  	[sflag:s22] =	ssyncset.done $0x0  }
0x79: {  	[sflag:s22] =	ssyncadd.s32 $0xFFFFC180  }
0x7a: {  	_ =	swait.ge [sflag:s23], $0x3E80  }
0x7b: {  	[sflag:s23] =	ssyncset.done $0x0  }
0x7c: {  	[sflag:s23] =	ssyncadd.s32 $0xFFFFC180  }
0x7d: {  	_ =	swait.ge [sflag:s10], $0x800  }
0x7e: {  	[sflag:s10] =	ssyncset.done $0x0  }
0x7f: {  	[sflag:s10] =	ssyncadd.s32 $0xFFFFF800  }
0x80: {  	[tilespmem:s17], [sflag:$0x3] =	stream.indirect.gather [hbm4b:s4+s16], $0x80, s14, s16, $0xb8;
	[tilespmem:$0x1D000] =	vst v63  }
0x81: {  	s12 =	simm.s32 $0x780  }
0x82: {  	[spmem:s2] =	stream.indirect.scatter.add.f32 [tilespmem:s20], [sflag:$0x6], $0x80, s12, s16, $0xb8;
	[tilespmem:$0x1D000] =	vst v63  }
0x83: {  	p0 =	seq.s32 s6, $0x0;
	_ =	swait.ge [sflag:s26], $0x3E80  }
0x84: {  	s7 =	sadd.s32 @!p0 s6, s11;
	[sflag:s26] =	ssyncset.done $0x0  }
0x85: {  	s7 =	sadd.s32 @!p0 $0x1400, s7;
	s12 =	simm.s32 @!p0 $0x0;
	[sflag:s26] =	ssyncadd.s32 $0xFFFFC180  }
0x86: {  	[tilespmem:s12], [sflag:$0x1] =	stream.linear.gather @!p0 [hbm4b:s7+s12], $0x800, $0x38;
	[tilespmem:$0x1D000] =	vst v63  }
0x87: {  	_ =	swait.ge [sflag:s18], $0x3E80  }
0x88: {  	[sflag:s18] =	ssyncset.done $0x0  }
0x89: {  	s12 =	simm.s32 $0x880;
	[sflag:s18] =	ssyncadd.s32 $0xFFFFC180  }
0x8a: {  	[tilespmem:s20], [sflag:$0x4] =	stream.indirect.gather [hbm4b:s4+s16], $0x80, s12, s16, $0xb8;
	[tilespmem:$0x1D000] =	vst v63  }
0x8b: {  	_ = 	snop  }
0x8c: {  	[spmem:s2] =	stream.indirect.scatter.add.f32 [tilespmem:s17], [sflag:$0x5], $0x80, s13, s16, $0xb8;
	[tilespmem:$0x1D000] =	vst v63  }
0x8d: {  	_ =	swait.ge [sflag:s22], $0x3E80  }
0x8e: {  	[sflag:s22] =	ssyncset.done $0x0  }
0x8f: {  	[sflag:s22] =	ssyncadd.s32 $0xFFFFC180  }
0x90: {  	_ =	swait.ge [sflag:s23], $0x3E80  }
0x91: {  	[sflag:s23] =	ssyncset.done $0x0  }
0x92: {  	[sflag:s23] =	ssyncadd.s32 $0xFFFFC180  }
0x93: {  	[tilespmem:s17], [sflag:$0x3] =	stream.indirect.gather [hbm4b:s4+s16], $0x80, s19, s16, $0xb8;
	[tilespmem:$0x1D000] =	vst v63  }
0x94: {  	_ = 	snop  }
0x95: {  	[spmem:s2] =	stream.indirect.scatter.add.f32 [tilespmem:s20], [sflag:$0x6], $0x80, s21, s16, $0xb8;
	[tilespmem:$0x1D000] =	vst v63  }
0x96: {  	_ =	swait.ge [sflag:s18], $0x3E80  }
0x97: {  	[sflag:s18] =	ssyncset.done $0x0  }
0x98: {  	[sflag:s18] =	ssyncadd.s32 $0xFFFFC180  }
0x99: {  	_ =	swait.ge [sflag:s26], $0x3E80  }
0x9a: {  	[sflag:s26] =	ssyncset.done $0x0  }
0x9b: {  	[sflag:s26] =	ssyncadd.s32 $0xFFFFC180  }
0x9c: {  	[tilespmem:s20], [sflag:$0x4] =	stream.indirect.gather [hbm4b:s4+s16], $0x80, s24, s16, $0xb8;
	[tilespmem:$0x1D000] =	vst v63  }
0x9d: {  	_ = 	snop  }
0x9e: {  	[spmem:s2] =	stream.indirect.scatter.add.f32 [tilespmem:s17], [sflag:$0x5], $0x80, s25, s16, $0xb8;
	[tilespmem:$0x1D000] =	vst v63  }
0x9f: {  	_ =	swait.ge [sflag:s22], $0x3E80  }
0xa0: {  	[sflag:s22] =	ssyncset.done $0x0  }
0xa1: {  	[sflag:s22] =	ssyncadd.s32 $0xFFFFC180  }
0xa2: {  	_ =	swait.ge [sflag:s23], $0x3E80  }
0xa3: {  	[sflag:s23] =	ssyncset.done $0x0  }
0xa4: {  	[sflag:s23] =	ssyncadd.s32 $0xFFFFC180  }
0xa5: {  	[tilespmem:s17], [sflag:$0x3] =	stream.indirect.gather [hbm4b:s4+s16], $0x80, s28, s16, $0xb8;
	[tilespmem:$0x1D000] =	vst v63  }
0xa6: {  	_ = 	snop  }
0xa7: {  	[spmem:s2] =	stream.indirect.scatter.add.f32 [tilespmem:s20], [sflag:$0x6], $0x80, s29, s16, $0xb8;
	[tilespmem:$0x1D000] =	vst v63  }
0xa8: {  	_ =	swait.ge [sflag:s18], $0x3E80  }
0xa9: {  	[sflag:s18] =	ssyncset.done $0x0  }
0xaa: {  	[sflag:s18] =	ssyncadd.s32 $0xFFFFC180  }
0xab: {  	_ =	swait.ge [sflag:s26], $0x3E80  }
0xac: {  	[sflag:s26] =	ssyncset.done $0x0  }
0xad: {  	[sflag:s26] =	ssyncadd.s32 $0xFFFFC180  }
0xae: {  	[tilespmem:s20], [sflag:$0x4] =	stream.indirect.gather [hbm4b:s4+s16], $0x80, s30, s16, $0xb8;
	[tilespmem:$0x1D000] =	vst v63  }
0xaf: {  	_ = 	snop  }
0xb0: {  	[spmem:s2] =	stream.indirect.scatter.add.f32 [tilespmem:s17], [sflag:$0x5], $0x80, s31, s16, $0xb8;
	[tilespmem:$0x1D000] =	vst v63  }
0xb1: {  	_ =	swait.ge [sflag:s22], $0x3E80  }
0xb2: {  	[sflag:s22] =	ssyncset.done $0x0  }
0xb3: {  	[sflag:s22] =	ssyncadd.s32 $0xFFFFC180  }
0xb4: {  	_ =	swait.ge [sflag:s23], $0x3E80  }
0xb5: {  	[sflag:s23] =	ssyncset.done $0x0  }
0xb6: {  	[sflag:s23] =	ssyncadd.s32 $0xFFFFC180  }
0xb7: {  	[tilespmem:s17], [sflag:$0x3] =	stream.indirect.gather [hbm4b:s4+s16], $0x80, s1, s16, $0xb8;
	[tilespmem:$0x1D000] =	vst v63  }
0xb8: {  	_ = 	snop  }
0xb9: {  	[spmem:s2] =	stream.indirect.scatter.add.f32 [tilespmem:s20], [sflag:$0x6], $0x80, s0, s16, $0xb8;
	[tilespmem:$0x1D000] =	vst v63  }
0xba: {  	_ =	swait.ge [sflag:s18], $0x3E80  }
0xbb: {  	[sflag:s18] =	ssyncset.done $0x0  }
0xbc: {  	[sflag:s18] =	ssyncadd.s32 $0xFFFFC180  }
0xbd: {  	_ =	swait.ge [sflag:s26], $0x3E80  }
0xbe: {  	[sflag:s26] =	ssyncset.done $0x0  }
0xbf: {  	[sflag:s26] =	ssyncadd.s32 $0xFFFFC180  }
0xc0: {  	[tilespmem:s20], [sflag:$0x4] =	stream.indirect.gather [hbm4b:s4+s16], $0x80, s5, s16, $0xb8;
	[tilespmem:$0x1D000] =	vst v63  }
0xc1: {  	_ = 	snop  }
0xc2: {  	[spmem:s2] =	stream.indirect.scatter.add.f32 [tilespmem:s17], [sflag:$0x5], $0x80, s8, s16, $0xb8;
	[tilespmem:$0x1D000] =	vst v63  }
0xc3: {  	_ =	swait.ge [sflag:s22], $0x3E80  }
.Ltmp2:
0xc4: {  	[sflag:s22] =	ssyncset.done $0x0;
	(pc) =	sbr.rel @p0 .LBB2_4-.Ltmp2, $4  }
0xc5: {  	[sflag:s22] =	ssyncadd.s32 $0xFFFFC180  }
0xc6: {  	_ =	swait.ge [sflag:s23], $0x3E80  }
0xc7: {  	[sflag:s23] =	ssyncset.done $0x0  }
0xc8: {  	[sflag:s23] =	ssyncadd.s32 $0xFFFFC180  }
0xc9: {  	_ =	swait.ge [sflag:s15], $0x800  }
0xca: {  	[sflag:s15] =	ssyncset.done $0x0  }
0xcb: {  	[sflag:s15] =	ssyncadd.s32 $0xFFFFF800  }
0xcc: {  	[tilespmem:s17], [sflag:$0x3] =	stream.indirect.gather [hbm4b:s4+s16], $0x80, s3, s16, $0xb8;
	[tilespmem:$0x1D000] =	vst v63  }
0xcd: {  	_ = 	snop  }
0xce: {  	[spmem:s2] =	stream.indirect.scatter.add.f32 [tilespmem:s20], [sflag:$0x6], $0x80, s9, s16, $0xb8;
	[tilespmem:$0x1D000] =	vst v63  }
.Ltmp3:
0xcf: {  	_ = 	snop;
	(pc) =	sbr.rel .LBB2_2-.Ltmp3, $4  }
0xd0: {  	_ =	swait.ge [sflag:s26], $0x3E80  }
0xd1: {  	s7 =	sadd.s32 s6, s11;
	[sflag:s26] =	ssyncset.done $0x0  }
0xd2: {  	s6 =	sadd.s32 $0x200, s6;
	s7 =	sadd.s32 $0x1500, s7;
	[sflag:s26] =	ssyncadd.s32 $0xFFFFC180  }
0xd3: {  	[tilespmem:s14], [sflag:$0x2] =	stream.linear.gather [hbm4b:s7+s3], $0x800, $0x38;
	[tilespmem:$0x1D000] =	vst v63  }
.LBB2_5:
0xd4: {  	_ =	sfence.sel $0x180000  }
0xd5: {  	[bflag:$0x0] =	sbarrier.arrive $0xFFFF  }
0xd6: {  	_ =	strace $0x9000004D  }
0xd7: {  	s0 =	stileid.u32;
	[bflag:$0x2] =	sbarrier.arrive $0xFFFF  }
0xd8: {  	p0 =	sne.s32 s0, $0x0;
	s0 =	rddreg [dreg:$0x2]  }
0xd9: {  	s0 =	sadd.s32 @!p0 $0x100000, s0  }
0xda: {  	[sflag:s0] =	ssyncadd.tile.s32 @!p0 $0x1;
	_ =	shalt  }
.Lfunc_end2:
_tile_overlayer_lowered:
.L_overlay_start_2:
0xdb: {  	(tag) =	ssettag $0x2  }
0xdc: {  	s0 =	rddreg [dreg:$0x0];
	s2 =	stileid.u32  }
0xdd: {  	s1 =	rddreg [dreg:$0x1];
	p0 =	sne.s32 s2, $0x0  }
0xde: {  	s3 =	rddreg [dreg:$0x2];
	[bflag:$0x3] =	sbarrier.arrive $0xFFFF;
	s2 =	simm.s32 @!p0 $0x1C07  }
0xdf: {  	[timem:s3], [sflag:s2] =	dma.local @!p0 [hbm:s0], s1  }
0xe0: {  	s0 =	simm.s32 @!p0 $0x7  }
0xe1: {  	_ =	swait.ge @!p0 [sflag:s0], s1  }
0xe2: {  	s1 =	ssub.s32 @!p0 $0x0, s1;
	[sflag:s0] =	ssyncset.done @!p0 $0x0  }
0xe3: {  	[sflag:s0] =	ssyncadd.s32 @!p0 s1  }
0xe4: {  	[bflag:$0x3] =	sbarrier.arrive $0xFFFF  }
0xe5: {  	_ =	shalt  }

// kernel: kernel.18.cloned.1.call-start
scs
__scs_entry_jumppad:
0x0: {  	(pc) =	sbr.rel $0x88, $3  }
0x1: {  	(tag) =	ssettag $0x0;
	lr =	simm.s32 $0x1  }
0x2: {  	[smem:$0x3F91] =	sst lr;
	_ =	strace $0xD0000000  }
0x3: {  	_ = 	snop  }
0x4: {  	_ = 	snop  }
0x5: {  	_ = 	snop  }
0x6: {  	_ = 	snop  }
0x7: {  	_ = 	snop  }
__scs_overlays_trampoline_lowered:
0x8: {  	[smem:$0x3FA0] =	sst s0  }
0x9: {  	[smem:$0x3FA1] =	sst s1  }
0xa: {  	[smem:$0x3FA2] =	sst s2  }
0xb: {  	[smem:$0x3FA3] =	sst s3  }
0xc: {  	[smem:$0x3FA4] =	sst s4  }
0xd: {  	[smem:$0x3FA5] =	sst s5  }
0xe: {  	[smem:$0x3FA6] =	sst s6  }
0xf: {  	[smem:$0x3FA7] =	sst s7  }
0x10: {  	[smem:$0x3FA8] =	sst s8  }
0x11: {  	[smem:$0x3FA9] =	sst s9;
	s0 =	simm.s32 @!p0 $0x0  }
0x12: {  	s1 =	sld [smem:$0x3F8F];
	s0 =	simm.s32 @p0 $0x1  }
0x13: {  	[smem:$0x3FAA] =	sst s0;
	s0 =	simm.s32 @!p1 $0x0  }
0x14: {  	s2 =	sld [smem:$0x3F8E];
	s0 =	simm.s32 @p1 $0x1  }
0x15: {  	[smem:$0x3FAB] =	sst s0;
	s0 =	simm.s32 @!p2 $0x0  }
0x16: {  	s3 =	sld [smem:$0x3FDB];
	s0 =	simm.s32 @p2 $0x1  }
0x17: {  	s4 =	simm.s32 $0x1BF5;
	[smem:$0x3FAD] =	sst s0  }
0x18: {  	s0 =	sld [smem:$0x3F90];
	_ =	swait.ge [sflag:s4], $0x0  }
0x19: {  	s7 =	sld [smem:$0x3F91]  }
0x1a: {  	s8 =	sadd.s32 $0xFFFFE003, lr  }
0x1b: {  	s9 =	sadd.s32 $0xFFFFFEF7, lr;
	s5 =	simm.s32 $0xFFFFFFFF;
	p2 =	slt.u32 s8, $0xFFFFF086  }
0x1c: {  	p1 =	slt.u32 s9, $0xF7A;
	s5 =	simm.s32 @!p2 $0x0  }
0x1d: {  	s5 =	simm.s32 @p1 $0x1;
	p0 =	seq.s32 s7, s2  }
0x1e: {  	s7 =	smul.u32 @!p0 $0xF7A, s2;
	p2 =	seq.s32 @!p0 s5, $0x0  }
0x1f: {  	s9 =	smul.u32 $0xF7A, s1;
	s8 =	simm.s32 @!p0 $0x1BF5;
	p2 =	por !p2, p0  }
0x20: {  	[sflag:s8] =	ssyncset.s32 @!p0 $0xFFFFF086;
	s6 =	sadd.s32 @!p0 s3, s7;
	s7 =	simm.s32 @!p0 $0x108  }
0x21: {  	s3 =	sadd.s32 s3, s9;
	s6 =	sadd.s32 @!p0 $0x88, s6;
	s7 =	simm.s32 @p2 $0x1082  }
0x22: {  	[simem:s7], [sflag:s8] =	dma.local @!p0 [hbm:s6], $0xF7A  }
0x23: {  	s9 =	sor.u32 $0xD0000000, s2;
	s6 =	simm.s32 $0x108;
	_ =	swait.ge @!p0 [sflag:s8], $0x0  }
0x24: {  	s3 =	sadd.s32 $0x88, s3;
	s6 =	simm.s32 @!p1 $0x1082;
	[sflag:s4] =	ssyncset.s32 $0xFFFFF086  }
0x25: {  	[simem:s6], [sflag:s4] =	dma.local [hbm:s3], $0xF7A  }
0x26: {  	[smem:$0x3F91] =	sst s1;
	(tag) =	ssettag s2;
	_ =	strace s9  }
0x27: {  	s1 =	sld [smem:$0x3FA1]  }
0x28: {  	s2 =	sld [smem:$0x3FA2]  }
0x29: {  	s4 =	sld [smem:$0x3FA4]  }
0x2a: {  	p0 =	seq.s32 s5, $0x0;
	s5 =	sld [smem:$0x3FA5]  }
0x2b: {  	s6 =	sld [smem:$0x3FA6]  }
0x2c: {  	s7 =	sld [smem:$0x3FA7]  }
0x2d: {  	s3 =	simm.s32 $0x108;
	s8 =	sld [smem:$0x3FA8]  }
0x2e: {  	s3 =	simm.s32 @!p0 $0x1082;
	s9 =	sld [smem:$0x3FA9]  }
0x2f: {  	lr =	sadd.s32 s0, s3;
	s0 =	sld [smem:$0x3FA0]  }
0x30: {  	s3 =	sld [smem:$0x3FA3]  }
0x31: {  	[smem:$0x3FAC] =	sst s10  }
0x32: {  	s10 =	sld [smem:$0x3FAA];
	_ =	sdelay $0x3  }
0x33: {  	p0 =	seq.s32 s10, $0x1;
	s10 =	sld [smem:$0x3FAC];
	_ =	sdelay $0x3  }
0x34: {  	[smem:$0x3FAC] =	sst s10  }
0x35: {  	s10 =	sld [smem:$0x3FAB];
	_ =	sdelay $0x3  }
0x36: {  	p1 =	seq.s32 s10, $0x1;
	s10 =	sld [smem:$0x3FAC];
	_ =	sdelay $0x3  }
0x37: {  	[smem:$0x3FAC] =	sst s10  }
0x38: {  	s10 =	sld [smem:$0x3FAD]  }
0x39: {  	_ = 	snop;
	(pc) =	sbr.ind lr, $3  }
0x3a: {  	_ = 	snop  }
0x3b: {  	_ = 	snop  }
0x3c: {  	p2 =	seq.s32 s10, $0x1;
	s10 =	sld [smem:$0x3FAC]  }
0x3d: {  	_ =	shalt  }
0x3e: {  	_ =	shalt  }
0x3f: {  	_ =	shalt  }
0x40: {  	_ =	shalt  }
0x41: {  	_ =	shalt  }
0x42: {  	_ =	shalt  }
0x43: {  	_ =	shalt  }
0x44: {  	_ =	shalt  }
0x45: {  	_ =	shalt  }
0x46: {  	_ =	shalt  }
0x47: {  	_ =	shalt  }
0x48: {  	_ =	shalt  }
0x49: {  	_ =	shalt  }
0x4a: {  	_ =	shalt  }
0x4b: {  	_ =	shalt  }
0x4c: {  	_ =	shalt  }
0x4d: {  	_ =	shalt  }
0x4e: {  	_ =	shalt  }
0x4f: {  	_ =	shalt  }
0x50: {  	_ =	shalt  }
0x51: {  	_ =	shalt  }
0x52: {  	_ =	shalt  }
0x53: {  	_ =	shalt  }
0x54: {  	_ =	shalt  }
0x55: {  	_ =	shalt  }
0x56: {  	_ =	shalt  }
0x57: {  	_ =	shalt  }
0x58: {  	_ =	shalt  }
0x59: {  	_ =	shalt  }
0x5a: {  	_ =	shalt  }
0x5b: {  	_ =	shalt  }
0x5c: {  	_ =	shalt  }
0x5d: {  	_ =	shalt  }
0x5e: {  	_ =	shalt  }
0x5f: {  	_ =	shalt  }
0x60: {  	_ =	shalt  }
0x61: {  	_ =	shalt  }
0x62: {  	_ =	shalt  }
0x63: {  	_ =	shalt  }
0x64: {  	_ =	shalt  }
0x65: {  	_ =	shalt  }
0x66: {  	_ =	shalt  }
0x67: {  	_ =	shalt  }
0x68: {  	_ =	shalt  }
0x69: {  	_ =	shalt  }
0x6a: {  	_ =	shalt  }
0x6b: {  	_ =	shalt  }
0x6c: {  	_ =	shalt  }
0x6d: {  	_ =	shalt  }
0x6e: {  	_ =	shalt  }
0x6f: {  	_ =	shalt  }
0x70: {  	_ =	shalt  }
0x71: {  	_ =	shalt  }
0x72: {  	_ =	shalt  }
0x73: {  	_ =	shalt  }
0x74: {  	_ =	shalt  }
0x75: {  	_ =	shalt  }
0x76: {  	_ =	shalt  }
0x77: {  	_ =	shalt  }
0x78: {  	_ =	shalt  }
0x79: {  	_ =	shalt  }
0x7a: {  	_ =	shalt  }
0x7b: {  	_ =	shalt  }
0x7c: {  	_ =	shalt  }
0x7d: {  	_ =	shalt  }
0x7e: {  	_ =	shalt  }
0x7f: {  	_ =	shalt  }
0x80: {  	_ =	shalt  }
0x81: {  	_ =	shalt  }
0x82: {  	_ =	shalt  }
0x83: {  	_ =	shalt  }
0x84: {  	_ =	shalt  }
0x85: {  	_ =	shalt  }
0x86: {  	_ =	shalt  }
0x87: {  	_ =	shalt  }
.Lfunc_end0:
.L_simem_size_0:
called_computation.3_lowered:
.L_overlay_start_0:
0x88: {  	s2 =	sld [smem:$0x3FD9]  }
0x89: {  	s3 =	sld [smem:$0x3FFE];
	_ =	sdelay $0x1  }
0x8a: {  	s1 =	srdreg.scid  }
0x8b: {  	s0 =	sand.u32 $0x1, s1  }
0x8c: {  	s16 =	sshll.u32 s0, $0xA;
	s2 =	sadd.s32 s3, s2  }
0x8d: {  	s2 =	sadd.s32 s2, s16  }
0x8e: {  	[smem:$0x3FB8] =	sst s2  }
0x8f: {  	_ = 	snop  }
0x90: {  	(tm) =	ssettm $0x1  }
0x91: {  	s17 =	sld [smem:$0x3FFB];
	_ =	sdelay $0x3  }
0x92: {  	_ =	strace s17  }
0x93: {  	s2 =	sld [smem:$0x3FFC];
	_ =	sdelay $0x3  }
0x94: {  	_ =	strace s2  }
0x95: {  	s2 =	sld [smem:$0x3FFD];
	_ =	sdelay $0x3  }
0x96: {  	_ =	strace s2  }
0x97: {  	_ =	strace $0x8FFFFFFF  }
0x98: {  	s18 =	sld [smem:$0x3FDB];
	_ =	sdelay $0x1  }
0x99: {  	s19 =	simm.s32 $_scs_section_size  }
0x9a: {  	s4 =	simm.s32 $_size__tile_overlayer_lowered;
	s5 =	simm.s32 $_tile_overlayer_lowered  }
0x9b: {  	s22 =	simm.s32 $0x1BFF;
	s21 =	sshll.u32 s5, $0x1;
	s2 =	sadd.s32 s19, s18  }
0x9c: {  	s6 =	simm.s32 $0x0;
	s20 =	sshll.u32 s4, $0x1;
	s4 =	sadd.s32 s21, s2  }
0x9d: {  	[timem:s6], [sflag:s22] =	dma.local [hbm:s4], s20  }
0x9e: {  	_ =	swait.ge [sflag:s22], s20  }
0x9f: {  	s3 =	ssub.s32 $0x0, s20;
	[sflag:s22] =	ssyncset.done $0x0  }
0xa0: {  	[sflag:s22] =	ssyncadd.s32 s3;
	_ =	sdelay $0x1  }
0xa1: {  	s23 =	simm.s32 $0x1B8B  }
0xa2: {  	_ =	swait.ge [sflag:s23], $0x1  }
0xa3: {  	[sflag:s23] =	ssyncset.done $0x0  }
0xa4: {  	s25 =	simm.s32 $0x1B8E;
	s24 =	sld [smem:$0x3FFE];
	[sflag:s23] =	ssyncadd.s32 $0xFFFFFFFF  }
0xa5: {  	s26 =	simm.s32 $execute0_lowered;
	[smem:$0x3FD2] =	sst s25  }
0xa6: {  	s4 =	sshll.u32 s26, $0x1;
	_ =	strace $0x8000004F;
	[dreg:$0x1] =	wrdreg $0xFFFFFFFF  }
0xa7: {  	s28 =	simm.s32 $_size_execute0_lowered;
	s2 =	sadd.s32 s2, s4;
	[dreg:$0x0] =	wrdreg $0x0  }
0xa8: {  	s4 =	sshll.u32 s28, $0x1;
	[dreg:$0x2] =	wrdreg s2  }
0xa9: {  	[dreg:$0x3] =	wrdreg s4  }
0xaa: {  	[dreg:$0x4] =	wrdreg $0xC0  }
0xab: {  	_ =	task [dreg:s6], $0x5FFFF  }
0xac: {  	[dreg:$0x1] =	wrdreg $0xFFFFFFFF  }
0xad: {  	[dreg:$0x0] =	wrdreg $0x60  }
0xae: {  	[dreg:$0x2] =	wrdreg s24  }
0xaf: {  	[dreg:$0x3] =	wrdreg $0x90000  }
0xb0: {  	[dreg:$0x4] =	wrdreg $0x9  }
0xb1: {  	_ =	task.clear_ibuf [dreg:s6], $0x5FFFF;
	_ =	strace $0x9000004F  }
0xb2: {  	s29 =	simm.s32 $0x9;
	_ =	strace $0x80000051  }
0xb3: {  	_ =	swait.ge [sflag:s29], $0x1  }
0xb4: {  	[sflag:s29] =	ssyncadd.s32 $0xFFFFFFFF  }
0xb5: {  	_ =	strace $0x90000051  }
0xb6: {  	_ =	sfence  }
0xb7: {  	s30 =	sld [smem:$0x0];
	_ =	sdelay $0x2  }
0xb8: {  	s31 =	sshll.u32 s1, $0xD;
	s1 =	sshrl.u32 s1, $0x2  }
0xb9: {  	s3 =	sand.u32 $0x4000, s31;
	s1 =	sadd.s32 s1, s30  }
0xba: {  	s0 =	sor.u32 s3, s0;
	s1 =	sshll.u32 s1, $0x11  }
0xbb: {  	s0 =	sor.u32 s1, s0  }
0xbc: {  	s0 =	sadd.s32 $0x8F2B, s0  }
0xbd: {  	[sflag:s0] =	ssyncadd.remote.s32 $0x1  }
0xbe: {  	_ =	sfence.sel $0xFFFF  }
0xbf: {  	[dreg:$0x0] =	wrdreg $0xFFFFFFFF;
	(pc) =	sbr.abs _section_cstart, $3  }
0xc0: {  	[dreg:$0x1] =	wrdreg $0xFFFFFFFF  }
0xc1: {  	_ =	task.clear_ibuf [dreg:s6], $0x2FFFF;
	_ =	strace $0x9FFFFFFF  }
0xc2: {  	(tm) =	ssettm $0x7FFFFFFF  }
0xc3: {  	_ =	shalt  }
tec
execute0_lowered:
.L_overlay_start_1:
0x0: {  	(tag) =	ssettag $0x1  }
0x1: {  	s0 =	rddreg [dreg:$0x0]  }
0x2: {  	s11 =	stileid.u32;
	s1 =	srdreg.scid  }
0x3: {  	s2 =	rddreg [dreg:$0x1];
	s3 =	simm.s32 $0x0;
	s14 =	simm.s32 $0x800  }
0x4: {  	s15 =	simm.s32 $0x1;
	s16 =	simm.s32 $0x7D;
	s17 =	simm.s32 $0x1000  }
0x5: {  	s18 =	simm.s32 $0x3;
	s19 =	simm.s32 $0x900;
	s28 =	simm.s32 $0xA00  }
0x6: {  	s29 =	simm.s32 $0xD80;
	s30 =	simm.s32 $0xA80;
	s5 =	smul.u32 $0x2800, s11  }
0x7: {  	s31 =	simm.s32 $0xE00;
	s12 =	simm.s32 $0x0;
	s7 =	smul.u32 $0x14, s11  }
0x8: {  	s1 =	sand.u32 $0x1, s1;
	[smem:$0x7FF] =	sst s3;
	s8 =	smul.u32 $0x50000, s11  }
0x9: {  	s4 =	sadd.s32 $0xC3600, s0;
	s9 =	sadd.s32 $0x9B600, s0;
	s25 =	smul.u32 $0x1400, s11  }
0xa: {  	s23 =	sshll.u32 s11, $0x6;
	s6 =	smul.u32 $0x140, s1;
	_ =	strace $0x80000050  }
0xb: {  	s20 =	ssub.s32 $0x2, s1;
	s24 =	smul.u32 $0x14000, s1;
	p0 =	seq.s32 s1, $0x1  }
0xc: {  	s1 =	simm.s32 $0x5F000;
	s0 =	sadd.s32 s5, s0;
	s10 =	sshrl.u32 s20, $0x1  }
0xd: {  	s21 =	sshrl.u32 s8, $0x2;
	s8 =	sor.u32 $0x1C07, s23;
	s1 =	simm.s32 @!p0 $0x37000  }
0xe: {  	s23 =	simm.s32 $0x5;
	s6 =	sadd.s32 s7, s6;
	s5 =	ssub.s32 s20, s10  }
0xf: {  	s7 =	sadd.s32 s21, s2;
	s22 =	sadd.s32 $0xF000, s0;
	[dreg:$0x5] =	wrdreg s8  }
0x10: {  	s26 =	sadd.s32 s24, s9;
	s0 =	sadd.s32 s1, s0;
	s20 =	simm.s32 $0x5000  }
0x11: {  	s10 =	simm.s32 $0x2;
	s21 =	simm.s32 $0xC80;
	s24 =	simm.s32 $0x980  }
0x12: {  	s1 =	simm.s32 $0xB00;
	s8 =	simm.s32 $0xF00;
	[dreg:$0x3] =	wrdreg s22  }
0x13: {  	s6 =	sshll.u32 s6, $0x8;
	s5 =	smax.u32 s5, $0x1;
	[dreg:$0x8] =	wrdreg s0  }
.Ltmp0:
0x14: {  	s11 =	sadd.s32 s25, s26;
	s7 =	sshrl.u32 s7, $0x3;
	(pc) =	sbr.rel .LBB2_1-.Ltmp0, $4  }
0x15: {  	s22 =	simm.s32 $0x4;
	s26 =	simm.s32 $0x6;
	[dreg:$0x7] =	wrdreg s5  }
0x16: {  	s25 =	simm.s32 $0xD00;
	s6 =	sadd.s32 s9, s6;
	[dreg:$0x9] =	wrdreg s7  }
0x17: {  	s0 =	simm.s32 $0xE80;
	[dreg:$0x4] =	wrdreg s6;
	s6 =	sadd.s32 $0x100, s6  }
0x18: {  	s5 =	simm.s32 $0xB80;
	s9 =	simm.s32 $0xF80;
	[dreg:$0x6] =	wrdreg s6  }
.LBB2_4:
0x19: {  	[spmem:s2] =	stream.indirect.scatter.add.f32 [tilespmem:s20], [sflag:$0x6], $0x80, s9, s16, $0xb8;
	[tilespmem:$0x1D000] =	vst v63  }
0x1a: {  	_ =	swait.ge [sflag:s26], $0x3E80  }
0x1b: {  	[sflag:s26] =	ssyncset.done $0x0  }
0x1c: {  	[sflag:s26] =	ssyncadd.s32 $0xFFFFC180  }
0x1d: {  	[bflag:$0x0] =	sbarrier.arrive $0xFFFF  }
0x1e: {  	s12 =	rddreg [dreg:$0x5]  }
0x1f: {  	s6 =	rddreg [dreg:$0x8]  }
0x20: {  	s7 =	rddreg [dreg:$0x9]  }
0x21: {  	[hbm:s6], [sflag:s12] =	dma.local [spmem:s7], $0x2800  }
0x22: {  	s6 =	simm.s32 $0x7  }
0x23: {  	_ =	swait.ge [sflag:s6], $0x2800  }
0x24: {  	s13 =	rddreg [dreg:$0xa]  }
0x25: {  	s12 =	sadd.s32 $0x1, s13;
	s13 =	rddreg [dreg:$0x7]  }
0x26: {  	p0 =	sne.s32 s12, s13  }
.Ltmp1:
0x27: {  	_ = 	snop;
	(pc) =	sbr.rel @!p0 .LBB2_5-.Ltmp1, $3  }
0x28: {  	_ =	sdelay $0x1  }
0x29: {  	[sflag:s6] =	ssyncset.done $0x0;
	s13 =	simm.s32 $0x7  }
0x2a: {  	[sflag:s13] =	ssyncadd.s32 $0xFFFFD800  }
.LBB2_1:
0x2b: {  	[dreg:$0xa] =	wrdreg s12  }
0x2c: {  	s6 =	rddreg [dreg:$0x3]  }
0x2d: {  	s12 =	simm.s32 $0x7;
	s13 =	rddreg [dreg:$0x5]  }
0x2e: {  	[spmem:s7], [sflag:s13] =	dma.local [hbm:s6], $0x2800  }
0x2f: {  	_ =	swait.ge [sflag:s12], $0x2800  }
0x30: {  	[sflag:s12] =	ssyncset.done $0x0  }
0x31: {  	[sflag:s12] =	ssyncadd.s32 $0xFFFFD800  }
0x32: {  	[bflag:$0x0] =	sbarrier.arrive $0xFFFF  }
0x33: {  	s7 =	rddreg [dreg:$0x4]  }
0x34: {  	[tilespmem:s3], [sflag:$0x1] =	stream.linear.gather [hbm4b:s7+s3], $0x800, $0x38;
	[tilespmem:$0x1D000] =	vst v63  }
0x35: {  	s12 =	rddreg [dreg:$0x6]  }
0x36: {  	[tilespmem:s14], [sflag:$0x2] =	stream.linear.gather [hbm4b:s12+s3], $0x800, $0x38;
	[tilespmem:$0x1D000] =	vst v63  }
0x37: {  	_ =	swait.ge [sflag:s15], $0x800  }
0x38: {  	[sflag:s15] =	ssyncset.done $0x0  }
0x39: {  	s13 =	simm.s32 $0xC00;
	s6 =	simm.s32 $0xFFFFEE00;
	[sflag:s15] =	ssyncadd.s32 $0xFFFFF800  }
0x3a: {  	[tilespmem:s17], [sflag:$0x3] =	stream.indirect.gather [hbm4b:s4+s16], $0x80, s3, s16, $0xb8;
	[tilespmem:$0x1D000] =	vst v63  }
.LBB2_2:
0x3b: {  	_ =	swait.ge [sflag:s18], $0x3E80  }
0x3c: {  	[sflag:s18] =	ssyncset.done $0x0  }
0x3d: {  	s7 =	simm.s32 $0x80;
	[sflag:s18] =	ssyncadd.s32 $0xFFFFC180  }
0x3e: {  	[tilespmem:s20], [sflag:$0x4] =	stream.indirect.gather [hbm4b:s4+s16], $0x80, s7, s16, $0xb8;
	[tilespmem:$0x1D000] =	vst v63  }
0x3f: {  	s12 =	simm.s32 $0x400  }
0x40: {  	[spmem:s2] =	stream.indirect.scatter.add.f32 [tilespmem:s17], [sflag:$0x5], $0x80, s12, s16, $0xb8;
	[tilespmem:$0x1D000] =	vst v63  }
0x41: {  	_ =	swait.ge [sflag:s22], $0x3E80  }
0x42: {  	[sflag:s22] =	ssyncset.done $0x0  }
0x43: {  	[sflag:s22] =	ssyncadd.s32 $0xFFFFC180  }
0x44: {  	_ =	swait.ge [sflag:s23], $0x3E80  }
0x45: {  	[sflag:s23] =	ssyncset.done $0x0  }
0x46: {  	s12 =	simm.s32 $0x100;
	[sflag:s23] =	ssyncadd.s32 $0xFFFFC180  }
0x47: {  	[tilespmem:s17], [sflag:$0x3] =	stream.indirect.gather [hbm4b:s4+s16], $0x80, s12, s16, $0xb8;
	[tilespmem:$0x1D000] =	vst v63  }
0x48: {  	s12 =	simm.s32 $0x480  }
0x49: {  	[spmem:s2] =	stream.indirect.scatter.add.f32 [tilespmem:s20], [sflag:$0x6], $0x80, s12, s16, $0xb8;
	[tilespmem:$0x1D000] =	vst v63  }
0x4a: {  	_ =	swait.ge [sflag:s18], $0x3E80  }
0x4b: {  	[sflag:s18] =	ssyncset.done $0x0  }
0x4c: {  	[sflag:s18] =	ssyncadd.s32 $0xFFFFC180  }
0x4d: {  	_ =	swait.ge [sflag:s26], $0x3E80  }
0x4e: {  	[sflag:s26] =	ssyncset.done $0x0  }
0x4f: {  	s12 =	simm.s32 $0x180;
	[sflag:s26] =	ssyncadd.s32 $0xFFFFC180  }
0x50: {  	[tilespmem:s20], [sflag:$0x4] =	stream.indirect.gather [hbm4b:s4+s16], $0x80, s12, s16, $0xb8;
	[tilespmem:$0x1D000] =	vst v63  }
0x51: {  	s12 =	simm.s32 $0x500  }
0x52: {  	[spmem:s2] =	stream.indirect.scatter.add.f32 [tilespmem:s17], [sflag:$0x5], $0x80, s12, s16, $0xb8;
	[tilespmem:$0x1D000] =	vst v63  }
0x53: {  	_ =	swait.ge [sflag:s22], $0x3E80  }
0x54: {  	[sflag:s22] =	ssyncset.done $0x0  }
0x55: {  	[sflag:s22] =	ssyncadd.s32 $0xFFFFC180  }
0x56: {  	_ =	swait.ge [sflag:s23], $0x3E80  }
0x57: {  	[sflag:s23] =	ssyncset.done $0x0  }
0x58: {  	s12 =	simm.s32 $0x200;
	[sflag:s23] =	ssyncadd.s32 $0xFFFFC180  }
0x59: {  	[tilespmem:s17], [sflag:$0x3] =	stream.indirect.gather [hbm4b:s4+s16], $0x80, s12, s16, $0xb8;
	[tilespmem:$0x1D000] =	vst v63  }
0x5a: {  	s12 =	simm.s32 $0x580  }
0x5b: {  	[spmem:s2] =	stream.indirect.scatter.add.f32 [tilespmem:s20], [sflag:$0x6], $0x80, s12, s16, $0xb8;
	[tilespmem:$0x1D000] =	vst v63  }
0x5c: {  	_ =	swait.ge [sflag:s18], $0x3E80  }
0x5d: {  	[sflag:s18] =	ssyncset.done $0x0  }
0x5e: {  	[sflag:s18] =	ssyncadd.s32 $0xFFFFC180  }
0x5f: {  	_ =	swait.ge [sflag:s26], $0x3E80  }
0x60: {  	[sflag:s26] =	ssyncset.done $0x0  }
0x61: {  	s12 =	simm.s32 $0x280;
	[sflag:s26] =	ssyncadd.s32 $0xFFFFC180  }
0x62: {  	[tilespmem:s20], [sflag:$0x4] =	stream.indirect.gather [hbm4b:s4+s16], $0x80, s12, s16, $0xb8;
	[tilespmem:$0x1D000] =	vst v63  }
0x63: {  	s12 =	simm.s32 $0x600  }
0x64: {  	[spmem:s2] =	stream.indirect.scatter.add.f32 [tilespmem:s17], [sflag:$0x5], $0x80, s12, s16, $0xb8;
	[tilespmem:$0x1D000] =	vst v63  }
0x65: {  	_ =	swait.ge [sflag:s22], $0x3E80  }
0x66: {  	[sflag:s22] =	ssyncset.done $0x0  }
0x67: {  	[sflag:s22] =	ssyncadd.s32 $0xFFFFC180  }
0x68: {  	_ =	swait.ge [sflag:s23], $0x3E80  }
0x69: {  	[sflag:s23] =	ssyncset.done $0x0  }
0x6a: {  	s12 =	simm.s32 $0x300;
	[sflag:s23] =	ssyncadd.s32 $0xFFFFC180  }
0x6b: {  	[tilespmem:s17], [sflag:$0x3] =	stream.indirect.gather [hbm4b:s4+s16], $0x80, s12, s16, $0xb8;
	[tilespmem:$0x1D000] =	vst v63  }
0x6c: {  	s12 =	simm.s32 $0x680  }
0x6d: {  	[spmem:s2] =	stream.indirect.scatter.add.f32 [tilespmem:s20], [sflag:$0x6], $0x80, s12, s16, $0xb8;
	[tilespmem:$0x1D000] =	vst v63  }
0x6e: {  	_ =	swait.ge [sflag:s18], $0x3E80  }
0x6f: {  	[sflag:s18] =	ssyncset.done $0x0  }
0x70: {  	[sflag:s18] =	ssyncadd.s32 $0xFFFFC180  }
0x71: {  	_ =	swait.ge [sflag:s26], $0x3E80  }
0x72: {  	[sflag:s26] =	ssyncset.done $0x0  }
0x73: {  	s12 =	simm.s32 $0x380;
	[sflag:s26] =	ssyncadd.s32 $0xFFFFC180  }
0x74: {  	[tilespmem:s20], [sflag:$0x4] =	stream.indirect.gather [hbm4b:s4+s16], $0x80, s12, s16, $0xb8;
	[tilespmem:$0x1D000] =	vst v63  }
0x75: {  	s12 =	simm.s32 $0x700  }
0x76: {  	[spmem:s2] =	stream.indirect.scatter.add.f32 [tilespmem:s17], [sflag:$0x5], $0x80, s12, s16, $0xb8;
	[tilespmem:$0x1D000] =	vst v63  }
0x77: {  	_ =	swait.ge [sflag:s22], $0x3E80  }
0x78: {  	[sflag:s22] =	ssyncset.done $0x0  }
0x79: {  	[sflag:s22] =	ssyncadd.s32 $0xFFFFC180  }
0x7a: {  	_ =	swait.ge [sflag:s23], $0x3E80  }
0x7b: {  	[sflag:s23] =	ssyncset.done $0x0  }
0x7c: {  	[sflag:s23] =	ssyncadd.s32 $0xFFFFC180  }
0x7d: {  	_ =	swait.ge [sflag:s10], $0x800  }
0x7e: {  	[sflag:s10] =	ssyncset.done $0x0  }
0x7f: {  	[sflag:s10] =	ssyncadd.s32 $0xFFFFF800  }
0x80: {  	[tilespmem:s17], [sflag:$0x3] =	stream.indirect.gather [hbm4b:s4+s16], $0x80, s14, s16, $0xb8;
	[tilespmem:$0x1D000] =	vst v63  }
0x81: {  	s12 =	simm.s32 $0x780  }
0x82: {  	[spmem:s2] =	stream.indirect.scatter.add.f32 [tilespmem:s20], [sflag:$0x6], $0x80, s12, s16, $0xb8;
	[tilespmem:$0x1D000] =	vst v63  }
0x83: {  	p0 =	seq.s32 s6, $0x0;
	_ =	swait.ge [sflag:s26], $0x3E80  }
0x84: {  	s7 =	sadd.s32 @!p0 s6, s11;
	[sflag:s26] =	ssyncset.done $0x0  }
0x85: {  	s7 =	sadd.s32 @!p0 $0x1400, s7;
	s12 =	simm.s32 @!p0 $0x0;
	[sflag:s26] =	ssyncadd.s32 $0xFFFFC180  }
0x86: {  	[tilespmem:s12], [sflag:$0x1] =	stream.linear.gather @!p0 [hbm4b:s7+s12], $0x800, $0x38;
	[tilespmem:$0x1D000] =	vst v63  }
0x87: {  	_ =	swait.ge [sflag:s18], $0x3E80  }
0x88: {  	[sflag:s18] =	ssyncset.done $0x0  }
0x89: {  	s12 =	simm.s32 $0x880;
	[sflag:s18] =	ssyncadd.s32 $0xFFFFC180  }
0x8a: {  	[tilespmem:s20], [sflag:$0x4] =	stream.indirect.gather [hbm4b:s4+s16], $0x80, s12, s16, $0xb8;
	[tilespmem:$0x1D000] =	vst v63  }
0x8b: {  	_ = 	snop  }
0x8c: {  	[spmem:s2] =	stream.indirect.scatter.add.f32 [tilespmem:s17], [sflag:$0x5], $0x80, s13, s16, $0xb8;
	[tilespmem:$0x1D000] =	vst v63  }
0x8d: {  	_ =	swait.ge [sflag:s22], $0x3E80  }
0x8e: {  	[sflag:s22] =	ssyncset.done $0x0  }
0x8f: {  	[sflag:s22] =	ssyncadd.s32 $0xFFFFC180  }
0x90: {  	_ =	swait.ge [sflag:s23], $0x3E80  }
0x91: {  	[sflag:s23] =	ssyncset.done $0x0  }
0x92: {  	[sflag:s23] =	ssyncadd.s32 $0xFFFFC180  }
0x93: {  	[tilespmem:s17], [sflag:$0x3] =	stream.indirect.gather [hbm4b:s4+s16], $0x80, s19, s16, $0xb8;
	[tilespmem:$0x1D000] =	vst v63  }
0x94: {  	_ = 	snop  }
0x95: {  	[spmem:s2] =	stream.indirect.scatter.add.f32 [tilespmem:s20], [sflag:$0x6], $0x80, s21, s16, $0xb8;
	[tilespmem:$0x1D000] =	vst v63  }
0x96: {  	_ =	swait.ge [sflag:s18], $0x3E80  }
0x97: {  	[sflag:s18] =	ssyncset.done $0x0  }
0x98: {  	[sflag:s18] =	ssyncadd.s32 $0xFFFFC180  }
0x99: {  	_ =	swait.ge [sflag:s26], $0x3E80  }
0x9a: {  	[sflag:s26] =	ssyncset.done $0x0  }
0x9b: {  	[sflag:s26] =	ssyncadd.s32 $0xFFFFC180  }
0x9c: {  	[tilespmem:s20], [sflag:$0x4] =	stream.indirect.gather [hbm4b:s4+s16], $0x80, s24, s16, $0xb8;
	[tilespmem:$0x1D000] =	vst v63  }
0x9d: {  	_ = 	snop  }
0x9e: {  	[spmem:s2] =	stream.indirect.scatter.add.f32 [tilespmem:s17], [sflag:$0x5], $0x80, s25, s16, $0xb8;
	[tilespmem:$0x1D000] =	vst v63  }
0x9f: {  	_ =	swait.ge [sflag:s22], $0x3E80  }
0xa0: {  	[sflag:s22] =	ssyncset.done $0x0  }
0xa1: {  	[sflag:s22] =	ssyncadd.s32 $0xFFFFC180  }
0xa2: {  	_ =	swait.ge [sflag:s23], $0x3E80  }
0xa3: {  	[sflag:s23] =	ssyncset.done $0x0  }
0xa4: {  	[sflag:s23] =	ssyncadd.s32 $0xFFFFC180  }
0xa5: {  	[tilespmem:s17], [sflag:$0x3] =	stream.indirect.gather [hbm4b:s4+s16], $0x80, s28, s16, $0xb8;
	[tilespmem:$0x1D000] =	vst v63  }
0xa6: {  	_ = 	snop  }
0xa7: {  	[spmem:s2] =	stream.indirect.scatter.add.f32 [tilespmem:s20], [sflag:$0x6], $0x80, s29, s16, $0xb8;
	[tilespmem:$0x1D000] =	vst v63  }
0xa8: {  	_ =	swait.ge [sflag:s18], $0x3E80  }
0xa9: {  	[sflag:s18] =	ssyncset.done $0x0  }
0xaa: {  	[sflag:s18] =	ssyncadd.s32 $0xFFFFC180  }
0xab: {  	_ =	swait.ge [sflag:s26], $0x3E80  }
0xac: {  	[sflag:s26] =	ssyncset.done $0x0  }
0xad: {  	[sflag:s26] =	ssyncadd.s32 $0xFFFFC180  }
0xae: {  	[tilespmem:s20], [sflag:$0x4] =	stream.indirect.gather [hbm4b:s4+s16], $0x80, s30, s16, $0xb8;
	[tilespmem:$0x1D000] =	vst v63  }
0xaf: {  	_ = 	snop  }
0xb0: {  	[spmem:s2] =	stream.indirect.scatter.add.f32 [tilespmem:s17], [sflag:$0x5], $0x80, s31, s16, $0xb8;
	[tilespmem:$0x1D000] =	vst v63  }
0xb1: {  	_ =	swait.ge [sflag:s22], $0x3E80  }
0xb2: {  	[sflag:s22] =	ssyncset.done $0x0  }
0xb3: {  	[sflag:s22] =	ssyncadd.s32 $0xFFFFC180  }
0xb4: {  	_ =	swait.ge [sflag:s23], $0x3E80  }
0xb5: {  	[sflag:s23] =	ssyncset.done $0x0  }
0xb6: {  	[sflag:s23] =	ssyncadd.s32 $0xFFFFC180  }
0xb7: {  	[tilespmem:s17], [sflag:$0x3] =	stream.indirect.gather [hbm4b:s4+s16], $0x80, s1, s16, $0xb8;
	[tilespmem:$0x1D000] =	vst v63  }
0xb8: {  	_ = 	snop  }
0xb9: {  	[spmem:s2] =	stream.indirect.scatter.add.f32 [tilespmem:s20], [sflag:$0x6], $0x80, s0, s16, $0xb8;
	[tilespmem:$0x1D000] =	vst v63  }
0xba: {  	_ =	swait.ge [sflag:s18], $0x3E80  }
0xbb: {  	[sflag:s18] =	ssyncset.done $0x0  }
0xbc: {  	[sflag:s18] =	ssyncadd.s32 $0xFFFFC180  }
0xbd: {  	_ =	swait.ge [sflag:s26], $0x3E80  }
0xbe: {  	[sflag:s26] =	ssyncset.done $0x0  }
0xbf: {  	[sflag:s26] =	ssyncadd.s32 $0xFFFFC180  }
0xc0: {  	[tilespmem:s20], [sflag:$0x4] =	stream.indirect.gather [hbm4b:s4+s16], $0x80, s5, s16, $0xb8;
	[tilespmem:$0x1D000] =	vst v63  }
0xc1: {  	_ = 	snop  }
0xc2: {  	[spmem:s2] =	stream.indirect.scatter.add.f32 [tilespmem:s17], [sflag:$0x5], $0x80, s8, s16, $0xb8;
	[tilespmem:$0x1D000] =	vst v63  }
0xc3: {  	_ =	swait.ge [sflag:s22], $0x3E80  }
.Ltmp2:
0xc4: {  	[sflag:s22] =	ssyncset.done $0x0;
	(pc) =	sbr.rel @p0 .LBB2_4-.Ltmp2, $4  }
0xc5: {  	[sflag:s22] =	ssyncadd.s32 $0xFFFFC180  }
0xc6: {  	_ =	swait.ge [sflag:s23], $0x3E80  }
0xc7: {  	[sflag:s23] =	ssyncset.done $0x0  }
0xc8: {  	[sflag:s23] =	ssyncadd.s32 $0xFFFFC180  }
0xc9: {  	_ =	swait.ge [sflag:s15], $0x800  }
0xca: {  	[sflag:s15] =	ssyncset.done $0x0  }
0xcb: {  	[sflag:s15] =	ssyncadd.s32 $0xFFFFF800  }
0xcc: {  	[tilespmem:s17], [sflag:$0x3] =	stream.indirect.gather [hbm4b:s4+s16], $0x80, s3, s16, $0xb8;
	[tilespmem:$0x1D000] =	vst v63  }
0xcd: {  	_ = 	snop  }
0xce: {  	[spmem:s2] =	stream.indirect.scatter.add.f32 [tilespmem:s20], [sflag:$0x6], $0x80, s9, s16, $0xb8;
	[tilespmem:$0x1D000] =	vst v63  }
.Ltmp3:
0xcf: {  	_ = 	snop;
	(pc) =	sbr.rel .LBB2_2-.Ltmp3, $4  }
0xd0: {  	_ =	swait.ge [sflag:s26], $0x3E80  }
0xd1: {  	s7 =	sadd.s32 s6, s11;
	[sflag:s26] =	ssyncset.done $0x0  }
0xd2: {  	s6 =	sadd.s32 $0x200, s6;
	s7 =	sadd.s32 $0x1500, s7;
	[sflag:s26] =	ssyncadd.s32 $0xFFFFC180  }
0xd3: {  	[tilespmem:s14], [sflag:$0x2] =	stream.linear.gather [hbm4b:s7+s3], $0x800, $0x38;
	[tilespmem:$0x1D000] =	vst v63  }
.LBB2_5:
0xd4: {  	_ =	sfence.sel $0x180000  }
0xd5: {  	[bflag:$0x0] =	sbarrier.arrive $0xFFFF  }
0xd6: {  	_ =	strace $0x90000050  }
0xd7: {  	s0 =	stileid.u32;
	[bflag:$0x2] =	sbarrier.arrive $0xFFFF  }
0xd8: {  	p0 =	sne.s32 s0, $0x0;
	s0 =	rddreg [dreg:$0x2]  }
0xd9: {  	s0 =	sadd.s32 @!p0 $0x100000, s0  }
0xda: {  	[sflag:s0] =	ssyncadd.tile.s32 @!p0 $0x1;
	_ =	shalt  }
.Lfunc_end2:
_tile_overlayer_lowered:
.L_overlay_start_2:
0xdb: {  	(tag) =	ssettag $0x2  }
0xdc: {  	s0 =	rddreg [dreg:$0x0];
	s2 =	stileid.u32  }
0xdd: {  	s1 =	rddreg [dreg:$0x1];
	p0 =	sne.s32 s2, $0x0  }
0xde: {  	s3 =	rddreg [dreg:$0x2];
	[bflag:$0x3] =	sbarrier.arrive $0xFFFF;
	s2 =	simm.s32 @!p0 $0x1C07  }
0xdf: {  	[timem:s3], [sflag:s2] =	dma.local @!p0 [hbm:s0], s1  }
0xe0: {  	s0 =	simm.s32 @!p0 $0x7  }
0xe1: {  	_ =	swait.ge @!p0 [sflag:s0], s1  }
0xe2: {  	s1 =	ssub.s32 @!p0 $0x0, s1;
	[sflag:s0] =	ssyncset.done @!p0 $0x0  }
0xe3: {  	[sflag:s0] =	ssyncadd.s32 @!p0 s1  }
0xe4: {  	[bflag:$0x3] =	sbarrier.arrive $0xFFFF  }
0xe5: {  	_ =	shalt  }

// kernel: kernel.9.cloned.1.call-start
scs
__scs_entry_jumppad:
0x0: {  	(pc) =	sbr.rel $0x88, $3  }
0x1: {  	(tag) =	ssettag $0x0;
	lr =	simm.s32 $0x1  }
0x2: {  	[smem:$0x3F91] =	sst lr;
	_ =	strace $0xD0000000  }
0x3: {  	_ = 	snop  }
0x4: {  	_ = 	snop  }
0x5: {  	_ = 	snop  }
0x6: {  	_ = 	snop  }
0x7: {  	_ = 	snop  }
__scs_overlays_trampoline_lowered:
0x8: {  	[smem:$0x3FA0] =	sst s0  }
0x9: {  	[smem:$0x3FA1] =	sst s1  }
0xa: {  	[smem:$0x3FA2] =	sst s2  }
0xb: {  	[smem:$0x3FA3] =	sst s3  }
0xc: {  	[smem:$0x3FA4] =	sst s4  }
0xd: {  	[smem:$0x3FA5] =	sst s5  }
0xe: {  	[smem:$0x3FA6] =	sst s6  }
0xf: {  	[smem:$0x3FA7] =	sst s7  }
0x10: {  	[smem:$0x3FA8] =	sst s8  }
0x11: {  	[smem:$0x3FA9] =	sst s9;
	s0 =	simm.s32 @!p0 $0x0  }
0x12: {  	s1 =	sld [smem:$0x3F8F];
	s0 =	simm.s32 @p0 $0x1  }
0x13: {  	[smem:$0x3FAA] =	sst s0;
	s0 =	simm.s32 @!p1 $0x0  }
0x14: {  	s2 =	sld [smem:$0x3F8E];
	s0 =	simm.s32 @p1 $0x1  }
0x15: {  	[smem:$0x3FAB] =	sst s0;
	s0 =	simm.s32 @!p2 $0x0  }
0x16: {  	s3 =	sld [smem:$0x3FDB];
	s0 =	simm.s32 @p2 $0x1  }
0x17: {  	s4 =	simm.s32 $0x1BF5;
	[smem:$0x3FAD] =	sst s0  }
0x18: {  	s0 =	sld [smem:$0x3F90];
	_ =	swait.ge [sflag:s4], $0x0  }
0x19: {  	s7 =	sld [smem:$0x3F91]  }
0x1a: {  	s8 =	sadd.s32 $0xFFFFE003, lr  }
0x1b: {  	s9 =	sadd.s32 $0xFFFFFEF7, lr;
	s5 =	simm.s32 $0xFFFFFFFF;
	p2 =	slt.u32 s8, $0xFFFFF086  }
0x1c: {  	p1 =	slt.u32 s9, $0xF7A;
	s5 =	simm.s32 @!p2 $0x0  }
0x1d: {  	s5 =	simm.s32 @p1 $0x1;
	p0 =	seq.s32 s7, s2  }
0x1e: {  	s7 =	smul.u32 @!p0 $0xF7A, s2;
	p2 =	seq.s32 @!p0 s5, $0x0  }
0x1f: {  	s9 =	smul.u32 $0xF7A, s1;
	s8 =	simm.s32 @!p0 $0x1BF5;
	p2 =	por !p2, p0  }
0x20: {  	[sflag:s8] =	ssyncset.s32 @!p0 $0xFFFFF086;
	s6 =	sadd.s32 @!p0 s3, s7;
	s7 =	simm.s32 @!p0 $0x108  }
0x21: {  	s3 =	sadd.s32 s3, s9;
	s6 =	sadd.s32 @!p0 $0x88, s6;
	s7 =	simm.s32 @p2 $0x1082  }
0x22: {  	[simem:s7], [sflag:s8] =	dma.local @!p0 [hbm:s6], $0xF7A  }
0x23: {  	s9 =	sor.u32 $0xD0000000, s2;
	s6 =	simm.s32 $0x108;
	_ =	swait.ge @!p0 [sflag:s8], $0x0  }
0x24: {  	s3 =	sadd.s32 $0x88, s3;
	s6 =	simm.s32 @!p1 $0x1082;
	[sflag:s4] =	ssyncset.s32 $0xFFFFF086  }
0x25: {  	[simem:s6], [sflag:s4] =	dma.local [hbm:s3], $0xF7A  }
0x26: {  	[smem:$0x3F91] =	sst s1;
	(tag) =	ssettag s2;
	_ =	strace s9  }
0x27: {  	s1 =	sld [smem:$0x3FA1]  }
0x28: {  	s2 =	sld [smem:$0x3FA2]  }
0x29: {  	s4 =	sld [smem:$0x3FA4]  }
0x2a: {  	p0 =	seq.s32 s5, $0x0;
	s5 =	sld [smem:$0x3FA5]  }
0x2b: {  	s6 =	sld [smem:$0x3FA6]  }
0x2c: {  	s7 =	sld [smem:$0x3FA7]  }
0x2d: {  	s3 =	simm.s32 $0x108;
	s8 =	sld [smem:$0x3FA8]  }
0x2e: {  	s3 =	simm.s32 @!p0 $0x1082;
	s9 =	sld [smem:$0x3FA9]  }
0x2f: {  	lr =	sadd.s32 s0, s3;
	s0 =	sld [smem:$0x3FA0]  }
0x30: {  	s3 =	sld [smem:$0x3FA3]  }
0x31: {  	[smem:$0x3FAC] =	sst s10  }
0x32: {  	s10 =	sld [smem:$0x3FAA];
	_ =	sdelay $0x3  }
0x33: {  	p0 =	seq.s32 s10, $0x1;
	s10 =	sld [smem:$0x3FAC];
	_ =	sdelay $0x3  }
0x34: {  	[smem:$0x3FAC] =	sst s10  }
0x35: {  	s10 =	sld [smem:$0x3FAB];
	_ =	sdelay $0x3  }
0x36: {  	p1 =	seq.s32 s10, $0x1;
	s10 =	sld [smem:$0x3FAC];
	_ =	sdelay $0x3  }
0x37: {  	[smem:$0x3FAC] =	sst s10  }
0x38: {  	s10 =	sld [smem:$0x3FAD]  }
0x39: {  	_ = 	snop;
	(pc) =	sbr.ind lr, $3  }
0x3a: {  	_ = 	snop  }
0x3b: {  	_ = 	snop  }
0x3c: {  	p2 =	seq.s32 s10, $0x1;
	s10 =	sld [smem:$0x3FAC]  }
0x3d: {  	_ =	shalt  }
0x3e: {  	_ =	shalt  }
0x3f: {  	_ =	shalt  }
0x40: {  	_ =	shalt  }
0x41: {  	_ =	shalt  }
0x42: {  	_ =	shalt  }
0x43: {  	_ =	shalt  }
0x44: {  	_ =	shalt  }
0x45: {  	_ =	shalt  }
0x46: {  	_ =	shalt  }
0x47: {  	_ =	shalt  }
0x48: {  	_ =	shalt  }
0x49: {  	_ =	shalt  }
0x4a: {  	_ =	shalt  }
0x4b: {  	_ =	shalt  }
0x4c: {  	_ =	shalt  }
0x4d: {  	_ =	shalt  }
0x4e: {  	_ =	shalt  }
0x4f: {  	_ =	shalt  }
0x50: {  	_ =	shalt  }
0x51: {  	_ =	shalt  }
0x52: {  	_ =	shalt  }
0x53: {  	_ =	shalt  }
0x54: {  	_ =	shalt  }
0x55: {  	_ =	shalt  }
0x56: {  	_ =	shalt  }
0x57: {  	_ =	shalt  }
0x58: {  	_ =	shalt  }
0x59: {  	_ =	shalt  }
0x5a: {  	_ =	shalt  }
0x5b: {  	_ =	shalt  }
0x5c: {  	_ =	shalt  }
0x5d: {  	_ =	shalt  }
0x5e: {  	_ =	shalt  }
0x5f: {  	_ =	shalt  }
0x60: {  	_ =	shalt  }
0x61: {  	_ =	shalt  }
0x62: {  	_ =	shalt  }
0x63: {  	_ =	shalt  }
0x64: {  	_ =	shalt  }
0x65: {  	_ =	shalt  }
0x66: {  	_ =	shalt  }
0x67: {  	_ =	shalt  }
0x68: {  	_ =	shalt  }
0x69: {  	_ =	shalt  }
0x6a: {  	_ =	shalt  }
0x6b: {  	_ =	shalt  }
0x6c: {  	_ =	shalt  }
0x6d: {  	_ =	shalt  }
0x6e: {  	_ =	shalt  }
0x6f: {  	_ =	shalt  }
0x70: {  	_ =	shalt  }
0x71: {  	_ =	shalt  }
0x72: {  	_ =	shalt  }
0x73: {  	_ =	shalt  }
0x74: {  	_ =	shalt  }
0x75: {  	_ =	shalt  }
0x76: {  	_ =	shalt  }
0x77: {  	_ =	shalt  }
0x78: {  	_ =	shalt  }
0x79: {  	_ =	shalt  }
0x7a: {  	_ =	shalt  }
0x7b: {  	_ =	shalt  }
0x7c: {  	_ =	shalt  }
0x7d: {  	_ =	shalt  }
0x7e: {  	_ =	shalt  }
0x7f: {  	_ =	shalt  }
0x80: {  	_ =	shalt  }
0x81: {  	_ =	shalt  }
0x82: {  	_ =	shalt  }
0x83: {  	_ =	shalt  }
0x84: {  	_ =	shalt  }
0x85: {  	_ =	shalt  }
0x86: {  	_ =	shalt  }
0x87: {  	_ =	shalt  }
.Lfunc_end0:
.L_simem_size_0:
called_computation_lowered:
.L_overlay_start_0:
0x88: {  	s2 =	sld [smem:$0x3FD9]  }
0x89: {  	s3 =	sld [smem:$0x3FFE];
	_ =	sdelay $0x1  }
0x8a: {  	s1 =	srdreg.scid  }
0x8b: {  	s0 =	sand.u32 $0x1, s1  }
0x8c: {  	s17 =	sshll.u32 s0, $0xA;
	s2 =	sadd.s32 s3, s2  }
0x8d: {  	s2 =	sadd.s32 s2, s17  }
0x8e: {  	[smem:$0x3FB8] =	sst s2  }
0x8f: {  	_ = 	snop  }
0x90: {  	s2 =	sld [smem:$0x3FD0];
	(tm) =	ssettm $0x1  }
0x91: {  	s18 =	sld [smem:$0x3FFB];
	_ =	sdelay $0x3  }
0x92: {  	_ =	strace s18  }
0x93: {  	s3 =	sld [smem:$0x3FFC];
	_ =	sdelay $0x3  }
0x94: {  	_ =	strace s3  }
0x95: {  	s3 =	sld [smem:$0x3FFD];
	_ =	sdelay $0x3  }
0x96: {  	_ =	strace s3  }
0x97: {  	_ =	strace $0x8FFFFFFF  }
0x98: {  	s19 =	sld [smem:$0x3FDB];
	_ =	sdelay $0x1  }
0x99: {  	s4 =	simm.s32 $_scs_section_size  }
0x9a: {  	s5 =	simm.s32 $_size__tile_overlayer_lowered;
	s6 =	simm.s32 $_tile_overlayer_lowered  }
0x9b: {  	s22 =	simm.s32 $0x1BFF;
	s21 =	sshll.u32 s6, $0x1;
	s3 =	sadd.s32 s4, s19  }
0x9c: {  	s7 =	simm.s32 $0x0;
	s20 =	sshll.u32 s5, $0x1;
	s5 =	sadd.s32 s21, s3  }
0x9d: {  	[timem:s7], [sflag:s22] =	dma.local [hbm:s5], s20  }
0x9e: {  	_ =	swait.ge [sflag:s22], s20  }
0x9f: {  	s4 =	ssub.s32 $0x0, s20;
	[sflag:s22] =	ssyncset.done $0x0  }
0xa0: {  	[sflag:s22] =	ssyncadd.s32 s4;
	_ =	sdelay $0x1  }
0xa1: {  	s23 =	simm.s32 $0x1B8B  }
0xa2: {  	_ =	swait.ge [sflag:s23], $0x1  }
0xa3: {  	[sflag:s23] =	ssyncset.done $0x0  }
0xa4: {  	s25 =	simm.s32 $0x1B8E;
	s24 =	sld [smem:$0x3FFE];
	[sflag:s23] =	ssyncadd.s32 $0xFFFFFFFF  }
0xa5: {  	s26 =	simm.s32 $execute0_lowered;
	[smem:$0x3FD2] =	sst s25  }
0xa6: {  	s5 =	sshll.u32 s26, $0x1;
	_ =	strace $0x80000046;
	[dreg:$0x1] =	wrdreg $0xFFFFFFFF  }
0xa7: {  	s28 =	simm.s32 $_size_execute0_lowered;
	s3 =	sadd.s32 s3, s5;
	[dreg:$0x0] =	wrdreg $0x0  }
0xa8: {  	s5 =	sshll.u32 s28, $0x1;
	[dreg:$0x2] =	wrdreg s3  }
0xa9: {  	[dreg:$0x3] =	wrdreg s5  }
0xaa: {  	[dreg:$0x4] =	wrdreg $0xC0  }
0xab: {  	_ =	task [dreg:s7], $0x5FFFF  }
0xac: {  	[dreg:$0x1] =	wrdreg $0xFFFFFFFF  }
0xad: {  	[dreg:$0x0] =	wrdreg $0x60  }
0xae: {  	[dreg:$0x2] =	wrdreg s24  }
0xaf: {  	[dreg:$0x3] =	wrdreg s2  }
0xb0: {  	[dreg:$0x4] =	wrdreg $0x50800  }
0xb1: {  	[dreg:$0x5] =	wrdreg $0x9  }
0xb2: {  	_ =	task.clear_ibuf [dreg:s7], $0x6FFFF;
	_ =	strace $0x90000046  }
0xb3: {  	s29 =	simm.s32 $0x9;
	_ =	strace $0x80000048  }
0xb4: {  	_ =	swait.ge [sflag:s29], $0x1  }
0xb5: {  	[sflag:s29] =	ssyncadd.s32 $0xFFFFFFFF  }
0xb6: {  	_ =	strace $0x90000048  }
0xb7: {  	_ =	sfence  }
0xb8: {  	s30 =	sld [smem:$0x0];
	_ =	sdelay $0x2  }
0xb9: {  	s31 =	sshll.u32 s1, $0xD;
	s1 =	sshrl.u32 s1, $0x2  }
0xba: {  	s3 =	sand.u32 $0x4000, s31;
	s1 =	sadd.s32 s1, s30  }
0xbb: {  	s0 =	sor.u32 s3, s0;
	s1 =	sshll.u32 s1, $0x11  }
0xbc: {  	s0 =	sor.u32 s1, s0  }
0xbd: {  	s0 =	sadd.s32 $0x8F2B, s0  }
0xbe: {  	[sflag:s0] =	ssyncadd.remote.s32 $0x1  }
0xbf: {  	_ =	sfence.sel $0xFFFF  }
0xc0: {  	[dreg:$0x0] =	wrdreg $0xFFFFFFFF;
	(pc) =	sbr.abs _section_cstart, $3  }
0xc1: {  	[dreg:$0x1] =	wrdreg $0xFFFFFFFF  }
0xc2: {  	_ =	task.clear_ibuf [dreg:s7], $0x2FFFF;
	_ =	strace $0x9FFFFFFF  }
0xc3: {  	(tm) =	ssettm $0x7FFFFFFF  }
tec
execute0_lowered:
.L_overlay_start_1:
0x0: {  	(tag) =	ssettag $0x1  }
0x1: {  	s6 =	rddreg [dreg:$0x0]  }
0x2: {  	s1 =	rddreg [dreg:$0x1]  }
0x3: {  	s0 =	srdreg.scid;
	s2 =	rddreg [dreg:$0x2]  }
0x4: {  	s13 =	stileid.u32;
	s3 =	simm.s32 $0x0;
	s14 =	simm.s32 $0x1  }
0x5: {  	s18 =	simm.s32 $0x0;
	s8 =	sand.u32 $0x1, s0;
	s0 =	rddreg [dreg:$0x3]  }
0x6: {  	[smem:$0x7FF] =	sst s3;
	s5 =	sadd.s32 $0xF000, s6;
	p0 =	seq.s32 s13, $0x0  }
0x7: {  	s4 =	sshll.u32 s8, $0x4;
	_ =	strace $0x80000047;
	s9 =	ssub.s32 $0x2, s8  }
0x8: {  	p1 =	seq.s32 s8, $0x1;
	s11 =	sor.u32 s8, s13;
	s4 =	sor.u32 s13, s4  }
0x9: {  	s10 =	sshrl.u32 s9, $0x1;
	p0 =	por !p0, !p1;
	p2 =	sne.s32 s11, $0x0  }
0xa: {  	s11 =	simm.s32 $0x5000;
	s4 =	smul.u32 $0x500, s4;
	s9 =	ssub.s32 s9, s10  }
0xb: {  	p1 =	por !p0, !p0;
	p0 =	sne.s32 s13, $0x0;
	s10 =	simm.s32 $0x2800  }
0xc: {  	s15 =	sshll.u32 @!p2 s13, $0x6;
	s13 =	simm.s32 $0x50;
	s16 =	sshrl.u32 @!p2 s2, $0x3  }
0xd: {  	s8 =	smax.u32 s9, $0x1;
	s9 =	simm.s32 $0x2;
	s12 =	sshrl.u32 @!p0 s2, $0x3  }
0xe: {  	s15 =	sor.u32 @!p2 $0x1C02, s15;
	s17 =	sshrl.u32 @p1 s2, $0x3;
	s7 =	sadd.s32 s4, s6  }
0xf: {  	v0 =	vimm.f32 $1.000000000e+00;
	s4 =	sadd.s32 $0xEE00, s6;
	s6 =	sadd.s32 $0x37000, s6;
	s7 =	sadd.s32 $0x4E00, s7  }
.LBB2_1:
0x10: {  	[tilespmem:s3], [sflag:$0x2] =	stream.linear.gather [hbm4b:s7+s3], $0x2800, $0x38;
	[tilespmem:$0x5300] =	vst v63  }
0x11: {  	_ =	swait.ge [sflag:s9], $0x2800  }
0x12: {  	[sflag:s9] =	ssyncset.done $0x0  }
0x13: {  	[sflag:s9] =	ssyncadd.s32 $0xFFFFD800  }
0x14: {  	[tilespmem:s10], [sflag:$0x2] =	stream.linear.gather [hbm4b:s5+s3], $0x2800, $0x38;
	[tilespmem:$0x5300] =	vst v63  }
0x15: {  	_ =	swait.ge [sflag:s9], $0x2800  }
0x16: {  	[sflag:s9] =	ssyncset.done $0x0  }
0x17: {  	[sflag:s9] =	ssyncadd.s32 $0xFFFFD800  }
0x18: {  	[tilespmem:s11], [sflag:$0x2] =	stream.linear.gather [hbm4b:s4+s3], $0x80, $0x38;
	[tilespmem:$0x5300] =	vst v63  }
0x19: {  	_ =	swait.ge [sflag:s9], $0x80  }
0x1a: {  	[sflag:s9] =	ssyncset.done $0x0  }
0x1b: {  	s19 =	simm.s32 @!p0 $0x1C02;
	[sflag:s9] =	ssyncadd.s32 $0xFFFFFF80  }
0x1c: {  	[spmem:s12], [sflag:s19] =	dma.local @!p0 [hbm:s5], $0x500  }
0x1d: {  	s19 =	simm.s32 @!p0 $0x2  }
0x1e: {  	_ =	swait.ge @!p0 [sflag:s19], $0x500  }
0x1f: {  	[sflag:s19] =	ssyncset.done @!p0 $0x0  }
0x20: {  	[sflag:s19] =	ssyncadd.s32 @!p0 $0xFFFFFB00  }
0x21: {  	s19 =	simm.s32 $0x0;
	[bflag:$0x0] =	sbarrier.arrive $0xFFFF  }
.LBB2_2:
0x22: {  	s20 =	sshra.s32 s19, $0x2  }
0x23: {  	v1 =	vld [tilespmem:s20+$0x0];
	_ =	sdelay $0x7  }
0x24: {  	[tilespmem:v1+s10+$0x0] =	vst.idx.add.f32.msk $0xffff, v0  }
0x25: {  	v1 =	vld [tilespmem:s20+$0x10];
	_ =	sdelay $0x7  }
0x26: {  	[tilespmem:v1+s10+$0x0] =	vst.idx.add.f32.msk $0xffff, v0  }
0x27: {  	v1 =	vld [tilespmem:s20+$0x20];
	_ =	sdelay $0x7  }
0x28: {  	[tilespmem:v1+s10+$0x0] =	vst.idx.add.f32.msk $0xffff, v0  }
0x29: {  	v1 =	vld [tilespmem:s20+$0x30];
	_ =	sdelay $0x7  }
0x2a: {  	[tilespmem:v1+s10+$0x0] =	vst.idx.add.f32.msk $0xffff, v0  }
0x2b: {  	v1 =	vld [tilespmem:s20+$0x40];
	_ =	sdelay $0x7  }
0x2c: {  	[tilespmem:v1+s10+$0x0] =	vst.idx.add.f32.msk $0xffff, v0  }
0x2d: {  	v1 =	vld [tilespmem:s20+$0x50];
	_ =	sdelay $0x7  }
0x2e: {  	[tilespmem:v1+s10+$0x0] =	vst.idx.add.f32.msk $0xffff, v0  }
0x2f: {  	v1 =	vld [tilespmem:s20+$0x60];
	_ =	sdelay $0x7  }
0x30: {  	[tilespmem:v1+s10+$0x0] =	vst.idx.add.f32.msk $0xffff, v0  }
0x31: {  	v1 =	vld [tilespmem:s20+$0x70];
	_ =	sdelay $0x2  }
0x32: {  	p3 =	sne.s32 s19, $0x9E00  }
.Ltmp0:
0x33: {  	_ = 	snop;
	(pc) =	sbr.rel @p3 .LBB2_2-.Ltmp0, $2  }
0x34: {  	_ =	sdelay $0x2  }
0x35: {  	s19 =	sadd.s32 $0x200, s19;
	[tilespmem:v1+s10+$0x0] =	vst.idx.add.f32.msk $0xffff, v0  }
0x36: {  	[spmem:s2] =	stream.indirect.scatter.add.f32 [tilespmem:s10], [sflag:$0x1], $0x80, s11, s13, $0xb8;
	[tilespmem:$0x5300] =	vst v63  }
0x37: {  	_ =	swait.ge [sflag:s14], $0x2800  }
0x38: {  	[sflag:s14] =	ssyncset.done $0x0  }
0x39: {  	[sflag:s14] =	ssyncadd.s32 $0xFFFFD800  }
0x3a: {  	s19 =	simm.s32 @!p2 $0x2;
	[bflag:$0x0] =	sbarrier.arrive $0xFFFF  }
0x3b: {  	[hbm:s1], [sflag:s15] =	dma.local @!p2 [spmem:s16], $0x500  }
0x3c: {  	_ =	swait.ge @!p2 [sflag:s19], $0x500  }
0x3d: {  	s18 =	sadd.s32 $0x1, s18;
	[sflag:s19] =	ssyncset.done @!p2 $0x0  }
0x3e: {  	p3 =	sne.s32 s18, s8;
	[sflag:s19] =	ssyncadd.s32 @!p2 $0xFFFFFB00;
	s19 =	simm.s32 @p1 $0x1C02  }
0x3f: {  	[hbm:s6], [sflag:s19] =	dma.local @p1 [spmem:s17], $0x500  }
.Ltmp1:
0x40: {  	_ = 	snop;
	(pc) =	sbr.rel @p3 .LBB2_1-.Ltmp1, $4  }
0x41: {  	s19 =	simm.s32 @p1 $0x2  }
0x42: {  	_ =	swait.ge @p1 [sflag:s19], $0x500  }
0x43: {  	[sflag:s19] =	ssyncset.done @p1 $0x0  }
0x44: {  	[sflag:s19] =	ssyncadd.s32 @p1 $0xFFFFFB00  }
0x45: {  	_ =	sfence.sel $0x180000  }
0x46: {  	[bflag:$0x0] =	sbarrier.arrive $0xFFFF  }
0x47: {  	_ =	strace $0x90000047  }
0x48: {  	s0 =	sadd.s32 @!p0 $0x100000, s0;
	[bflag:$0x2] =	sbarrier.arrive $0xFFFF  }
0x49: {  	[sflag:s0] =	ssyncadd.tile.s32 @!p0 $0x1;
	_ =	shalt  }
.Lfunc_end2:
_tile_overlayer_lowered:
.L_overlay_start_2:
0x4a: {  	(tag) =	ssettag $0x2  }
0x4b: {  	s0 =	rddreg [dreg:$0x0];
	s2 =	stileid.u32  }
0x4c: {  	s1 =	rddreg [dreg:$0x1];
	p0 =	sne.s32 s2, $0x0  }
0x4d: {  	s3 =	rddreg [dreg:$0x2];
	[bflag:$0x3] =	sbarrier.arrive $0xFFFF;
	s2 =	simm.s32 @!p0 $0x1C02  }
0x4e: {  	[timem:s3], [sflag:s2] =	dma.local @!p0 [hbm:s0], s1  }
0x4f: {  	s0 =	simm.s32 @!p0 $0x2  }
0x50: {  	_ =	swait.ge @!p0 [sflag:s0], s1  }
0x51: {  	s1 =	ssub.s32 @!p0 $0x0, s1;
	[sflag:s0] =	ssyncset.done @!p0 $0x0  }
0x52: {  	[sflag:s0] =	ssyncadd.s32 @!p0 s1  }
0x53: {  	[bflag:$0x3] =	sbarrier.arrive $0xFFFF  }
0x54: {  	_ =	shalt  }

</sc_bundles>
